<compile_context>
chip_gen: v7x
topology: tpu7x:2x2x1
jax: 0.10.2.dev20260603
libtpu: 0.0.44.dev20260713+nightly
codegen_flags: <defaults>
</compile_context>

<pallas_src>
import functools

import jax
import jax.numpy as jnp
from jax import lax
from jax.experimental import pallas as pl
from jax.experimental.pallas import tpu as pltpu
from jax.experimental.pallas import tpu_sc as plsc

_NC = 2
_NS = 16
_NW = _NC * _NS

_G = 512
_NI = 8
_NJ = 4
_GB = _G // 128
_P = 129


@functools.partial(jax.jit, static_argnums=(2, 3, 4))
def _sc_lookup(x_t, table, J, I, D):
    jpw = J // _NJ
    fb = D // 8
    mesh = plsc.VectorSubcoreMesh(core_axis_name="c", subcore_axis_name="s")

    @functools.partial(
        pl.kernel,
        mesh=mesh,
        out_type=jax.ShapeDtypeStruct((J, fb, I // 128, 8, 128), jnp.float32),
        scratch_types=[
            pltpu.VMEM((jpw, _G), jnp.int32),
            pltpu.VMEM((_G, D), jnp.float32),
            pltpu.VMEM((_G, D), jnp.float32),
            pltpu.VMEM((fb, _GB, 10, _P), jnp.float32),
            pltpu.VMEM((fb, _GB, 10, _P), jnp.float32),
            pltpu.SemaphoreType.DMA((2,)),
            pltpu.SemaphoreType.DMA((2,)),
        ],
        compiler_params=pltpu.CompilerParams(
            use_tc_tiling_on_sc=False, needs_layout_passes=False),
    )
    def k(xt_hbm, table_hbm, out_hbm, idx_v, rb0, rb1, tb0, tb1,
          gsem, wsem):
        wid = lax.axis_index("s") * _NC + lax.axis_index("c")
        ic0 = (wid % _NI) * _GB
        i0 = (wid % _NI) * _G
        jbase = (wid // _NI) * jpw
        rbufs = (rb0, rb1)
        tbufs = (tb0, tb1)
        lane = jnp.arange(16, dtype=jnp.int32)
        fbv = [(lane + 16 * h) // 8 for h in range(D // 16)]
        f8v = [(lane + 16 * h) % 8 for h in range(D // 16)]
        zero16 = jnp.zeros((16,), jnp.int32)

        pltpu.sync_copy(xt_hbm.at[pl.ds(jbase, jpw), pl.ds(i0, _G)], idx_v)

        def gather_start(jj, b):
            pltpu.make_async_copy(
                table_hbm.at[idx_v.at[jj]],
                rbufs[b], gsem.at[b]).start()

        def gather_wait(b):
            pltpu.make_async_copy(
                table_hbm.at[idx_v.at[0]],
                rbufs[b], gsem.at[b]).wait()

        def transpose(src, dst):
            for icl in range(_GB):
                icv = zero16 + icl

                def ibody(it, c, icl=icl, icv=icv):
                    base = it * 8
                    for u in range(8):
                        g = icl * 128 + base + u
                        i128v = zero16 + (base + u)
                        for h in range(D // 16):
                            vals = src[g, pl.ds(h * 16, 16)]
                            plsc.store_scatter(
                                dst, [fbv[h], icv, f8v[h], i128v], vals)
                    return c

                lax.fori_loop(0, 16, ibody, 0)

        def wb_start(jj, b):
            for f in range(fb):
                pltpu.make_async_copy(
                    tbufs[b].at[f, :, pl.ds(0, 8), pl.ds(0, 128)],
                    out_hbm.at[jbase + jj, f, pl.ds(ic0, _GB), :, :],
                    wsem.at[b]).start()

        def wb_wait(b):
            for f in range(fb):
                pltpu.make_async_copy(
                    tbufs[b].at[f, :, pl.ds(0, 8), pl.ds(0, 128)],
                    out_hbm.at[jbase, f, pl.ds(ic0, _GB), :, :],
                    wsem.at[b]).wait()

        gather_start(0, 0)

        def jblock(jb, carry):
            for u in range(2):
                jj = jb * 2 + u
                @pl.when(jj + 1 < jpw)
                def _():
                    gather_start(jj + 1, 1 - u)
                gather_wait(u)
                @pl.when(jj >= 2)
                def _():
                    wb_wait(u)
                transpose(rbufs[u], tbufs[u])
                wb_start(jj, u)
            return carry

        lax.fori_loop(0, jpw // 2, jblock, 0)
        wb_wait(0)
        wb_wait(1)

    return k(x_t, table)


def kernel(x, table):
    D = table.shape[1]
    I, J = x.shape
    x_t = x.astype(jnp.int32).T
    out5 = _sc_lookup(x_t, table, J, I, D)
    return out5.transpose(2, 4, 0, 1, 3).reshape(I, J, D)

# --- scband reference (transcript-rebuilt; emitter-appended) ---
"""Pipeline reference for scband-learnable-embedding-13219909337697 (READ-ONLY COPY).

The authoritative reference and input builder live on the scoring server;
editing this copy changes nothing except your own understanding.
"""

import jax, jax.numpy as jnp
import numpy as np

NUM_EMBEDDINGS = 1000000  # h*w = 1000*1000 from config
OUT_FEATURES = 32

def setup_inputs(seed: int = 0) -> dict:
    key = jax.random.key(seed)
    k1, k2 = jax.random.split(key)
    x = jax.random.randint(k1, (4096, 200), 0, NUM_EMBEDDINGS, dtype=jnp.int64)
    table = jax.random.normal(k2, (NUM_EMBEDDINGS, OUT_FEATURES), dtype=jnp.float32)
    return {"x": x, "table": table}

def reference(x, table):
    # nn.Embedding forward: gather rows of the table
    return jnp.take(table, x, axis=0)

if __name__ == "__main__":
    import jax
    _d = setup_inputs()
    print(jax.jit(kernel)(*tuple(_d.values())))

</pallas_src>

<mosaic_0001>
#map = affine_map<(d0, d1) -> (0, 0)>
#map1 = affine_map<(d0, d1) -> (0, 0, 0, 0, 0)>
module attributes {stable_mosaic.version = 14 : i64} {
  func.func @k(%arg0: i32, %arg1: i32, %arg2: memref<200x4096xi32, #tpu.memory_space<hbm>>, %arg3: memref<1000000x32xf32, #tpu.memory_space<hbm>>, %arg4: memref<200x4x32x8x128xf32, #tpu.memory_space<hbm>>, %arg5: memref<50x512xi32, #tpu.memory_space<vmem>>, %arg6: memref<512x32xf32, #tpu.memory_space<vmem>>, %arg7: memref<512x32xf32, #tpu.memory_space<vmem>>, %arg8: memref<4x4x10x129xf32, #tpu.memory_space<vmem>>, %arg9: memref<4x4x10x129xf32, #tpu.memory_space<vmem>>, %arg10: memref<2x!tpu.dma_semaphore, #tpu.memory_space<semaphore_mem>>, %arg11: memref<2x!tpu.dma_semaphore, #tpu.memory_space<semaphore_mem>>) attributes {dimension_semantics = [#tpu.dimension_semantics<core_parallel>, #tpu.dimension_semantics<subcore_parallel>], iteration_bounds = array<i64: 2, 16>, scalar_prefetch = 0 : i64, scratch_operands = 7 : i64, tpu.core_type = #tpu.core_type<sc_vector_subcore>, window_params = [{transform_indices = #map}, {transform_indices = #map}, {transform_indices = #map1}]} {
    %mul3A = arith.constant 2 : i32
    %mul3A_0 = arith.muli %arg1, %mul3A : i32
    %add3A = arith.addi %mul3A_0, %arg0 : i32
    %jit3A = arith.constant 8 : i32
    %eq3A = arith.constant 0 : i32
    %eq3A_1 = arith.cmpi eq, %jit3A, %eq3A : i32
    %jit3A_2 = arith.constant 1 : i32
    %select_n3A = arith.select %eq3A_1, %jit3A_2, %jit3A : i32
    %rem3A = arith.remsi %add3A, %select_n3A : i32
    %ne3A = arith.constant 0 : i32
    %ne3A_3 = arith.cmpi ne, %rem3A, %ne3A : i32
    %lt3A = arith.constant 0 : i32
    %lt3A_4 = arith.cmpi slt, %rem3A, %lt3A : i32
    %lt3A_5 = arith.constant 0 : i32
    %lt3A_6 = arith.cmpi slt, %select_n3A, %lt3A_5 : i32
    %ne3A_7 = arith.xori %lt3A_4, %lt3A_6 : i1
    %and3A = arith.andi %ne3A_7, %ne3A_3 : i1
    %add3A_8 = arith.addi %rem3A, %select_n3A : i32
    %select_n3A_9 = arith.select %and3A, %add3A_8, %rem3A : i32
    %mul3A_10 = arith.constant 4 : i32
    %mul3A_11 = arith.muli %select_n3A_9, %mul3A_10 : i32
    %jit3A_12 = arith.constant 8 : i32
    %eq3A_13 = arith.constant 0 : i32
    %eq3A_14 = arith.cmpi eq, %jit3A_12, %eq3A_13 : i32
    %jit3A_15 = arith.constant 1 : i32
    %select_n3A_16 = arith.select %eq3A_14, %jit3A_15, %jit3A_12 : i32
    %rem3A_17 = arith.remsi %add3A, %select_n3A_16 : i32
    %ne3A_18 = arith.constant 0 : i32
    %ne3A_19 = arith.cmpi ne, %rem3A_17, %ne3A_18 : i32
    %lt3A_20 = arith.constant 0 : i32
    %lt3A_21 = arith.cmpi slt, %rem3A_17, %lt3A_20 : i32
    %lt3A_22 = arith.constant 0 : i32
    %lt3A_23 = arith.cmpi slt, %select_n3A_16, %lt3A_22 : i32
    %ne3A_24 = arith.xori %lt3A_21, %lt3A_23 : i1
    %and3A_25 = arith.andi %ne3A_24, %ne3A_19 : i1
    %add3A_26 = arith.addi %rem3A_17, %select_n3A_16 : i32
    %select_n3A_27 = arith.select %and3A_25, %add3A_26, %rem3A_17 : i32
    %mul3A_28 = arith.constant 512 : i32
    %mul3A_29 = arith.muli %select_n3A_27, %mul3A_28 : i32
    %jit3A_30 = arith.constant 8 : i32
    %div3A = arith.divsi %add3A, %jit3A_30 : i32
    %sign3A = arith.constant 0 : i32
    %sign3A_31 = arith.cmpi sgt, %add3A, %sign3A : i32
    %sign3A_32 = arith.extui %sign3A_31 : i1 to i32
    %sign3A_33 = arith.constant 0 : i32
    %sign3A_34 = arith.cmpi slt, %add3A, %sign3A_33 : i32
    %sign3A_35 = arith.extui %sign3A_34 : i1 to i32
    %sign3A_36 = arith.subi %sign3A_32, %sign3A_35 : i32
    %sign3A_37 = arith.constant 0 : i32
    %sign3A_38 = arith.cmpi sgt, %jit3A_30, %sign3A_37 : i32
    %sign3A_39 = arith.extui %sign3A_38 : i1 to i32
    %sign3A_40 = arith.constant 0 : i32
    %sign3A_41 = arith.cmpi slt, %jit3A_30, %sign3A_40 : i32
    %sign3A_42 = arith.extui %sign3A_41 : i1 to i32
    %sign3A_43 = arith.subi %sign3A_39, %sign3A_42 : i32
    %ne3A_44 = arith.cmpi ne, %sign3A_36, %sign3A_43 : i32
    %rem3A_45 = arith.remsi %add3A, %jit3A_30 : i32
    %ne3A_46 = arith.constant 0 : i32
    %ne3A_47 = arith.cmpi ne, %rem3A_45, %ne3A_46 : i32
    %and3A_48 = arith.andi %ne3A_44, %ne3A_47 : i1
    %sub3A = arith.constant 1 : i32
    %sub3A_49 = arith.subi %div3A, %sub3A : i32
    %select_n3A_50 = arith.select %and3A_48, %sub3A_49, %div3A : i32
    %mul3A_51 = arith.constant 50 : i32
    %mul3A_52 = arith.muli %select_n3A_50, %mul3A_51 : i32
    %iota3A = tpu.iota {dimensions = array<i32: 0>} : vector<16xi32>
    %add3A_53 = arith.constant 0 : i32
    %add3A_54 = vector.broadcast %add3A_53 : i32 to vector<16xi32>
    %add3A_55 = arith.addi %iota3A, %add3A_54 : vector<16xi32>
    %jit3A_56 = arith.constant 8 : i32
    %div3A_57 = vector.broadcast %jit3A_56 : i32 to vector<16xi32>
    %div3A_58 = arith.divsi %add3A_55, %div3A_57 : vector<16xi32>
    %sign3A_59 = arith.constant 0 : i32
    %sign3A_60 = vector.broadcast %sign3A_59 : i32 to vector<16xi32>
    %sign3A_61 = arith.cmpi sgt, %add3A_55, %sign3A_60 : vector<16xi32>
    %sign3A_62 = arith.extui %sign3A_61 : vector<16xi1> to vector<16xi32>
    %sign3A_63 = arith.constant 0 : i32
    %sign3A_64 = vector.broadcast %sign3A_63 : i32 to vector<16xi32>
    %sign3A_65 = arith.cmpi slt, %add3A_55, %sign3A_64 : vector<16xi32>
    %sign3A_66 = arith.extui %sign3A_65 : vector<16xi1> to vector<16xi32>
    %sign3A_67 = arith.subi %sign3A_62, %sign3A_66 : vector<16xi32>
    %sign3A_68 = arith.constant 0 : i32
    %sign3A_69 = arith.cmpi sgt, %jit3A_56, %sign3A_68 : i32
    %sign3A_70 = arith.extui %sign3A_69 : i1 to i32
    %sign3A_71 = arith.constant 0 : i32
    %sign3A_72 = arith.cmpi slt, %jit3A_56, %sign3A_71 : i32
    %sign3A_73 = arith.extui %sign3A_72 : i1 to i32
    %sign3A_74 = arith.subi %sign3A_70, %sign3A_73 : i32
    %ne3A_75 = vector.broadcast %sign3A_74 : i32 to vector<16xi32>
    %ne3A_76 = arith.cmpi ne, %sign3A_67, %ne3A_75 : vector<16xi32>
    %rem3A_77 = vector.broadcast %jit3A_56 : i32 to vector<16xi32>
    %rem3A_78 = arith.remsi %add3A_55, %rem3A_77 : vector<16xi32>
    %ne3A_79 = arith.constant 0 : i32
    %ne3A_80 = vector.broadcast %ne3A_79 : i32 to vector<16xi32>
    %ne3A_81 = arith.cmpi ne, %rem3A_78, %ne3A_80 : vector<16xi32>
    %and3A_82 = arith.andi %ne3A_76, %ne3A_81 : vector<16xi1>
    %sub3A_83 = arith.constant 1 : i32
    %sub3A_84 = vector.broadcast %sub3A_83 : i32 to vector<16xi32>
    %sub3A_85 = arith.subi %div3A_58, %sub3A_84 : vector<16xi32>
    %select_n3A_86 = arith.select %and3A_82, %sub3A_85, %div3A_58 : vector<16xi1>, vector<16xi32>
    %add3A_87 = arith.constant 16 : i32
    %add3A_88 = vector.broadcast %add3A_87 : i32 to vector<16xi32>
    %add3A_89 = arith.addi %iota3A, %add3A_88 : vector<16xi32>
    %jit3A_90 = arith.constant 8 : i32
    %div3A_91 = vector.broadcast %jit3A_90 : i32 to vector<16xi32>
    %div3A_92 = arith.divsi %add3A_89, %div3A_91 : vector<16xi32>
    %sign3A_93 = arith.constant 0 : i32
    %sign3A_94 = vector.broadcast %sign3A_93 : i32 to vector<16xi32>
    %sign3A_95 = arith.cmpi sgt, %add3A_89, %sign3A_94 : vector<16xi32>
    %sign3A_96 = arith.extui %sign3A_95 : vector<16xi1> to vector<16xi32>
    %sign3A_97 = arith.constant 0 : i32
    %sign3A_98 = vector.broadcast %sign3A_97 : i32 to vector<16xi32>
    %sign3A_99 = arith.cmpi slt, %add3A_89, %sign3A_98 : vector<16xi32>
    %sign3A_100 = arith.extui %sign3A_99 : vector<16xi1> to vector<16xi32>
    %sign3A_101 = arith.subi %sign3A_96, %sign3A_100 : vector<16xi32>
    %sign3A_102 = arith.constant 0 : i32
    %sign3A_103 = arith.cmpi sgt, %jit3A_90, %sign3A_102 : i32
    %sign3A_104 = arith.extui %sign3A_103 : i1 to i32
    %sign3A_105 = arith.constant 0 : i32
    %sign3A_106 = arith.cmpi slt, %jit3A_90, %sign3A_105 : i32
    %sign3A_107 = arith.extui %sign3A_106 : i1 to i32
    %sign3A_108 = arith.subi %sign3A_104, %sign3A_107 : i32
    %ne3A_109 = vector.broadcast %sign3A_108 : i32 to vector<16xi32>
    %ne3A_110 = arith.cmpi ne, %sign3A_101, %ne3A_109 : vector<16xi32>
    %rem3A_111 = vector.broadcast %jit3A_90 : i32 to vector<16xi32>
    %rem3A_112 = arith.remsi %add3A_89, %rem3A_111 : vector<16xi32>
    %ne3A_113 = arith.constant 0 : i32
    %ne3A_114 = vector.broadcast %ne3A_113 : i32 to vector<16xi32>
    %ne3A_115 = arith.cmpi ne, %rem3A_112, %ne3A_114 : vector<16xi32>
    %and3A_116 = arith.andi %ne3A_110, %ne3A_115 : vector<16xi1>
    %sub3A_117 = arith.constant 1 : i32
    %sub3A_118 = vector.broadcast %sub3A_117 : i32 to vector<16xi32>
    %sub3A_119 = arith.subi %div3A_92, %sub3A_118 : vector<16xi32>
    %select_n3A_120 = arith.select %and3A_116, %sub3A_119, %div3A_92 : vector<16xi1>, vector<16xi32>
    %add3A_121 = arith.constant 0 : i32
    %add3A_122 = vector.broadcast %add3A_121 : i32 to vector<16xi32>
    %add3A_123 = arith.addi %iota3A, %add3A_122 : vector<16xi32>
    %jit3A_124 = arith.constant 8 : i32
    %eq3A_125 = arith.constant 0 : i32
    %eq3A_126 = arith.cmpi eq, %jit3A_124, %eq3A_125 : i32
    %jit3A_127 = arith.constant 1 : i32
    %select_n3A_128 = arith.select %eq3A_126, %jit3A_127, %jit3A_124 : i32
    %rem3A_129 = vector.broadcast %select_n3A_128 : i32 to vector<16xi32>
    %rem3A_130 = arith.remsi %add3A_123, %rem3A_129 : vector<16xi32>
    %ne3A_131 = arith.constant 0 : i32
    %ne3A_132 = vector.broadcast %ne3A_131 : i32 to vector<16xi32>
    %ne3A_133 = arith.cmpi ne, %rem3A_130, %ne3A_132 : vector<16xi32>
    %lt3A_134 = arith.constant 0 : i32
    %lt3A_135 = vector.broadcast %lt3A_134 : i32 to vector<16xi32>
    %lt3A_136 = arith.cmpi slt, %rem3A_130, %lt3A_135 : vector<16xi32>
    %lt3A_137 = arith.constant 0 : i32
    %lt3A_138 = arith.cmpi slt, %select_n3A_128, %lt3A_137 : i32
    %ne3A_139 = vector.broadcast %lt3A_138 : i1 to vector<16xi1>
    %ne3A_140 = vector.broadcast %ne3A_139 : vector<16xi1> to vector<16xi1>
    %ne3A_141 = arith.xori %lt3A_136, %ne3A_140 : vector<16xi1>
    %and3A_142 = arith.andi %ne3A_141, %ne3A_133 : vector<16xi1>
    %add3A_143 = vector.broadcast %select_n3A_128 : i32 to vector<16xi32>
    %add3A_144 = arith.addi %rem3A_130, %add3A_143 : vector<16xi32>
    %select_n3A_145 = arith.select %and3A_142, %add3A_144, %rem3A_130 : vector<16xi1>, vector<16xi32>
    %add3A_146 = arith.constant 16 : i32
    %add3A_147 = vector.broadcast %add3A_146 : i32 to vector<16xi32>
    %add3A_148 = arith.addi %iota3A, %add3A_147 : vector<16xi32>
    %jit3A_149 = arith.constant 8 : i32
    %eq3A_150 = arith.constant 0 : i32
    %eq3A_151 = arith.cmpi eq, %jit3A_149, %eq3A_150 : i32
    %jit3A_152 = arith.constant 1 : i32
    %select_n3A_153 = arith.select %eq3A_151, %jit3A_152, %jit3A_149 : i32
    %rem3A_154 = vector.broadcast %select_n3A_153 : i32 to vector<16xi32>
    %rem3A_155 = arith.remsi %add3A_148, %rem3A_154 : vector<16xi32>
    %ne3A_156 = arith.constant 0 : i32
    %ne3A_157 = vector.broadcast %ne3A_156 : i32 to vector<16xi32>
    %ne3A_158 = arith.cmpi ne, %rem3A_155, %ne3A_157 : vector<16xi32>
    %lt3A_159 = arith.constant 0 : i32
    %lt3A_160 = vector.broadcast %lt3A_159 : i32 to vector<16xi32>
    %lt3A_161 = arith.cmpi slt, %rem3A_155, %lt3A_160 : vector<16xi32>
    %lt3A_162 = arith.constant 0 : i32
    %lt3A_163 = arith.cmpi slt, %select_n3A_153, %lt3A_162 : i32
    %ne3A_164 = vector.broadcast %lt3A_163 : i1 to vector<16xi1>
    %ne3A_165 = vector.broadcast %ne3A_164 : vector<16xi1> to vector<16xi1>
    %ne3A_166 = arith.xori %lt3A_161, %ne3A_165 : vector<16xi1>
    %and3A_167 = arith.andi %ne3A_166, %ne3A_158 : vector<16xi1>
    %add3A_168 = vector.broadcast %select_n3A_153 : i32 to vector<16xi32>
    %add3A_169 = arith.addi %rem3A_155, %add3A_168 : vector<16xi32>
    %select_n3A_170 = arith.select %and3A_167, %add3A_169, %rem3A_155 : vector<16xi1>, vector<16xi32>
    %broadcast_in_dim3A = arith.constant 0 : i32
    %broadcast_in_dim3A_171 = vector.broadcast %broadcast_in_dim3A : i32 to vector<16xi32>
    "tpu.region"() ({
      %run_scoped3A = tpu.sem_alloc : memref<!tpu.dma_semaphore, #tpu.memory_space<semaphore_mem>>
      %dma_start3A_369 = tpu.memref_slice %arg2[%mul3A_52, %mul3A_29] : memref<200x4096xi32, #tpu.memory_space<hbm>> -> memref<50x512xi32, #tpu.memory_space<hbm>>
      %dma_start3A_370 = tpu.memref_slice %arg2[%mul3A_52, %mul3A_29] : memref<200x4096xi32, #tpu.memory_space<hbm>> -> memref<50x512xi32, #tpu.memory_space<hbm>>
      tpu.enqueue_dma source(%dma_start3A_370 : memref<50x512xi32, #tpu.memory_space<hbm>>) target(%arg5 : memref<50x512xi32, #tpu.memory_space<vmem>>) target_semaphore(%run_scoped3A : memref<!tpu.dma_semaphore, #tpu.memory_space<semaphore_mem>>)
      %dma_wait3A_371 = tpu.memref_slice %arg2[%mul3A_52, %mul3A_29] : memref<200x4096xi32, #tpu.memory_space<hbm>> -> memref<50x512xi32, #tpu.memory_space<hbm>>
      %dma_wait3A_372 = tpu.memref_slice %arg2[%mul3A_52, %mul3A_29] : memref<200x4096xi32, #tpu.memory_space<hbm>> -> memref<50x512xi32, #tpu.memory_space<hbm>>
      tpu.wait_dma2 semaphore(%run_scoped3A : memref<!tpu.dma_semaphore, #tpu.memory_space<semaphore_mem>>) src(%dma_wait3A_372 : memref<50x512xi32, #tpu.memory_space<hbm>>) dst(%arg5 : memref<50x512xi32, #tpu.memory_space<vmem>>)
      tpu.yield
    }) : () -> ()
    %dma_start3A = arith.constant 0 : i32
    %dma_start3A_172 = arith.constant 0 : i32
    %dma_start3A_173 = arith.constant 0 : i32
    %dma_start3A_174 = tpu.memref_slice %arg5[%dma_start3A, %dma_start3A_173] : memref<50x512xi32, #tpu.memory_space<vmem>> -> memref<1x512xi32, #tpu.memory_space<vmem>>
    %dma_start3A_175 = tpu.memref_squeeze %dma_start3A_174 : memref<1x512xi32, #tpu.memory_space<vmem>> -> memref<512xi32, #tpu.memory_space<vmem>>
    %dma_start3A_176 = arith.constant 0 : i32
    %dma_start3A_177 = arith.constant 0 : i32
    %dma_start3A_178 = tpu.memref_slice %arg3[%dma_start3A_176, %dma_start3A_177] : memref<1000000x32xf32, #tpu.memory_space<hbm>> -> memref<1000000x32xf32, #tpu.memory_space<hbm>>
    %dma_start3A_179 = tpu.memref_slice %arg10[%dma_start3A_172] : memref<2x!tpu.dma_semaphore, #tpu.memory_space<semaphore_mem>> -> memref<1x!tpu.dma_semaphore, #tpu.memory_space<semaphore_mem>>
    %dma_start3A_180 = tpu.memref_squeeze %dma_start3A_179 : memref<1x!tpu.dma_semaphore, #tpu.memory_space<semaphore_mem>> -> memref<!tpu.dma_semaphore, #tpu.memory_space<semaphore_mem>>
    tpu.enqueue_indirect_dma source(%dma_start3A_178 : memref<1000000x32xf32, #tpu.memory_space<hbm>>) target(%arg6 : memref<512x32xf32, #tpu.memory_space<vmem>>) offsets(%dma_start3A_175 : memref<512xi32, #tpu.memory_space<vmem>>) semaphore(%dma_start3A_180 : memref<!tpu.dma_semaphore, #tpu.memory_space<semaphore_mem>>)
    %scan3A = arith.constant 0 : i32
    %scan3A_181 = arith.constant 0 : i32
    %scan3A_182 = arith.constant 25 : i32
    %scan3A_183 = arith.addi %scan3A_181, %scan3A_182 : i32
    %scan3A_184 = arith.constant 1 : i32
    scf.for %scan3A_369 = %scan3A_181 to %scan3A_183 step %scan3A_184  : i32 {
      %mul3A_370 = arith.constant 2 : i32
      %mul3A_371 = arith.muli %scan3A_369, %mul3A_370 : i32
      %add3A_372 = arith.constant 0 : i32
      %add3A_373 = arith.addi %mul3A_371, %add3A_372 : i32
      %add3A_374 = arith.constant 1 : i32
      %add3A_375 = arith.addi %add3A_373, %add3A_374 : i32
      %lt3A_376 = arith.constant 50 : i32
      %lt3A_377 = arith.cmpi slt, %add3A_375, %lt3A_376 : i32
      %convert_element_type3A = arith.extui %lt3A_377 : i1 to i32
      %cond3A = arith.constant 0 : i32
      %cond3A_378 = arith.cmpi ne, %convert_element_type3A, %cond3A : i32
      scf.if %cond3A_378 {
        %add3A_683 = arith.constant 1 : i32
        %add3A_684 = arith.addi %add3A_373, %add3A_683 : i32
        %dma_start3A_685 = arith.constant 1 : i32
        %dma_start3A_686 = arith.constant 0 : i32
        %dma_start3A_687 = tpu.memref_slice %arg5[%add3A_684, %dma_start3A_686] : memref<50x512xi32, #tpu.memory_space<vmem>> -> memref<1x512xi32, #tpu.memory_space<vmem>>
        %dma_start3A_688 = tpu.memref_squeeze %dma_start3A_687 : memref<1x512xi32, #tpu.memory_space<vmem>> -> memref<512xi32, #tpu.memory_space<vmem>>
        %dma_start3A_689 = arith.constant 0 : i32
        %dma_start3A_690 = arith.constant 0 : i32
        %dma_start3A_691 = tpu.memref_slice %arg3[%dma_start3A_689, %dma_start3A_690] : memref<1000000x32xf32, #tpu.memory_space<hbm>> -> memref<1000000x32xf32, #tpu.memory_space<hbm>>
        %dma_start3A_692 = tpu.memref_slice %arg10[%dma_start3A_685] : memref<2x!tpu.dma_semaphore, #tpu.memory_space<semaphore_mem>> -> memref<1x!tpu.dma_semaphore, #tpu.memory_space<semaphore_mem>>
        %dma_start3A_693 = tpu.memref_squeeze %dma_start3A_692 : memref<1x!tpu.dma_semaphore, #tpu.memory_space<semaphore_mem>> -> memref<!tpu.dma_semaphore, #tpu.memory_space<semaphore_mem>>
        tpu.enqueue_indirect_dma source(%dma_start3A_691 : memref<1000000x32xf32, #tpu.memory_space<hbm>>) target(%arg7 : memref<512x32xf32, #tpu.memory_space<vmem>>) offsets(%dma_start3A_688 : memref<512xi32, #tpu.memory_space<vmem>>) semaphore(%dma_start3A_693 : memref<!tpu.dma_semaphore, #tpu.memory_space<semaphore_mem>>)
      } else {
      }
      %dma_wait3A_379 = arith.constant 0 : i32
      %dma_wait3A_380 = arith.constant 0 : i32
      %dma_wait3A_381 = arith.constant 0 : i32
      %dma_wait3A_382 = tpu.memref_slice %arg5[%dma_wait3A_379, %dma_wait3A_381] : memref<50x512xi32, #tpu.memory_space<vmem>> -> memref<1x512xi32, #tpu.memory_space<vmem>>
      %dma_wait3A_383 = tpu.memref_squeeze %dma_wait3A_382 : memref<1x512xi32, #tpu.memory_space<vmem>> -> memref<512xi32, #tpu.memory_space<vmem>>
      %dma_wait3A_384 = arith.constant 0 : i32
      %dma_wait3A_385 = arith.constant 0 : i32
      %dma_wait3A_386 = tpu.memref_slice %arg3[%dma_wait3A_384, %dma_wait3A_385] : memref<1000000x32xf32, #tpu.memory_space<hbm>> -> memref<1000000x32xf32, #tpu.memory_space<hbm>>
      %dma_wait3A_387 = tpu.memref_slice %arg10[%dma_wait3A_380] : memref<2x!tpu.dma_semaphore, #tpu.memory_space<semaphore_mem>> -> memref<1x!tpu.dma_semaphore, #tpu.memory_space<semaphore_mem>>
      %dma_wait3A_388 = tpu.memref_squeeze %dma_wait3A_387 : memref<1x!tpu.dma_semaphore, #tpu.memory_space<semaphore_mem>> -> memref<!tpu.dma_semaphore, #tpu.memory_space<semaphore_mem>>
      tpu.wait_indirect_dma semaphore(%dma_wait3A_388 : memref<!tpu.dma_semaphore, #tpu.memory_space<semaphore_mem>>) src(%dma_wait3A_386 : memref<1000000x32xf32, #tpu.memory_space<hbm>>) dst(%arg6 : memref<512x32xf32, #tpu.memory_space<vmem>>)
      %ge3A = arith.constant 2 : i32
      %ge3A_389 = arith.cmpi sge, %add3A_373, %ge3A : i32
      %convert_element_type3A_390 = arith.extui %ge3A_389 : i1 to i32
      %cond3A_391 = arith.constant 0 : i32
      %cond3A_392 = arith.cmpi ne, %convert_element_type3A_390, %cond3A_391 : i32
      scf.if %cond3A_392 {
        %dma_wait3A_683 = arith.constant 0 : i32
        %dma_wait3A_684 = arith.constant 0 : i32
        %dma_wait3A_685 = arith.constant 0 : i32
        %dma_wait3A_686 = arith.constant 0 : i32
        %dma_wait3A_687 = arith.constant 0 : i32
        %dma_wait3A_688 = arith.constant 0 : i32
        %dma_wait3A_689 = tpu.memref_slice %arg8[%dma_wait3A_683, %dma_wait3A_686, %dma_wait3A_687, %dma_wait3A_688] : memref<4x4x10x129xf32, #tpu.memory_space<vmem>> -> memref<1x4x8x128xf32, #tpu.memory_space<vmem>>
        %dma_wait3A_690 = tpu.memref_squeeze %dma_wait3A_689 : memref<1x4x8x128xf32, #tpu.memory_space<vmem>> -> memref<4x8x128xf32, #tpu.memory_space<vmem>>
        %dma_wait3A_691 = arith.constant 0 : i32
        %dma_wait3A_692 = arith.constant 0 : i32
        %dma_wait3A_693 = tpu.memref_slice %arg4[%mul3A_52, %dma_wait3A_684, %mul3A_11, %dma_wait3A_691, %dma_wait3A_692] : memref<200x4x32x8x128xf32, #tpu.memory_space<hbm>> -> memref<1x1x4x8x128xf32, #tpu.memory_space<hbm>>
        %dma_wait3A_694 = tpu.memref_squeeze %dma_wait3A_693 : memref<1x1x4x8x128xf32, #tpu.memory_space<hbm>> -> memref<4x8x128xf32, #tpu.memory_space<hbm>>
        %dma_wait3A_695 = tpu.memref_slice %arg11[%dma_wait3A_685] : memref<2x!tpu.dma_semaphore, #tpu.memory_space<semaphore_mem>> -> memref<1x!tpu.dma_semaphore, #tpu.memory_space<semaphore_mem>>
        %dma_wait3A_696 = tpu.memref_squeeze %dma_wait3A_695 : memref<1x!tpu.dma_semaphore, #tpu.memory_space<semaphore_mem>> -> memref<!tpu.dma_semaphore, #tpu.memory_space<semaphore_mem>>
        %dma_wait3A_697 = arith.constant 0 : i32
        %dma_wait3A_698 = arith.constant 0 : i32
        %dma_wait3A_699 = tpu.memref_slice %arg4[%mul3A_52, %dma_wait3A_684, %mul3A_11, %dma_wait3A_697, %dma_wait3A_698] : memref<200x4x32x8x128xf32, #tpu.memory_space<hbm>> -> memref<1x1x4x8x128xf32, #tpu.memory_space<hbm>>
        %dma_wait3A_700 = tpu.memref_squeeze %dma_wait3A_699 : memref<1x1x4x8x128xf32, #tpu.memory_space<hbm>> -> memref<4x8x128xf32, #tpu.memory_space<hbm>>
        %dma_wait3A_701 = arith.constant 0 : i32
        %dma_wait3A_702 = arith.constant 0 : i32
        %dma_wait3A_703 = arith.constant 0 : i32
        %dma_wait3A_704 = tpu.memref_slice %arg8[%dma_wait3A_683, %dma_wait3A_701, %dma_wait3A_702, %dma_wait3A_703] : memref<4x4x10x129xf32, #tpu.memory_space<vmem>> -> memref<1x4x8x128xf32, #tpu.memory_space<vmem>>
        %dma_wait3A_705 = tpu.memref_squeeze %dma_wait3A_704 : memref<1x4x8x128xf32, #tpu.memory_space<vmem>> -> memref<4x8x128xf32, #tpu.memory_space<vmem>>
        tpu.wait_dma2 semaphore(%dma_wait3A_696 : memref<!tpu.dma_semaphore, #tpu.memory_space<semaphore_mem>>) src(%dma_wait3A_705 : memref<4x8x128xf32, #tpu.memory_space<vmem>>) dst(%dma_wait3A_700 : memref<4x8x128xf32, #tpu.memory_space<hbm>>)
        %dma_wait3A_706 = arith.constant 1 : i32
        %dma_wait3A_707 = arith.constant 1 : i32
        %dma_wait3A_708 = arith.constant 0 : i32
        %dma_wait3A_709 = arith.constant 0 : i32
        %dma_wait3A_710 = arith.constant 0 : i32
        %dma_wait3A_711 = arith.constant 0 : i32
        %dma_wait3A_712 = tpu.memref_slice %arg8[%dma_wait3A_706, %dma_wait3A_709, %dma_wait3A_710, %dma_wait3A_711] : memref<4x4x10x129xf32, #tpu.memory_space<vmem>> -> memref<1x4x8x128xf32, #tpu.memory_space<vmem>>
        %dma_wait3A_713 = tpu.memref_squeeze %dma_wait3A_712 : memref<1x4x8x128xf32, #tpu.memory_space<vmem>> -> memref<4x8x128xf32, #tpu.memory_space<vmem>>
        %dma_wait3A_714 = arith.constant 0 : i32
        %dma_wait3A_715 = arith.constant 0 : i32
        %dma_wait3A_716 = tpu.memref_slice %arg4[%mul3A_52, %dma_wait3A_707, %mul3A_11, %dma_wait3A_714, %dma_wait3A_715] : memref<200x4x32x8x128xf32, #tpu.memory_space<hbm>> -> memref<1x1x4x8x128xf32, #tpu.memory_space<hbm>>
        %dma_wait3A_717 = tpu.memref_squeeze %dma_wait3A_716 : memref<1x1x4x8x128xf32, #tpu.memory_space<hbm>> -> memref<4x8x128xf32, #tpu.memory_space<hbm>>
        %dma_wait3A_718 = tpu.memref_slice %arg11[%dma_wait3A_708] : memref<2x!tpu.dma_semaphore, #tpu.memory_space<semaphore_mem>> -> memref<1x!tpu.dma_semaphore, #tpu.memory_space<semaphore_mem>>
        %dma_wait3A_719 = tpu.memref_squeeze %dma_wait3A_718 : memref<1x!tpu.dma_semaphore, #tpu.memory_space<semaphore_mem>> -> memref<!tpu.dma_semaphore, #tpu.memory_space<semaphore_mem>>
        %dma_wait3A_720 = arith.constant 0 : i32
        %dma_wait3A_721 = arith.constant 0 : i32
        %dma_wait3A_722 = tpu.memref_slice %arg4[%mul3A_52, %dma_wait3A_707, %mul3A_11, %dma_wait3A_720, %dma_wait3A_721] : memref<200x4x32x8x128xf32, #tpu.memory_space<hbm>> -> memref<1x1x4x8x128xf32, #tpu.memory_space<hbm>>
        %dma_wait3A_723 = tpu.memref_squeeze %dma_wait3A_722 : memref<1x1x4x8x128xf32, #tpu.memory_space<hbm>> -> memref<4x8x128xf32, #tpu.memory_space<hbm>>
        %dma_wait3A_724 = arith.constant 0 : i32
        %dma_wait3A_725 = arith.constant 0 : i32
        %dma_wait3A_726 = arith.constant 0 : i32
        %dma_wait3A_727 = tpu.memref_slice %arg8[%dma_wait3A_706, %dma_wait3A_724, %dma_wait3A_725, %dma_wait3A_726] : memref<4x4x10x129xf32, #tpu.memory_space<vmem>> -> memref<1x4x8x128xf32, #tpu.memory_space<vmem>>
        %dma_wait3A_728 = tpu.memref_squeeze %dma_wait3A_727 : memref<1x4x8x128xf32, #tpu.memory_space<vmem>> -> memref<4x8x128xf32, #tpu.memory_space<vmem>>
        tpu.wait_dma2 semaphore(%dma_wait3A_719 : memref<!tpu.dma_semaphore, #tpu.memory_space<semaphore_mem>>) src(%dma_wait3A_728 : memref<4x8x128xf32, #tpu.memory_space<vmem>>) dst(%dma_wait3A_723 : memref<4x8x128xf32, #tpu.memory_space<hbm>>)
        %dma_wait3A_729 = arith.constant 2 : i32
        %dma_wait3A_730 = arith.constant 2 : i32
        %dma_wait3A_731 = arith.constant 0 : i32
        %dma_wait3A_732 = arith.constant 0 : i32
        %dma_wait3A_733 = arith.constant 0 : i32
        %dma_wait3A_734 = arith.constant 0 : i32
        %dma_wait3A_735 = tpu.memref_slice %arg8[%dma_wait3A_729, %dma_wait3A_732, %dma_wait3A_733, %dma_wait3A_734] : memref<4x4x10x129xf32, #tpu.memory_space<vmem>> -> memref<1x4x8x128xf32, #tpu.memory_space<vmem>>
        %dma_wait3A_736 = tpu.memref_squeeze %dma_wait3A_735 : memref<1x4x8x128xf32, #tpu.memory_space<vmem>> -> memref<4x8x128xf32, #tpu.memory_space<vmem>>
        %dma_wait3A_737 = arith.constant 0 : i32
        %dma_wait3A_738 = arith.constant 0 : i32
        %dma_wait3A_739 = tpu.memref_slice %arg4[%mul3A_52, %dma_wait3A_730, %mul3A_11, %dma_wait3A_737, %dma_wait3A_738] : memref<200x4x32x8x128xf32, #tpu.memory_space<hbm>> -> memref<1x1x4x8x128xf32, #tpu.memory_space<hbm>>
        %dma_wait3A_740 = tpu.memref_squeeze %dma_wait3A_739 : memref<1x1x4x8x128xf32, #tpu.memory_space<hbm>> -> memref<4x8x128xf32, #tpu.memory_space<hbm>>
        %dma_wait3A_741 = tpu.memref_slice %arg11[%dma_wait3A_731] : memref<2x!tpu.dma_semaphore, #tpu.memory_space<semaphore_mem>> -> memref<1x!tpu.dma_semaphore, #tpu.memory_space<semaphore_mem>>
        %dma_wait3A_742 = tpu.memref_squeeze %dma_wait3A_741 : memref<1x!tpu.dma_semaphore, #tpu.memory_space<semaphore_mem>> -> memref<!tpu.dma_semaphore, #tpu.memory_space<semaphore_mem>>
        %dma_wait3A_743 = arith.constant 0 : i32
        %dma_wait3A_744 = arith.constant 0 : i32
        %dma_wait3A_745 = tpu.memref_slice %arg4[%mul3A_52, %dma_wait3A_730, %mul3A_11, %dma_wait3A_743, %dma_wait3A_744] : memref<200x4x32x8x128xf32, #tpu.memory_space<hbm>> -> memref<1x1x4x8x128xf32, #tpu.memory_space<hbm>>
        %dma_wait3A_746 = tpu.memref_squeeze %dma_wait3A_745 : memref<1x1x4x8x128xf32, #tpu.memory_space<hbm>> -> memref<4x8x128xf32, #tpu.memory_space<hbm>>
        %dma_wait3A_747 = arith.constant 0 : i32
        %dma_wait3A_748 = arith.constant 0 : i32
        %dma_wait3A_749 = arith.constant 0 : i32
        %dma_wait3A_750 = tpu.memref_slice %arg8[%dma_wait3A_729, %dma_wait3A_747, %dma_wait3A_748, %dma_wait3A_749] : memref<4x4x10x129xf32, #tpu.memory_space<vmem>> -> memref<1x4x8x128xf32, #tpu.memory_space<vmem>>
        %dma_wait3A_751 = tpu.memref_squeeze %dma_wait3A_750 : memref<1x4x8x128xf32, #tpu.memory_space<vmem>> -> memref<4x8x128xf32, #tpu.memory_space<vmem>>
        tpu.wait_dma2 semaphore(%dma_wait3A_742 : memref<!tpu.dma_semaphore, #tpu.memory_space<semaphore_mem>>) src(%dma_wait3A_751 : memref<4x8x128xf32, #tpu.memory_space<vmem>>) dst(%dma_wait3A_746 : memref<4x8x128xf32, #tpu.memory_space<hbm>>)
        %dma_wait3A_752 = arith.constant 3 : i32
        %dma_wait3A_753 = arith.constant 3 : i32
        %dma_wait3A_754 = arith.constant 0 : i32
        %dma_wait3A_755 = arith.constant 0 : i32
        %dma_wait3A_756 = arith.constant 0 : i32
        %dma_wait3A_757 = arith.constant 0 : i32
        %dma_wait3A_758 = tpu.memref_slice %arg8[%dma_wait3A_752, %dma_wait3A_755, %dma_wait3A_756, %dma_wait3A_757] : memref<4x4x10x129xf32, #tpu.memory_space<vmem>> -> memref<1x4x8x128xf32, #tpu.memory_space<vmem>>
        %dma_wait3A_759 = tpu.memref_squeeze %dma_wait3A_758 : memref<1x4x8x128xf32, #tpu.memory_space<vmem>> -> memref<4x8x128xf32, #tpu.memory_space<vmem>>
        %dma_wait3A_760 = arith.constant 0 : i32
        %dma_wait3A_761 = arith.constant 0 : i32
        %dma_wait3A_762 = tpu.memref_slice %arg4[%mul3A_52, %dma_wait3A_753, %mul3A_11, %dma_wait3A_760, %dma_wait3A_761] : memref<200x4x32x8x128xf32, #tpu.memory_space<hbm>> -> memref<1x1x4x8x128xf32, #tpu.memory_space<hbm>>
        %dma_wait3A_763 = tpu.memref_squeeze %dma_wait3A_762 : memref<1x1x4x8x128xf32, #tpu.memory_space<hbm>> -> memref<4x8x128xf32, #tpu.memory_space<hbm>>
        %dma_wait3A_764 = tpu.memref_slice %arg11[%dma_wait3A_754] : memref<2x!tpu.dma_semaphore, #tpu.memory_space<semaphore_mem>> -> memref<1x!tpu.dma_semaphore, #tpu.memory_space<semaphore_mem>>
        %dma_wait3A_765 = tpu.memref_squeeze %dma_wait3A_764 : memref<1x!tpu.dma_semaphore, #tpu.memory_space<semaphore_mem>> -> memref<!tpu.dma_semaphore, #tpu.memory_space<semaphore_mem>>
        %dma_wait3A_766 = arith.constant 0 : i32
        %dma_wait3A_767 = arith.constant 0 : i32
        %dma_wait3A_768 = tpu.memref_slice %arg4[%mul3A_52, %dma_wait3A_753, %mul3A_11, %dma_wait3A_766, %dma_wait3A_767] : memref<200x4x32x8x128xf32, #tpu.memory_space<hbm>> -> memref<1x1x4x8x128xf32, #tpu.memory_space<hbm>>
        %dma_wait3A_769 = tpu.memref_squeeze %dma_wait3A_768 : memref<1x1x4x8x128xf32, #tpu.memory_space<hbm>> -> memref<4x8x128xf32, #tpu.memory_space<hbm>>
        %dma_wait3A_770 = arith.constant 0 : i32
        %dma_wait3A_771 = arith.constant 0 : i32
        %dma_wait3A_772 = arith.constant 0 : i32
        %dma_wait3A_773 = tpu.memref_slice %arg8[%dma_wait3A_752, %dma_wait3A_770, %dma_wait3A_771, %dma_wait3A_772] : memref<4x4x10x129xf32, #tpu.memory_space<vmem>> -> memref<1x4x8x128xf32, #tpu.memory_space<vmem>>
        %dma_wait3A_774 = tpu.memref_squeeze %dma_wait3A_773 : memref<1x4x8x128xf32, #tpu.memory_space<vmem>> -> memref<4x8x128xf32, #tpu.memory_space<vmem>>
        tpu.wait_dma2 semaphore(%dma_wait3A_765 : memref<!tpu.dma_semaphore, #tpu.memory_space<semaphore_mem>>) src(%dma_wait3A_774 : memref<4x8x128xf32, #tpu.memory_space<vmem>>) dst(%dma_wait3A_769 : memref<4x8x128xf32, #tpu.memory_space<hbm>>)
      } else {
      }
      %add3A_393 = arith.constant 0 : i32
      %add3A_394 = vector.broadcast %add3A_393 : i32 to vector<16xi32>
      %add3A_395 = arith.addi %broadcast_in_dim3A_171, %add3A_394 : vector<16xi32>
      %scan3A_396 = arith.constant 0 : i32
      %scan3A_397 = arith.constant 0 : i32
      %scan3A_398 = arith.constant 16 : i32
      %scan3A_399 = arith.addi %scan3A_397, %scan3A_398 : i32
      %scan3A_400 = arith.constant 1 : i32
      scf.for %scan3A_683 = %scan3A_397 to %scan3A_399 step %scan3A_400  : i32 {
        %mul3A_684 = arith.constant 8 : i32
        %mul3A_685 = arith.muli %scan3A_683, %mul3A_684 : i32
        %add3A_686 = arith.constant 0 : i32
        %add3A_687 = arith.addi %add3A_686, %mul3A_685 : i32
        %add3A_688 = arith.constant 0 : i32
        %add3A_689 = arith.addi %add3A_687, %add3A_688 : i32
        %add3A_690 = arith.constant 0 : i32
        %add3A_691 = arith.addi %mul3A_685, %add3A_690 : i32
        %add3A_692 = vector.broadcast %add3A_691 : i32 to vector<16xi32>
        %add3A_693 = arith.addi %broadcast_in_dim3A_171, %add3A_692 : vector<16xi32>
        %get3A = arith.index_cast %add3A_689 : i32 to index
        %get3A_694 = arith.constant 0 : index
        %get3A_695 = tpu.vector_load %arg6[%get3A, %get3A_694] {strides = array<i32>} : memref<512x32xf32, #tpu.memory_space<vmem>>, vector<16xf32>,
        tpu.vector_store_idx %arg8[%select_n3A_86, %add3A_395, %select_n3A_145, %add3A_693], %get3A_695 : memref<4x4x10x129xf32, #tpu.memory_space<vmem>>[vector<16xi32>, vector<16xi32>, vector<16xi32>, vector<16xi32>], vector<16xf32>,
        %get3A_696 = arith.index_cast %add3A_689 : i32 to index
        %get3A_697 = arith.constant 16 : index
        %get3A_698 = tpu.vector_load %arg6[%get3A_696, %get3A_697] {strides = array<i32>} : memref<512x32xf32, #tpu.memory_space<vmem>>, vector<16xf32>,
        tpu.vector_store_idx %arg8[%select_n3A_120, %add3A_395, %select_n3A_170, %add3A_693], %get3A_698 : memref<4x4x10x129xf32, #tpu.memory_space<vmem>>[vector<16xi32>, vector<16xi32>, vector<16xi32>, vector<16xi32>], vector<16xf32>,
        %add3A_699 = arith.constant 0 : i32
        %add3A_700 = arith.addi %add3A_699, %mul3A_685 : i32
        %add3A_701 = arith.constant 1 : i32
        %add3A_702 = arith.addi %add3A_700, %add3A_701 : i32
        %add3A_703 = arith.constant 1 : i32
        %add3A_704 = arith.addi %mul3A_685, %add3A_703 : i32
        %add3A_705 = vector.broadcast %add3A_704 : i32 to vector<16xi32>
        %add3A_706 = arith.addi %broadcast_in_dim3A_171, %add3A_705 : vector<16xi32>
        %get3A_707 = arith.index_cast %add3A_702 : i32 to index
        %get3A_708 = arith.constant 0 : index
        %get3A_709 = tpu.vector_load %arg6[%get3A_707, %get3A_708] {strides = array<i32>} : memref<512x32xf32, #tpu.memory_space<vmem>>, vector<16xf32>,
        tpu.vector_store_idx %arg8[%select_n3A_86, %add3A_395, %select_n3A_145, %add3A_706], %get3A_709 : memref<4x4x10x129xf32, #tpu.memory_space<vmem>>[vector<16xi32>, vector<16xi32>, vector<16xi32>, vector<16xi32>], vector<16xf32>,
        %get3A_710 = arith.index_cast %add3A_702 : i32 to index
        %get3A_711 = arith.constant 16 : index
        %get3A_712 = tpu.vector_load %arg6[%get3A_710, %get3A_711] {strides = array<i32>} : memref<512x32xf32, #tpu.memory_space<vmem>>, vector<16xf32>,
        tpu.vector_store_idx %arg8[%select_n3A_120, %add3A_395, %select_n3A_170, %add3A_706], %get3A_712 : memref<4x4x10x129xf32, #tpu.memory_space<vmem>>[vector<16xi32>, vector<16xi32>, vector<16xi32>, vector<16xi32>], vector<16xf32>,
        %add3A_713 = arith.constant 0 : i32
        %add3A_714 = arith.addi %add3A_713, %mul3A_685 : i32
        %add3A_715 = arith.constant 2 : i32
        %add3A_716 = arith.addi %add3A_714, %add3A_715 : i32
        %add3A_717 = arith.constant 2 : i32
        %add3A_718 = arith.addi %mul3A_685, %add3A_717 : i32
        %add3A_719 = vector.broadcast %add3A_718 : i32 to vector<16xi32>
        %add3A_720 = arith.addi %broadcast_in_dim3A_171, %add3A_719 : vector<16xi32>
        %get3A_721 = arith.index_cast %add3A_716 : i32 to index
        %get3A_722 = arith.constant 0 : index
        %get3A_723 = tpu.vector_load %arg6[%get3A_721, %get3A_722] {strides = array<i32>} : memref<512x32xf32, #tpu.memory_space<vmem>>, vector<16xf32>,
        tpu.vector_store_idx %arg8[%select_n3A_86, %add3A_395, %select_n3A_145, %add3A_720], %get3A_723 : memref<4x4x10x129xf32, #tpu.memory_space<vmem>>[vector<16xi32>, vector<16xi32>, vector<16xi32>, vector<16xi32>], vector<16xf32>,
        %get3A_724 = arith.index_cast %add3A_716 : i32 to index
        %get3A_725 = arith.constant 16 : index
        %get3A_726 = tpu.vector_load %arg6[%get3A_724, %get3A_725] {strides = array<i32>} : memref<512x32xf32, #tpu.memory_space<vmem>>, vector<16xf32>,
        tpu.vector_store_idx %arg8[%select_n3A_120, %add3A_395, %select_n3A_170, %add3A_720], %get3A_726 : memref<4x4x10x129xf32, #tpu.memory_space<vmem>>[vector<16xi32>, vector<16xi32>, vector<16xi32>, vector<16xi32>], vector<16xf32>,
        %add3A_727 = arith.constant 0 : i32
        %add3A_728 = arith.addi %add3A_727, %mul3A_685 : i32
        %add3A_729 = arith.constant 3 : i32
        %add3A_730 = arith.addi %add3A_728, %add3A_729 : i32
        %add3A_731 = arith.constant 3 : i32
        %add3A_732 = arith.addi %mul3A_685, %add3A_731 : i32
        %add3A_733 = vector.broadcast %add3A_732 : i32 to vector<16xi32>
        %add3A_734 = arith.addi %broadcast_in_dim3A_171, %add3A_733 : vector<16xi32>
        %get3A_735 = arith.index_cast %add3A_730 : i32 to index
        %get3A_736 = arith.constant 0 : index
        %get3A_737 = tpu.vector_load %arg6[%get3A_735, %get3A_736] {strides = array<i32>} : memref<512x32xf32, #tpu.memory_space<vmem>>, vector<16xf32>,
        tpu.vector_store_idx %arg8[%select_n3A_86, %add3A_395, %select_n3A_145, %add3A_734], %get3A_737 : memref<4x4x10x129xf32, #tpu.memory_space<vmem>>[vector<16xi32>, vector<16xi32>, vector<16xi32>, vector<16xi32>], vector<16xf32>,
        %get3A_738 = arith.index_cast %add3A_730 : i32 to index
        %get3A_739 = arith.constant 16 : index
        %get3A_740 = tpu.vector_load %arg6[%get3A_738, %get3A_739] {strides = array<i32>} : memref<512x32xf32, #tpu.memory_space<vmem>>, vector<16xf32>,
        tpu.vector_store_idx %arg8[%select_n3A_120, %add3A_395, %select_n3A_170, %add3A_734], %get3A_740 : memref<4x4x10x129xf32, #tpu.memory_space<vmem>>[vector<16xi32>, vector<16xi32>, vector<16xi32>, vector<16xi32>], vector<16xf32>,
        %add3A_741 = arith.constant 0 : i32
        %add3A_742 = arith.addi %add3A_741, %mul3A_685 : i32
        %add3A_743 = arith.constant 4 : i32
        %add3A_744 = arith.addi %add3A_742, %add3A_743 : i32
        %add3A_745 = arith.constant 4 : i32
        %add3A_746 = arith.addi %mul3A_685, %add3A_745 : i32
        %add3A_747 = vector.broadcast %add3A_746 : i32 to vector<16xi32>
        %add3A_748 = arith.addi %broadcast_in_dim3A_171, %add3A_747 : vector<16xi32>
        %get3A_749 = arith.index_cast %add3A_744 : i32 to index
        %get3A_750 = arith.constant 0 : index
        %get3A_751 = tpu.vector_load %arg6[%get3A_749, %get3A_750] {strides = array<i32>} : memref<512x32xf32, #tpu.memory_space<vmem>>, vector<16xf32>,
        tpu.vector_store_idx %arg8[%select_n3A_86, %add3A_395, %select_n3A_145, %add3A_748], %get3A_751 : memref<4x4x10x129xf32, #tpu.memory_space<vmem>>[vector<16xi32>, vector<16xi32>, vector<16xi32>, vector<16xi32>], vector<16xf32>,
        %get3A_752 = arith.index_cast %add3A_744 : i32 to index
        %get3A_753 = arith.constant 16 : index
        %get3A_754 = tpu.vector_load %arg6[%get3A_752, %get3A_753] {strides = array<i32>} : memref<512x32xf32, #tpu.memory_space<vmem>>, vector<16xf32>,
        tpu.vector_store_idx %arg8[%select_n3A_120, %add3A_395, %select_n3A_170, %add3A_748], %get3A_754 : memref<4x4x10x129xf32, #tpu.memory_space<vmem>>[vector<16xi32>, vector<16xi32>, vector<16xi32>, vector<16xi32>], vector<16xf32>,
        %add3A_755 = arith.constant 0 : i32
        %add3A_756 = arith.addi %add3A_755, %mul3A_685 : i32
        %add3A_757 = arith.constant 5 : i32
        %add3A_758 = arith.addi %add3A_756, %add3A_757 : i32
        %add3A_759 = arith.constant 5 : i32
        %add3A_760 = arith.addi %mul3A_685, %add3A_759 : i32
        %add3A_761 = vector.broadcast %add3A_760 : i32 to vector<16xi32>
        %add3A_762 = arith.addi %broadcast_in_dim3A_171, %add3A_761 : vector<16xi32>
        %get3A_763 = arith.index_cast %add3A_758 : i32 to index
        %get3A_764 = arith.constant 0 : index
        %get3A_765 = tpu.vector_load %arg6[%get3A_763, %get3A_764] {strides = array<i32>} : memref<512x32xf32, #tpu.memory_space<vmem>>, vector<16xf32>,
        tpu.vector_store_idx %arg8[%select_n3A_86, %add3A_395, %select_n3A_145, %add3A_762], %get3A_765 : memref<4x4x10x129xf32, #tpu.memory_space<vmem>>[vector<16xi32>, vector<16xi32>, vector<16xi32>, vector<16xi32>], vector<16xf32>,
        %get3A_766 = arith.index_cast %add3A_758 : i32 to index
        %get3A_767 = arith.constant 16 : index
        %get3A_768 = tpu.vector_load %arg6[%get3A_766, %get3A_767] {strides = array<i32>} : memref<512x32xf32, #tpu.memory_space<vmem>>, vector<16xf32>,
        tpu.vector_store_idx %arg8[%select_n3A_120, %add3A_395, %select_n3A_170, %add3A_762], %get3A_768 : memref<4x4x10x129xf32, #tpu.memory_space<vmem>>[vector<16xi32>, vector<16xi32>, vector<16xi32>, vector<16xi32>], vector<16xf32>,
        %add3A_769 = arith.constant 0 : i32
        %add3A_770 = arith.addi %add3A_769, %mul3A_685 : i32
        %add3A_771 = arith.constant 6 : i32
        %add3A_772 = arith.addi %add3A_770, %add3A_771 : i32
        %add3A_773 = arith.constant 6 : i32
        %add3A_774 = arith.addi %mul3A_685, %add3A_773 : i32
        %add3A_775 = vector.broadcast %add3A_774 : i32 to vector<16xi32>
        %add3A_776 = arith.addi %broadcast_in_dim3A_171, %add3A_775 : vector<16xi32>
        %get3A_777 = arith.index_cast %add3A_772 : i32 to index
        %get3A_778 = arith.constant 0 : index
        %get3A_779 = tpu.vector_load %arg6[%get3A_777, %get3A_778] {strides = array<i32>} : memref<512x32xf32, #tpu.memory_space<vmem>>, vector<16xf32>,
        tpu.vector_store_idx %arg8[%select_n3A_86, %add3A_395, %select_n3A_145, %add3A_776], %get3A_779 : memref<4x4x10x129xf32, #tpu.memory_space<vmem>>[vector<16xi32>, vector<16xi32>, vector<16xi32>, vector<16xi32>], vector<16xf32>,
        %get3A_780 = arith.index_cast %add3A_772 : i32 to index
        %get3A_781 = arith.constant 16 : index
        %get3A_782 = tpu.vector_load %arg6[%get3A_780, %get3A_781] {strides = array<i32>} : memref<512x32xf32, #tpu.memory_space<vmem>>, vector<16xf32>,
        tpu.vector_store_idx %arg8[%select_n3A_120, %add3A_395, %select_n3A_170, %add3A_776], %get3A_782 : memref<4x4x10x129xf32, #tpu.memory_space<vmem>>[vector<16xi32>, vector<16xi32>, vector<16xi32>, vector<16xi32>], vector<16xf32>,
        %add3A_783 = arith.constant 0 : i32
        %add3A_784 = arith.addi %add3A_783, %mul3A_685 : i32
        %add3A_785 = arith.constant 7 : i32
        %add3A_786 = arith.addi %add3A_784, %add3A_785 : i32
        %add3A_787 = arith.constant 7 : i32
        %add3A_788 = arith.addi %mul3A_685, %add3A_787 : i32
        %add3A_789 = vector.broadcast %add3A_788 : i32 to vector<16xi32>
        %add3A_790 = arith.addi %broadcast_in_dim3A_171, %add3A_789 : vector<16xi32>
        %get3A_791 = arith.index_cast %add3A_786 : i32 to index
        %get3A_792 = arith.constant 0 : index
        %get3A_793 = tpu.vector_load %arg6[%get3A_791, %get3A_792] {strides = array<i32>} : memref<512x32xf32, #tpu.memory_space<vmem>>, vector<16xf32>,
        tpu.vector_store_idx %arg8[%select_n3A_86, %add3A_395, %select_n3A_145, %add3A_790], %get3A_793 : memref<4x4x10x129xf32, #tpu.memory_space<vmem>>[vector<16xi32>, vector<16xi32>, vector<16xi32>, vector<16xi32>], vector<16xf32>,
        %get3A_794 = arith.index_cast %add3A_786 : i32 to index
        %get3A_795 = arith.constant 16 : index
        %get3A_796 = tpu.vector_load %arg6[%get3A_794, %get3A_795] {strides = array<i32>} : memref<512x32xf32, #tpu.memory_space<vmem>>, vector<16xf32>,
        tpu.vector_store_idx %arg8[%select_n3A_120, %add3A_395, %select_n3A_170, %add3A_790], %get3A_796 : memref<4x4x10x129xf32, #tpu.memory_space<vmem>>[vector<16xi32>, vector<16xi32>, vector<16xi32>, vector<16xi32>], vector<16xf32>,
      }
      %scan3A_401 = arith.constant 16 : i32
      %add3A_402 = arith.constant 1 : i32
      %add3A_403 = vector.broadcast %add3A_402 : i32 to vector<16xi32>
      %add3A_404 = arith.addi %broadcast_in_dim3A_171, %add3A_403 : vector<16xi32>
      %scan3A_405 = arith.constant 0 : i32
      %scan3A_406 = arith.constant 0 : i32
      %scan3A_407 = arith.constant 16 : i32
      %scan3A_408 = arith.addi %scan3A_406, %scan3A_407 : i32
      %scan3A_409 = arith.constant 1 : i32
      scf.for %scan3A_683 = %scan3A_406 to %scan3A_408 step %scan3A_409  : i32 {
        %mul3A_684 = arith.constant 8 : i32
        %mul3A_685 = arith.muli %scan3A_683, %mul3A_684 : i32
        %add3A_686 = arith.constant 128 : i32
        %add3A_687 = arith.addi %add3A_686, %mul3A_685 : i32
        %add3A_688 = arith.constant 0 : i32
        %add3A_689 = arith.addi %add3A_687, %add3A_688 : i32
        %add3A_690 = arith.constant 0 : i32
        %add3A_691 = arith.addi %mul3A_685, %add3A_690 : i32
        %add3A_692 = vector.broadcast %add3A_691 : i32 to vector<16xi32>
        %add3A_693 = arith.addi %broadcast_in_dim3A_171, %add3A_692 : vector<16xi32>
        %get3A = arith.index_cast %add3A_689 : i32 to index
        %get3A_694 = arith.constant 0 : index
        %get3A_695 = tpu.vector_load %arg6[%get3A, %get3A_694] {strides = array<i32>} : memref<512x32xf32, #tpu.memory_space<vmem>>, vector<16xf32>,
        tpu.vector_store_idx %arg8[%select_n3A_86, %add3A_404, %select_n3A_145, %add3A_693], %get3A_695 : memref<4x4x10x129xf32, #tpu.memory_space<vmem>>[vector<16xi32>, vector<16xi32>, vector<16xi32>, vector<16xi32>], vector<16xf32>,
        %get3A_696 = arith.index_cast %add3A_689 : i32 to index
        %get3A_697 = arith.constant 16 : index
        %get3A_698 = tpu.vector_load %arg6[%get3A_696, %get3A_697] {strides = array<i32>} : memref<512x32xf32, #tpu.memory_space<vmem>>, vector<16xf32>,
        tpu.vector_store_idx %arg8[%select_n3A_120, %add3A_404, %select_n3A_170, %add3A_693], %get3A_698 : memref<4x4x10x129xf32, #tpu.memory_space<vmem>>[vector<16xi32>, vector<16xi32>, vector<16xi32>, vector<16xi32>], vector<16xf32>,
        %add3A_699 = arith.constant 128 : i32
        %add3A_700 = arith.addi %add3A_699, %mul3A_685 : i32
        %add3A_701 = arith.constant 1 : i32
        %add3A_702 = arith.addi %add3A_700, %add3A_701 : i32
        %add3A_703 = arith.constant 1 : i32
        %add3A_704 = arith.addi %mul3A_685, %add3A_703 : i32
        %add3A_705 = vector.broadcast %add3A_704 : i32 to vector<16xi32>
        %add3A_706 = arith.addi %broadcast_in_dim3A_171, %add3A_705 : vector<16xi32>
        %get3A_707 = arith.index_cast %add3A_702 : i32 to index
        %get3A_708 = arith.constant 0 : index
        %get3A_709 = tpu.vector_load %arg6[%get3A_707, %get3A_708] {strides = array<i32>} : memref<512x32xf32, #tpu.memory_space<vmem>>, vector<16xf32>,
        tpu.vector_store_idx %arg8[%select_n3A_86, %add3A_404, %select_n3A_145, %add3A_706], %get3A_709 : memref<4x4x10x129xf32, #tpu.memory_space<vmem>>[vector<16xi32>, vector<16xi32>, vector<16xi32>, vector<16xi32>], vector<16xf32>,
        %get3A_710 = arith.index_cast %add3A_702 : i32 to index
        %get3A_711 = arith.constant 16 : index
        %get3A_712 = tpu.vector_load %arg6[%get3A_710, %get3A_711] {strides = array<i32>} : memref<512x32xf32, #tpu.memory_space<vmem>>, vector<16xf32>,
        tpu.vector_store_idx %arg8[%select_n3A_120, %add3A_404, %select_n3A_170, %add3A_706], %get3A_712 : memref<4x4x10x129xf32, #tpu.memory_space<vmem>>[vector<16xi32>, vector<16xi32>, vector<16xi32>, vector<16xi32>], vector<16xf32>,
        %add3A_713 = arith.constant 128 : i32
        %add3A_714 = arith.addi %add3A_713, %mul3A_685 : i32
        %add3A_715 = arith.constant 2 : i32
        %add3A_716 = arith.addi %add3A_714, %add3A_715 : i32
        %add3A_717 = arith.constant 2 : i32
        %add3A_718 = arith.addi %mul3A_685, %add3A_717 : i32
        %add3A_719 = vector.broadcast %add3A_718 : i32 to vector<16xi32>
        %add3A_720 = arith.addi %broadcast_in_dim3A_171, %add3A_719 : vector<16xi32>
        %get3A_721 = arith.index_cast %add3A_716 : i32 to index
        %get3A_722 = arith.constant 0 : index
        %get3A_723 = tpu.vector_load %arg6[%get3A_721, %get3A_722] {strides = array<i32>} : memref<512x32xf32, #tpu.memory_space<vmem>>, vector<16xf32>,
        tpu.vector_store_idx %arg8[%select_n3A_86, %add3A_404, %select_n3A_145, %add3A_720], %get3A_723 : memref<4x4x10x129xf32, #tpu.memory_space<vmem>>[vector<16xi32>, vector<16xi32>, vector<16xi32>, vector<16xi32>], vector<16xf32>,
        %get3A_724 = arith.index_cast %add3A_716 : i32 to index
        %get3A_725 = arith.constant 16 : index
        %get3A_726 = tpu.vector_load %arg6[%get3A_724, %get3A_725] {strides = array<i32>} : memref<512x32xf32, #tpu.memory_space<vmem>>, vector<16xf32>,
        tpu.vector_store_idx %arg8[%select_n3A_120, %add3A_404, %select_n3A_170, %add3A_720], %get3A_726 : memref<4x4x10x129xf32, #tpu.memory_space<vmem>>[vector<16xi32>, vector<16xi32>, vector<16xi32>, vector<16xi32>], vector<16xf32>,
        %add3A_727 = arith.constant 128 : i32
        %add3A_728 = arith.addi %add3A_727, %mul3A_685 : i32
        %add3A_729 = arith.constant 3 : i32
        %add3A_730 = arith.addi %add3A_728, %add3A_729 : i32
        %add3A_731 = arith.constant 3 : i32
        %add3A_732 = arith.addi %mul3A_685, %add3A_731 : i32
        %add3A_733 = vector.broadcast %add3A_732 : i32 to vector<16xi32>
        %add3A_734 = arith.addi %broadcast_in_dim3A_171, %add3A_733 : vector<16xi32>
        %get3A_735 = arith.index_cast %add3A_730 : i32 to index
        %get3A_736 = arith.constant 0 : index
        %get3A_737 = tpu.vector_load %arg6[%get3A_735, %get3A_736] {strides = array<i32>} : memref<512x32xf32, #tpu.memory_space<vmem>>, vector<16xf32>,
        tpu.vector_store_idx %arg8[%select_n3A_86, %add3A_404, %select_n3A_145, %add3A_734], %get3A_737 : memref<4x4x10x129xf32, #tpu.memory_space<vmem>>[vector<16xi32>, vector<16xi32>, vector<16xi32>, vector<16xi32>], vector<16xf32>,
        %get3A_738 = arith.index_cast %add3A_730 : i32 to index
        %get3A_739 = arith.constant 16 : index
        %get3A_740 = tpu.vector_load %arg6[%get3A_738, %get3A_739] {strides = array<i32>} : memref<512x32xf32, #tpu.memory_space<vmem>>, vector<16xf32>,
        tpu.vector_store_idx %arg8[%select_n3A_120, %add3A_404, %select_n3A_170, %add3A_734], %get3A_740 : memref<4x4x10x129xf32, #tpu.memory_space<vmem>>[vector<16xi32>, vector<16xi32>, vector<16xi32>, vector<16xi32>], vector<16xf32>,
        %add3A_741 = arith.constant 128 : i32
        %add3A_742 = arith.addi %add3A_741, %mul3A_685 : i32
        %add3A_743 = arith.constant 4 : i32
        %add3A_744 = arith.addi %add3A_742, %add3A_743 : i32
        %add3A_745 = arith.constant 4 : i32
        %add3A_746 = arith.addi %mul3A_685, %add3A_745 : i32
        %add3A_747 = vector.broadcast %add3A_746 : i32 to vector<16xi32>
        %add3A_748 = arith.addi %broadcast_in_dim3A_171, %add3A_747 : vector<16xi32>
        %get3A_749 = arith.index_cast %add3A_744 : i32 to index
        %get3A_750 = arith.constant 0 : index
        %get3A_751 = tpu.vector_load %arg6[%get3A_749, %get3A_750] {strides = array<i32>} : memref<512x32xf32, #tpu.memory_space<vmem>>, vector<16xf32>,
        tpu.vector_store_idx %arg8[%select_n3A_86, %add3A_404, %select_n3A_145, %add3A_748], %get3A_751 : memref<4x4x10x129xf32, #tpu.memory_space<vmem>>[vector<16xi32>, vector<16xi32>, vector<16xi32>, vector<16xi32>], vector<16xf32>,
        %get3A_752 = arith.index_cast %add3A_744 : i32 to index
        %get3A_753 = arith.constant 16 : index
        %get3A_754 = tpu.vector_load %arg6[%get3A_752, %get3A_753] {strides = array<i32>} : memref<512x32xf32, #tpu.memory_space<vmem>>, vector<16xf32>,
        tpu.vector_store_idx %arg8[%select_n3A_120, %add3A_404, %select_n3A_170, %add3A_748], %get3A_754 : memref<4x4x10x129xf32, #tpu.memory_space<vmem>>[vector<16xi32>, vector<16xi32>, vector<16xi32>, vector<16xi32>], vector<16xf32>,
        %add3A_755 = arith.constant 128 : i32
        %add3A_756 = arith.addi %add3A_755, %mul3A_685 : i32
        %add3A_757 = arith.constant 5 : i32
        %add3A_758 = arith.addi %add3A_756, %add3A_757 : i32
        %add3A_759 = arith.constant 5 : i32
        %add3A_760 = arith.addi %mul3A_685, %add3A_759 : i32
        %add3A_761 = vector.broadcast %add3A_760 : i32 to vector<16xi32>
        %add3A_762 = arith.addi %broadcast_in_dim3A_171, %add3A_761 : vector<16xi32>
        %get3A_763 = arith.index_cast %add3A_758 : i32 to index
        %get3A_764 = arith.constant 0 : index
        %get3A_765 = tpu.vector_load %arg6[%get3A_763, %get3A_764] {strides = array<i32>} : memref<512x32xf32, #tpu.memory_space<vmem>>, vector<16xf32>,
        tpu.vector_store_idx %arg8[%select_n3A_86, %add3A_404, %select_n3A_145, %add3A_762], %get3A_765 : memref<4x4x10x129xf32, #tpu.memory_space<vmem>>[vector<16xi32>, vector<16xi32>, vector<16xi32>, vector<16xi32>], vector<16xf32>,
        %get3A_766 = arith.index_cast %add3A_758 : i32 to index
        %get3A_767 = arith.constant 16 : index
        %get3A_768 = tpu.vector_load %arg6[%get3A_766, %get3A_767] {strides = array<i32>} : memref<512x32xf32, #tpu.memory_space<vmem>>, vector<16xf32>,
        tpu.vector_store_idx %arg8[%select_n3A_120, %add3A_404, %select_n3A_170, %add3A_762], %get3A_768 : memref<4x4x10x129xf32, #tpu.memory_space<vmem>>[vector<16xi32>, vector<16xi32>, vector<16xi32>, vector<16xi32>], vector<16xf32>,
        %add3A_769 = arith.constant 128 : i32
        %add3A_770 = arith.addi %add3A_769, %mul3A_685 : i32
        %add3A_771 = arith.constant 6 : i32
        %add3A_772 = arith.addi %add3A_770, %add3A_771 : i32
        %add3A_773 = arith.constant 6 : i32
        %add3A_774 = arith.addi %mul3A_685, %add3A_773 : i32
        %add3A_775 = vector.broadcast %add3A_774 : i32 to vector<16xi32>
        %add3A_776 = arith.addi %broadcast_in_dim3A_171, %add3A_775 : vector<16xi32>
        %get3A_777 = arith.index_cast %add3A_772 : i32 to index
        %get3A_778 = arith.constant 0 : index
        %get3A_779 = tpu.vector_load %arg6[%get3A_777, %get3A_778] {strides = array<i32>} : memref<512x32xf32, #tpu.memory_space<vmem>>, vector<16xf32>,
        tpu.vector_store_idx %arg8[%select_n3A_86, %add3A_404, %select_n3A_145, %add3A_776], %get3A_779 : memref<4x4x10x129xf32, #tpu.memory_space<vmem>>[vector<16xi32>, vector<16xi32>, vector<16xi32>, vector<16xi32>], vector<16xf32>,
        %get3A_780 = arith.index_cast %add3A_772 : i32 to index
        %get3A_781 = arith.constant 16 : index
        %get3A_782 = tpu.vector_load %arg6[%get3A_780, %get3A_781] {strides = array<i32>} : memref<512x32xf32, #tpu.memory_space<vmem>>, vector<16xf32>,
        tpu.vector_store_idx %arg8[%select_n3A_120, %add3A_404, %select_n3A_170, %add3A_776], %get3A_782 : memref<4x4x10x129xf32, #tpu.memory_space<vmem>>[vector<16xi32>, vector<16xi32>, vector<16xi32>, vector<16xi32>], vector<16xf32>,
        %add3A_783 = arith.constant 128 : i32
        %add3A_784 = arith.addi %add3A_783, %mul3A_685 : i32
        %add3A_785 = arith.constant 7 : i32
        %add3A_786 = arith.addi %add3A_784, %add3A_785 : i32
        %add3A_787 = arith.constant 7 : i32
        %add3A_788 = arith.addi %mul3A_685, %add3A_787 : i32
        %add3A_789 = vector.broadcast %add3A_788 : i32 to vector<16xi32>
        %add3A_790 = arith.addi %broadcast_in_dim3A_171, %add3A_789 : vector<16xi32>
        %get3A_791 = arith.index_cast %add3A_786 : i32 to index
        %get3A_792 = arith.constant 0 : index
        %get3A_793 = tpu.vector_load %arg6[%get3A_791, %get3A_792] {strides = array<i32>} : memref<512x32xf32, #tpu.memory_space<vmem>>, vector<16xf32>,
        tpu.vector_store_idx %arg8[%select_n3A_86, %add3A_404, %select_n3A_145, %add3A_790], %get3A_793 : memref<4x4x10x129xf32, #tpu.memory_space<vmem>>[vector<16xi32>, vector<16xi32>, vector<16xi32>, vector<16xi32>], vector<16xf32>,
        %get3A_794 = arith.index_cast %add3A_786 : i32 to index
        %get3A_795 = arith.constant 16 : index
        %get3A_796 = tpu.vector_load %arg6[%get3A_794, %get3A_795] {strides = array<i32>} : memref<512x32xf32, #tpu.memory_space<vmem>>, vector<16xf32>,
        tpu.vector_store_idx %arg8[%select_n3A_120, %add3A_404, %select_n3A_170, %add3A_790], %get3A_796 : memref<4x4x10x129xf32, #tpu.memory_space<vmem>>[vector<16xi32>, vector<16xi32>, vector<16xi32>, vector<16xi32>], vector<16xf32>,
      }
      %scan3A_410 = arith.constant 16 : i32
      %add3A_411 = arith.constant 2 : i32
      %add3A_412 = vector.broadcast %add3A_411 : i32 to vector<16xi32>
      %add3A_413 = arith.addi %broadcast_in_dim3A_171, %add3A_412 : vector<16xi32>
      %scan3A_414 = arith.constant 0 : i32
      %scan3A_415 = arith.constant 0 : i32
      %scan3A_416 = arith.constant 16 : i32
      %scan3A_417 = arith.addi %scan3A_415, %scan3A_416 : i32
      %scan3A_418 = arith.constant 1 : i32
      scf.for %scan3A_683 = %scan3A_415 to %scan3A_417 step %scan3A_418  : i32 {
        %mul3A_684 = arith.constant 8 : i32
        %mul3A_685 = arith.muli %scan3A_683, %mul3A_684 : i32
        %add3A_686 = arith.constant 256 : i32
        %add3A_687 = arith.addi %add3A_686, %mul3A_685 : i32
        %add3A_688 = arith.constant 0 : i32
        %add3A_689 = arith.addi %add3A_687, %add3A_688 : i32
        %add3A_690 = arith.constant 0 : i32
        %add3A_691 = arith.addi %mul3A_685, %add3A_690 : i32
        %add3A_692 = vector.broadcast %add3A_691 : i32 to vector<16xi32>
        %add3A_693 = arith.addi %broadcast_in_dim3A_171, %add3A_692 : vector<16xi32>
        %get3A = arith.index_cast %add3A_689 : i32 to index
        %get3A_694 = arith.constant 0 : index
        %get3A_695 = tpu.vector_load %arg6[%get3A, %get3A_694] {strides = array<i32>} : memref<512x32xf32, #tpu.memory_space<vmem>>, vector<16xf32>,
        tpu.vector_store_idx %arg8[%select_n3A_86, %add3A_413, %select_n3A_145, %add3A_693], %get3A_695 : memref<4x4x10x129xf32, #tpu.memory_space<vmem>>[vector<16xi32>, vector<16xi32>, vector<16xi32>, vector<16xi32>], vector<16xf32>,
        %get3A_696 = arith.index_cast %add3A_689 : i32 to index
        %get3A_697 = arith.constant 16 : index
        %get3A_698 = tpu.vector_load %arg6[%get3A_696, %get3A_697] {strides = array<i32>} : memref<512x32xf32, #tpu.memory_space<vmem>>, vector<16xf32>,
        tpu.vector_store_idx %arg8[%select_n3A_120, %add3A_413, %select_n3A_170, %add3A_693], %get3A_698 : memref<4x4x10x129xf32, #tpu.memory_space<vmem>>[vector<16xi32>, vector<16xi32>, vector<16xi32>, vector<16xi32>], vector<16xf32>,
        %add3A_699 = arith.constant 256 : i32
        %add3A_700 = arith.addi %add3A_699, %mul3A_685 : i32
        %add3A_701 = arith.constant 1 : i32
        %add3A_702 = arith.addi %add3A_700, %add3A_701 : i32
        %add3A_703 = arith.constant 1 : i32
        %add3A_704 = arith.addi %mul3A_685, %add3A_703 : i32
        %add3A_705 = vector.broadcast %add3A_704 : i32 to vector<16xi32>
        %add3A_706 = arith.addi %broadcast_in_dim3A_171, %add3A_705 : vector<16xi32>
        %get3A_707 = arith.index_cast %add3A_702 : i32 to index
        %get3A_708 = arith.constant 0 : index
        %get3A_709 = tpu.vector_load %arg6[%get3A_707, %get3A_708] {strides = array<i32>} : memref<512x32xf32, #tpu.memory_space<vmem>>, vector<16xf32>,
        tpu.vector_store_idx %arg8[%select_n3A_86, %add3A_413, %select_n3A_145, %add3A_706], %get3A_709 : memref<4x4x10x129xf32, #tpu.memory_space<vmem>>[vector<16xi32>, vector<16xi32>, vector<16xi32>, vector<16xi32>], vector<16xf32>,
        %get3A_710 = arith.index_cast %add3A_702 : i32 to index
        %get3A_711 = arith.constant 16 : index
        %get3A_712 = tpu.vector_load %arg6[%get3A_710, %get3A_711] {strides = array<i32>} : memref<512x32xf32, #tpu.memory_space<vmem>>, vector<16xf32>,
        tpu.vector_store_idx %arg8[%select_n3A_120, %add3A_413, %select_n3A_170, %add3A_706], %get3A_712 : memref<4x4x10x129xf32, #tpu.memory_space<vmem>>[vector<16xi32>, vector<16xi32>, vector<16xi32>, vector<16xi32>], vector<16xf32>,
        %add3A_713 = arith.constant 256 : i32
        %add3A_714 = arith.addi %add3A_713, %mul3A_685 : i32
        %add3A_715 = arith.constant 2 : i32
        %add3A_716 = arith.addi %add3A_714, %add3A_715 : i32
        %add3A_717 = arith.constant 2 : i32
        %add3A_718 = arith.addi %mul3A_685, %add3A_717 : i32
        %add3A_719 = vector.broadcast %add3A_718 : i32 to vector<16xi32>
        %add3A_720 = arith.addi %broadcast_in_dim3A_171, %add3A_719 : vector<16xi32>
        %get3A_721 = arith.index_cast %add3A_716 : i32 to index
        %get3A_722 = arith.constant 0 : index
        %get3A_723 = tpu.vector_load %arg6[%get3A_721, %get3A_722] {strides = array<i32>} : memref<512x32xf32, #tpu.memory_space<vmem>>, vector<16xf32>,
        tpu.vector_store_idx %arg8[%select_n3A_86, %add3A_413, %select_n3A_145, %add3A_720], %get3A_723 : memref<4x4x10x129xf32, #tpu.memory_space<vmem>>[vector<16xi32>, vector<16xi32>, vector<16xi32>, vector<16xi32>], vector<16xf32>,
        %get3A_724 = arith.index_cast %add3A_716 : i32 to index
        %get3A_725 = arith.constant 16 : index
        %get3A_726 = tpu.vector_load %arg6[%get3A_724, %get3A_725] {strides = array<i32>} : memref<512x32xf32, #tpu.memory_space<vmem>>, vector<16xf32>,
        tpu.vector_store_idx %arg8[%select_n3A_120, %add3A_413, %select_n3A_170, %add3A_720], %get3A_726 : memref<4x4x10x129xf32, #tpu.memory_space<vmem>>[vector<16xi32>, vector<16xi32>, vector<16xi32>, vector<16xi32>], vector<16xf32>,
        %add3A_727 = arith.constant 256 : i32
        %add3A_728 = arith.addi %add3A_727, %mul3A_685 : i32
        %add3A_729 = arith.constant 3 : i32
        %add3A_730 = arith.addi %add3A_728, %add3A_729 : i32
        %add3A_731 = arith.constant 3 : i32
        %add3A_732 = arith.addi %mul3A_685, %add3A_731 : i32
        %add3A_733 = vector.broadcast %add3A_732 : i32 to vector<16xi32>
        %add3A_734 = arith.addi %broadcast_in_dim3A_171, %add3A_733 : vector<16xi32>
        %get3A_735 = arith.index_cast %add3A_730 : i32 to index
        %get3A_736 = arith.constant 0 : index
        %get3A_737 = tpu.vector_load %arg6[%get3A_735, %get3A_736] {strides = array<i32>} : memref<512x32xf32, #tpu.memory_space<vmem>>, vector<16xf32>,
        tpu.vector_store_idx %arg8[%select_n3A_86, %add3A_413, %select_n3A_145, %add3A_734], %get3A_737 : memref<4x4x10x129xf32, #tpu.memory_space<vmem>>[vector<16xi32>, vector<16xi32>, vector<16xi32>, vector<16xi32>], vector<16xf32>,
        %get3A_738 = arith.index_cast %add3A_730 : i32 to index
        %get3A_739 = arith.constant 16 : index
        %get3A_740 = tpu.vector_load %arg6[%get3A_738, %get3A_739] {strides = array<i32>} : memref<512x32xf32, #tpu.memory_space<vmem>>, vector<16xf32>,
        tpu.vector_store_idx %arg8[%select_n3A_120, %add3A_413, %select_n3A_170, %add3A_734], %get3A_740 : memref<4x4x10x129xf32, #tpu.memory_space<vmem>>[vector<16xi32>, vector<16xi32>, vector<16xi32>, vector<16xi32>], vector<16xf32>,
        %add3A_741 = arith.constant 256 : i32
        %add3A_742 = arith.addi %add3A_741, %mul3A_685 : i32
        %add3A_743 = arith.constant 4 : i32
        %add3A_744 = arith.addi %add3A_742, %add3A_743 : i32
        %add3A_745 = arith.constant 4 : i32
        %add3A_746 = arith.addi %mul3A_685, %add3A_745 : i32
        %add3A_747 = vector.broadcast %add3A_746 : i32 to vector<16xi32>
        %add3A_748 = arith.addi %broadcast_in_dim3A_171, %add3A_747 : vector<16xi32>
        %get3A_749 = arith.index_cast %add3A_744 : i32 to index
        %get3A_750 = arith.constant 0 : index
        %get3A_751 = tpu.vector_load %arg6[%get3A_749, %get3A_750] {strides = array<i32>} : memref<512x32xf32, #tpu.memory_space<vmem>>, vector<16xf32>,
        tpu.vector_store_idx %arg8[%select_n3A_86, %add3A_413, %select_n3A_145, %add3A_748], %get3A_751 : memref<4x4x10x129xf32, #tpu.memory_space<vmem>>[vector<16xi32>, vector<16xi32>, vector<16xi32>, vector<16xi32>], vector<16xf32>,
        %get3A_752 = arith.index_cast %add3A_744 : i32 to index
        %get3A_753 = arith.constant 16 : index
        %get3A_754 = tpu.vector_load %arg6[%get3A_752, %get3A_753] {strides = array<i32>} : memref<512x32xf32, #tpu.memory_space<vmem>>, vector<16xf32>,
        tpu.vector_store_idx %arg8[%select_n3A_120, %add3A_413, %select_n3A_170, %add3A_748], %get3A_754 : memref<4x4x10x129xf32, #tpu.memory_space<vmem>>[vector<16xi32>, vector<16xi32>, vector<16xi32>, vector<16xi32>], vector<16xf32>,
        %add3A_755 = arith.constant 256 : i32
        %add3A_756 = arith.addi %add3A_755, %mul3A_685 : i32
        %add3A_757 = arith.constant 5 : i32
        %add3A_758 = arith.addi %add3A_756, %add3A_757 : i32
        %add3A_759 = arith.constant 5 : i32
        %add3A_760 = arith.addi %mul3A_685, %add3A_759 : i32
        %add3A_761 = vector.broadcast %add3A_760 : i32 to vector<16xi32>
        %add3A_762 = arith.addi %broadcast_in_dim3A_171, %add3A_761 : vector<16xi32>
        %get3A_763 = arith.index_cast %add3A_758 : i32 to index
        %get3A_764 = arith.constant 0 : index
        %get3A_765 = tpu.vector_load %arg6[%get3A_763, %get3A_764] {strides = array<i32>} : memref<512x32xf32, #tpu.memory_space<vmem>>, vector<16xf32>,
        tpu.vector_store_idx %arg8[%select_n3A_86, %add3A_413, %select_n3A_145, %add3A_762], %get3A_765 : memref<4x4x10x129xf32, #tpu.memory_space<vmem>>[vector<16xi32>, vector<16xi32>, vector<16xi32>, vector<16xi32>], vector<16xf32>,
        %get3A_766 = arith.index_cast %add3A_758 : i32 to index
        %get3A_767 = arith.constant 16 : index
        %get3A_768 = tpu.vector_load %arg6[%get3A_766, %get3A_767] {strides = array<i32>} : memref<512x32xf32, #tpu.memory_space<vmem>>, vector<16xf32>,
        tpu.vector_store_idx %arg8[%select_n3A_120, %add3A_413, %select_n3A_170, %add3A_762], %get3A_768 : memref<4x4x10x129xf32, #tpu.memory_space<vmem>>[vector<16xi32>, vector<16xi32>, vector<16xi32>, vector<16xi32>], vector<16xf32>,
        %add3A_769 = arith.constant 256 : i32
        %add3A_770 = arith.addi %add3A_769, %mul3A_685 : i32
        %add3A_771 = arith.constant 6 : i32
        %add3A_772 = arith.addi %add3A_770, %add3A_771 : i32
        %add3A_773 = arith.constant 6 : i32
        %add3A_774 = arith.addi %mul3A_685, %add3A_773 : i32
        %add3A_775 = vector.broadcast %add3A_774 : i32 to vector<16xi32>
        %add3A_776 = arith.addi %broadcast_in_dim3A_171, %add3A_775 : vector<16xi32>
        %get3A_777 = arith.index_cast %add3A_772 : i32 to index
        %get3A_778 = arith.constant 0 : index
        %get3A_779 = tpu.vector_load %arg6[%get3A_777, %get3A_778] {strides = array<i32>} : memref<512x32xf32, #tpu.memory_space<vmem>>, vector<16xf32>,
        tpu.vector_store_idx %arg8[%select_n3A_86, %add3A_413, %select_n3A_145, %add3A_776], %get3A_779 : memref<4x4x10x129xf32, #tpu.memory_space<vmem>>[vector<16xi32>, vector<16xi32>, vector<16xi32>, vector<16xi32>], vector<16xf32>,
        %get3A_780 = arith.index_cast %add3A_772 : i32 to index
        %get3A_781 = arith.constant 16 : index
        %get3A_782 = tpu.vector_load %arg6[%get3A_780, %get3A_781] {strides = array<i32>} : memref<512x32xf32, #tpu.memory_space<vmem>>, vector<16xf32>,
        tpu.vector_store_idx %arg8[%select_n3A_120, %add3A_413, %select_n3A_170, %add3A_776], %get3A_782 : memref<4x4x10x129xf32, #tpu.memory_space<vmem>>[vector<16xi32>, vector<16xi32>, vector<16xi32>, vector<16xi32>], vector<16xf32>,
        %add3A_783 = arith.constant 256 : i32
        %add3A_784 = arith.addi %add3A_783, %mul3A_685 : i32
        %add3A_785 = arith.constant 7 : i32
        %add3A_786 = arith.addi %add3A_784, %add3A_785 : i32
        %add3A_787 = arith.constant 7 : i32
        %add3A_788 = arith.addi %mul3A_685, %add3A_787 : i32
        %add3A_789 = vector.broadcast %add3A_788 : i32 to vector<16xi32>
        %add3A_790 = arith.addi %broadcast_in_dim3A_171, %add3A_789 : vector<16xi32>
        %get3A_791 = arith.index_cast %add3A_786 : i32 to index
        %get3A_792 = arith.constant 0 : index
        %get3A_793 = tpu.vector_load %arg6[%get3A_791, %get3A_792] {strides = array<i32>} : memref<512x32xf32, #tpu.memory_space<vmem>>, vector<16xf32>,
        tpu.vector_store_idx %arg8[%select_n3A_86, %add3A_413, %select_n3A_145, %add3A_790], %get3A_793 : memref<4x4x10x129xf32, #tpu.memory_space<vmem>>[vector<16xi32>, vector<16xi32>, vector<16xi32>, vector<16xi32>], vector<16xf32>,
        %get3A_794 = arith.index_cast %add3A_786 : i32 to index
        %get3A_795 = arith.constant 16 : index
        %get3A_796 = tpu.vector_load %arg6[%get3A_794, %get3A_795] {strides = array<i32>} : memref<512x32xf32, #tpu.memory_space<vmem>>, vector<16xf32>,
        tpu.vector_store_idx %arg8[%select_n3A_120, %add3A_413, %select_n3A_170, %add3A_790], %get3A_796 : memref<4x4x10x129xf32, #tpu.memory_space<vmem>>[vector<16xi32>, vector<16xi32>, vector<16xi32>, vector<16xi32>], vector<16xf32>,
      }
      %scan3A_419 = arith.constant 16 : i32
      %add3A_420 = arith.constant 3 : i32
      %add3A_421 = vector.broadcast %add3A_420 : i32 to vector<16xi32>
      %add3A_422 = arith.addi %broadcast_in_dim3A_171, %add3A_421 : vector<16xi32>
      %scan3A_423 = arith.constant 0 : i32
      %scan3A_424 = arith.constant 0 : i32
      %scan3A_425 = arith.constant 16 : i32
      %scan3A_426 = arith.addi %scan3A_424, %scan3A_425 : i32
      %scan3A_427 = arith.constant 1 : i32
      scf.for %scan3A_683 = %scan3A_424 to %scan3A_426 step %scan3A_427  : i32 {
        %mul3A_684 = arith.constant 8 : i32
        %mul3A_685 = arith.muli %scan3A_683, %mul3A_684 : i32
        %add3A_686 = arith.constant 384 : i32
        %add3A_687 = arith.addi %add3A_686, %mul3A_685 : i32
        %add3A_688 = arith.constant 0 : i32
        %add3A_689 = arith.addi %add3A_687, %add3A_688 : i32
        %add3A_690 = arith.constant 0 : i32
        %add3A_691 = arith.addi %mul3A_685, %add3A_690 : i32
        %add3A_692 = vector.broadcast %add3A_691 : i32 to vector<16xi32>
        %add3A_693 = arith.addi %broadcast_in_dim3A_171, %add3A_692 : vector<16xi32>
        %get3A = arith.index_cast %add3A_689 : i32 to index
        %get3A_694 = arith.constant 0 : index
        %get3A_695 = tpu.vector_load %arg6[%get3A, %get3A_694] {strides = array<i32>} : memref<512x32xf32, #tpu.memory_space<vmem>>, vector<16xf32>,
        tpu.vector_store_idx %arg8[%select_n3A_86, %add3A_422, %select_n3A_145, %add3A_693], %get3A_695 : memref<4x4x10x129xf32, #tpu.memory_space<vmem>>[vector<16xi32>, vector<16xi32>, vector<16xi32>, vector<16xi32>], vector<16xf32>,
        %get3A_696 = arith.index_cast %add3A_689 : i32 to index
        %get3A_697 = arith.constant 16 : index
        %get3A_698 = tpu.vector_load %arg6[%get3A_696, %get3A_697] {strides = array<i32>} : memref<512x32xf32, #tpu.memory_space<vmem>>, vector<16xf32>,
        tpu.vector_store_idx %arg8[%select_n3A_120, %add3A_422, %select_n3A_170, %add3A_693], %get3A_698 : memref<4x4x10x129xf32, #tpu.memory_space<vmem>>[vector<16xi32>, vector<16xi32>, vector<16xi32>, vector<16xi32>], vector<16xf32>,
        %add3A_699 = arith.constant 384 : i32
        %add3A_700 = arith.addi %add3A_699, %mul3A_685 : i32
        %add3A_701 = arith.constant 1 : i32
        %add3A_702 = arith.addi %add3A_700, %add3A_701 : i32
        %add3A_703 = arith.constant 1 : i32
        %add3A_704 = arith.addi %mul3A_685, %add3A_703 : i32
        %add3A_705 = vector.broadcast %add3A_704 : i32 to vector<16xi32>
        %add3A_706 = arith.addi %broadcast_in_dim3A_171, %add3A_705 : vector<16xi32>
        %get3A_707 = arith.index_cast %add3A_702 : i32 to index
        %get3A_708 = arith.constant 0 : index
        %get3A_709 = tpu.vector_load %arg6[%get3A_707, %get3A_708] {strides = array<i32>} : memref<512x32xf32, #tpu.memory_space<vmem>>, vector<16xf32>,
        tpu.vector_store_idx %arg8[%select_n3A_86, %add3A_422, %select_n3A_145, %add3A_706], %get3A_709 : memref<4x4x10x129xf32, #tpu.memory_space<vmem>>[vector<16xi32>, vector<16xi32>, vector<16xi32>, vector<16xi32>], vector<16xf32>,
        %get3A_710 = arith.index_cast %add3A_702 : i32 to index
        %get3A_711 = arith.constant 16 : index
        %get3A_712 = tpu.vector_load %arg6[%get3A_710, %get3A_711] {strides = array<i32>} : memref<512x32xf32, #tpu.memory_space<vmem>>, vector<16xf32>,
        tpu.vector_store_idx %arg8[%select_n3A_120, %add3A_422, %select_n3A_170, %add3A_706], %get3A_712 : memref<4x4x10x129xf32, #tpu.memory_space<vmem>>[vector<16xi32>, vector<16xi32>, vector<16xi32>, vector<16xi32>], vector<16xf32>,
        %add3A_713 = arith.constant 384 : i32
        %add3A_714 = arith.addi %add3A_713, %mul3A_685 : i32
        %add3A_715 = arith.constant 2 : i32
        %add3A_716 = arith.addi %add3A_714, %add3A_715 : i32
        %add3A_717 = arith.constant 2 : i32
        %add3A_718 = arith.addi %mul3A_685, %add3A_717 : i32
        %add3A_719 = vector.broadcast %add3A_718 : i32 to vector<16xi32>
        %add3A_720 = arith.addi %broadcast_in_dim3A_171, %add3A_719 : vector<16xi32>
        %get3A_721 = arith.index_cast %add3A_716 : i32 to index
        %get3A_722 = arith.constant 0 : index
        %get3A_723 = tpu.vector_load %arg6[%get3A_721, %get3A_722] {strides = array<i32>} : memref<512x32xf32, #tpu.memory_space<vmem>>, vector<16xf32>,
        tpu.vector_store_idx %arg8[%select_n3A_86, %add3A_422, %select_n3A_145, %add3A_720], %get3A_723 : memref<4x4x10x129xf32, #tpu.memory_space<vmem>>[vector<16xi32>, vector<16xi32>, vector<16xi32>, vector<16xi32>], vector<16xf32>,
        %get3A_724 = arith.index_cast %add3A_716 : i32 to index
        %get3A_725 = arith.constant 16 : index
        %get3A_726 = tpu.vector_load %arg6[%get3A_724, %get3A_725] {strides = array<i32>} : memref<512x32xf32, #tpu.memory_space<vmem>>, vector<16xf32>,
        tpu.vector_store_idx %arg8[%select_n3A_120, %add3A_422, %select_n3A_170, %add3A_720], %get3A_726 : memref<4x4x10x129xf32, #tpu.memory_space<vmem>>[vector<16xi32>, vector<16xi32>, vector<16xi32>, vector<16xi32>], vector<16xf32>,
        %add3A_727 = arith.constant 384 : i32
        %add3A_728 = arith.addi %add3A_727, %mul3A_685 : i32
        %add3A_729 = arith.constant 3 : i32
        %add3A_730 = arith.addi %add3A_728, %add3A_729 : i32
        %add3A_731 = arith.constant 3 : i32
        %add3A_732 = arith.addi %mul3A_685, %add3A_731 : i32
        %add3A_733 = vector.broadcast %add3A_732 : i32 to vector<16xi32>
        %add3A_734 = arith.addi %broadcast_in_dim3A_171, %add3A_733 : vector<16xi32>
        %get3A_735 = arith.index_cast %add3A_730 : i32 to index
        %get3A_736 = arith.constant 0 : index
        %get3A_737 = tpu.vector_load %arg6[%get3A_735, %get3A_736] {strides = array<i32>} : memref<512x32xf32, #tpu.memory_space<vmem>>, vector<16xf32>,
        tpu.vector_store_idx %arg8[%select_n3A_86, %add3A_422, %select_n3A_145, %add3A_734], %get3A_737 : memref<4x4x10x129xf32, #tpu.memory_space<vmem>>[vector<16xi32>, vector<16xi32>, vector<16xi32>, vector<16xi32>], vector<16xf32>,
        %get3A_738 = arith.index_cast %add3A_730 : i32 to index
        %get3A_739 = arith.constant 16 : index
        %get3A_740 = tpu.vector_load %arg6[%get3A_738, %get3A_739] {strides = array<i32>} : memref<512x32xf32, #tpu.memory_space<vmem>>, vector<16xf32>,
        tpu.vector_store_idx %arg8[%select_n3A_120, %add3A_422, %select_n3A_170, %add3A_734], %get3A_740 : memref<4x4x10x129xf32, #tpu.memory_space<vmem>>[vector<16xi32>, vector<16xi32>, vector<16xi32>, vector<16xi32>], vector<16xf32>,
        %add3A_741 = arith.constant 384 : i32
        %add3A_742 = arith.addi %add3A_741, %mul3A_685 : i32
        %add3A_743 = arith.constant 4 : i32
        %add3A_744 = arith.addi %add3A_742, %add3A_743 : i32
        %add3A_745 = arith.constant 4 : i32
        %add3A_746 = arith.addi %mul3A_685, %add3A_745 : i32
        %add3A_747 = vector.broadcast %add3A_746 : i32 to vector<16xi32>
        %add3A_748 = arith.addi %broadcast_in_dim3A_171, %add3A_747 : vector<16xi32>
        %get3A_749 = arith.index_cast %add3A_744 : i32 to index
        %get3A_750 = arith.constant 0 : index
        %get3A_751 = tpu.vector_load %arg6[%get3A_749, %get3A_750] {strides = array<i32>} : memref<512x32xf32, #tpu.memory_space<vmem>>, vector<16xf32>,
        tpu.vector_store_idx %arg8[%select_n3A_86, %add3A_422, %select_n3A_145, %add3A_748], %get3A_751 : memref<4x4x10x129xf32, #tpu.memory_space<vmem>>[vector<16xi32>, vector<16xi32>, vector<16xi32>, vector<16xi32>], vector<16xf32>,
        %get3A_752 = arith.index_cast %add3A_744 : i32 to index
        %get3A_753 = arith.constant 16 : index
        %get3A_754 = tpu.vector_load %arg6[%get3A_752, %get3A_753] {strides = array<i32>} : memref<512x32xf32, #tpu.memory_space<vmem>>, vector<16xf32>,
        tpu.vector_store_idx %arg8[%select_n3A_120, %add3A_422, %select_n3A_170, %add3A_748], %get3A_754 : memref<4x4x10x129xf32, #tpu.memory_space<vmem>>[vector<16xi32>, vector<16xi32>, vector<16xi32>, vector<16xi32>], vector<16xf32>,
        %add3A_755 = arith.constant 384 : i32
        %add3A_756 = arith.addi %add3A_755, %mul3A_685 : i32
        %add3A_757 = arith.constant 5 : i32
        %add3A_758 = arith.addi %add3A_756, %add3A_757 : i32
        %add3A_759 = arith.constant 5 : i32
        %add3A_760 = arith.addi %mul3A_685, %add3A_759 : i32
        %add3A_761 = vector.broadcast %add3A_760 : i32 to vector<16xi32>
        %add3A_762 = arith.addi %broadcast_in_dim3A_171, %add3A_761 : vector<16xi32>
        %get3A_763 = arith.index_cast %add3A_758 : i32 to index
        %get3A_764 = arith.constant 0 : index
        %get3A_765 = tpu.vector_load %arg6[%get3A_763, %get3A_764] {strides = array<i32>} : memref<512x32xf32, #tpu.memory_space<vmem>>, vector<16xf32>,
        tpu.vector_store_idx %arg8[%select_n3A_86, %add3A_422, %select_n3A_145, %add3A_762], %get3A_765 : memref<4x4x10x129xf32, #tpu.memory_space<vmem>>[vector<16xi32>, vector<16xi32>, vector<16xi32>, vector<16xi32>], vector<16xf32>,
        %get3A_766 = arith.index_cast %add3A_758 : i32 to index
        %get3A_767 = arith.constant 16 : index
        %get3A_768 = tpu.vector_load %arg6[%get3A_766, %get3A_767] {strides = array<i32>} : memref<512x32xf32, #tpu.memory_space<vmem>>, vector<16xf32>,
        tpu.vector_store_idx %arg8[%select_n3A_120, %add3A_422, %select_n3A_170, %add3A_762], %get3A_768 : memref<4x4x10x129xf32, #tpu.memory_space<vmem>>[vector<16xi32>, vector<16xi32>, vector<16xi32>, vector<16xi32>], vector<16xf32>,
        %add3A_769 = arith.constant 384 : i32
        %add3A_770 = arith.addi %add3A_769, %mul3A_685 : i32
        %add3A_771 = arith.constant 6 : i32
        %add3A_772 = arith.addi %add3A_770, %add3A_771 : i32
        %add3A_773 = arith.constant 6 : i32
        %add3A_774 = arith.addi %mul3A_685, %add3A_773 : i32
        %add3A_775 = vector.broadcast %add3A_774 : i32 to vector<16xi32>
        %add3A_776 = arith.addi %broadcast_in_dim3A_171, %add3A_775 : vector<16xi32>
        %get3A_777 = arith.index_cast %add3A_772 : i32 to index
        %get3A_778 = arith.constant 0 : index
        %get3A_779 = tpu.vector_load %arg6[%get3A_777, %get3A_778] {strides = array<i32>} : memref<512x32xf32, #tpu.memory_space<vmem>>, vector<16xf32>,
        tpu.vector_store_idx %arg8[%select_n3A_86, %add3A_422, %select_n3A_145, %add3A_776], %get3A_779 : memref<4x4x10x129xf32, #tpu.memory_space<vmem>>[vector<16xi32>, vector<16xi32>, vector<16xi32>, vector<16xi32>], vector<16xf32>,
        %get3A_780 = arith.index_cast %add3A_772 : i32 to index
        %get3A_781 = arith.constant 16 : index
        %get3A_782 = tpu.vector_load %arg6[%get3A_780, %get3A_781] {strides = array<i32>} : memref<512x32xf32, #tpu.memory_space<vmem>>, vector<16xf32>,
        tpu.vector_store_idx %arg8[%select_n3A_120, %add3A_422, %select_n3A_170, %add3A_776], %get3A_782 : memref<4x4x10x129xf32, #tpu.memory_space<vmem>>[vector<16xi32>, vector<16xi32>, vector<16xi32>, vector<16xi32>], vector<16xf32>,
        %add3A_783 = arith.constant 384 : i32
        %add3A_784 = arith.addi %add3A_783, %mul3A_685 : i32
        %add3A_785 = arith.constant 7 : i32
        %add3A_786 = arith.addi %add3A_784, %add3A_785 : i32
        %add3A_787 = arith.constant 7 : i32
        %add3A_788 = arith.addi %mul3A_685, %add3A_787 : i32
        %add3A_789 = vector.broadcast %add3A_788 : i32 to vector<16xi32>
        %add3A_790 = arith.addi %broadcast_in_dim3A_171, %add3A_789 : vector<16xi32>
        %get3A_791 = arith.index_cast %add3A_786 : i32 to index
        %get3A_792 = arith.constant 0 : index
        %get3A_793 = tpu.vector_load %arg6[%get3A_791, %get3A_792] {strides = array<i32>} : memref<512x32xf32, #tpu.memory_space<vmem>>, vector<16xf32>,
        tpu.vector_store_idx %arg8[%select_n3A_86, %add3A_422, %select_n3A_145, %add3A_790], %get3A_793 : memref<4x4x10x129xf32, #tpu.memory_space<vmem>>[vector<16xi32>, vector<16xi32>, vector<16xi32>, vector<16xi32>], vector<16xf32>,
        %get3A_794 = arith.index_cast %add3A_786 : i32 to index
        %get3A_795 = arith.constant 16 : index
        %get3A_796 = tpu.vector_load %arg6[%get3A_794, %get3A_795] {strides = array<i32>} : memref<512x32xf32, #tpu.memory_space<vmem>>, vector<16xf32>,
        tpu.vector_store_idx %arg8[%select_n3A_120, %add3A_422, %select_n3A_170, %add3A_790], %get3A_796 : memref<4x4x10x129xf32, #tpu.memory_space<vmem>>[vector<16xi32>, vector<16xi32>, vector<16xi32>, vector<16xi32>], vector<16xf32>,
      }
      %scan3A_428 = arith.constant 16 : i32
      %add3A_429 = arith.addi %mul3A_52, %add3A_373 : i32
      %dma_start3A_430 = arith.constant 0 : i32
      %dma_start3A_431 = arith.constant 0 : i32
      %dma_start3A_432 = arith.constant 0 : i32
      %dma_start3A_433 = arith.constant 0 : i32
      %dma_start3A_434 = arith.constant 0 : i32
      %dma_start3A_435 = arith.constant 0 : i32
      %dma_start3A_436 = tpu.memref_slice %arg8[%dma_start3A_430, %dma_start3A_433, %dma_start3A_434, %dma_start3A_435] : memref<4x4x10x129xf32, #tpu.memory_space<vmem>> -> memref<1x4x8x128xf32, #tpu.memory_space<vmem>>
      %dma_start3A_437 = tpu.memref_squeeze %dma_start3A_436 : memref<1x4x8x128xf32, #tpu.memory_space<vmem>> -> memref<4x8x128xf32, #tpu.memory_space<vmem>>
      %dma_start3A_438 = arith.constant 0 : i32
      %dma_start3A_439 = arith.constant 0 : i32
      %dma_start3A_440 = tpu.memref_slice %arg4[%add3A_429, %dma_start3A_431, %mul3A_11, %dma_start3A_438, %dma_start3A_439] : memref<200x4x32x8x128xf32, #tpu.memory_space<hbm>> -> memref<1x1x4x8x128xf32, #tpu.memory_space<hbm>>
      %dma_start3A_441 = tpu.memref_squeeze %dma_start3A_440 : memref<1x1x4x8x128xf32, #tpu.memory_space<hbm>> -> memref<4x8x128xf32, #tpu.memory_space<hbm>>
      %dma_start3A_442 = tpu.memref_slice %arg11[%dma_start3A_432] : memref<2x!tpu.dma_semaphore, #tpu.memory_space<semaphore_mem>> -> memref<1x!tpu.dma_semaphore, #tpu.memory_space<semaphore_mem>>
      %dma_start3A_443 = tpu.memref_squeeze %dma_start3A_442 : memref<1x!tpu.dma_semaphore, #tpu.memory_space<semaphore_mem>> -> memref<!tpu.dma_semaphore, #tpu.memory_space<semaphore_mem>>
      %dma_start3A_444 = arith.constant 0 : i32
      %dma_start3A_445 = arith.constant 0 : i32
      %dma_start3A_446 = tpu.memref_slice %arg4[%add3A_429, %dma_start3A_431, %mul3A_11, %dma_start3A_444, %dma_start3A_445] : memref<200x4x32x8x128xf32, #tpu.memory_space<hbm>> -> memref<1x1x4x8x128xf32, #tpu.memory_space<hbm>>
      %dma_start3A_447 = tpu.memref_squeeze %dma_start3A_446 : memref<1x1x4x8x128xf32, #tpu.memory_space<hbm>> -> memref<4x8x128xf32, #tpu.memory_space<hbm>>
      %dma_start3A_448 = arith.constant 0 : i32
      %dma_start3A_449 = arith.constant 0 : i32
      %dma_start3A_450 = arith.constant 0 : i32
      %dma_start3A_451 = tpu.memref_slice %arg8[%dma_start3A_430, %dma_start3A_448, %dma_start3A_449, %dma_start3A_450] : memref<4x4x10x129xf32, #tpu.memory_space<vmem>> -> memref<1x4x8x128xf32, #tpu.memory_space<vmem>>
      %dma_start3A_452 = tpu.memref_squeeze %dma_start3A_451 : memref<1x4x8x128xf32, #tpu.memory_space<vmem>> -> memref<4x8x128xf32, #tpu.memory_space<vmem>>
      tpu.enqueue_dma source(%dma_start3A_452 : memref<4x8x128xf32, #tpu.memory_space<vmem>>) target(%dma_start3A_447 : memref<4x8x128xf32, #tpu.memory_space<hbm>>) target_semaphore(%dma_start3A_443 : memref<!tpu.dma_semaphore, #tpu.memory_space<semaphore_mem>>)
      %add3A_453 = arith.addi %mul3A_52, %add3A_373 : i32
      %dma_start3A_454 = arith.constant 1 : i32
      %dma_start3A_455 = arith.constant 1 : i32
      %dma_start3A_456 = arith.constant 0 : i32
      %dma_start3A_457 = arith.constant 0 : i32
      %dma_start3A_458 = arith.constant 0 : i32
      %dma_start3A_459 = arith.constant 0 : i32
      %dma_start3A_460 = tpu.memref_slice %arg8[%dma_start3A_454, %dma_start3A_457, %dma_start3A_458, %dma_start3A_459] : memref<4x4x10x129xf32, #tpu.memory_space<vmem>> -> memref<1x4x8x128xf32, #tpu.memory_space<vmem>>
      %dma_start3A_461 = tpu.memref_squeeze %dma_start3A_460 : memref<1x4x8x128xf32, #tpu.memory_space<vmem>> -> memref<4x8x128xf32, #tpu.memory_space<vmem>>
      %dma_start3A_462 = arith.constant 0 : i32
      %dma_start3A_463 = arith.constant 0 : i32
      %dma_start3A_464 = tpu.memref_slice %arg4[%add3A_453, %dma_start3A_455, %mul3A_11, %dma_start3A_462, %dma_start3A_463] : memref<200x4x32x8x128xf32, #tpu.memory_space<hbm>> -> memref<1x1x4x8x128xf32, #tpu.memory_space<hbm>>
      %dma_start3A_465 = tpu.memref_squeeze %dma_start3A_464 : memref<1x1x4x8x128xf32, #tpu.memory_space<hbm>> -> memref<4x8x128xf32, #tpu.memory_space<hbm>>
      %dma_start3A_466 = tpu.memref_slice %arg11[%dma_start3A_456] : memref<2x!tpu.dma_semaphore, #tpu.memory_space<semaphore_mem>> -> memref<1x!tpu.dma_semaphore, #tpu.memory_space<semaphore_mem>>
      %dma_start3A_467 = tpu.memref_squeeze %dma_start3A_466 : memref<1x!tpu.dma_semaphore, #tpu.memory_space<semaphore_mem>> -> memref<!tpu.dma_semaphore, #tpu.memory_space<semaphore_mem>>
      %dma_start3A_468 = arith.constant 0 : i32
      %dma_start3A_469 = arith.constant 0 : i32
      %dma_start3A_470 = tpu.memref_slice %arg4[%add3A_453, %dma_start3A_455, %mul3A_11, %dma_start3A_468, %dma_start3A_469] : memref<200x4x32x8x128xf32, #tpu.memory_space<hbm>> -> memref<1x1x4x8x128xf32, #tpu.memory_space<hbm>>
      %dma_start3A_471 = tpu.memref_squeeze %dma_start3A_470 : memref<1x1x4x8x128xf32, #tpu.memory_space<hbm>> -> memref<4x8x128xf32, #tpu.memory_space<hbm>>
      %dma_start3A_472 = arith.constant 0 : i32
      %dma_start3A_473 = arith.constant 0 : i32
      %dma_start3A_474 = arith.constant 0 : i32
      %dma_start3A_475 = tpu.memref_slice %arg8[%dma_start3A_454, %dma_start3A_472, %dma_start3A_473, %dma_start3A_474] : memref<4x4x10x129xf32, #tpu.memory_space<vmem>> -> memref<1x4x8x128xf32, #tpu.memory_space<vmem>>
      %dma_start3A_476 = tpu.memref_squeeze %dma_start3A_475 : memref<1x4x8x128xf32, #tpu.memory_space<vmem>> -> memref<4x8x128xf32, #tpu.memory_space<vmem>>
      tpu.enqueue_dma source(%dma_start3A_476 : memref<4x8x128xf32, #tpu.memory_space<vmem>>) target(%dma_start3A_471 : memref<4x8x128xf32, #tpu.memory_space<hbm>>) target_semaphore(%dma_start3A_467 : memref<!tpu.dma_semaphore, #tpu.memory_space<semaphore_mem>>)
      %add3A_477 = arith.addi %mul3A_52, %add3A_373 : i32
      %dma_start3A_478 = arith.constant 2 : i32
      %dma_start3A_479 = arith.constant 2 : i32
      %dma_start3A_480 = arith.constant 0 : i32
      %dma_start3A_481 = arith.constant 0 : i32
      %dma_start3A_482 = arith.constant 0 : i32
      %dma_start3A_483 = arith.constant 0 : i32
      %dma_start3A_484 = tpu.memref_slice %arg8[%dma_start3A_478, %dma_start3A_481, %dma_start3A_482, %dma_start3A_483] : memref<4x4x10x129xf32, #tpu.memory_space<vmem>> -> memref<1x4x8x128xf32, #tpu.memory_space<vmem>>
      %dma_start3A_485 = tpu.memref_squeeze %dma_start3A_484 : memref<1x4x8x128xf32, #tpu.memory_space<vmem>> -> memref<4x8x128xf32, #tpu.memory_space<vmem>>
      %dma_start3A_486 = arith.constant 0 : i32
      %dma_start3A_487 = arith.constant 0 : i32
      %dma_start3A_488 = tpu.memref_slice %arg4[%add3A_477, %dma_start3A_479, %mul3A_11, %dma_start3A_486, %dma_start3A_487] : memref<200x4x32x8x128xf32, #tpu.memory_space<hbm>> -> memref<1x1x4x8x128xf32, #tpu.memory_space<hbm>>
      %dma_start3A_489 = tpu.memref_squeeze %dma_start3A_488 : memref<1x1x4x8x128xf32, #tpu.memory_space<hbm>> -> memref<4x8x128xf32, #tpu.memory_space<hbm>>
      %dma_start3A_490 = tpu.memref_slice %arg11[%dma_start3A_480] : memref<2x!tpu.dma_semaphore, #tpu.memory_space<semaphore_mem>> -> memref<1x!tpu.dma_semaphore, #tpu.memory_space<semaphore_mem>>
      %dma_start3A_491 = tpu.memref_squeeze %dma_start3A_490 : memref<1x!tpu.dma_semaphore, #tpu.memory_space<semaphore_mem>> -> memref<!tpu.dma_semaphore, #tpu.memory_space<semaphore_mem>>
      %dma_start3A_492 = arith.constant 0 : i32
      %dma_start3A_493 = arith.constant 0 : i32
      %dma_start3A_494 = tpu.memref_slice %arg4[%add3A_477, %dma_start3A_479, %mul3A_11, %dma_start3A_492, %dma_start3A_493] : memref<200x4x32x8x128xf32, #tpu.memory_space<hbm>> -> memref<1x1x4x8x128xf32, #tpu.memory_space<hbm>>
      %dma_start3A_495 = tpu.memref_squeeze %dma_start3A_494 : memref<1x1x4x8x128xf32, #tpu.memory_space<hbm>> -> memref<4x8x128xf32, #tpu.memory_space<hbm>>
      %dma_start3A_496 = arith.constant 0 : i32
      %dma_start3A_497 = arith.constant 0 : i32
      %dma_start3A_498 = arith.constant 0 : i32
      %dma_start3A_499 = tpu.memref_slice %arg8[%dma_start3A_478, %dma_start3A_496, %dma_start3A_497, %dma_start3A_498] : memref<4x4x10x129xf32, #tpu.memory_space<vmem>> -> memref<1x4x8x128xf32, #tpu.memory_space<vmem>>
      %dma_start3A_500 = tpu.memref_squeeze %dma_start3A_499 : memref<1x4x8x128xf32, #tpu.memory_space<vmem>> -> memref<4x8x128xf32, #tpu.memory_space<vmem>>
      tpu.enqueue_dma source(%dma_start3A_500 : memref<4x8x128xf32, #tpu.memory_space<vmem>>) target(%dma_start3A_495 : memref<4x8x128xf32, #tpu.memory_space<hbm>>) target_semaphore(%dma_start3A_491 : memref<!tpu.dma_semaphore, #tpu.memory_space<semaphore_mem>>)
      %add3A_501 = arith.addi %mul3A_52, %add3A_373 : i32
      %dma_start3A_502 = arith.constant 3 : i32
      %dma_start3A_503 = arith.constant 3 : i32
      %dma_start3A_504 = arith.constant 0 : i32
      %dma_start3A_505 = arith.constant 0 : i32
      %dma_start3A_506 = arith.constant 0 : i32
      %dma_start3A_507 = arith.constant 0 : i32
      %dma_start3A_508 = tpu.memref_slice %arg8[%dma_start3A_502, %dma_start3A_505, %dma_start3A_506, %dma_start3A_507] : memref<4x4x10x129xf32, #tpu.memory_space<vmem>> -> memref<1x4x8x128xf32, #tpu.memory_space<vmem>>
      %dma_start3A_509 = tpu.memref_squeeze %dma_start3A_508 : memref<1x4x8x128xf32, #tpu.memory_space<vmem>> -> memref<4x8x128xf32, #tpu.memory_space<vmem>>
      %dma_start3A_510 = arith.constant 0 : i32
      %dma_start3A_511 = arith.constant 0 : i32
      %dma_start3A_512 = tpu.memref_slice %arg4[%add3A_501, %dma_start3A_503, %mul3A_11, %dma_start3A_510, %dma_start3A_511] : memref<200x4x32x8x128xf32, #tpu.memory_space<hbm>> -> memref<1x1x4x8x128xf32, #tpu.memory_space<hbm>>
      %dma_start3A_513 = tpu.memref_squeeze %dma_start3A_512 : memref<1x1x4x8x128xf32, #tpu.memory_space<hbm>> -> memref<4x8x128xf32, #tpu.memory_space<hbm>>
      %dma_start3A_514 = tpu.memref_slice %arg11[%dma_start3A_504] : memref<2x!tpu.dma_semaphore, #tpu.memory_space<semaphore_mem>> -> memref<1x!tpu.dma_semaphore, #tpu.memory_space<semaphore_mem>>
      %dma_start3A_515 = tpu.memref_squeeze %dma_start3A_514 : memref<1x!tpu.dma_semaphore, #tpu.memory_space<semaphore_mem>> -> memref<!tpu.dma_semaphore, #tpu.memory_space<semaphore_mem>>
      %dma_start3A_516 = arith.constant 0 : i32
      %dma_start3A_517 = arith.constant 0 : i32
      %dma_start3A_518 = tpu.memref_slice %arg4[%add3A_501, %dma_start3A_503, %mul3A_11, %dma_start3A_516, %dma_start3A_517] : memref<200x4x32x8x128xf32, #tpu.memory_space<hbm>> -> memref<1x1x4x8x128xf32, #tpu.memory_space<hbm>>
      %dma_start3A_519 = tpu.memref_squeeze %dma_start3A_518 : memref<1x1x4x8x128xf32, #tpu.memory_space<hbm>> -> memref<4x8x128xf32, #tpu.memory_space<hbm>>
      %dma_start3A_520 = arith.constant 0 : i32
      %dma_start3A_521 = arith.constant 0 : i32
      %dma_start3A_522 = arith.constant 0 : i32
      %dma_start3A_523 = tpu.memref_slice %arg8[%dma_start3A_502, %dma_start3A_520, %dma_start3A_521, %dma_start3A_522] : memref<4x4x10x129xf32, #tpu.memory_space<vmem>> -> memref<1x4x8x128xf32, #tpu.memory_space<vmem>>
      %dma_start3A_524 = tpu.memref_squeeze %dma_start3A_523 : memref<1x4x8x128xf32, #tpu.memory_space<vmem>> -> memref<4x8x128xf32, #tpu.memory_space<vmem>>
      tpu.enqueue_dma source(%dma_start3A_524 : memref<4x8x128xf32, #tpu.memory_space<vmem>>) target(%dma_start3A_519 : memref<4x8x128xf32, #tpu.memory_space<hbm>>) target_semaphore(%dma_start3A_515 : memref<!tpu.dma_semaphore, #tpu.memory_space<semaphore_mem>>)
      %mul3A_525 = arith.constant 2 : i32
      %mul3A_526 = arith.muli %scan3A_369, %mul3A_525 : i32
      %add3A_527 = arith.constant 1 : i32
      %add3A_528 = arith.addi %mul3A_526, %add3A_527 : i32
      %add3A_529 = arith.constant 1 : i32
      %add3A_530 = arith.addi %add3A_528, %add3A_529 : i32
      %lt3A_531 = arith.constant 50 : i32
      %lt3A_532 = arith.cmpi slt, %add3A_530, %lt3A_531 : i32
      %convert_element_type3A_533 = arith.extui %lt3A_532 : i1 to i32
      %cond3A_534 = arith.constant 0 : i32
      %cond3A_535 = arith.cmpi ne, %convert_element_type3A_533, %cond3A_534 : i32
      scf.if %cond3A_535 {
        %add3A_683 = arith.constant 1 : i32
        %add3A_684 = arith.addi %add3A_528, %add3A_683 : i32
        %dma_start3A_685 = arith.constant 0 : i32
        %dma_start3A_686 = arith.constant 0 : i32
        %dma_start3A_687 = tpu.memref_slice %arg5[%add3A_684, %dma_start3A_686] : memref<50x512xi32, #tpu.memory_space<vmem>> -> memref<1x512xi32, #tpu.memory_space<vmem>>
        %dma_start3A_688 = tpu.memref_squeeze %dma_start3A_687 : memref<1x512xi32, #tpu.memory_space<vmem>> -> memref<512xi32, #tpu.memory_space<vmem>>
        %dma_start3A_689 = arith.constant 0 : i32
        %dma_start3A_690 = arith.constant 0 : i32
        %dma_start3A_691 = tpu.memref_slice %arg3[%dma_start3A_689, %dma_start3A_690] : memref<1000000x32xf32, #tpu.memory_space<hbm>> -> memref<1000000x32xf32, #tpu.memory_space<hbm>>
        %dma_start3A_692 = tpu.memref_slice %arg10[%dma_start3A_685] : memref<2x!tpu.dma_semaphore, #tpu.memory_space<semaphore_mem>> -> memref<1x!tpu.dma_semaphore, #tpu.memory_space<semaphore_mem>>
        %dma_start3A_693 = tpu.memref_squeeze %dma_start3A_692 : memref<1x!tpu.dma_semaphore, #tpu.memory_space<semaphore_mem>> -> memref<!tpu.dma_semaphore, #tpu.memory_space<semaphore_mem>>
        tpu.enqueue_indirect_dma source(%dma_start3A_691 : memref<1000000x32xf32, #tpu.memory_space<hbm>>) target(%arg6 : memref<512x32xf32, #tpu.memory_space<vmem>>) offsets(%dma_start3A_688 : memref<512xi32, #tpu.memory_space<vmem>>) semaphore(%dma_start3A_693 : memref<!tpu.dma_semaphore, #tpu.memory_space<semaphore_mem>>)
      } else {
      }
      %dma_wait3A_536 = arith.constant 0 : i32
      %dma_wait3A_537 = arith.constant 1 : i32
      %dma_wait3A_538 = arith.constant 0 : i32
      %dma_wait3A_539 = tpu.memref_slice %arg5[%dma_wait3A_536, %dma_wait3A_538] : memref<50x512xi32, #tpu.memory_space<vmem>> -> memref<1x512xi32, #tpu.memory_space<vmem>>
      %dma_wait3A_540 = tpu.memref_squeeze %dma_wait3A_539 : memref<1x512xi32, #tpu.memory_space<vmem>> -> memref<512xi32, #tpu.memory_space<vmem>>
      %dma_wait3A_541 = arith.constant 0 : i32
      %dma_wait3A_542 = arith.constant 0 : i32
      %dma_wait3A_543 = tpu.memref_slice %arg3[%dma_wait3A_541, %dma_wait3A_542] : memref<1000000x32xf32, #tpu.memory_space<hbm>> -> memref<1000000x32xf32, #tpu.memory_space<hbm>>
      %dma_wait3A_544 = tpu.memref_slice %arg10[%dma_wait3A_537] : memref<2x!tpu.dma_semaphore, #tpu.memory_space<semaphore_mem>> -> memref<1x!tpu.dma_semaphore, #tpu.memory_space<semaphore_mem>>
      %dma_wait3A_545 = tpu.memref_squeeze %dma_wait3A_544 : memref<1x!tpu.dma_semaphore, #tpu.memory_space<semaphore_mem>> -> memref<!tpu.dma_semaphore, #tpu.memory_space<semaphore_mem>>
      tpu.wait_indirect_dma semaphore(%dma_wait3A_545 : memref<!tpu.dma_semaphore, #tpu.memory_space<semaphore_mem>>) src(%dma_wait3A_543 : memref<1000000x32xf32, #tpu.memory_space<hbm>>) dst(%arg7 : memref<512x32xf32, #tpu.memory_space<vmem>>)
      %ge3A_546 = arith.constant 2 : i32
      %ge3A_547 = arith.cmpi sge, %add3A_528, %ge3A_546 : i32
      %convert_element_type3A_548 = arith.extui %ge3A_547 : i1 to i32
      %cond3A_549 = arith.constant 0 : i32
      %cond3A_550 = arith.cmpi ne, %convert_element_type3A_548, %cond3A_549 : i32
      scf.if %cond3A_550 {
        %dma_wait3A_683 = arith.constant 0 : i32
        %dma_wait3A_684 = arith.constant 0 : i32
        %dma_wait3A_685 = arith.constant 1 : i32
        %dma_wait3A_686 = arith.constant 0 : i32
        %dma_wait3A_687 = arith.constant 0 : i32
        %dma_wait3A_688 = arith.constant 0 : i32
        %dma_wait3A_689 = tpu.memref_slice %arg9[%dma_wait3A_683, %dma_wait3A_686, %dma_wait3A_687, %dma_wait3A_688] : memref<4x4x10x129xf32, #tpu.memory_space<vmem>> -> memref<1x4x8x128xf32, #tpu.memory_space<vmem>>
        %dma_wait3A_690 = tpu.memref_squeeze %dma_wait3A_689 : memref<1x4x8x128xf32, #tpu.memory_space<vmem>> -> memref<4x8x128xf32, #tpu.memory_space<vmem>>
        %dma_wait3A_691 = arith.constant 0 : i32
        %dma_wait3A_692 = arith.constant 0 : i32
        %dma_wait3A_693 = tpu.memref_slice %arg4[%mul3A_52, %dma_wait3A_684, %mul3A_11, %dma_wait3A_691, %dma_wait3A_692] : memref<200x4x32x8x128xf32, #tpu.memory_space<hbm>> -> memref<1x1x4x8x128xf32, #tpu.memory_space<hbm>>
        %dma_wait3A_694 = tpu.memref_squeeze %dma_wait3A_693 : memref<1x1x4x8x128xf32, #tpu.memory_space<hbm>> -> memref<4x8x128xf32, #tpu.memory_space<hbm>>
        %dma_wait3A_695 = tpu.memref_slice %arg11[%dma_wait3A_685] : memref<2x!tpu.dma_semaphore, #tpu.memory_space<semaphore_mem>> -> memref<1x!tpu.dma_semaphore, #tpu.memory_space<semaphore_mem>>
        %dma_wait3A_696 = tpu.memref_squeeze %dma_wait3A_695 : memref<1x!tpu.dma_semaphore, #tpu.memory_space<semaphore_mem>> -> memref<!tpu.dma_semaphore, #tpu.memory_space<semaphore_mem>>
        %dma_wait3A_697 = arith.constant 0 : i32
        %dma_wait3A_698 = arith.constant 0 : i32
        %dma_wait3A_699 = tpu.memref_slice %arg4[%mul3A_52, %dma_wait3A_684, %mul3A_11, %dma_wait3A_697, %dma_wait3A_698] : memref<200x4x32x8x128xf32, #tpu.memory_space<hbm>> -> memref<1x1x4x8x128xf32, #tpu.memory_space<hbm>>
        %dma_wait3A_700 = tpu.memref_squeeze %dma_wait3A_699 : memref<1x1x4x8x128xf32, #tpu.memory_space<hbm>> -> memref<4x8x128xf32, #tpu.memory_space<hbm>>
        %dma_wait3A_701 = arith.constant 0 : i32
        %dma_wait3A_702 = arith.constant 0 : i32
        %dma_wait3A_703 = arith.constant 0 : i32
        %dma_wait3A_704 = tpu.memref_slice %arg9[%dma_wait3A_683, %dma_wait3A_701, %dma_wait3A_702, %dma_wait3A_703] : memref<4x4x10x129xf32, #tpu.memory_space<vmem>> -> memref<1x4x8x128xf32, #tpu.memory_space<vmem>>
        %dma_wait3A_705 = tpu.memref_squeeze %dma_wait3A_704 : memref<1x4x8x128xf32, #tpu.memory_space<vmem>> -> memref<4x8x128xf32, #tpu.memory_space<vmem>>
        tpu.wait_dma2 semaphore(%dma_wait3A_696 : memref<!tpu.dma_semaphore, #tpu.memory_space<semaphore_mem>>) src(%dma_wait3A_705 : memref<4x8x128xf32, #tpu.memory_space<vmem>>) dst(%dma_wait3A_700 : memref<4x8x128xf32, #tpu.memory_space<hbm>>)
        %dma_wait3A_706 = arith.constant 1 : i32
        %dma_wait3A_707 = arith.constant 1 : i32
        %dma_wait3A_708 = arith.constant 1 : i32
        %dma_wait3A_709 = arith.constant 0 : i32
        %dma_wait3A_710 = arith.constant 0 : i32
        %dma_wait3A_711 = arith.constant 0 : i32
        %dma_wait3A_712 = tpu.memref_slice %arg9[%dma_wait3A_706, %dma_wait3A_709, %dma_wait3A_710, %dma_wait3A_711] : memref<4x4x10x129xf32, #tpu.memory_space<vmem>> -> memref<1x4x8x128xf32, #tpu.memory_space<vmem>>
        %dma_wait3A_713 = tpu.memref_squeeze %dma_wait3A_712 : memref<1x4x8x128xf32, #tpu.memory_space<vmem>> -> memref<4x8x128xf32, #tpu.memory_space<vmem>>
        %dma_wait3A_714 = arith.constant 0 : i32
        %dma_wait3A_715 = arith.constant 0 : i32
        %dma_wait3A_716 = tpu.memref_slice %arg4[%mul3A_52, %dma_wait3A_707, %mul3A_11, %dma_wait3A_714, %dma_wait3A_715] : memref<200x4x32x8x128xf32, #tpu.memory_space<hbm>> -> memref<1x1x4x8x128xf32, #tpu.memory_space<hbm>>
        %dma_wait3A_717 = tpu.memref_squeeze %dma_wait3A_716 : memref<1x1x4x8x128xf32, #tpu.memory_space<hbm>> -> memref<4x8x128xf32, #tpu.memory_space<hbm>>
        %dma_wait3A_718 = tpu.memref_slice %arg11[%dma_wait3A_708] : memref<2x!tpu.dma_semaphore, #tpu.memory_space<semaphore_mem>> -> memref<1x!tpu.dma_semaphore, #tpu.memory_space<semaphore_mem>>
        %dma_wait3A_719 = tpu.memref_squeeze %dma_wait3A_718 : memref<1x!tpu.dma_semaphore, #tpu.memory_space<semaphore_mem>> -> memref<!tpu.dma_semaphore, #tpu.memory_space<semaphore_mem>>
        %dma_wait3A_720 = arith.constant 0 : i32
        %dma_wait3A_721 = arith.constant 0 : i32
        %dma_wait3A_722 = tpu.memref_slice %arg4[%mul3A_52, %dma_wait3A_707, %mul3A_11, %dma_wait3A_720, %dma_wait3A_721] : memref<200x4x32x8x128xf32, #tpu.memory_space<hbm>> -> memref<1x1x4x8x128xf32, #tpu.memory_space<hbm>>
        %dma_wait3A_723 = tpu.memref_squeeze %dma_wait3A_722 : memref<1x1x4x8x128xf32, #tpu.memory_space<hbm>> -> memref<4x8x128xf32, #tpu.memory_space<hbm>>
        %dma_wait3A_724 = arith.constant 0 : i32
        %dma_wait3A_725 = arith.constant 0 : i32
        %dma_wait3A_726 = arith.constant 0 : i32
        %dma_wait3A_727 = tpu.memref_slice %arg9[%dma_wait3A_706, %dma_wait3A_724, %dma_wait3A_725, %dma_wait3A_726] : memref<4x4x10x129xf32, #tpu.memory_space<vmem>> -> memref<1x4x8x128xf32, #tpu.memory_space<vmem>>
        %dma_wait3A_728 = tpu.memref_squeeze %dma_wait3A_727 : memref<1x4x8x128xf32, #tpu.memory_space<vmem>> -> memref<4x8x128xf32, #tpu.memory_space<vmem>>
        tpu.wait_dma2 semaphore(%dma_wait3A_719 : memref<!tpu.dma_semaphore, #tpu.memory_space<semaphore_mem>>) src(%dma_wait3A_728 : memref<4x8x128xf32, #tpu.memory_space<vmem>>) dst(%dma_wait3A_723 : memref<4x8x128xf32, #tpu.memory_space<hbm>>)
        %dma_wait3A_729 = arith.constant 2 : i32
        %dma_wait3A_730 = arith.constant 2 : i32
        %dma_wait3A_731 = arith.constant 1 : i32
        %dma_wait3A_732 = arith.constant 0 : i32
        %dma_wait3A_733 = arith.constant 0 : i32
        %dma_wait3A_734 = arith.constant 0 : i32
        %dma_wait3A_735 = tpu.memref_slice %arg9[%dma_wait3A_729, %dma_wait3A_732, %dma_wait3A_733, %dma_wait3A_734] : memref<4x4x10x129xf32, #tpu.memory_space<vmem>> -> memref<1x4x8x128xf32, #tpu.memory_space<vmem>>
        %dma_wait3A_736 = tpu.memref_squeeze %dma_wait3A_735 : memref<1x4x8x128xf32, #tpu.memory_space<vmem>> -> memref<4x8x128xf32, #tpu.memory_space<vmem>>
        %dma_wait3A_737 = arith.constant 0 : i32
        %dma_wait3A_738 = arith.constant 0 : i32
        %dma_wait3A_739 = tpu.memref_slice %arg4[%mul3A_52, %dma_wait3A_730, %mul3A_11, %dma_wait3A_737, %dma_wait3A_738] : memref<200x4x32x8x128xf32, #tpu.memory_space<hbm>> -> memref<1x1x4x8x128xf32, #tpu.memory_space<hbm>>
        %dma_wait3A_740 = tpu.memref_squeeze %dma_wait3A_739 : memref<1x1x4x8x128xf32, #tpu.memory_space<hbm>> -> memref<4x8x128xf32, #tpu.memory_space<hbm>>
        %dma_wait3A_741 = tpu.memref_slice %arg11[%dma_wait3A_731] : memref<2x!tpu.dma_semaphore, #tpu.memory_space<semaphore_mem>> -> memref<1x!tpu.dma_semaphore, #tpu.memory_space<semaphore_mem>>
        %dma_wait3A_742 = tpu.memref_squeeze %dma_wait3A_741 : memref<1x!tpu.dma_semaphore, #tpu.memory_space<semaphore_mem>> -> memref<!tpu.dma_semaphore, #tpu.memory_space<semaphore_mem>>
        %dma_wait3A_743 = arith.constant 0 : i32
        %dma_wait3A_744 = arith.constant 0 : i32
        %dma_wait3A_745 = tpu.memref_slice %arg4[%mul3A_52, %dma_wait3A_730, %mul3A_11, %dma_wait3A_743, %dma_wait3A_744] : memref<200x4x32x8x128xf32, #tpu.memory_space<hbm>> -> memref<1x1x4x8x128xf32, #tpu.memory_space<hbm>>
        %dma_wait3A_746 = tpu.memref_squeeze %dma_wait3A_745 : memref<1x1x4x8x128xf32, #tpu.memory_space<hbm>> -> memref<4x8x128xf32, #tpu.memory_space<hbm>>
        %dma_wait3A_747 = arith.constant 0 : i32
        %dma_wait3A_748 = arith.constant 0 : i32
        %dma_wait3A_749 = arith.constant 0 : i32
        %dma_wait3A_750 = tpu.memref_slice %arg9[%dma_wait3A_729, %dma_wait3A_747, %dma_wait3A_748, %dma_wait3A_749] : memref<4x4x10x129xf32, #tpu.memory_space<vmem>> -> memref<1x4x8x128xf32, #tpu.memory_space<vmem>>
        %dma_wait3A_751 = tpu.memref_squeeze %dma_wait3A_750 : memref<1x4x8x128xf32, #tpu.memory_space<vmem>> -> memref<4x8x128xf32, #tpu.memory_space<vmem>>
        tpu.wait_dma2 semaphore(%dma_wait3A_742 : memref<!tpu.dma_semaphore, #tpu.memory_space<semaphore_mem>>) src(%dma_wait3A_751 : memref<4x8x128xf32, #tpu.memory_space<vmem>>) dst(%dma_wait3A_746 : memref<4x8x128xf32, #tpu.memory_space<hbm>>)
        %dma_wait3A_752 = arith.constant 3 : i32
        %dma_wait3A_753 = arith.constant 3 : i32
        %dma_wait3A_754 = arith.constant 1 : i32
        %dma_wait3A_755 = arith.constant 0 : i32
        %dma_wait3A_756 = arith.constant 0 : i32
        %dma_wait3A_757 = arith.constant 0 : i32
        %dma_wait3A_758 = tpu.memref_slice %arg9[%dma_wait3A_752, %dma_wait3A_755, %dma_wait3A_756, %dma_wait3A_757] : memref<4x4x10x129xf32, #tpu.memory_space<vmem>> -> memref<1x4x8x128xf32, #tpu.memory_space<vmem>>
        %dma_wait3A_759 = tpu.memref_squeeze %dma_wait3A_758 : memref<1x4x8x128xf32, #tpu.memory_space<vmem>> -> memref<4x8x128xf32, #tpu.memory_space<vmem>>
        %dma_wait3A_760 = arith.constant 0 : i32
        %dma_wait3A_761 = arith.constant 0 : i32
        %dma_wait3A_762 = tpu.memref_slice %arg4[%mul3A_52, %dma_wait3A_753, %mul3A_11, %dma_wait3A_760, %dma_wait3A_761] : memref<200x4x32x8x128xf32, #tpu.memory_space<hbm>> -> memref<1x1x4x8x128xf32, #tpu.memory_space<hbm>>
        %dma_wait3A_763 = tpu.memref_squeeze %dma_wait3A_762 : memref<1x1x4x8x128xf32, #tpu.memory_space<hbm>> -> memref<4x8x128xf32, #tpu.memory_space<hbm>>
        %dma_wait3A_764 = tpu.memref_slice %arg11[%dma_wait3A_754] : memref<2x!tpu.dma_semaphore, #tpu.memory_space<semaphore_mem>> -> memref<1x!tpu.dma_semaphore, #tpu.memory_space<semaphore_mem>>
        %dma_wait3A_765 = tpu.memref_squeeze %dma_wait3A_764 : memref<1x!tpu.dma_semaphore, #tpu.memory_space<semaphore_mem>> -> memref<!tpu.dma_semaphore, #tpu.memory_space<semaphore_mem>>
        %dma_wait3A_766 = arith.constant 0 : i32
        %dma_wait3A_767 = arith.constant 0 : i32
        %dma_wait3A_768 = tpu.memref_slice %arg4[%mul3A_52, %dma_wait3A_753, %mul3A_11, %dma_wait3A_766, %dma_wait3A_767] : memref<200x4x32x8x128xf32, #tpu.memory_space<hbm>> -> memref<1x1x4x8x128xf32, #tpu.memory_space<hbm>>
        %dma_wait3A_769 = tpu.memref_squeeze %dma_wait3A_768 : memref<1x1x4x8x128xf32, #tpu.memory_space<hbm>> -> memref<4x8x128xf32, #tpu.memory_space<hbm>>
        %dma_wait3A_770 = arith.constant 0 : i32
        %dma_wait3A_771 = arith.constant 0 : i32
        %dma_wait3A_772 = arith.constant 0 : i32
        %dma_wait3A_773 = tpu.memref_slice %arg9[%dma_wait3A_752, %dma_wait3A_770, %dma_wait3A_771, %dma_wait3A_772] : memref<4x4x10x129xf32, #tpu.memory_space<vmem>> -> memref<1x4x8x128xf32, #tpu.memory_space<vmem>>
        %dma_wait3A_774 = tpu.memref_squeeze %dma_wait3A_773 : memref<1x4x8x128xf32, #tpu.memory_space<vmem>> -> memref<4x8x128xf32, #tpu.memory_space<vmem>>
        tpu.wait_dma2 semaphore(%dma_wait3A_765 : memref<!tpu.dma_semaphore, #tpu.memory_space<semaphore_mem>>) src(%dma_wait3A_774 : memref<4x8x128xf32, #tpu.memory_space<vmem>>) dst(%dma_wait3A_769 : memref<4x8x128xf32, #tpu.memory_space<hbm>>)
      } else {
      }
      %add3A_551 = arith.constant 0 : i32
      %add3A_552 = vector.broadcast %add3A_551 : i32 to vector<16xi32>
      %add3A_553 = arith.addi %broadcast_in_dim3A_171, %add3A_552 : vector<16xi32>
      %scan3A_554 = arith.constant 0 : i32
      %scan3A_555 = arith.constant 0 : i32
      %scan3A_556 = arith.constant 16 : i32
      %scan3A_557 = arith.addi %scan3A_555, %scan3A_556 : i32
      %scan3A_558 = arith.constant 1 : i32
      scf.for %scan3A_683 = %scan3A_555 to %scan3A_557 step %scan3A_558  : i32 {
        %mul3A_684 = arith.constant 8 : i32
        %mul3A_685 = arith.muli %scan3A_683, %mul3A_684 : i32
        %add3A_686 = arith.constant 0 : i32
        %add3A_687 = arith.addi %add3A_686, %mul3A_685 : i32
        %add3A_688 = arith.constant 0 : i32
        %add3A_689 = arith.addi %add3A_687, %add3A_688 : i32
        %add3A_690 = arith.constant 0 : i32
        %add3A_691 = arith.addi %mul3A_685, %add3A_690 : i32
        %add3A_692 = vector.broadcast %add3A_691 : i32 to vector<16xi32>
        %add3A_693 = arith.addi %broadcast_in_dim3A_171, %add3A_692 : vector<16xi32>
        %get3A = arith.index_cast %add3A_689 : i32 to index
        %get3A_694 = arith.constant 0 : index
        %get3A_695 = tpu.vector_load %arg7[%get3A, %get3A_694] {strides = array<i32>} : memref<512x32xf32, #tpu.memory_space<vmem>>, vector<16xf32>,
        tpu.vector_store_idx %arg9[%select_n3A_86, %add3A_553, %select_n3A_145, %add3A_693], %get3A_695 : memref<4x4x10x129xf32, #tpu.memory_space<vmem>>[vector<16xi32>, vector<16xi32>, vector<16xi32>, vector<16xi32>], vector<16xf32>,
        %get3A_696 = arith.index_cast %add3A_689 : i32 to index
        %get3A_697 = arith.constant 16 : index
        %get3A_698 = tpu.vector_load %arg7[%get3A_696, %get3A_697] {strides = array<i32>} : memref<512x32xf32, #tpu.memory_space<vmem>>, vector<16xf32>,
        tpu.vector_store_idx %arg9[%select_n3A_120, %add3A_553, %select_n3A_170, %add3A_693], %get3A_698 : memref<4x4x10x129xf32, #tpu.memory_space<vmem>>[vector<16xi32>, vector<16xi32>, vector<16xi32>, vector<16xi32>], vector<16xf32>,
        %add3A_699 = arith.constant 0 : i32
        %add3A_700 = arith.addi %add3A_699, %mul3A_685 : i32
        %add3A_701 = arith.constant 1 : i32
        %add3A_702 = arith.addi %add3A_700, %add3A_701 : i32
        %add3A_703 = arith.constant 1 : i32
        %add3A_704 = arith.addi %mul3A_685, %add3A_703 : i32
        %add3A_705 = vector.broadcast %add3A_704 : i32 to vector<16xi32>
        %add3A_706 = arith.addi %broadcast_in_dim3A_171, %add3A_705 : vector<16xi32>
        %get3A_707 = arith.index_cast %add3A_702 : i32 to index
        %get3A_708 = arith.constant 0 : index
        %get3A_709 = tpu.vector_load %arg7[%get3A_707, %get3A_708] {strides = array<i32>} : memref<512x32xf32, #tpu.memory_space<vmem>>, vector<16xf32>,
        tpu.vector_store_idx %arg9[%select_n3A_86, %add3A_553, %select_n3A_145, %add3A_706], %get3A_709 : memref<4x4x10x129xf32, #tpu.memory_space<vmem>>[vector<16xi32>, vector<16xi32>, vector<16xi32>, vector<16xi32>], vector<16xf32>,
        %get3A_710 = arith.index_cast %add3A_702 : i32 to index
        %get3A_711 = arith.constant 16 : index
        %get3A_712 = tpu.vector_load %arg7[%get3A_710, %get3A_711] {strides = array<i32>} : memref<512x32xf32, #tpu.memory_space<vmem>>, vector<16xf32>,
        tpu.vector_store_idx %arg9[%select_n3A_120, %add3A_553, %select_n3A_170, %add3A_706], %get3A_712 : memref<4x4x10x129xf32, #tpu.memory_space<vmem>>[vector<16xi32>, vector<16xi32>, vector<16xi32>, vector<16xi32>], vector<16xf32>,
        %add3A_713 = arith.constant 0 : i32
        %add3A_714 = arith.addi %add3A_713, %mul3A_685 : i32
        %add3A_715 = arith.constant 2 : i32
        %add3A_716 = arith.addi %add3A_714, %add3A_715 : i32
        %add3A_717 = arith.constant 2 : i32
        %add3A_718 = arith.addi %mul3A_685, %add3A_717 : i32
        %add3A_719 = vector.broadcast %add3A_718 : i32 to vector<16xi32>
        %add3A_720 = arith.addi %broadcast_in_dim3A_171, %add3A_719 : vector<16xi32>
        %get3A_721 = arith.index_cast %add3A_716 : i32 to index
        %get3A_722 = arith.constant 0 : index
        %get3A_723 = tpu.vector_load %arg7[%get3A_721, %get3A_722] {strides = array<i32>} : memref<512x32xf32, #tpu.memory_space<vmem>>, vector<16xf32>,
        tpu.vector_store_idx %arg9[%select_n3A_86, %add3A_553, %select_n3A_145, %add3A_720], %get3A_723 : memref<4x4x10x129xf32, #tpu.memory_space<vmem>>[vector<16xi32>, vector<16xi32>, vector<16xi32>, vector<16xi32>], vector<16xf32>,
        %get3A_724 = arith.index_cast %add3A_716 : i32 to index
        %get3A_725 = arith.constant 16 : index
        %get3A_726 = tpu.vector_load %arg7[%get3A_724, %get3A_725] {strides = array<i32>} : memref<512x32xf32, #tpu.memory_space<vmem>>, vector<16xf32>,
        tpu.vector_store_idx %arg9[%select_n3A_120, %add3A_553, %select_n3A_170, %add3A_720], %get3A_726 : memref<4x4x10x129xf32, #tpu.memory_space<vmem>>[vector<16xi32>, vector<16xi32>, vector<16xi32>, vector<16xi32>], vector<16xf32>,
        %add3A_727 = arith.constant 0 : i32
        %add3A_728 = arith.addi %add3A_727, %mul3A_685 : i32
        %add3A_729 = arith.constant 3 : i32
        %add3A_730 = arith.addi %add3A_728, %add3A_729 : i32
        %add3A_731 = arith.constant 3 : i32
        %add3A_732 = arith.addi %mul3A_685, %add3A_731 : i32
        %add3A_733 = vector.broadcast %add3A_732 : i32 to vector<16xi32>
        %add3A_734 = arith.addi %broadcast_in_dim3A_171, %add3A_733 : vector<16xi32>
        %get3A_735 = arith.index_cast %add3A_730 : i32 to index
        %get3A_736 = arith.constant 0 : index
        %get3A_737 = tpu.vector_load %arg7[%get3A_735, %get3A_736] {strides = array<i32>} : memref<512x32xf32, #tpu.memory_space<vmem>>, vector<16xf32>,
        tpu.vector_store_idx %arg9[%select_n3A_86, %add3A_553, %select_n3A_145, %add3A_734], %get3A_737 : memref<4x4x10x129xf32, #tpu.memory_space<vmem>>[vector<16xi32>, vector<16xi32>, vector<16xi32>, vector<16xi32>], vector<16xf32>,
        %get3A_738 = arith.index_cast %add3A_730 : i32 to index
        %get3A_739 = arith.constant 16 : index
        %get3A_740 = tpu.vector_load %arg7[%get3A_738, %get3A_739] {strides = array<i32>} : memref<512x32xf32, #tpu.memory_space<vmem>>, vector<16xf32>,
        tpu.vector_store_idx %arg9[%select_n3A_120, %add3A_553, %select_n3A_170, %add3A_734], %get3A_740 : memref<4x4x10x129xf32, #tpu.memory_space<vmem>>[vector<16xi32>, vector<16xi32>, vector<16xi32>, vector<16xi32>], vector<16xf32>,
        %add3A_741 = arith.constant 0 : i32
        %add3A_742 = arith.addi %add3A_741, %mul3A_685 : i32
        %add3A_743 = arith.constant 4 : i32
        %add3A_744 = arith.addi %add3A_742, %add3A_743 : i32
        %add3A_745 = arith.constant 4 : i32
        %add3A_746 = arith.addi %mul3A_685, %add3A_745 : i32
        %add3A_747 = vector.broadcast %add3A_746 : i32 to vector<16xi32>
        %add3A_748 = arith.addi %broadcast_in_dim3A_171, %add3A_747 : vector<16xi32>
        %get3A_749 = arith.index_cast %add3A_744 : i32 to index
        %get3A_750 = arith.constant 0 : index
        %get3A_751 = tpu.vector_load %arg7[%get3A_749, %get3A_750] {strides = array<i32>} : memref<512x32xf32, #tpu.memory_space<vmem>>, vector<16xf32>,
        tpu.vector_store_idx %arg9[%select_n3A_86, %add3A_553, %select_n3A_145, %add3A_748], %get3A_751 : memref<4x4x10x129xf32, #tpu.memory_space<vmem>>[vector<16xi32>, vector<16xi32>, vector<16xi32>, vector<16xi32>], vector<16xf32>,
        %get3A_752 = arith.index_cast %add3A_744 : i32 to index
        %get3A_753 = arith.constant 16 : index
        %get3A_754 = tpu.vector_load %arg7[%get3A_752, %get3A_753] {strides = array<i32>} : memref<512x32xf32, #tpu.memory_space<vmem>>, vector<16xf32>,
        tpu.vector_store_idx %arg9[%select_n3A_120, %add3A_553, %select_n3A_170, %add3A_748], %get3A_754 : memref<4x4x10x129xf32, #tpu.memory_space<vmem>>[vector<16xi32>, vector<16xi32>, vector<16xi32>, vector<16xi32>], vector<16xf32>,
        %add3A_755 = arith.constant 0 : i32
        %add3A_756 = arith.addi %add3A_755, %mul3A_685 : i32
        %add3A_757 = arith.constant 5 : i32
        %add3A_758 = arith.addi %add3A_756, %add3A_757 : i32
        %add3A_759 = arith.constant 5 : i32
        %add3A_760 = arith.addi %mul3A_685, %add3A_759 : i32
        %add3A_761 = vector.broadcast %add3A_760 : i32 to vector<16xi32>
        %add3A_762 = arith.addi %broadcast_in_dim3A_171, %add3A_761 : vector<16xi32>
        %get3A_763 = arith.index_cast %add3A_758 : i32 to index
        %get3A_764 = arith.constant 0 : index
        %get3A_765 = tpu.vector_load %arg7[%get3A_763, %get3A_764] {strides = array<i32>} : memref<512x32xf32, #tpu.memory_space<vmem>>, vector<16xf32>,
        tpu.vector_store_idx %arg9[%select_n3A_86, %add3A_553, %select_n3A_145, %add3A_762], %get3A_765 : memref<4x4x10x129xf32, #tpu.memory_space<vmem>>[vector<16xi32>, vector<16xi32>, vector<16xi32>, vector<16xi32>], vector<16xf32>,
        %get3A_766 = arith.index_cast %add3A_758 : i32 to index
        %get3A_767 = arith.constant 16 : index
        %get3A_768 = tpu.vector_load %arg7[%get3A_766, %get3A_767] {strides = array<i32>} : memref<512x32xf32, #tpu.memory_space<vmem>>, vector<16xf32>,
        tpu.vector_store_idx %arg9[%select_n3A_120, %add3A_553, %select_n3A_170, %add3A_762], %get3A_768 : memref<4x4x10x129xf32, #tpu.memory_space<vmem>>[vector<16xi32>, vector<16xi32>, vector<16xi32>, vector<16xi32>], vector<16xf32>,
        %add3A_769 = arith.constant 0 : i32
        %add3A_770 = arith.addi %add3A_769, %mul3A_685 : i32
        %add3A_771 = arith.constant 6 : i32
        %add3A_772 = arith.addi %add3A_770, %add3A_771 : i32
        %add3A_773 = arith.constant 6 : i32
        %add3A_774 = arith.addi %mul3A_685, %add3A_773 : i32
        %add3A_775 = vector.broadcast %add3A_774 : i32 to vector<16xi32>
        %add3A_776 = arith.addi %broadcast_in_dim3A_171, %add3A_775 : vector<16xi32>
        %get3A_777 = arith.index_cast %add3A_772 : i32 to index
        %get3A_778 = arith.constant 0 : index
        %get3A_779 = tpu.vector_load %arg7[%get3A_777, %get3A_778] {strides = array<i32>} : memref<512x32xf32, #tpu.memory_space<vmem>>, vector<16xf32>,
        tpu.vector_store_idx %arg9[%select_n3A_86, %add3A_553, %select_n3A_145, %add3A_776], %get3A_779 : memref<4x4x10x129xf32, #tpu.memory_space<vmem>>[vector<16xi32>, vector<16xi32>, vector<16xi32>, vector<16xi32>], vector<16xf32>,
        %get3A_780 = arith.index_cast %add3A_772 : i32 to index
        %get3A_781 = arith.constant 16 : index
        %get3A_782 = tpu.vector_load %arg7[%get3A_780, %get3A_781] {strides = array<i32>} : memref<512x32xf32, #tpu.memory_space<vmem>>, vector<16xf32>,
        tpu.vector_store_idx %arg9[%select_n3A_120, %add3A_553, %select_n3A_170, %add3A_776], %get3A_782 : memref<4x4x10x129xf32, #tpu.memory_space<vmem>>[vector<16xi32>, vector<16xi32>, vector<16xi32>, vector<16xi32>], vector<16xf32>,
        %add3A_783 = arith.constant 0 : i32
        %add3A_784 = arith.addi %add3A_783, %mul3A_685 : i32
        %add3A_785 = arith.constant 7 : i32
        %add3A_786 = arith.addi %add3A_784, %add3A_785 : i32
        %add3A_787 = arith.constant 7 : i32
        %add3A_788 = arith.addi %mul3A_685, %add3A_787 : i32
        %add3A_789 = vector.broadcast %add3A_788 : i32 to vector<16xi32>
        %add3A_790 = arith.addi %broadcast_in_dim3A_171, %add3A_789 : vector<16xi32>
        %get3A_791 = arith.index_cast %add3A_786 : i32 to index
        %get3A_792 = arith.constant 0 : index
        %get3A_793 = tpu.vector_load %arg7[%get3A_791, %get3A_792] {strides = array<i32>} : memref<512x32xf32, #tpu.memory_space<vmem>>, vector<16xf32>,
        tpu.vector_store_idx %arg9[%select_n3A_86, %add3A_553, %select_n3A_145, %add3A_790], %get3A_793 : memref<4x4x10x129xf32, #tpu.memory_space<vmem>>[vector<16xi32>, vector<16xi32>, vector<16xi32>, vector<16xi32>], vector<16xf32>,
        %get3A_794 = arith.index_cast %add3A_786 : i32 to index
        %get3A_795 = arith.constant 16 : index
        %get3A_796 = tpu.vector_load %arg7[%get3A_794, %get3A_795] {strides = array<i32>} : memref<512x32xf32, #tpu.memory_space<vmem>>, vector<16xf32>,
        tpu.vector_store_idx %arg9[%select_n3A_120, %add3A_553, %select_n3A_170, %add3A_790], %get3A_796 : memref<4x4x10x129xf32, #tpu.memory_space<vmem>>[vector<16xi32>, vector<16xi32>, vector<16xi32>, vector<16xi32>], vector<16xf32>,
      }
      %scan3A_559 = arith.constant 16 : i32
      %add3A_560 = arith.constant 1 : i32
      %add3A_561 = vector.broadcast %add3A_560 : i32 to vector<16xi32>
      %add3A_562 = arith.addi %broadcast_in_dim3A_171, %add3A_561 : vector<16xi32>
      %scan3A_563 = arith.constant 0 : i32
      %scan3A_564 = arith.constant 0 : i32
      %scan3A_565 = arith.constant 16 : i32
      %scan3A_566 = arith.addi %scan3A_564, %scan3A_565 : i32
      %scan3A_567 = arith.constant 1 : i32
      scf.for %scan3A_683 = %scan3A_564 to %scan3A_566 step %scan3A_567  : i32 {
        %mul3A_684 = arith.constant 8 : i32
        %mul3A_685 = arith.muli %scan3A_683, %mul3A_684 : i32
        %add3A_686 = arith.constant 128 : i32
        %add3A_687 = arith.addi %add3A_686, %mul3A_685 : i32
        %add3A_688 = arith.constant 0 : i32
        %add3A_689 = arith.addi %add3A_687, %add3A_688 : i32
        %add3A_690 = arith.constant 0 : i32
        %add3A_691 = arith.addi %mul3A_685, %add3A_690 : i32
        %add3A_692 = vector.broadcast %add3A_691 : i32 to vector<16xi32>
        %add3A_693 = arith.addi %broadcast_in_dim3A_171, %add3A_692 : vector<16xi32>
        %get3A = arith.index_cast %add3A_689 : i32 to index
        %get3A_694 = arith.constant 0 : index
        %get3A_695 = tpu.vector_load %arg7[%get3A, %get3A_694] {strides = array<i32>} : memref<512x32xf32, #tpu.memory_space<vmem>>, vector<16xf32>,
        tpu.vector_store_idx %arg9[%select_n3A_86, %add3A_562, %select_n3A_145, %add3A_693], %get3A_695 : memref<4x4x10x129xf32, #tpu.memory_space<vmem>>[vector<16xi32>, vector<16xi32>, vector<16xi32>, vector<16xi32>], vector<16xf32>,
        %get3A_696 = arith.index_cast %add3A_689 : i32 to index
        %get3A_697 = arith.constant 16 : index
        %get3A_698 = tpu.vector_load %arg7[%get3A_696, %get3A_697] {strides = array<i32>} : memref<512x32xf32, #tpu.memory_space<vmem>>, vector<16xf32>,
        tpu.vector_store_idx %arg9[%select_n3A_120, %add3A_562, %select_n3A_170, %add3A_693], %get3A_698 : memref<4x4x10x129xf32, #tpu.memory_space<vmem>>[vector<16xi32>, vector<16xi32>, vector<16xi32>, vector<16xi32>], vector<16xf32>,
        %add3A_699 = arith.constant 128 : i32
        %add3A_700 = arith.addi %add3A_699, %mul3A_685 : i32
        %add3A_701 = arith.constant 1 : i32
        %add3A_702 = arith.addi %add3A_700, %add3A_701 : i32
        %add3A_703 = arith.constant 1 : i32
        %add3A_704 = arith.addi %mul3A_685, %add3A_703 : i32
        %add3A_705 = vector.broadcast %add3A_704 : i32 to vector<16xi32>
        %add3A_706 = arith.addi %broadcast_in_dim3A_171, %add3A_705 : vector<16xi32>
        %get3A_707 = arith.index_cast %add3A_702 : i32 to index
        %get3A_708 = arith.constant 0 : index
        %get3A_709 = tpu.vector_load %arg7[%get3A_707, %get3A_708] {strides = array<i32>} : memref<512x32xf32, #tpu.memory_space<vmem>>, vector<16xf32>,
        tpu.vector_store_idx %arg9[%select_n3A_86, %add3A_562, %select_n3A_145, %add3A_706], %get3A_709 : memref<4x4x10x129xf32, #tpu.memory_space<vmem>>[vector<16xi32>, vector<16xi32>, vector<16xi32>, vector<16xi32>], vector<16xf32>,
        %get3A_710 = arith.index_cast %add3A_702 : i32 to index
        %get3A_711 = arith.constant 16 : index
        %get3A_712 = tpu.vector_load %arg7[%get3A_710, %get3A_711] {strides = array<i32>} : memref<512x32xf32, #tpu.memory_space<vmem>>, vector<16xf32>,
        tpu.vector_store_idx %arg9[%select_n3A_120, %add3A_562, %select_n3A_170, %add3A_706], %get3A_712 : memref<4x4x10x129xf32, #tpu.memory_space<vmem>>[vector<16xi32>, vector<16xi32>, vector<16xi32>, vector<16xi32>], vector<16xf32>,
        %add3A_713 = arith.constant 128 : i32
        %add3A_714 = arith.addi %add3A_713, %mul3A_685 : i32
        %add3A_715 = arith.constant 2 : i32
        %add3A_716 = arith.addi %add3A_714, %add3A_715 : i32
        %add3A_717 = arith.constant 2 : i32
        %add3A_718 = arith.addi %mul3A_685, %add3A_717 : i32
        %add3A_719 = vector.broadcast %add3A_718 : i32 to vector<16xi32>
        %add3A_720 = arith.addi %broadcast_in_dim3A_171, %add3A_719 : vector<16xi32>
        %get3A_721 = arith.index_cast %add3A_716 : i32 to index
        %get3A_722 = arith.constant 0 : index
        %get3A_723 = tpu.vector_load %arg7[%get3A_721, %get3A_722] {strides = array<i32>} : memref<512x32xf32, #tpu.memory_space<vmem>>, vector<16xf32>,
        tpu.vector_store_idx %arg9[%select_n3A_86, %add3A_562, %select_n3A_145, %add3A_720], %get3A_723 : memref<4x4x10x129xf32, #tpu.memory_space<vmem>>[vector<16xi32>, vector<16xi32>, vector<16xi32>, vector<16xi32>], vector<16xf32>,
        %get3A_724 = arith.index_cast %add3A_716 : i32 to index
        %get3A_725 = arith.constant 16 : index
        %get3A_726 = tpu.vector_load %arg7[%get3A_724, %get3A_725] {strides = array<i32>} : memref<512x32xf32, #tpu.memory_space<vmem>>, vector<16xf32>,
        tpu.vector_store_idx %arg9[%select_n3A_120, %add3A_562, %select_n3A_170, %add3A_720], %get3A_726 : memref<4x4x10x129xf32, #tpu.memory_space<vmem>>[vector<16xi32>, vector<16xi32>, vector<16xi32>, vector<16xi32>], vector<16xf32>,
        %add3A_727 = arith.constant 128 : i32
        %add3A_728 = arith.addi %add3A_727, %mul3A_685 : i32
        %add3A_729 = arith.constant 3 : i32
        %add3A_730 = arith.addi %add3A_728, %add3A_729 : i32
        %add3A_731 = arith.constant 3 : i32
        %add3A_732 = arith.addi %mul3A_685, %add3A_731 : i32
        %add3A_733 = vector.broadcast %add3A_732 : i32 to vector<16xi32>
        %add3A_734 = arith.addi %broadcast_in_dim3A_171, %add3A_733 : vector<16xi32>
        %get3A_735 = arith.index_cast %add3A_730 : i32 to index
        %get3A_736 = arith.constant 0 : index
        %get3A_737 = tpu.vector_load %arg7[%get3A_735, %get3A_736] {strides = array<i32>} : memref<512x32xf32, #tpu.memory_space<vmem>>, vector<16xf32>,
        tpu.vector_store_idx %arg9[%select_n3A_86, %add3A_562, %select_n3A_145, %add3A_734], %get3A_737 : memref<4x4x10x129xf32, #tpu.memory_space<vmem>>[vector<16xi32>, vector<16xi32>, vector<16xi32>, vector<16xi32>], vector<16xf32>,
        %get3A_738 = arith.index_cast %add3A_730 : i32 to index
        %get3A_739 = arith.constant 16 : index
        %get3A_740 = tpu.vector_load %arg7[%get3A_738, %get3A_739] {strides = array<i32>} : memref<512x32xf32, #tpu.memory_space<vmem>>, vector<16xf32>,
        tpu.vector_store_idx %arg9[%select_n3A_120, %add3A_562, %select_n3A_170, %add3A_734], %get3A_740 : memref<4x4x10x129xf32, #tpu.memory_space<vmem>>[vector<16xi32>, vector<16xi32>, vector<16xi32>, vector<16xi32>], vector<16xf32>,
        %add3A_741 = arith.constant 128 : i32
        %add3A_742 = arith.addi %add3A_741, %mul3A_685 : i32
        %add3A_743 = arith.constant 4 : i32
        %add3A_744 = arith.addi %add3A_742, %add3A_743 : i32
        %add3A_745 = arith.constant 4 : i32
        %add3A_746 = arith.addi %mul3A_685, %add3A_745 : i32
        %add3A_747 = vector.broadcast %add3A_746 : i32 to vector<16xi32>
        %add3A_748 = arith.addi %broadcast_in_dim3A_171, %add3A_747 : vector<16xi32>
        %get3A_749 = arith.index_cast %add3A_744 : i32 to index
        %get3A_750 = arith.constant 0 : index
        %get3A_751 = tpu.vector_load %arg7[%get3A_749, %get3A_750] {strides = array<i32>} : memref<512x32xf32, #tpu.memory_space<vmem>>, vector<16xf32>,
        tpu.vector_store_idx %arg9[%select_n3A_86, %add3A_562, %select_n3A_145, %add3A_748], %get3A_751 : memref<4x4x10x129xf32, #tpu.memory_space<vmem>>[vector<16xi32>, vector<16xi32>, vector<16xi32>, vector<16xi32>], vector<16xf32>,
        %get3A_752 = arith.index_cast %add3A_744 : i32 to index
        %get3A_753 = arith.constant 16 : index
        %get3A_754 = tpu.vector_load %arg7[%get3A_752, %get3A_753] {strides = array<i32>} : memref<512x32xf32, #tpu.memory_space<vmem>>, vector<16xf32>,
        tpu.vector_store_idx %arg9[%select_n3A_120, %add3A_562, %select_n3A_170, %add3A_748], %get3A_754 : memref<4x4x10x129xf32, #tpu.memory_space<vmem>>[vector<16xi32>, vector<16xi32>, vector<16xi32>, vector<16xi32>], vector<16xf32>,
        %add3A_755 = arith.constant 128 : i32
        %add3A_756 = arith.addi %add3A_755, %mul3A_685 : i32
        %add3A_757 = arith.constant 5 : i32
        %add3A_758 = arith.addi %add3A_756, %add3A_757 : i32
        %add3A_759 = arith.constant 5 : i32
        %add3A_760 = arith.addi %mul3A_685, %add3A_759 : i32
        %add3A_761 = vector.broadcast %add3A_760 : i32 to vector<16xi32>
        %add3A_762 = arith.addi %broadcast_in_dim3A_171, %add3A_761 : vector<16xi32>
        %get3A_763 = arith.index_cast %add3A_758 : i32 to index
        %get3A_764 = arith.constant 0 : index
        %get3A_765 = tpu.vector_load %arg7[%get3A_763, %get3A_764] {strides = array<i32>} : memref<512x32xf32, #tpu.memory_space<vmem>>, vector<16xf32>,
        tpu.vector_store_idx %arg9[%select_n3A_86, %add3A_562, %select_n3A_145, %add3A_762], %get3A_765 : memref<4x4x10x129xf32, #tpu.memory_space<vmem>>[vector<16xi32>, vector<16xi32>, vector<16xi32>, vector<16xi32>], vector<16xf32>,
        %get3A_766 = arith.index_cast %add3A_758 : i32 to index
        %get3A_767 = arith.constant 16 : index
        %get3A_768 = tpu.vector_load %arg7[%get3A_766, %get3A_767] {strides = array<i32>} : memref<512x32xf32, #tpu.memory_space<vmem>>, vector<16xf32>,
        tpu.vector_store_idx %arg9[%select_n3A_120, %add3A_562, %select_n3A_170, %add3A_762], %get3A_768 : memref<4x4x10x129xf32, #tpu.memory_space<vmem>>[vector<16xi32>, vector<16xi32>, vector<16xi32>, vector<16xi32>], vector<16xf32>,
        %add3A_769 = arith.constant 128 : i32
        %add3A_770 = arith.addi %add3A_769, %mul3A_685 : i32
        %add3A_771 = arith.constant 6 : i32
        %add3A_772 = arith.addi %add3A_770, %add3A_771 : i32
        %add3A_773 = arith.constant 6 : i32
        %add3A_774 = arith.addi %mul3A_685, %add3A_773 : i32
        %add3A_775 = vector.broadcast %add3A_774 : i32 to vector<16xi32>
        %add3A_776 = arith.addi %broadcast_in_dim3A_171, %add3A_775 : vector<16xi32>
        %get3A_777 = arith.index_cast %add3A_772 : i32 to index
        %get3A_778 = arith.constant 0 : index
        %get3A_779 = tpu.vector_load %arg7[%get3A_777, %get3A_778] {strides = array<i32>} : memref<512x32xf32, #tpu.memory_space<vmem>>, vector<16xf32>,
        tpu.vector_store_idx %arg9[%select_n3A_86, %add3A_562, %select_n3A_145, %add3A_776], %get3A_779 : memref<4x4x10x129xf32, #tpu.memory_space<vmem>>[vector<16xi32>, vector<16xi32>, vector<16xi32>, vector<16xi32>], vector<16xf32>,
        %get3A_780 = arith.index_cast %add3A_772 : i32 to index
        %get3A_781 = arith.constant 16 : index
        %get3A_782 = tpu.vector_load %arg7[%get3A_780, %get3A_781] {strides = array<i32>} : memref<512x32xf32, #tpu.memory_space<vmem>>, vector<16xf32>,
        tpu.vector_store_idx %arg9[%select_n3A_120, %add3A_562, %select_n3A_170, %add3A_776], %get3A_782 : memref<4x4x10x129xf32, #tpu.memory_space<vmem>>[vector<16xi32>, vector<16xi32>, vector<16xi32>, vector<16xi32>], vector<16xf32>,
        %add3A_783 = arith.constant 128 : i32
        %add3A_784 = arith.addi %add3A_783, %mul3A_685 : i32
        %add3A_785 = arith.constant 7 : i32
        %add3A_786 = arith.addi %add3A_784, %add3A_785 : i32
        %add3A_787 = arith.constant 7 : i32
        %add3A_788 = arith.addi %mul3A_685, %add3A_787 : i32
        %add3A_789 = vector.broadcast %add3A_788 : i32 to vector<16xi32>
        %add3A_790 = arith.addi %broadcast_in_dim3A_171, %add3A_789 : vector<16xi32>
        %get3A_791 = arith.index_cast %add3A_786 : i32 to index
        %get3A_792 = arith.constant 0 : index
        %get3A_793 = tpu.vector_load %arg7[%get3A_791, %get3A_792] {strides = array<i32>} : memref<512x32xf32, #tpu.memory_space<vmem>>, vector<16xf32>,
        tpu.vector_store_idx %arg9[%select_n3A_86, %add3A_562, %select_n3A_145, %add3A_790], %get3A_793 : memref<4x4x10x129xf32, #tpu.memory_space<vmem>>[vector<16xi32>, vector<16xi32>, vector<16xi32>, vector<16xi32>], vector<16xf32>,
        %get3A_794 = arith.index_cast %add3A_786 : i32 to index
        %get3A_795 = arith.constant 16 : index
        %get3A_796 = tpu.vector_load %arg7[%get3A_794, %get3A_795] {strides = array<i32>} : memref<512x32xf32, #tpu.memory_space<vmem>>, vector<16xf32>,
        tpu.vector_store_idx %arg9[%select_n3A_120, %add3A_562, %select_n3A_170, %add3A_790], %get3A_796 : memref<4x4x10x129xf32, #tpu.memory_space<vmem>>[vector<16xi32>, vector<16xi32>, vector<16xi32>, vector<16xi32>], vector<16xf32>,
      }
      %scan3A_568 = arith.constant 16 : i32
      %add3A_569 = arith.constant 2 : i32
      %add3A_570 = vector.broadcast %add3A_569 : i32 to vector<16xi32>
      %add3A_571 = arith.addi %broadcast_in_dim3A_171, %add3A_570 : vector<16xi32>
      %scan3A_572 = arith.constant 0 : i32
      %scan3A_573 = arith.constant 0 : i32
      %scan3A_574 = arith.constant 16 : i32
      %scan3A_575 = arith.addi %scan3A_573, %scan3A_574 : i32
      %scan3A_576 = arith.constant 1 : i32
      scf.for %scan3A_683 = %scan3A_573 to %scan3A_575 step %scan3A_576  : i32 {
        %mul3A_684 = arith.constant 8 : i32
        %mul3A_685 = arith.muli %scan3A_683, %mul3A_684 : i32
        %add3A_686 = arith.constant 256 : i32
        %add3A_687 = arith.addi %add3A_686, %mul3A_685 : i32
        %add3A_688 = arith.constant 0 : i32
        %add3A_689 = arith.addi %add3A_687, %add3A_688 : i32
        %add3A_690 = arith.constant 0 : i32
        %add3A_691 = arith.addi %mul3A_685, %add3A_690 : i32
        %add3A_692 = vector.broadcast %add3A_691 : i32 to vector<16xi32>
        %add3A_693 = arith.addi %broadcast_in_dim3A_171, %add3A_692 : vector<16xi32>
        %get3A = arith.index_cast %add3A_689 : i32 to index
        %get3A_694 = arith.constant 0 : index
        %get3A_695 = tpu.vector_load %arg7[%get3A, %get3A_694] {strides = array<i32>} : memref<512x32xf32, #tpu.memory_space<vmem>>, vector<16xf32>,
        tpu.vector_store_idx %arg9[%select_n3A_86, %add3A_571, %select_n3A_145, %add3A_693], %get3A_695 : memref<4x4x10x129xf32, #tpu.memory_space<vmem>>[vector<16xi32>, vector<16xi32>, vector<16xi32>, vector<16xi32>], vector<16xf32>,
        %get3A_696 = arith.index_cast %add3A_689 : i32 to index
        %get3A_697 = arith.constant 16 : index
        %get3A_698 = tpu.vector_load %arg7[%get3A_696, %get3A_697] {strides = array<i32>} : memref<512x32xf32, #tpu.memory_space<vmem>>, vector<16xf32>,
        tpu.vector_store_idx %arg9[%select_n3A_120, %add3A_571, %select_n3A_170, %add3A_693], %get3A_698 : memref<4x4x10x129xf32, #tpu.memory_space<vmem>>[vector<16xi32>, vector<16xi32>, vector<16xi32>, vector<16xi32>], vector<16xf32>,
        %add3A_699 = arith.constant 256 : i32
        %add3A_700 = arith.addi %add3A_699, %mul3A_685 : i32
        %add3A_701 = arith.constant 1 : i32
        %add3A_702 = arith.addi %add3A_700, %add3A_701 : i32
        %add3A_703 = arith.constant 1 : i32
        %add3A_704 = arith.addi %mul3A_685, %add3A_703 : i32
        %add3A_705 = vector.broadcast %add3A_704 : i32 to vector<16xi32>
        %add3A_706 = arith.addi %broadcast_in_dim3A_171, %add3A_705 : vector<16xi32>
        %get3A_707 = arith.index_cast %add3A_702 : i32 to index
        %get3A_708 = arith.constant 0 : index
        %get3A_709 = tpu.vector_load %arg7[%get3A_707, %get3A_708] {strides = array<i32>} : memref<512x32xf32, #tpu.memory_space<vmem>>, vector<16xf32>,
        tpu.vector_store_idx %arg9[%select_n3A_86, %add3A_571, %select_n3A_145, %add3A_706], %get3A_709 : memref<4x4x10x129xf32, #tpu.memory_space<vmem>>[vector<16xi32>, vector<16xi32>, vector<16xi32>, vector<16xi32>], vector<16xf32>,
        %get3A_710 = arith.index_cast %add3A_702 : i32 to index
        %get3A_711 = arith.constant 16 : index
        %get3A_712 = tpu.vector_load %arg7[%get3A_710, %get3A_711] {strides = array<i32>} : memref<512x32xf32, #tpu.memory_space<vmem>>, vector<16xf32>,
        tpu.vector_store_idx %arg9[%select_n3A_120, %add3A_571, %select_n3A_170, %add3A_706], %get3A_712 : memref<4x4x10x129xf32, #tpu.memory_space<vmem>>[vector<16xi32>, vector<16xi32>, vector<16xi32>, vector<16xi32>], vector<16xf32>,
        %add3A_713 = arith.constant 256 : i32
        %add3A_714 = arith.addi %add3A_713, %mul3A_685 : i32
        %add3A_715 = arith.constant 2 : i32
        %add3A_716 = arith.addi %add3A_714, %add3A_715 : i32
        %add3A_717 = arith.constant 2 : i32
        %add3A_718 = arith.addi %mul3A_685, %add3A_717 : i32
        %add3A_719 = vector.broadcast %add3A_718 : i32 to vector<16xi32>
        %add3A_720 = arith.addi %broadcast_in_dim3A_171, %add3A_719 : vector<16xi32>
        %get3A_721 = arith.index_cast %add3A_716 : i32 to index
        %get3A_722 = arith.constant 0 : index
        %get3A_723 = tpu.vector_load %arg7[%get3A_721, %get3A_722] {strides = array<i32>} : memref<512x32xf32, #tpu.memory_space<vmem>>, vector<16xf32>,
        tpu.vector_store_idx %arg9[%select_n3A_86, %add3A_571, %select_n3A_145, %add3A_720], %get3A_723 : memref<4x4x10x129xf32, #tpu.memory_space<vmem>>[vector<16xi32>, vector<16xi32>, vector<16xi32>, vector<16xi32>], vector<16xf32>,
        %get3A_724 = arith.index_cast %add3A_716 : i32 to index
        %get3A_725 = arith.constant 16 : index
        %get3A_726 = tpu.vector_load %arg7[%get3A_724, %get3A_725] {strides = array<i32>} : memref<512x32xf32, #tpu.memory_space<vmem>>, vector<16xf32>,
        tpu.vector_store_idx %arg9[%select_n3A_120, %add3A_571, %select_n3A_170, %add3A_720], %get3A_726 : memref<4x4x10x129xf32, #tpu.memory_space<vmem>>[vector<16xi32>, vector<16xi32>, vector<16xi32>, vector<16xi32>], vector<16xf32>,
        %add3A_727 = arith.constant 256 : i32
        %add3A_728 = arith.addi %add3A_727, %mul3A_685 : i32
        %add3A_729 = arith.constant 3 : i32
        %add3A_730 = arith.addi %add3A_728, %add3A_729 : i32
        %add3A_731 = arith.constant 3 : i32
        %add3A_732 = arith.addi %mul3A_685, %add3A_731 : i32
        %add3A_733 = vector.broadcast %add3A_732 : i32 to vector<16xi32>
        %add3A_734 = arith.addi %broadcast_in_dim3A_171, %add3A_733 : vector<16xi32>
        %get3A_735 = arith.index_cast %add3A_730 : i32 to index
        %get3A_736 = arith.constant 0 : index
        %get3A_737 = tpu.vector_load %arg7[%get3A_735, %get3A_736] {strides = array<i32>} : memref<512x32xf32, #tpu.memory_space<vmem>>, vector<16xf32>,
        tpu.vector_store_idx %arg9[%select_n3A_86, %add3A_571, %select_n3A_145, %add3A_734], %get3A_737 : memref<4x4x10x129xf32, #tpu.memory_space<vmem>>[vector<16xi32>, vector<16xi32>, vector<16xi32>, vector<16xi32>], vector<16xf32>,
        %get3A_738 = arith.index_cast %add3A_730 : i32 to index
        %get3A_739 = arith.constant 16 : index
        %get3A_740 = tpu.vector_load %arg7[%get3A_738, %get3A_739] {strides = array<i32>} : memref<512x32xf32, #tpu.memory_space<vmem>>, vector<16xf32>,
        tpu.vector_store_idx %arg9[%select_n3A_120, %add3A_571, %select_n3A_170, %add3A_734], %get3A_740 : memref<4x4x10x129xf32, #tpu.memory_space<vmem>>[vector<16xi32>, vector<16xi32>, vector<16xi32>, vector<16xi32>], vector<16xf32>,
        %add3A_741 = arith.constant 256 : i32
        %add3A_742 = arith.addi %add3A_741, %mul3A_685 : i32
        %add3A_743 = arith.constant 4 : i32
        %add3A_744 = arith.addi %add3A_742, %add3A_743 : i32
        %add3A_745 = arith.constant 4 : i32
        %add3A_746 = arith.addi %mul3A_685, %add3A_745 : i32
        %add3A_747 = vector.broadcast %add3A_746 : i32 to vector<16xi32>
        %add3A_748 = arith.addi %broadcast_in_dim3A_171, %add3A_747 : vector<16xi32>
        %get3A_749 = arith.index_cast %add3A_744 : i32 to index
        %get3A_750 = arith.constant 0 : index
        %get3A_751 = tpu.vector_load %arg7[%get3A_749, %get3A_750] {strides = array<i32>} : memref<512x32xf32, #tpu.memory_space<vmem>>, vector<16xf32>,
        tpu.vector_store_idx %arg9[%select_n3A_86, %add3A_571, %select_n3A_145, %add3A_748], %get3A_751 : memref<4x4x10x129xf32, #tpu.memory_space<vmem>>[vector<16xi32>, vector<16xi32>, vector<16xi32>, vector<16xi32>], vector<16xf32>,
        %get3A_752 = arith.index_cast %add3A_744 : i32 to index
        %get3A_753 = arith.constant 16 : index
        %get3A_754 = tpu.vector_load %arg7[%get3A_752, %get3A_753] {strides = array<i32>} : memref<512x32xf32, #tpu.memory_space<vmem>>, vector<16xf32>,
        tpu.vector_store_idx %arg9[%select_n3A_120, %add3A_571, %select_n3A_170, %add3A_748], %get3A_754 : memref<4x4x10x129xf32, #tpu.memory_space<vmem>>[vector<16xi32>, vector<16xi32>, vector<16xi32>, vector<16xi32>], vector<16xf32>,
        %add3A_755 = arith.constant 256 : i32
        %add3A_756 = arith.addi %add3A_755, %mul3A_685 : i32
        %add3A_757 = arith.constant 5 : i32
        %add3A_758 = arith.addi %add3A_756, %add3A_757 : i32
        %add3A_759 = arith.constant 5 : i32
        %add3A_760 = arith.addi %mul3A_685, %add3A_759 : i32
        %add3A_761 = vector.broadcast %add3A_760 : i32 to vector<16xi32>
        %add3A_762 = arith.addi %broadcast_in_dim3A_171, %add3A_761 : vector<16xi32>
        %get3A_763 = arith.index_cast %add3A_758 : i32 to index
        %get3A_764 = arith.constant 0 : index
        %get3A_765 = tpu.vector_load %arg7[%get3A_763, %get3A_764] {strides = array<i32>} : memref<512x32xf32, #tpu.memory_space<vmem>>, vector<16xf32>,
        tpu.vector_store_idx %arg9[%select_n3A_86, %add3A_571, %select_n3A_145, %add3A_762], %get3A_765 : memref<4x4x10x129xf32, #tpu.memory_space<vmem>>[vector<16xi32>, vector<16xi32>, vector<16xi32>, vector<16xi32>], vector<16xf32>,
        %get3A_766 = arith.index_cast %add3A_758 : i32 to index
        %get3A_767 = arith.constant 16 : index
        %get3A_768 = tpu.vector_load %arg7[%get3A_766, %get3A_767] {strides = array<i32>} : memref<512x32xf32, #tpu.memory_space<vmem>>, vector<16xf32>,
        tpu.vector_store_idx %arg9[%select_n3A_120, %add3A_571, %select_n3A_170, %add3A_762], %get3A_768 : memref<4x4x10x129xf32, #tpu.memory_space<vmem>>[vector<16xi32>, vector<16xi32>, vector<16xi32>, vector<16xi32>], vector<16xf32>,
        %add3A_769 = arith.constant 256 : i32
        %add3A_770 = arith.addi %add3A_769, %mul3A_685 : i32
        %add3A_771 = arith.constant 6 : i32
        %add3A_772 = arith.addi %add3A_770, %add3A_771 : i32
        %add3A_773 = arith.constant 6 : i32
        %add3A_774 = arith.addi %mul3A_685, %add3A_773 : i32
        %add3A_775 = vector.broadcast %add3A_774 : i32 to vector<16xi32>
        %add3A_776 = arith.addi %broadcast_in_dim3A_171, %add3A_775 : vector<16xi32>
        %get3A_777 = arith.index_cast %add3A_772 : i32 to index
        %get3A_778 = arith.constant 0 : index
        %get3A_779 = tpu.vector_load %arg7[%get3A_777, %get3A_778] {strides = array<i32>} : memref<512x32xf32, #tpu.memory_space<vmem>>, vector<16xf32>,
        tpu.vector_store_idx %arg9[%select_n3A_86, %add3A_571, %select_n3A_145, %add3A_776], %get3A_779 : memref<4x4x10x129xf32, #tpu.memory_space<vmem>>[vector<16xi32>, vector<16xi32>, vector<16xi32>, vector<16xi32>], vector<16xf32>,
        %get3A_780 = arith.index_cast %add3A_772 : i32 to index
        %get3A_781 = arith.constant 16 : index
        %get3A_782 = tpu.vector_load %arg7[%get3A_780, %get3A_781] {strides = array<i32>} : memref<512x32xf32, #tpu.memory_space<vmem>>, vector<16xf32>,
        tpu.vector_store_idx %arg9[%select_n3A_120, %add3A_571, %select_n3A_170, %add3A_776], %get3A_782 : memref<4x4x10x129xf32, #tpu.memory_space<vmem>>[vector<16xi32>, vector<16xi32>, vector<16xi32>, vector<16xi32>], vector<16xf32>,
        %add3A_783 = arith.constant 256 : i32
        %add3A_784 = arith.addi %add3A_783, %mul3A_685 : i32
        %add3A_785 = arith.constant 7 : i32
        %add3A_786 = arith.addi %add3A_784, %add3A_785 : i32
        %add3A_787 = arith.constant 7 : i32
        %add3A_788 = arith.addi %mul3A_685, %add3A_787 : i32
        %add3A_789 = vector.broadcast %add3A_788 : i32 to vector<16xi32>
        %add3A_790 = arith.addi %broadcast_in_dim3A_171, %add3A_789 : vector<16xi32>
        %get3A_791 = arith.index_cast %add3A_786 : i32 to index
        %get3A_792 = arith.constant 0 : index
        %get3A_793 = tpu.vector_load %arg7[%get3A_791, %get3A_792] {strides = array<i32>} : memref<512x32xf32, #tpu.memory_space<vmem>>, vector<16xf32>,
        tpu.vector_store_idx %arg9[%select_n3A_86, %add3A_571, %select_n3A_145, %add3A_790], %get3A_793 : memref<4x4x10x129xf32, #tpu.memory_space<vmem>>[vector<16xi32>, vector<16xi32>, vector<16xi32>, vector<16xi32>], vector<16xf32>,
        %get3A_794 = arith.index_cast %add3A_786 : i32 to index
        %get3A_795 = arith.constant 16 : index
        %get3A_796 = tpu.vector_load %arg7[%get3A_794, %get3A_795] {strides = array<i32>} : memref<512x32xf32, #tpu.memory_space<vmem>>, vector<16xf32>,
        tpu.vector_store_idx %arg9[%select_n3A_120, %add3A_571, %select_n3A_170, %add3A_790], %get3A_796 : memref<4x4x10x129xf32, #tpu.memory_space<vmem>>[vector<16xi32>, vector<16xi32>, vector<16xi32>, vector<16xi32>], vector<16xf32>,
      }
      %scan3A_577 = arith.constant 16 : i32
      %add3A_578 = arith.constant 3 : i32
      %add3A_579 = vector.broadcast %add3A_578 : i32 to vector<16xi32>
      %add3A_580 = arith.addi %broadcast_in_dim3A_171, %add3A_579 : vector<16xi32>
      %scan3A_581 = arith.constant 0 : i32
      %scan3A_582 = arith.constant 0 : i32
      %scan3A_583 = arith.constant 16 : i32
      %scan3A_584 = arith.addi %scan3A_582, %scan3A_583 : i32
      %scan3A_585 = arith.constant 1 : i32
      scf.for %scan3A_683 = %scan3A_582 to %scan3A_584 step %scan3A_585  : i32 {
        %mul3A_684 = arith.constant 8 : i32
        %mul3A_685 = arith.muli %scan3A_683, %mul3A_684 : i32
        %add3A_686 = arith.constant 384 : i32
        %add3A_687 = arith.addi %add3A_686, %mul3A_685 : i32
        %add3A_688 = arith.constant 0 : i32
        %add3A_689 = arith.addi %add3A_687, %add3A_688 : i32
        %add3A_690 = arith.constant 0 : i32
        %add3A_691 = arith.addi %mul3A_685, %add3A_690 : i32
        %add3A_692 = vector.broadcast %add3A_691 : i32 to vector<16xi32>
        %add3A_693 = arith.addi %broadcast_in_dim3A_171, %add3A_692 : vector<16xi32>
        %get3A = arith.index_cast %add3A_689 : i32 to index
        %get3A_694 = arith.constant 0 : index
        %get3A_695 = tpu.vector_load %arg7[%get3A, %get3A_694] {strides = array<i32>} : memref<512x32xf32, #tpu.memory_space<vmem>>, vector<16xf32>,
        tpu.vector_store_idx %arg9[%select_n3A_86, %add3A_580, %select_n3A_145, %add3A_693], %get3A_695 : memref<4x4x10x129xf32, #tpu.memory_space<vmem>>[vector<16xi32>, vector<16xi32>, vector<16xi32>, vector<16xi32>], vector<16xf32>,
        %get3A_696 = arith.index_cast %add3A_689 : i32 to index
        %get3A_697 = arith.constant 16 : index
        %get3A_698 = tpu.vector_load %arg7[%get3A_696, %get3A_697] {strides = array<i32>} : memref<512x32xf32, #tpu.memory_space<vmem>>, vector<16xf32>,
        tpu.vector_store_idx %arg9[%select_n3A_120, %add3A_580, %select_n3A_170, %add3A_693], %get3A_698 : memref<4x4x10x129xf32, #tpu.memory_space<vmem>>[vector<16xi32>, vector<16xi32>, vector<16xi32>, vector<16xi32>], vector<16xf32>,
        %add3A_699 = arith.constant 384 : i32
        %add3A_700 = arith.addi %add3A_699, %mul3A_685 : i32
        %add3A_701 = arith.constant 1 : i32
        %add3A_702 = arith.addi %add3A_700, %add3A_701 : i32
        %add3A_703 = arith.constant 1 : i32
        %add3A_704 = arith.addi %mul3A_685, %add3A_703 : i32
        %add3A_705 = vector.broadcast %add3A_704 : i32 to vector<16xi32>
        %add3A_706 = arith.addi %broadcast_in_dim3A_171, %add3A_705 : vector<16xi32>
        %get3A_707 = arith.index_cast %add3A_702 : i32 to index
        %get3A_708 = arith.constant 0 : index
        %get3A_709 = tpu.vector_load %arg7[%get3A_707, %get3A_708] {strides = array<i32>} : memref<512x32xf32, #tpu.memory_space<vmem>>, vector<16xf32>,
        tpu.vector_store_idx %arg9[%select_n3A_86, %add3A_580, %select_n3A_145, %add3A_706], %get3A_709 : memref<4x4x10x129xf32, #tpu.memory_space<vmem>>[vector<16xi32>, vector<16xi32>, vector<16xi32>, vector<16xi32>], vector<16xf32>,
        %get3A_710 = arith.index_cast %add3A_702 : i32 to index
        %get3A_711 = arith.constant 16 : index
        %get3A_712 = tpu.vector_load %arg7[%get3A_710, %get3A_711] {strides = array<i32>} : memref<512x32xf32, #tpu.memory_space<vmem>>, vector<16xf32>,
        tpu.vector_store_idx %arg9[%select_n3A_120, %add3A_580, %select_n3A_170, %add3A_706], %get3A_712 : memref<4x4x10x129xf32, #tpu.memory_space<vmem>>[vector<16xi32>, vector<16xi32>, vector<16xi32>, vector<16xi32>], vector<16xf32>,
        %add3A_713 = arith.constant 384 : i32
        %add3A_714 = arith.addi %add3A_713, %mul3A_685 : i32
        %add3A_715 = arith.constant 2 : i32
        %add3A_716 = arith.addi %add3A_714, %add3A_715 : i32
        %add3A_717 = arith.constant 2 : i32
        %add3A_718 = arith.addi %mul3A_685, %add3A_717 : i32
        %add3A_719 = vector.broadcast %add3A_718 : i32 to vector<16xi32>
        %add3A_720 = arith.addi %broadcast_in_dim3A_171, %add3A_719 : vector<16xi32>
        %get3A_721 = arith.index_cast %add3A_716 : i32 to index
        %get3A_722 = arith.constant 0 : index
        %get3A_723 = tpu.vector_load %arg7[%get3A_721, %get3A_722] {strides = array<i32>} : memref<512x32xf32, #tpu.memory_space<vmem>>, vector<16xf32>,
        tpu.vector_store_idx %arg9[%select_n3A_86, %add3A_580, %select_n3A_145, %add3A_720], %get3A_723 : memref<4x4x10x129xf32, #tpu.memory_space<vmem>>[vector<16xi32>, vector<16xi32>, vector<16xi32>, vector<16xi32>], vector<16xf32>,
        %get3A_724 = arith.index_cast %add3A_716 : i32 to index
        %get3A_725 = arith.constant 16 : index
        %get3A_726 = tpu.vector_load %arg7[%get3A_724, %get3A_725] {strides = array<i32>} : memref<512x32xf32, #tpu.memory_space<vmem>>, vector<16xf32>,
        tpu.vector_store_idx %arg9[%select_n3A_120, %add3A_580, %select_n3A_170, %add3A_720], %get3A_726 : memref<4x4x10x129xf32, #tpu.memory_space<vmem>>[vector<16xi32>, vector<16xi32>, vector<16xi32>, vector<16xi32>], vector<16xf32>,
        %add3A_727 = arith.constant 384 : i32
        %add3A_728 = arith.addi %add3A_727, %mul3A_685 : i32
        %add3A_729 = arith.constant 3 : i32
        %add3A_730 = arith.addi %add3A_728, %add3A_729 : i32
        %add3A_731 = arith.constant 3 : i32
        %add3A_732 = arith.addi %mul3A_685, %add3A_731 : i32
        %add3A_733 = vector.broadcast %add3A_732 : i32 to vector<16xi32>
        %add3A_734 = arith.addi %broadcast_in_dim3A_171, %add3A_733 : vector<16xi32>
        %get3A_735 = arith.index_cast %add3A_730 : i32 to index
        %get3A_736 = arith.constant 0 : index
        %get3A_737 = tpu.vector_load %arg7[%get3A_735, %get3A_736] {strides = array<i32>} : memref<512x32xf32, #tpu.memory_space<vmem>>, vector<16xf32>,
        tpu.vector_store_idx %arg9[%select_n3A_86, %add3A_580, %select_n3A_145, %add3A_734], %get3A_737 : memref<4x4x10x129xf32, #tpu.memory_space<vmem>>[vector<16xi32>, vector<16xi32>, vector<16xi32>, vector<16xi32>], vector<16xf32>,
        %get3A_738 = arith.index_cast %add3A_730 : i32 to index
        %get3A_739 = arith.constant 16 : index
        %get3A_740 = tpu.vector_load %arg7[%get3A_738, %get3A_739] {strides = array<i32>} : memref<512x32xf32, #tpu.memory_space<vmem>>, vector<16xf32>,
        tpu.vector_store_idx %arg9[%select_n3A_120, %add3A_580, %select_n3A_170, %add3A_734], %get3A_740 : memref<4x4x10x129xf32, #tpu.memory_space<vmem>>[vector<16xi32>, vector<16xi32>, vector<16xi32>, vector<16xi32>], vector<16xf32>,
        %add3A_741 = arith.constant 384 : i32
        %add3A_742 = arith.addi %add3A_741, %mul3A_685 : i32
        %add3A_743 = arith.constant 4 : i32
        %add3A_744 = arith.addi %add3A_742, %add3A_743 : i32
        %add3A_745 = arith.constant 4 : i32
        %add3A_746 = arith.addi %mul3A_685, %add3A_745 : i32
        %add3A_747 = vector.broadcast %add3A_746 : i32 to vector<16xi32>
        %add3A_748 = arith.addi %broadcast_in_dim3A_171, %add3A_747 : vector<16xi32>
        %get3A_749 = arith.index_cast %add3A_744 : i32 to index
        %get3A_750 = arith.constant 0 : index
        %get3A_751 = tpu.vector_load %arg7[%get3A_749, %get3A_750] {strides = array<i32>} : memref<512x32xf32, #tpu.memory_space<vmem>>, vector<16xf32>,
        tpu.vector_store_idx %arg9[%select_n3A_86, %add3A_580, %select_n3A_145, %add3A_748], %get3A_751 : memref<4x4x10x129xf32, #tpu.memory_space<vmem>>[vector<16xi32>, vector<16xi32>, vector<16xi32>, vector<16xi32>], vector<16xf32>,
        %get3A_752 = arith.index_cast %add3A_744 : i32 to index
        %get3A_753 = arith.constant 16 : index
        %get3A_754 = tpu.vector_load %arg7[%get3A_752, %get3A_753] {strides = array<i32>} : memref<512x32xf32, #tpu.memory_space<vmem>>, vector<16xf32>,
        tpu.vector_store_idx %arg9[%select_n3A_120, %add3A_580, %select_n3A_170, %add3A_748], %get3A_754 : memref<4x4x10x129xf32, #tpu.memory_space<vmem>>[vector<16xi32>, vector<16xi32>, vector<16xi32>, vector<16xi32>], vector<16xf32>,
        %add3A_755 = arith.constant 384 : i32
        %add3A_756 = arith.addi %add3A_755, %mul3A_685 : i32
        %add3A_757 = arith.constant 5 : i32
        %add3A_758 = arith.addi %add3A_756, %add3A_757 : i32
        %add3A_759 = arith.constant 5 : i32
        %add3A_760 = arith.addi %mul3A_685, %add3A_759 : i32
        %add3A_761 = vector.broadcast %add3A_760 : i32 to vector<16xi32>
        %add3A_762 = arith.addi %broadcast_in_dim3A_171, %add3A_761 : vector<16xi32>
        %get3A_763 = arith.index_cast %add3A_758 : i32 to index
        %get3A_764 = arith.constant 0 : index
        %get3A_765 = tpu.vector_load %arg7[%get3A_763, %get3A_764] {strides = array<i32>} : memref<512x32xf32, #tpu.memory_space<vmem>>, vector<16xf32>,
        tpu.vector_store_idx %arg9[%select_n3A_86, %add3A_580, %select_n3A_145, %add3A_762], %get3A_765 : memref<4x4x10x129xf32, #tpu.memory_space<vmem>>[vector<16xi32>, vector<16xi32>, vector<16xi32>, vector<16xi32>], vector<16xf32>,
        %get3A_766 = arith.index_cast %add3A_758 : i32 to index
        %get3A_767 = arith.constant 16 : index
        %get3A_768 = tpu.vector_load %arg7[%get3A_766, %get3A_767] {strides = array<i32>} : memref<512x32xf32, #tpu.memory_space<vmem>>, vector<16xf32>,
        tpu.vector_store_idx %arg9[%select_n3A_120, %add3A_580, %select_n3A_170, %add3A_762], %get3A_768 : memref<4x4x10x129xf32, #tpu.memory_space<vmem>>[vector<16xi32>, vector<16xi32>, vector<16xi32>, vector<16xi32>], vector<16xf32>,
        %add3A_769 = arith.constant 384 : i32
        %add3A_770 = arith.addi %add3A_769, %mul3A_685 : i32
        %add3A_771 = arith.constant 6 : i32
        %add3A_772 = arith.addi %add3A_770, %add3A_771 : i32
        %add3A_773 = arith.constant 6 : i32
        %add3A_774 = arith.addi %mul3A_685, %add3A_773 : i32
        %add3A_775 = vector.broadcast %add3A_774 : i32 to vector<16xi32>
        %add3A_776 = arith.addi %broadcast_in_dim3A_171, %add3A_775 : vector<16xi32>
        %get3A_777 = arith.index_cast %add3A_772 : i32 to index
        %get3A_778 = arith.constant 0 : index
        %get3A_779 = tpu.vector_load %arg7[%get3A_777, %get3A_778] {strides = array<i32>} : memref<512x32xf32, #tpu.memory_space<vmem>>, vector<16xf32>,
        tpu.vector_store_idx %arg9[%select_n3A_86, %add3A_580, %select_n3A_145, %add3A_776], %get3A_779 : memref<4x4x10x129xf32, #tpu.memory_space<vmem>>[vector<16xi32>, vector<16xi32>, vector<16xi32>, vector<16xi32>], vector<16xf32>,
        %get3A_780 = arith.index_cast %add3A_772 : i32 to index
        %get3A_781 = arith.constant 16 : index
        %get3A_782 = tpu.vector_load %arg7[%get3A_780, %get3A_781] {strides = array<i32>} : memref<512x32xf32, #tpu.memory_space<vmem>>, vector<16xf32>,
        tpu.vector_store_idx %arg9[%select_n3A_120, %add3A_580, %select_n3A_170, %add3A_776], %get3A_782 : memref<4x4x10x129xf32, #tpu.memory_space<vmem>>[vector<16xi32>, vector<16xi32>, vector<16xi32>, vector<16xi32>], vector<16xf32>,
        %add3A_783 = arith.constant 384 : i32
        %add3A_784 = arith.addi %add3A_783, %mul3A_685 : i32
        %add3A_785 = arith.constant 7 : i32
        %add3A_786 = arith.addi %add3A_784, %add3A_785 : i32
        %add3A_787 = arith.constant 7 : i32
        %add3A_788 = arith.addi %mul3A_685, %add3A_787 : i32
        %add3A_789 = vector.broadcast %add3A_788 : i32 to vector<16xi32>
        %add3A_790 = arith.addi %broadcast_in_dim3A_171, %add3A_789 : vector<16xi32>
        %get3A_791 = arith.index_cast %add3A_786 : i32 to index
        %get3A_792 = arith.constant 0 : index
        %get3A_793 = tpu.vector_load %arg7[%get3A_791, %get3A_792] {strides = array<i32>} : memref<512x32xf32, #tpu.memory_space<vmem>>, vector<16xf32>,
        tpu.vector_store_idx %arg9[%select_n3A_86, %add3A_580, %select_n3A_145, %add3A_790], %get3A_793 : memref<4x4x10x129xf32, #tpu.memory_space<vmem>>[vector<16xi32>, vector<16xi32>, vector<16xi32>, vector<16xi32>], vector<16xf32>,
        %get3A_794 = arith.index_cast %add3A_786 : i32 to index
        %get3A_795 = arith.constant 16 : index
        %get3A_796 = tpu.vector_load %arg7[%get3A_794, %get3A_795] {strides = array<i32>} : memref<512x32xf32, #tpu.memory_space<vmem>>, vector<16xf32>,
        tpu.vector_store_idx %arg9[%select_n3A_120, %add3A_580, %select_n3A_170, %add3A_790], %get3A_796 : memref<4x4x10x129xf32, #tpu.memory_space<vmem>>[vector<16xi32>, vector<16xi32>, vector<16xi32>, vector<16xi32>], vector<16xf32>,
      }
      %scan3A_586 = arith.constant 16 : i32
      %add3A_587 = arith.addi %mul3A_52, %add3A_528 : i32
      %dma_start3A_588 = arith.constant 0 : i32
      %dma_start3A_589 = arith.constant 0 : i32
      %dma_start3A_590 = arith.constant 1 : i32
      %dma_start3A_591 = arith.constant 0 : i32
      %dma_start3A_592 = arith.constant 0 : i32
      %dma_start3A_593 = arith.constant 0 : i32
      %dma_start3A_594 = tpu.memref_slice %arg9[%dma_start3A_588, %dma_start3A_591, %dma_start3A_592, %dma_start3A_593] : memref<4x4x10x129xf32, #tpu.memory_space<vmem>> -> memref<1x4x8x128xf32, #tpu.memory_space<vmem>>
      %dma_start3A_595 = tpu.memref_squeeze %dma_start3A_594 : memref<1x4x8x128xf32, #tpu.memory_space<vmem>> -> memref<4x8x128xf32, #tpu.memory_space<vmem>>
      %dma_start3A_596 = arith.constant 0 : i32
      %dma_start3A_597 = arith.constant 0 : i32
      %dma_start3A_598 = tpu.memref_slice %arg4[%add3A_587, %dma_start3A_589, %mul3A_11, %dma_start3A_596, %dma_start3A_597] : memref<200x4x32x8x128xf32, #tpu.memory_space<hbm>> -> memref<1x1x4x8x128xf32, #tpu.memory_space<hbm>>
      %dma_start3A_599 = tpu.memref_squeeze %dma_start3A_598 : memref<1x1x4x8x128xf32, #tpu.memory_space<hbm>> -> memref<4x8x128xf32, #tpu.memory_space<hbm>>
      %dma_start3A_600 = tpu.memref_slice %arg11[%dma_start3A_590] : memref<2x!tpu.dma_semaphore, #tpu.memory_space<semaphore_mem>> -> memref<1x!tpu.dma_semaphore, #tpu.memory_space<semaphore_mem>>
      %dma_start3A_601 = tpu.memref_squeeze %dma_start3A_600 : memref<1x!tpu.dma_semaphore, #tpu.memory_space<semaphore_mem>> -> memref<!tpu.dma_semaphore, #tpu.memory_space<semaphore_mem>>
      %dma_start3A_602 = arith.constant 0 : i32
      %dma_start3A_603 = arith.constant 0 : i32
      %dma_start3A_604 = tpu.memref_slice %arg4[%add3A_587, %dma_start3A_589, %mul3A_11, %dma_start3A_602, %dma_start3A_603] : memref<200x4x32x8x128xf32, #tpu.memory_space<hbm>> -> memref<1x1x4x8x128xf32, #tpu.memory_space<hbm>>
      %dma_start3A_605 = tpu.memref_squeeze %dma_start3A_604 : memref<1x1x4x8x128xf32, #tpu.memory_space<hbm>> -> memref<4x8x128xf32, #tpu.memory_space<hbm>>
      %dma_start3A_606 = arith.constant 0 : i32
      %dma_start3A_607 = arith.constant 0 : i32
      %dma_start3A_608 = arith.constant 0 : i32
      %dma_start3A_609 = tpu.memref_slice %arg9[%dma_start3A_588, %dma_start3A_606, %dma_start3A_607, %dma_start3A_608] : memref<4x4x10x129xf32, #tpu.memory_space<vmem>> -> memref<1x4x8x128xf32, #tpu.memory_space<vmem>>
      %dma_start3A_610 = tpu.memref_squeeze %dma_start3A_609 : memref<1x4x8x128xf32, #tpu.memory_space<vmem>> -> memref<4x8x128xf32, #tpu.memory_space<vmem>>
      tpu.enqueue_dma source(%dma_start3A_610 : memref<4x8x128xf32, #tpu.memory_space<vmem>>) target(%dma_start3A_605 : memref<4x8x128xf32, #tpu.memory_space<hbm>>) target_semaphore(%dma_start3A_601 : memref<!tpu.dma_semaphore, #tpu.memory_space<semaphore_mem>>)
      %add3A_611 = arith.addi %mul3A_52, %add3A_528 : i32
      %dma_start3A_612 = arith.constant 1 : i32
      %dma_start3A_613 = arith.constant 1 : i32
      %dma_start3A_614 = arith.constant 1 : i32
      %dma_start3A_615 = arith.constant 0 : i32
      %dma_start3A_616 = arith.constant 0 : i32
      %dma_start3A_617 = arith.constant 0 : i32
      %dma_start3A_618 = tpu.memref_slice %arg9[%dma_start3A_612, %dma_start3A_615, %dma_start3A_616, %dma_start3A_617] : memref<4x4x10x129xf32, #tpu.memory_space<vmem>> -> memref<1x4x8x128xf32, #tpu.memory_space<vmem>>
      %dma_start3A_619 = tpu.memref_squeeze %dma_start3A_618 : memref<1x4x8x128xf32, #tpu.memory_space<vmem>> -> memref<4x8x128xf32, #tpu.memory_space<vmem>>
      %dma_start3A_620 = arith.constant 0 : i32
      %dma_start3A_621 = arith.constant 0 : i32
      %dma_start3A_622 = tpu.memref_slice %arg4[%add3A_611, %dma_start3A_613, %mul3A_11, %dma_start3A_620, %dma_start3A_621] : memref<200x4x32x8x128xf32, #tpu.memory_space<hbm>> -> memref<1x1x4x8x128xf32, #tpu.memory_space<hbm>>
      %dma_start3A_623 = tpu.memref_squeeze %dma_start3A_622 : memref<1x1x4x8x128xf32, #tpu.memory_space<hbm>> -> memref<4x8x128xf32, #tpu.memory_space<hbm>>
      %dma_start3A_624 = tpu.memref_slice %arg11[%dma_start3A_614] : memref<2x!tpu.dma_semaphore, #tpu.memory_space<semaphore_mem>> -> memref<1x!tpu.dma_semaphore, #tpu.memory_space<semaphore_mem>>
      %dma_start3A_625 = tpu.memref_squeeze %dma_start3A_624 : memref<1x!tpu.dma_semaphore, #tpu.memory_space<semaphore_mem>> -> memref<!tpu.dma_semaphore, #tpu.memory_space<semaphore_mem>>
      %dma_start3A_626 = arith.constant 0 : i32
      %dma_start3A_627 = arith.constant 0 : i32
      %dma_start3A_628 = tpu.memref_slice %arg4[%add3A_611, %dma_start3A_613, %mul3A_11, %dma_start3A_626, %dma_start3A_627] : memref<200x4x32x8x128xf32, #tpu.memory_space<hbm>> -> memref<1x1x4x8x128xf32, #tpu.memory_space<hbm>>
      %dma_start3A_629 = tpu.memref_squeeze %dma_start3A_628 : memref<1x1x4x8x128xf32, #tpu.memory_space<hbm>> -> memref<4x8x128xf32, #tpu.memory_space<hbm>>
      %dma_start3A_630 = arith.constant 0 : i32
      %dma_start3A_631 = arith.constant 0 : i32
      %dma_start3A_632 = arith.constant 0 : i32
      %dma_start3A_633 = tpu.memref_slice %arg9[%dma_start3A_612, %dma_start3A_630, %dma_start3A_631, %dma_start3A_632] : memref<4x4x10x129xf32, #tpu.memory_space<vmem>> -> memref<1x4x8x128xf32, #tpu.memory_space<vmem>>
      %dma_start3A_634 = tpu.memref_squeeze %dma_start3A_633 : memref<1x4x8x128xf32, #tpu.memory_space<vmem>> -> memref<4x8x128xf32, #tpu.memory_space<vmem>>
      tpu.enqueue_dma source(%dma_start3A_634 : memref<4x8x128xf32, #tpu.memory_space<vmem>>) target(%dma_start3A_629 : memref<4x8x128xf32, #tpu.memory_space<hbm>>) target_semaphore(%dma_start3A_625 : memref<!tpu.dma_semaphore, #tpu.memory_space<semaphore_mem>>)
      %add3A_635 = arith.addi %mul3A_52, %add3A_528 : i32
      %dma_start3A_636 = arith.constant 2 : i32
      %dma_start3A_637 = arith.constant 2 : i32
      %dma_start3A_638 = arith.constant 1 : i32
      %dma_start3A_639 = arith.constant 0 : i32
      %dma_start3A_640 = arith.constant 0 : i32
      %dma_start3A_641 = arith.constant 0 : i32
      %dma_start3A_642 = tpu.memref_slice %arg9[%dma_start3A_636, %dma_start3A_639, %dma_start3A_640, %dma_start3A_641] : memref<4x4x10x129xf32, #tpu.memory_space<vmem>> -> memref<1x4x8x128xf32, #tpu.memory_space<vmem>>
      %dma_start3A_643 = tpu.memref_squeeze %dma_start3A_642 : memref<1x4x8x128xf32, #tpu.memory_space<vmem>> -> memref<4x8x128xf32, #tpu.memory_space<vmem>>
      %dma_start3A_644 = arith.constant 0 : i32
      %dma_start3A_645 = arith.constant 0 : i32
      %dma_start3A_646 = tpu.memref_slice %arg4[%add3A_635, %dma_start3A_637, %mul3A_11, %dma_start3A_644, %dma_start3A_645] : memref<200x4x32x8x128xf32, #tpu.memory_space<hbm>> -> memref<1x1x4x8x128xf32, #tpu.memory_space<hbm>>
      %dma_start3A_647 = tpu.memref_squeeze %dma_start3A_646 : memref<1x1x4x8x128xf32, #tpu.memory_space<hbm>> -> memref<4x8x128xf32, #tpu.memory_space<hbm>>
      %dma_start3A_648 = tpu.memref_slice %arg11[%dma_start3A_638] : memref<2x!tpu.dma_semaphore, #tpu.memory_space<semaphore_mem>> -> memref<1x!tpu.dma_semaphore, #tpu.memory_space<semaphore_mem>>
      %dma_start3A_649 = tpu.memref_squeeze %dma_start3A_648 : memref<1x!tpu.dma_semaphore, #tpu.memory_space<semaphore_mem>> -> memref<!tpu.dma_semaphore, #tpu.memory_space<semaphore_mem>>
      %dma_start3A_650 = arith.constant 0 : i32
      %dma_start3A_651 = arith.constant 0 : i32
      %dma_start3A_652 = tpu.memref_slice %arg4[%add3A_635, %dma_start3A_637, %mul3A_11, %dma_start3A_650, %dma_start3A_651] : memref<200x4x32x8x128xf32, #tpu.memory_space<hbm>> -> memref<1x1x4x8x128xf32, #tpu.memory_space<hbm>>
      %dma_start3A_653 = tpu.memref_squeeze %dma_start3A_652 : memref<1x1x4x8x128xf32, #tpu.memory_space<hbm>> -> memref<4x8x128xf32, #tpu.memory_space<hbm>>
      %dma_start3A_654 = arith.constant 0 : i32
      %dma_start3A_655 = arith.constant 0 : i32
      %dma_start3A_656 = arith.constant 0 : i32
      %dma_start3A_657 = tpu.memref_slice %arg9[%dma_start3A_636, %dma_start3A_654, %dma_start3A_655, %dma_start3A_656] : memref<4x4x10x129xf32, #tpu.memory_space<vmem>> -> memref<1x4x8x128xf32, #tpu.memory_space<vmem>>
      %dma_start3A_658 = tpu.memref_squeeze %dma_start3A_657 : memref<1x4x8x128xf32, #tpu.memory_space<vmem>> -> memref<4x8x128xf32, #tpu.memory_space<vmem>>
      tpu.enqueue_dma source(%dma_start3A_658 : memref<4x8x128xf32, #tpu.memory_space<vmem>>) target(%dma_start3A_653 : memref<4x8x128xf32, #tpu.memory_space<hbm>>) target_semaphore(%dma_start3A_649 : memref<!tpu.dma_semaphore, #tpu.memory_space<semaphore_mem>>)
      %add3A_659 = arith.addi %mul3A_52, %add3A_528 : i32
      %dma_start3A_660 = arith.constant 3 : i32
      %dma_start3A_661 = arith.constant 3 : i32
      %dma_start3A_662 = arith.constant 1 : i32
      %dma_start3A_663 = arith.constant 0 : i32
      %dma_start3A_664 = arith.constant 0 : i32
      %dma_start3A_665 = arith.constant 0 : i32
      %dma_start3A_666 = tpu.memref_slice %arg9[%dma_start3A_660, %dma_start3A_663, %dma_start3A_664, %dma_start3A_665] : memref<4x4x10x129xf32, #tpu.memory_space<vmem>> -> memref<1x4x8x128xf32, #tpu.memory_space<vmem>>
      %dma_start3A_667 = tpu.memref_squeeze %dma_start3A_666 : memref<1x4x8x128xf32, #tpu.memory_space<vmem>> -> memref<4x8x128xf32, #tpu.memory_space<vmem>>
      %dma_start3A_668 = arith.constant 0 : i32
      %dma_start3A_669 = arith.constant 0 : i32
      %dma_start3A_670 = tpu.memref_slice %arg4[%add3A_659, %dma_start3A_661, %mul3A_11, %dma_start3A_668, %dma_start3A_669] : memref<200x4x32x8x128xf32, #tpu.memory_space<hbm>> -> memref<1x1x4x8x128xf32, #tpu.memory_space<hbm>>
      %dma_start3A_671 = tpu.memref_squeeze %dma_start3A_670 : memref<1x1x4x8x128xf32, #tpu.memory_space<hbm>> -> memref<4x8x128xf32, #tpu.memory_space<hbm>>
      %dma_start3A_672 = tpu.memref_slice %arg11[%dma_start3A_662] : memref<2x!tpu.dma_semaphore, #tpu.memory_space<semaphore_mem>> -> memref<1x!tpu.dma_semaphore, #tpu.memory_space<semaphore_mem>>
      %dma_start3A_673 = tpu.memref_squeeze %dma_start3A_672 : memref<1x!tpu.dma_semaphore, #tpu.memory_space<semaphore_mem>> -> memref<!tpu.dma_semaphore, #tpu.memory_space<semaphore_mem>>
      %dma_start3A_674 = arith.constant 0 : i32
      %dma_start3A_675 = arith.constant 0 : i32
      %dma_start3A_676 = tpu.memref_slice %arg4[%add3A_659, %dma_start3A_661, %mul3A_11, %dma_start3A_674, %dma_start3A_675] : memref<200x4x32x8x128xf32, #tpu.memory_space<hbm>> -> memref<1x1x4x8x128xf32, #tpu.memory_space<hbm>>
      %dma_start3A_677 = tpu.memref_squeeze %dma_start3A_676 : memref<1x1x4x8x128xf32, #tpu.memory_space<hbm>> -> memref<4x8x128xf32, #tpu.memory_space<hbm>>
      %dma_start3A_678 = arith.constant 0 : i32
      %dma_start3A_679 = arith.constant 0 : i32
      %dma_start3A_680 = arith.constant 0 : i32
      %dma_start3A_681 = tpu.memref_slice %arg9[%dma_start3A_660, %dma_start3A_678, %dma_start3A_679, %dma_start3A_680] : memref<4x4x10x129xf32, #tpu.memory_space<vmem>> -> memref<1x4x8x128xf32, #tpu.memory_space<vmem>>
      %dma_start3A_682 = tpu.memref_squeeze %dma_start3A_681 : memref<1x4x8x128xf32, #tpu.memory_space<vmem>> -> memref<4x8x128xf32, #tpu.memory_space<vmem>>
      tpu.enqueue_dma source(%dma_start3A_682 : memref<4x8x128xf32, #tpu.memory_space<vmem>>) target(%dma_start3A_677 : memref<4x8x128xf32, #tpu.memory_space<hbm>>) target_semaphore(%dma_start3A_673 : memref<!tpu.dma_semaphore, #tpu.memory_space<semaphore_mem>>)
    }
    %scan3A_185 = arith.constant 25 : i32
    %dma_wait3A = arith.constant 0 : i32
    %dma_wait3A_186 = arith.constant 0 : i32
    %dma_wait3A_187 = arith.constant 0 : i32
    %dma_wait3A_188 = arith.constant 0 : i32
    %dma_wait3A_189 = arith.constant 0 : i32
    %dma_wait3A_190 = arith.constant 0 : i32
    %dma_wait3A_191 = tpu.memref_slice %arg8[%dma_wait3A, %dma_wait3A_188, %dma_wait3A_189, %dma_wait3A_190] : memref<4x4x10x129xf32, #tpu.memory_space<vmem>> -> memref<1x4x8x128xf32, #tpu.memory_space<vmem>>
    %dma_wait3A_192 = tpu.memref_squeeze %dma_wait3A_191 : memref<1x4x8x128xf32, #tpu.memory_space<vmem>> -> memref<4x8x128xf32, #tpu.memory_space<vmem>>
    %dma_wait3A_193 = arith.constant 0 : i32
    %dma_wait3A_194 = arith.constant 0 : i32
    %dma_wait3A_195 = tpu.memref_slice %arg4[%mul3A_52, %dma_wait3A_186, %mul3A_11, %dma_wait3A_193, %dma_wait3A_194] : memref<200x4x32x8x128xf32, #tpu.memory_space<hbm>> -> memref<1x1x4x8x128xf32, #tpu.memory_space<hbm>>
    %dma_wait3A_196 = tpu.memref_squeeze %dma_wait3A_195 : memref<1x1x4x8x128xf32, #tpu.memory_space<hbm>> -> memref<4x8x128xf32, #tpu.memory_space<hbm>>
    %dma_wait3A_197 = tpu.memref_slice %arg11[%dma_wait3A_187] : memref<2x!tpu.dma_semaphore, #tpu.memory_space<semaphore_mem>> -> memref<1x!tpu.dma_semaphore, #tpu.memory_space<semaphore_mem>>
    %dma_wait3A_198 = tpu.memref_squeeze %dma_wait3A_197 : memref<1x!tpu.dma_semaphore, #tpu.memory_space<semaphore_mem>> -> memref<!tpu.dma_semaphore, #tpu.memory_space<semaphore_mem>>
    %dma_wait3A_199 = arith.constant 0 : i32
    %dma_wait3A_200 = arith.constant 0 : i32
    %dma_wait3A_201 = tpu.memref_slice %arg4[%mul3A_52, %dma_wait3A_186, %mul3A_11, %dma_wait3A_199, %dma_wait3A_200] : memref<200x4x32x8x128xf32, #tpu.memory_space<hbm>> -> memref<1x1x4x8x128xf32, #tpu.memory_space<hbm>>
    %dma_wait3A_202 = tpu.memref_squeeze %dma_wait3A_201 : memref<1x1x4x8x128xf32, #tpu.memory_space<hbm>> -> memref<4x8x128xf32, #tpu.memory_space<hbm>>
    %dma_wait3A_203 = arith.constant 0 : i32
    %dma_wait3A_204 = arith.constant 0 : i32
    %dma_wait3A_205 = arith.constant 0 : i32
    %dma_wait3A_206 = tpu.memref_slice %arg8[%dma_wait3A, %dma_wait3A_203, %dma_wait3A_204, %dma_wait3A_205] : memref<4x4x10x129xf32, #tpu.memory_space<vmem>> -> memref<1x4x8x128xf32, #tpu.memory_space<vmem>>
    %dma_wait3A_207 = tpu.memref_squeeze %dma_wait3A_206 : memref<1x4x8x128xf32, #tpu.memory_space<vmem>> -> memref<4x8x128xf32, #tpu.memory_space<vmem>>
    tpu.wait_dma2 semaphore(%dma_wait3A_198 : memref<!tpu.dma_semaphore, #tpu.memory_space<semaphore_mem>>) src(%dma_wait3A_207 : memref<4x8x128xf32, #tpu.memory_space<vmem>>) dst(%dma_wait3A_202 : memref<4x8x128xf32, #tpu.memory_space<hbm>>)
    %dma_wait3A_208 = arith.constant 1 : i32
    %dma_wait3A_209 = arith.constant 1 : i32
    %dma_wait3A_210 = arith.constant 0 : i32
    %dma_wait3A_211 = arith.constant 0 : i32
    %dma_wait3A_212 = arith.constant 0 : i32
    %dma_wait3A_213 = arith.constant 0 : i32
    %dma_wait3A_214 = tpu.memref_slice %arg8[%dma_wait3A_208, %dma_wait3A_211, %dma_wait3A_212, %dma_wait3A_213] : memref<4x4x10x129xf32, #tpu.memory_space<vmem>> -> memref<1x4x8x128xf32, #tpu.memory_space<vmem>>
    %dma_wait3A_215 = tpu.memref_squeeze %dma_wait3A_214 : memref<1x4x8x128xf32, #tpu.memory_space<vmem>> -> memref<4x8x128xf32, #tpu.memory_space<vmem>>
    %dma_wait3A_216 = arith.constant 0 : i32
    %dma_wait3A_217 = arith.constant 0 : i32
    %dma_wait3A_218 = tpu.memref_slice %arg4[%mul3A_52, %dma_wait3A_209, %mul3A_11, %dma_wait3A_216, %dma_wait3A_217] : memref<200x4x32x8x128xf32, #tpu.memory_space<hbm>> -> memref<1x1x4x8x128xf32, #tpu.memory_space<hbm>>
    %dma_wait3A_219 = tpu.memref_squeeze %dma_wait3A_218 : memref<1x1x4x8x128xf32, #tpu.memory_space<hbm>> -> memref<4x8x128xf32, #tpu.memory_space<hbm>>
    %dma_wait3A_220 = tpu.memref_slice %arg11[%dma_wait3A_210] : memref<2x!tpu.dma_semaphore, #tpu.memory_space<semaphore_mem>> -> memref<1x!tpu.dma_semaphore, #tpu.memory_space<semaphore_mem>>
    %dma_wait3A_221 = tpu.memref_squeeze %dma_wait3A_220 : memref<1x!tpu.dma_semaphore, #tpu.memory_space<semaphore_mem>> -> memref<!tpu.dma_semaphore, #tpu.memory_space<semaphore_mem>>
    %dma_wait3A_222 = arith.constant 0 : i32
    %dma_wait3A_223 = arith.constant 0 : i32
    %dma_wait3A_224 = tpu.memref_slice %arg4[%mul3A_52, %dma_wait3A_209, %mul3A_11, %dma_wait3A_222, %dma_wait3A_223] : memref<200x4x32x8x128xf32, #tpu.memory_space<hbm>> -> memref<1x1x4x8x128xf32, #tpu.memory_space<hbm>>
    %dma_wait3A_225 = tpu.memref_squeeze %dma_wait3A_224 : memref<1x1x4x8x128xf32, #tpu.memory_space<hbm>> -> memref<4x8x128xf32, #tpu.memory_space<hbm>>
    %dma_wait3A_226 = arith.constant 0 : i32
    %dma_wait3A_227 = arith.constant 0 : i32
    %dma_wait3A_228 = arith.constant 0 : i32
    %dma_wait3A_229 = tpu.memref_slice %arg8[%dma_wait3A_208, %dma_wait3A_226, %dma_wait3A_227, %dma_wait3A_228] : memref<4x4x10x129xf32, #tpu.memory_space<vmem>> -> memref<1x4x8x128xf32, #tpu.memory_space<vmem>>
    %dma_wait3A_230 = tpu.memref_squeeze %dma_wait3A_229 : memref<1x4x8x128xf32, #tpu.memory_space<vmem>> -> memref<4x8x128xf32, #tpu.memory_space<vmem>>
    tpu.wait_dma2 semaphore(%dma_wait3A_221 : memref<!tpu.dma_semaphore, #tpu.memory_space<semaphore_mem>>) src(%dma_wait3A_230 : memref<4x8x128xf32, #tpu.memory_space<vmem>>) dst(%dma_wait3A_225 : memref<4x8x128xf32, #tpu.memory_space<hbm>>)
    %dma_wait3A_231 = arith.constant 2 : i32
    %dma_wait3A_232 = arith.constant 2 : i32
    %dma_wait3A_233 = arith.constant 0 : i32
    %dma_wait3A_234 = arith.constant 0 : i32
    %dma_wait3A_235 = arith.constant 0 : i32
    %dma_wait3A_236 = arith.constant 0 : i32
    %dma_wait3A_237 = tpu.memref_slice %arg8[%dma_wait3A_231, %dma_wait3A_234, %dma_wait3A_235, %dma_wait3A_236] : memref<4x4x10x129xf32, #tpu.memory_space<vmem>> -> memref<1x4x8x128xf32, #tpu.memory_space<vmem>>
    %dma_wait3A_238 = tpu.memref_squeeze %dma_wait3A_237 : memref<1x4x8x128xf32, #tpu.memory_space<vmem>> -> memref<4x8x128xf32, #tpu.memory_space<vmem>>
    %dma_wait3A_239 = arith.constant 0 : i32
    %dma_wait3A_240 = arith.constant 0 : i32
    %dma_wait3A_241 = tpu.memref_slice %arg4[%mul3A_52, %dma_wait3A_232, %mul3A_11, %dma_wait3A_239, %dma_wait3A_240] : memref<200x4x32x8x128xf32, #tpu.memory_space<hbm>> -> memref<1x1x4x8x128xf32, #tpu.memory_space<hbm>>
    %dma_wait3A_242 = tpu.memref_squeeze %dma_wait3A_241 : memref<1x1x4x8x128xf32, #tpu.memory_space<hbm>> -> memref<4x8x128xf32, #tpu.memory_space<hbm>>
    %dma_wait3A_243 = tpu.memref_slice %arg11[%dma_wait3A_233] : memref<2x!tpu.dma_semaphore, #tpu.memory_space<semaphore_mem>> -> memref<1x!tpu.dma_semaphore, #tpu.memory_space<semaphore_mem>>
    %dma_wait3A_244 = tpu.memref_squeeze %dma_wait3A_243 : memref<1x!tpu.dma_semaphore, #tpu.memory_space<semaphore_mem>> -> memref<!tpu.dma_semaphore, #tpu.memory_space<semaphore_mem>>
    %dma_wait3A_245 = arith.constant 0 : i32
    %dma_wait3A_246 = arith.constant 0 : i32
    %dma_wait3A_247 = tpu.memref_slice %arg4[%mul3A_52, %dma_wait3A_232, %mul3A_11, %dma_wait3A_245, %dma_wait3A_246] : memref<200x4x32x8x128xf32, #tpu.memory_space<hbm>> -> memref<1x1x4x8x128xf32, #tpu.memory_space<hbm>>
    %dma_wait3A_248 = tpu.memref_squeeze %dma_wait3A_247 : memref<1x1x4x8x128xf32, #tpu.memory_space<hbm>> -> memref<4x8x128xf32, #tpu.memory_space<hbm>>
    %dma_wait3A_249 = arith.constant 0 : i32
    %dma_wait3A_250 = arith.constant 0 : i32
    %dma_wait3A_251 = arith.constant 0 : i32
    %dma_wait3A_252 = tpu.memref_slice %arg8[%dma_wait3A_231, %dma_wait3A_249, %dma_wait3A_250, %dma_wait3A_251] : memref<4x4x10x129xf32, #tpu.memory_space<vmem>> -> memref<1x4x8x128xf32, #tpu.memory_space<vmem>>
    %dma_wait3A_253 = tpu.memref_squeeze %dma_wait3A_252 : memref<1x4x8x128xf32, #tpu.memory_space<vmem>> -> memref<4x8x128xf32, #tpu.memory_space<vmem>>
    tpu.wait_dma2 semaphore(%dma_wait3A_244 : memref<!tpu.dma_semaphore, #tpu.memory_space<semaphore_mem>>) src(%dma_wait3A_253 : memref<4x8x128xf32, #tpu.memory_space<vmem>>) dst(%dma_wait3A_248 : memref<4x8x128xf32, #tpu.memory_space<hbm>>)
    %dma_wait3A_254 = arith.constant 3 : i32
    %dma_wait3A_255 = arith.constant 3 : i32
    %dma_wait3A_256 = arith.constant 0 : i32
    %dma_wait3A_257 = arith.constant 0 : i32
    %dma_wait3A_258 = arith.constant 0 : i32
    %dma_wait3A_259 = arith.constant 0 : i32
    %dma_wait3A_260 = tpu.memref_slice %arg8[%dma_wait3A_254, %dma_wait3A_257, %dma_wait3A_258, %dma_wait3A_259] : memref<4x4x10x129xf32, #tpu.memory_space<vmem>> -> memref<1x4x8x128xf32, #tpu.memory_space<vmem>>
    %dma_wait3A_261 = tpu.memref_squeeze %dma_wait3A_260 : memref<1x4x8x128xf32, #tpu.memory_space<vmem>> -> memref<4x8x128xf32, #tpu.memory_space<vmem>>
    %dma_wait3A_262 = arith.constant 0 : i32
    %dma_wait3A_263 = arith.constant 0 : i32
    %dma_wait3A_264 = tpu.memref_slice %arg4[%mul3A_52, %dma_wait3A_255, %mul3A_11, %dma_wait3A_262, %dma_wait3A_263] : memref<200x4x32x8x128xf32, #tpu.memory_space<hbm>> -> memref<1x1x4x8x128xf32, #tpu.memory_space<hbm>>
    %dma_wait3A_265 = tpu.memref_squeeze %dma_wait3A_264 : memref<1x1x4x8x128xf32, #tpu.memory_space<hbm>> -> memref<4x8x128xf32, #tpu.memory_space<hbm>>
    %dma_wait3A_266 = tpu.memref_slice %arg11[%dma_wait3A_256] : memref<2x!tpu.dma_semaphore, #tpu.memory_space<semaphore_mem>> -> memref<1x!tpu.dma_semaphore, #tpu.memory_space<semaphore_mem>>
    %dma_wait3A_267 = tpu.memref_squeeze %dma_wait3A_266 : memref<1x!tpu.dma_semaphore, #tpu.memory_space<semaphore_mem>> -> memref<!tpu.dma_semaphore, #tpu.memory_space<semaphore_mem>>
    %dma_wait3A_268 = arith.constant 0 : i32
    %dma_wait3A_269 = arith.constant 0 : i32
    %dma_wait3A_270 = tpu.memref_slice %arg4[%mul3A_52, %dma_wait3A_255, %mul3A_11, %dma_wait3A_268, %dma_wait3A_269] : memref<200x4x32x8x128xf32, #tpu.memory_space<hbm>> -> memref<1x1x4x8x128xf32, #tpu.memory_space<hbm>>
    %dma_wait3A_271 = tpu.memref_squeeze %dma_wait3A_270 : memref<1x1x4x8x128xf32, #tpu.memory_space<hbm>> -> memref<4x8x128xf32, #tpu.memory_space<hbm>>
    %dma_wait3A_272 = arith.constant 0 : i32
    %dma_wait3A_273 = arith.constant 0 : i32
    %dma_wait3A_274 = arith.constant 0 : i32
    %dma_wait3A_275 = tpu.memref_slice %arg8[%dma_wait3A_254, %dma_wait3A_272, %dma_wait3A_273, %dma_wait3A_274] : memref<4x4x10x129xf32, #tpu.memory_space<vmem>> -> memref<1x4x8x128xf32, #tpu.memory_space<vmem>>
    %dma_wait3A_276 = tpu.memref_squeeze %dma_wait3A_275 : memref<1x4x8x128xf32, #tpu.memory_space<vmem>> -> memref<4x8x128xf32, #tpu.memory_space<vmem>>
    tpu.wait_dma2 semaphore(%dma_wait3A_267 : memref<!tpu.dma_semaphore, #tpu.memory_space<semaphore_mem>>) src(%dma_wait3A_276 : memref<4x8x128xf32, #tpu.memory_space<vmem>>) dst(%dma_wait3A_271 : memref<4x8x128xf32, #tpu.memory_space<hbm>>)
    %dma_wait3A_277 = arith.constant 0 : i32
    %dma_wait3A_278 = arith.constant 0 : i32
    %dma_wait3A_279 = arith.constant 1 : i32
    %dma_wait3A_280 = arith.constant 0 : i32
    %dma_wait3A_281 = arith.constant 0 : i32
    %dma_wait3A_282 = arith.constant 0 : i32
    %dma_wait3A_283 = tpu.memref_slice %arg9[%dma_wait3A_277, %dma_wait3A_280, %dma_wait3A_281, %dma_wait3A_282] : memref<4x4x10x129xf32, #tpu.memory_space<vmem>> -> memref<1x4x8x128xf32, #tpu.memory_space<vmem>>
    %dma_wait3A_284 = tpu.memref_squeeze %dma_wait3A_283 : memref<1x4x8x128xf32, #tpu.memory_space<vmem>> -> memref<4x8x128xf32, #tpu.memory_space<vmem>>
    %dma_wait3A_285 = arith.constant 0 : i32
    %dma_wait3A_286 = arith.constant 0 : i32
    %dma_wait3A_287 = tpu.memref_slice %arg4[%mul3A_52, %dma_wait3A_278, %mul3A_11, %dma_wait3A_285, %dma_wait3A_286] : memref<200x4x32x8x128xf32, #tpu.memory_space<hbm>> -> memref<1x1x4x8x128xf32, #tpu.memory_space<hbm>>
    %dma_wait3A_288 = tpu.memref_squeeze %dma_wait3A_287 : memref<1x1x4x8x128xf32, #tpu.memory_space<hbm>> -> memref<4x8x128xf32, #tpu.memory_space<hbm>>
    %dma_wait3A_289 = tpu.memref_slice %arg11[%dma_wait3A_279] : memref<2x!tpu.dma_semaphore, #tpu.memory_space<semaphore_mem>> -> memref<1x!tpu.dma_semaphore, #tpu.memory_space<semaphore_mem>>
    %dma_wait3A_290 = tpu.memref_squeeze %dma_wait3A_289 : memref<1x!tpu.dma_semaphore, #tpu.memory_space<semaphore_mem>> -> memref<!tpu.dma_semaphore, #tpu.memory_space<semaphore_mem>>
    %dma_wait3A_291 = arith.constant 0 : i32
    %dma_wait3A_292 = arith.constant 0 : i32
    %dma_wait3A_293 = tpu.memref_slice %arg4[%mul3A_52, %dma_wait3A_278, %mul3A_11, %dma_wait3A_291, %dma_wait3A_292] : memref<200x4x32x8x128xf32, #tpu.memory_space<hbm>> -> memref<1x1x4x8x128xf32, #tpu.memory_space<hbm>>
    %dma_wait3A_294 = tpu.memref_squeeze %dma_wait3A_293 : memref<1x1x4x8x128xf32, #tpu.memory_space<hbm>> -> memref<4x8x128xf32, #tpu.memory_space<hbm>>
    %dma_wait3A_295 = arith.constant 0 : i32
    %dma_wait3A_296 = arith.constant 0 : i32
    %dma_wait3A_297 = arith.constant 0 : i32
    %dma_wait3A_298 = tpu.memref_slice %arg9[%dma_wait3A_277, %dma_wait3A_295, %dma_wait3A_296, %dma_wait3A_297] : memref<4x4x10x129xf32, #tpu.memory_space<vmem>> -> memref<1x4x8x128xf32, #tpu.memory_space<vmem>>
    %dma_wait3A_299 = tpu.memref_squeeze %dma_wait3A_298 : memref<1x4x8x128xf32, #tpu.memory_space<vmem>> -> memref<4x8x128xf32, #tpu.memory_space<vmem>>
    tpu.wait_dma2 semaphore(%dma_wait3A_290 : memref<!tpu.dma_semaphore, #tpu.memory_space<semaphore_mem>>) src(%dma_wait3A_299 : memref<4x8x128xf32, #tpu.memory_space<vmem>>) dst(%dma_wait3A_294 : memref<4x8x128xf32, #tpu.memory_space<hbm>>)
    %dma_wait3A_300 = arith.constant 1 : i32
    %dma_wait3A_301 = arith.constant 1 : i32
    %dma_wait3A_302 = arith.constant 1 : i32
    %dma_wait3A_303 = arith.constant 0 : i32
    %dma_wait3A_304 = arith.constant 0 : i32
    %dma_wait3A_305 = arith.constant 0 : i32
    %dma_wait3A_306 = tpu.memref_slice %arg9[%dma_wait3A_300, %dma_wait3A_303, %dma_wait3A_304, %dma_wait3A_305] : memref<4x4x10x129xf32, #tpu.memory_space<vmem>> -> memref<1x4x8x128xf32, #tpu.memory_space<vmem>>
    %dma_wait3A_307 = tpu.memref_squeeze %dma_wait3A_306 : memref<1x4x8x128xf32, #tpu.memory_space<vmem>> -> memref<4x8x128xf32, #tpu.memory_space<vmem>>
    %dma_wait3A_308 = arith.constant 0 : i32
    %dma_wait3A_309 = arith.constant 0 : i32
    %dma_wait3A_310 = tpu.memref_slice %arg4[%mul3A_52, %dma_wait3A_301, %mul3A_11, %dma_wait3A_308, %dma_wait3A_309] : memref<200x4x32x8x128xf32, #tpu.memory_space<hbm>> -> memref<1x1x4x8x128xf32, #tpu.memory_space<hbm>>
    %dma_wait3A_311 = tpu.memref_squeeze %dma_wait3A_310 : memref<1x1x4x8x128xf32, #tpu.memory_space<hbm>> -> memref<4x8x128xf32, #tpu.memory_space<hbm>>
    %dma_wait3A_312 = tpu.memref_slice %arg11[%dma_wait3A_302] : memref<2x!tpu.dma_semaphore, #tpu.memory_space<semaphore_mem>> -> memref<1x!tpu.dma_semaphore, #tpu.memory_space<semaphore_mem>>
    %dma_wait3A_313 = tpu.memref_squeeze %dma_wait3A_312 : memref<1x!tpu.dma_semaphore, #tpu.memory_space<semaphore_mem>> -> memref<!tpu.dma_semaphore, #tpu.memory_space<semaphore_mem>>
    %dma_wait3A_314 = arith.constant 0 : i32
    %dma_wait3A_315 = arith.constant 0 : i32
    %dma_wait3A_316 = tpu.memref_slice %arg4[%mul3A_52, %dma_wait3A_301, %mul3A_11, %dma_wait3A_314, %dma_wait3A_315] : memref<200x4x32x8x128xf32, #tpu.memory_space<hbm>> -> memref<1x1x4x8x128xf32, #tpu.memory_space<hbm>>
    %dma_wait3A_317 = tpu.memref_squeeze %dma_wait3A_316 : memref<1x1x4x8x128xf32, #tpu.memory_space<hbm>> -> memref<4x8x128xf32, #tpu.memory_space<hbm>>
    %dma_wait3A_318 = arith.constant 0 : i32
    %dma_wait3A_319 = arith.constant 0 : i32
    %dma_wait3A_320 = arith.constant 0 : i32
    %dma_wait3A_321 = tpu.memref_slice %arg9[%dma_wait3A_300, %dma_wait3A_318, %dma_wait3A_319, %dma_wait3A_320] : memref<4x4x10x129xf32, #tpu.memory_space<vmem>> -> memref<1x4x8x128xf32, #tpu.memory_space<vmem>>
    %dma_wait3A_322 = tpu.memref_squeeze %dma_wait3A_321 : memref<1x4x8x128xf32, #tpu.memory_space<vmem>> -> memref<4x8x128xf32, #tpu.memory_space<vmem>>
    tpu.wait_dma2 semaphore(%dma_wait3A_313 : memref<!tpu.dma_semaphore, #tpu.memory_space<semaphore_mem>>) src(%dma_wait3A_322 : memref<4x8x128xf32, #tpu.memory_space<vmem>>) dst(%dma_wait3A_317 : memref<4x8x128xf32, #tpu.memory_space<hbm>>)
    %dma_wait3A_323 = arith.constant 2 : i32
    %dma_wait3A_324 = arith.constant 2 : i32
    %dma_wait3A_325 = arith.constant 1 : i32
    %dma_wait3A_326 = arith.constant 0 : i32
    %dma_wait3A_327 = arith.constant 0 : i32
    %dma_wait3A_328 = arith.constant 0 : i32
    %dma_wait3A_329 = tpu.memref_slice %arg9[%dma_wait3A_323, %dma_wait3A_326, %dma_wait3A_327, %dma_wait3A_328] : memref<4x4x10x129xf32, #tpu.memory_space<vmem>> -> memref<1x4x8x128xf32, #tpu.memory_space<vmem>>
    %dma_wait3A_330 = tpu.memref_squeeze %dma_wait3A_329 : memref<1x4x8x128xf32, #tpu.memory_space<vmem>> -> memref<4x8x128xf32, #tpu.memory_space<vmem>>
    %dma_wait3A_331 = arith.constant 0 : i32
    %dma_wait3A_332 = arith.constant 0 : i32
    %dma_wait3A_333 = tpu.memref_slice %arg4[%mul3A_52, %dma_wait3A_324, %mul3A_11, %dma_wait3A_331, %dma_wait3A_332] : memref<200x4x32x8x128xf32, #tpu.memory_space<hbm>> -> memref<1x1x4x8x128xf32, #tpu.memory_space<hbm>>
    %dma_wait3A_334 = tpu.memref_squeeze %dma_wait3A_333 : memref<1x1x4x8x128xf32, #tpu.memory_space<hbm>> -> memref<4x8x128xf32, #tpu.memory_space<hbm>>
    %dma_wait3A_335 = tpu.memref_slice %arg11[%dma_wait3A_325] : memref<2x!tpu.dma_semaphore, #tpu.memory_space<semaphore_mem>> -> memref<1x!tpu.dma_semaphore, #tpu.memory_space<semaphore_mem>>
    %dma_wait3A_336 = tpu.memref_squeeze %dma_wait3A_335 : memref<1x!tpu.dma_semaphore, #tpu.memory_space<semaphore_mem>> -> memref<!tpu.dma_semaphore, #tpu.memory_space<semaphore_mem>>
    %dma_wait3A_337 = arith.constant 0 : i32
    %dma_wait3A_338 = arith.constant 0 : i32
    %dma_wait3A_339 = tpu.memref_slice %arg4[%mul3A_52, %dma_wait3A_324, %mul3A_11, %dma_wait3A_337, %dma_wait3A_338] : memref<200x4x32x8x128xf32, #tpu.memory_space<hbm>> -> memref<1x1x4x8x128xf32, #tpu.memory_space<hbm>>
    %dma_wait3A_340 = tpu.memref_squeeze %dma_wait3A_339 : memref<1x1x4x8x128xf32, #tpu.memory_space<hbm>> -> memref<4x8x128xf32, #tpu.memory_space<hbm>>
    %dma_wait3A_341 = arith.constant 0 : i32
    %dma_wait3A_342 = arith.constant 0 : i32
    %dma_wait3A_343 = arith.constant 0 : i32
    %dma_wait3A_344 = tpu.memref_slice %arg9[%dma_wait3A_323, %dma_wait3A_341, %dma_wait3A_342, %dma_wait3A_343] : memref<4x4x10x129xf32, #tpu.memory_space<vmem>> -> memref<1x4x8x128xf32, #tpu.memory_space<vmem>>
    %dma_wait3A_345 = tpu.memref_squeeze %dma_wait3A_344 : memref<1x4x8x128xf32, #tpu.memory_space<vmem>> -> memref<4x8x128xf32, #tpu.memory_space<vmem>>
    tpu.wait_dma2 semaphore(%dma_wait3A_336 : memref<!tpu.dma_semaphore, #tpu.memory_space<semaphore_mem>>) src(%dma_wait3A_345 : memref<4x8x128xf32, #tpu.memory_space<vmem>>) dst(%dma_wait3A_340 : memref<4x8x128xf32, #tpu.memory_space<hbm>>)
    %dma_wait3A_346 = arith.constant 3 : i32
    %dma_wait3A_347 = arith.constant 3 : i32
    %dma_wait3A_348 = arith.constant 1 : i32
    %dma_wait3A_349 = arith.constant 0 : i32
    %dma_wait3A_350 = arith.constant 0 : i32
    %dma_wait3A_351 = arith.constant 0 : i32
    %dma_wait3A_352 = tpu.memref_slice %arg9[%dma_wait3A_346, %dma_wait3A_349, %dma_wait3A_350, %dma_wait3A_351] : memref<4x4x10x129xf32, #tpu.memory_space<vmem>> -> memref<1x4x8x128xf32, #tpu.memory_space<vmem>>
    %dma_wait3A_353 = tpu.memref_squeeze %dma_wait3A_352 : memref<1x4x8x128xf32, #tpu.memory_space<vmem>> -> memref<4x8x128xf32, #tpu.memory_space<vmem>>
    %dma_wait3A_354 = arith.constant 0 : i32
    %dma_wait3A_355 = arith.constant 0 : i32
    %dma_wait3A_356 = tpu.memref_slice %arg4[%mul3A_52, %dma_wait3A_347, %mul3A_11, %dma_wait3A_354, %dma_wait3A_355] : memref<200x4x32x8x128xf32, #tpu.memory_space<hbm>> -> memref<1x1x4x8x128xf32, #tpu.memory_space<hbm>>
    %dma_wait3A_357 = tpu.memref_squeeze %dma_wait3A_356 : memref<1x1x4x8x128xf32, #tpu.memory_space<hbm>> -> memref<4x8x128xf32, #tpu.memory_space<hbm>>
    %dma_wait3A_358 = tpu.memref_slice %arg11[%dma_wait3A_348] : memref<2x!tpu.dma_semaphore, #tpu.memory_space<semaphore_mem>> -> memref<1x!tpu.dma_semaphore, #tpu.memory_space<semaphore_mem>>
    %dma_wait3A_359 = tpu.memref_squeeze %dma_wait3A_358 : memref<1x!tpu.dma_semaphore, #tpu.memory_space<semaphore_mem>> -> memref<!tpu.dma_semaphore, #tpu.memory_space<semaphore_mem>>
    %dma_wait3A_360 = arith.constant 0 : i32
    %dma_wait3A_361 = arith.constant 0 : i32
    %dma_wait3A_362 = tpu.memref_slice %arg4[%mul3A_52, %dma_wait3A_347, %mul3A_11, %dma_wait3A_360, %dma_wait3A_361] : memref<200x4x32x8x128xf32, #tpu.memory_space<hbm>> -> memref<1x1x4x8x128xf32, #tpu.memory_space<hbm>>
    %dma_wait3A_363 = tpu.memref_squeeze %dma_wait3A_362 : memref<1x1x4x8x128xf32, #tpu.memory_space<hbm>> -> memref<4x8x128xf32, #tpu.memory_space<hbm>>
    %dma_wait3A_364 = arith.constant 0 : i32
    %dma_wait3A_365 = arith.constant 0 : i32
    %dma_wait3A_366 = arith.constant 0 : i32
    %dma_wait3A_367 = tpu.memref_slice %arg9[%dma_wait3A_346, %dma_wait3A_364, %dma_wait3A_365, %dma_wait3A_366] : memref<4x4x10x129xf32, #tpu.memory_space<vmem>> -> memref<1x4x8x128xf32, #tpu.memory_space<vmem>>
    %dma_wait3A_368 = tpu.memref_squeeze %dma_wait3A_367 : memref<1x4x8x128xf32, #tpu.memory_space<vmem>> -> memref<4x8x128xf32, #tpu.memory_space<vmem>>
    tpu.wait_dma2 semaphore(%dma_wait3A_359 : memref<!tpu.dma_semaphore, #tpu.memory_space<semaphore_mem>>) src(%dma_wait3A_368 : memref<4x8x128xf32, #tpu.memory_space<vmem>>) dst(%dma_wait3A_363 : memref<4x8x128xf32, #tpu.memory_space<hbm>>)
    return
  }
}

</mosaic_0001>

<sc_bundles>
// kernel: _sc_lookup.3.cloned.1.call-start
scs
__scs_entry_jumppad:
0x0: {  	(pc) =	sbr.rel $0x88, $3  }
0x1: {  	(tag) =	ssettag $0x0;
	lr =	simm.s32 $0x1  }
0x2: {  	[smem:$0x3F9F] =	sst lr;
	_ =	strace $0xD0000000  }
0x3: {  	_ = 	snop  }
0x4: {  	_ = 	snop  }
0x5: {  	_ = 	snop  }
0x6: {  	_ = 	snop  }
0x7: {  	_ = 	snop  }
__scs_overlays_trampoline_lowered:
0x8: {  	[smem:$0x3FAE] =	sst s0  }
0x9: {  	[smem:$0x3FAF] =	sst s1  }
0xa: {  	[smem:$0x3FB0] =	sst s2  }
0xb: {  	[smem:$0x3FB1] =	sst s3  }
0xc: {  	[smem:$0x3FB2] =	sst s4  }
0xd: {  	[smem:$0x3FB3] =	sst s5  }
0xe: {  	[smem:$0x3FB4] =	sst s6  }
0xf: {  	[smem:$0x3FB5] =	sst s7  }
0x10: {  	[smem:$0x3FB6] =	sst s8  }
0x11: {  	[smem:$0x3FB7] =	sst s9;
	s0 =	simm.s32 @!p0 $0x0  }
0x12: {  	s1 =	sld [smem:$0x3F9D];
	s0 =	simm.s32 @p0 $0x1  }
0x13: {  	[smem:$0x3FB8] =	sst s0;
	s0 =	simm.s32 @!p1 $0x0  }
0x14: {  	s2 =	sld [smem:$0x3F9C];
	s0 =	simm.s32 @p1 $0x1  }
0x15: {  	[smem:$0x3FB9] =	sst s0;
	s0 =	simm.s32 @!p2 $0x0  }
0x16: {  	s3 =	sld [smem:$0x3FDB];
	s0 =	simm.s32 @p2 $0x1  }
0x17: {  	s4 =	simm.s32 $0x1BF5;
	[smem:$0x3FBB] =	sst s0  }
0x18: {  	s0 =	sld [smem:$0x3F9E];
	_ =	swait.ge [sflag:s4], $0x0  }
0x19: {  	s7 =	sld [smem:$0x3F9F]  }
0x1a: {  	s8 =	sadd.s32 $0xFFFFE003, lr  }
0x1b: {  	s9 =	sadd.s32 $0xFFFFFEF7, lr;
	s5 =	simm.s32 $0xFFFFFFFF;
	p2 =	slt.u32 s8, $0xFFFFF086  }
0x1c: {  	p1 =	slt.u32 s9, $0xF7A;
	s5 =	simm.s32 @!p2 $0x0  }
0x1d: {  	s5 =	simm.s32 @p1 $0x1;
	p0 =	seq.s32 s7, s2  }
0x1e: {  	s7 =	smul.u32 @!p0 $0xF7A, s2;
	p2 =	seq.s32 @!p0 s5, $0x0  }
0x1f: {  	s9 =	smul.u32 $0xF7A, s1;
	s8 =	simm.s32 @!p0 $0x1BF5;
	p2 =	por !p2, p0  }
0x20: {  	[sflag:s8] =	ssyncset.s32 @!p0 $0xFFFFF086;
	s6 =	sadd.s32 @!p0 s3, s7;
	s7 =	simm.s32 @!p0 $0x108  }
0x21: {  	s3 =	sadd.s32 s3, s9;
	s6 =	sadd.s32 @!p0 $0x88, s6;
	s7 =	simm.s32 @p2 $0x1082  }
0x22: {  	[simem:s7], [sflag:s8] =	dma.local @!p0 [hbm:s6], $0xF7A  }
0x23: {  	s9 =	sor.u32 $0xD0000000, s2;
	s6 =	simm.s32 $0x108;
	_ =	swait.ge @!p0 [sflag:s8], $0x0  }
0x24: {  	s3 =	sadd.s32 $0x88, s3;
	s6 =	simm.s32 @!p1 $0x1082;
	[sflag:s4] =	ssyncset.s32 $0xFFFFF086  }
0x25: {  	[simem:s6], [sflag:s4] =	dma.local [hbm:s3], $0xF7A  }
0x26: {  	[smem:$0x3F9F] =	sst s1;
	(tag) =	ssettag s2;
	_ =	strace s9  }
0x27: {  	s1 =	sld [smem:$0x3FAF]  }
0x28: {  	s2 =	sld [smem:$0x3FB0]  }
0x29: {  	s4 =	sld [smem:$0x3FB2]  }
0x2a: {  	p0 =	seq.s32 s5, $0x0;
	s5 =	sld [smem:$0x3FB3]  }
0x2b: {  	s6 =	sld [smem:$0x3FB4]  }
0x2c: {  	s7 =	sld [smem:$0x3FB5]  }
0x2d: {  	s3 =	simm.s32 $0x108;
	s8 =	sld [smem:$0x3FB6]  }
0x2e: {  	s3 =	simm.s32 @!p0 $0x1082;
	s9 =	sld [smem:$0x3FB7]  }
0x2f: {  	lr =	sadd.s32 s0, s3;
	s0 =	sld [smem:$0x3FAE]  }
0x30: {  	s3 =	sld [smem:$0x3FB1]  }
0x31: {  	[smem:$0x3FBA] =	sst s10  }
0x32: {  	s10 =	sld [smem:$0x3FB8];
	_ =	sdelay $0x3  }
0x33: {  	p0 =	seq.s32 s10, $0x1;
	s10 =	sld [smem:$0x3FBA];
	_ =	sdelay $0x3  }
0x34: {  	[smem:$0x3FBA] =	sst s10  }
0x35: {  	s10 =	sld [smem:$0x3FB9];
	_ =	sdelay $0x3  }
0x36: {  	p1 =	seq.s32 s10, $0x1;
	s10 =	sld [smem:$0x3FBA];
	_ =	sdelay $0x3  }
0x37: {  	[smem:$0x3FBA] =	sst s10  }
0x38: {  	s10 =	sld [smem:$0x3FBB]  }
0x39: {  	_ = 	snop;
	(pc) =	sbr.ind lr, $3  }
0x3a: {  	_ = 	snop  }
0x3b: {  	_ = 	snop  }
0x3c: {  	p2 =	seq.s32 s10, $0x1;
	s10 =	sld [smem:$0x3FBA]  }
0x3d: {  	_ =	shalt  }
0x3e: {  	_ =	shalt  }
0x3f: {  	_ =	shalt  }
0x40: {  	_ =	shalt  }
0x41: {  	_ =	shalt  }
0x42: {  	_ =	shalt  }
0x43: {  	_ =	shalt  }
0x44: {  	_ =	shalt  }
0x45: {  	_ =	shalt  }
0x46: {  	_ =	shalt  }
0x47: {  	_ =	shalt  }
0x48: {  	_ =	shalt  }
0x49: {  	_ =	shalt  }
0x4a: {  	_ =	shalt  }
0x4b: {  	_ =	shalt  }
0x4c: {  	_ =	shalt  }
0x4d: {  	_ =	shalt  }
0x4e: {  	_ =	shalt  }
0x4f: {  	_ =	shalt  }
0x50: {  	_ =	shalt  }
0x51: {  	_ =	shalt  }
0x52: {  	_ =	shalt  }
0x53: {  	_ =	shalt  }
0x54: {  	_ =	shalt  }
0x55: {  	_ =	shalt  }
0x56: {  	_ =	shalt  }
0x57: {  	_ =	shalt  }
0x58: {  	_ =	shalt  }
0x59: {  	_ =	shalt  }
0x5a: {  	_ =	shalt  }
0x5b: {  	_ =	shalt  }
0x5c: {  	_ =	shalt  }
0x5d: {  	_ =	shalt  }
0x5e: {  	_ =	shalt  }
0x5f: {  	_ =	shalt  }
0x60: {  	_ =	shalt  }
0x61: {  	_ =	shalt  }
0x62: {  	_ =	shalt  }
0x63: {  	_ =	shalt  }
0x64: {  	_ =	shalt  }
0x65: {  	_ =	shalt  }
0x66: {  	_ =	shalt  }
0x67: {  	_ =	shalt  }
0x68: {  	_ =	shalt  }
0x69: {  	_ =	shalt  }
0x6a: {  	_ =	shalt  }
0x6b: {  	_ =	shalt  }
0x6c: {  	_ =	shalt  }
0x6d: {  	_ =	shalt  }
0x6e: {  	_ =	shalt  }
0x6f: {  	_ =	shalt  }
0x70: {  	_ =	shalt  }
0x71: {  	_ =	shalt  }
0x72: {  	_ =	shalt  }
0x73: {  	_ =	shalt  }
0x74: {  	_ =	shalt  }
0x75: {  	_ =	shalt  }
0x76: {  	_ =	shalt  }
0x77: {  	_ =	shalt  }
0x78: {  	_ =	shalt  }
0x79: {  	_ =	shalt  }
0x7a: {  	_ =	shalt  }
0x7b: {  	_ =	shalt  }
0x7c: {  	_ =	shalt  }
0x7d: {  	_ =	shalt  }
0x7e: {  	_ =	shalt  }
0x7f: {  	_ =	shalt  }
0x80: {  	_ =	shalt  }
0x81: {  	_ =	shalt  }
0x82: {  	_ =	shalt  }
0x83: {  	_ =	shalt  }
0x84: {  	_ =	shalt  }
0x85: {  	_ =	shalt  }
0x86: {  	_ =	shalt  }
0x87: {  	_ =	shalt  }
.Lfunc_end0:
.L_simem_size_0:
called_computation_lowered:
.L_overlay_start_0:
0x88: {  	s2 =	sld [smem:$0x3FD9]  }
0x89: {  	s3 =	sld [smem:$0x3FFE];
	_ =	sdelay $0x1  }
0x8a: {  	s1 =	srdreg.scid  }
0x8b: {  	s0 =	sand.u32 $0x1, s1  }
0x8c: {  	s17 =	sshll.u32 s0, $0xA;
	s2 =	sadd.s32 s3, s2  }
0x8d: {  	s2 =	sadd.s32 s2, s17  }
0x8e: {  	[smem:$0x3FC6] =	sst s2  }
0x8f: {  	_ = 	snop  }
0x90: {  	s2 =	sld [smem:$0x3FD0];
	(tm) =	ssettm $0x1  }
0x91: {  	s18 =	sld [smem:$0x3FFB];
	_ =	sdelay $0x3  }
0x92: {  	_ =	strace s18  }
0x93: {  	s3 =	sld [smem:$0x3FFC];
	_ =	sdelay $0x3  }
0x94: {  	_ =	strace s3  }
0x95: {  	s3 =	sld [smem:$0x3FFD];
	_ =	sdelay $0x3  }
0x96: {  	_ =	strace s3  }
0x97: {  	_ =	strace $0x8FFFFFFF  }
0x98: {  	s19 =	sld [smem:$0x3FDB];
	_ =	sdelay $0x1  }
0x99: {  	s4 =	simm.s32 $_scs_section_size  }
0x9a: {  	s5 =	simm.s32 $_size__tile_overlayer_lowered;
	s6 =	simm.s32 $_tile_overlayer_lowered  }
0x9b: {  	s22 =	simm.s32 $0x1BFF;
	s21 =	sshll.u32 s6, $0x1;
	s3 =	sadd.s32 s4, s19  }
0x9c: {  	s7 =	simm.s32 $0x0;
	s20 =	sshll.u32 s5, $0x1;
	s5 =	sadd.s32 s21, s3  }
0x9d: {  	[timem:s7], [sflag:s22] =	dma.local [hbm:s5], s20  }
0x9e: {  	_ =	swait.ge [sflag:s22], s20  }
0x9f: {  	s4 =	ssub.s32 $0x0, s20;
	[sflag:s22] =	ssyncset.done $0x0  }
0xa0: {  	[sflag:s22] =	ssyncadd.s32 s4;
	_ =	sdelay $0x1  }
0xa1: {  	s23 =	simm.s32 $0x1B8B  }
0xa2: {  	_ =	swait.ge [sflag:s23], $0x1  }
0xa3: {  	[sflag:s23] =	ssyncset.done $0x0  }
0xa4: {  	s25 =	simm.s32 $0x1B8E;
	s24 =	sld [smem:$0x3FFE];
	[sflag:s23] =	ssyncadd.s32 $0xFFFFFFFF  }
0xa5: {  	s26 =	simm.s32 $execute0_lowered;
	[smem:$0x3FD2] =	sst s25  }
0xa6: {  	s5 =	sshll.u32 s26, $0x1;
	_ =	strace $0x80000046;
	[dreg:$0x1] =	wrdreg $0xFFFFFFFF  }
0xa7: {  	s28 =	simm.s32 $_size_execute0_lowered;
	s3 =	sadd.s32 s3, s5;
	[dreg:$0x0] =	wrdreg $0x0  }
0xa8: {  	s5 =	sshll.u32 s28, $0x1;
	[dreg:$0x2] =	wrdreg s3  }
0xa9: {  	[dreg:$0x3] =	wrdreg s5  }
0xaa: {  	[dreg:$0x4] =	wrdreg $0xC0  }
0xab: {  	_ =	task [dreg:s7], $0x5FFFF  }
0xac: {  	[dreg:$0x1] =	wrdreg $0xFFFFFFFF  }
0xad: {  	[dreg:$0x0] =	wrdreg $0x60  }
0xae: {  	[dreg:$0x2] =	wrdreg s24  }
0xaf: {  	[dreg:$0x3] =	wrdreg s2  }
0xb0: {  	[dreg:$0x4] =	wrdreg $0x9  }
0xb1: {  	_ =	task.clear_ibuf [dreg:s7], $0x5FFFF;
	_ =	strace $0x90000046  }
0xb2: {  	s29 =	simm.s32 $0x9;
	_ =	strace $0x80000048  }
0xb3: {  	_ =	swait.ge [sflag:s29], $0x1  }
0xb4: {  	[sflag:s29] =	ssyncadd.s32 $0xFFFFFFFF  }
0xb5: {  	_ =	strace $0x90000048  }
0xb6: {  	_ =	sfence  }
0xb7: {  	s30 =	sld [smem:$0x0];
	_ =	sdelay $0x2  }
0xb8: {  	s31 =	sshll.u32 s1, $0xD;
	s1 =	sshrl.u32 s1, $0x2  }
0xb9: {  	s3 =	sand.u32 $0x4000, s31;
	s1 =	sadd.s32 s1, s30  }
0xba: {  	s0 =	sor.u32 s3, s0;
	s1 =	sshll.u32 s1, $0x11  }
0xbb: {  	s0 =	sor.u32 s1, s0  }
0xbc: {  	s0 =	sadd.s32 $0x8F2B, s0  }
0xbd: {  	[sflag:s0] =	ssyncadd.remote.s32 $0x1  }
0xbe: {  	_ =	sfence.sel $0xFFFF  }
0xbf: {  	[dreg:$0x0] =	wrdreg $0xFFFFFFFF;
	(pc) =	sbr.abs _section_cstart, $3  }
0xc0: {  	[dreg:$0x1] =	wrdreg $0xFFFFFFFF  }
0xc1: {  	_ =	task.clear_ibuf [dreg:s7], $0x2FFFF;
	_ =	strace $0x9FFFFFFF  }
0xc2: {  	(tm) =	ssettm $0x7FFFFFFF  }
0xc3: {  	_ =	shalt  }
tec
execute0_lowered:
.L_overlay_start_1:
0x0: {  	(tag) =	ssettag $0x1  }
0x1: {  	vm14 =	vcmask $0x300;
	v0 =	vimm.s32 $0x18F8  }
0x2: {  	vm13 =	vcmask $0x704;
	v0 =	vsel vm14, $0x0, v0  }
0x3: {  	vm12 =	vcmask $0xB08;
	v0 =	vsel vm13, $0x88, v0  }
0x4: {  	vm11 =	vcmask $0xF0C;
	v0 =	vsel vm12, $0x110, v0  }
0x5: {  	vm10 =	vcmask $0x1310;
	v0 =	vsel vm11, $0x198, v0  }
0x6: {  	vm9 =	vcmask $0x1714;
	v0 =	vsel vm10, $0x220, v0  }
0x7: {  	vm8 =	vcmask $0x1B18;
	v0 =	vsel vm9, $0x2A8, v0  }
0x8: {  	vm7 =	vcmask $0x1F1C;
	v0 =	vsel vm8, $0x330, v0  }
0x9: {  	vm6 =	vcmask $0x2320;
	v0 =	vsel vm7, $0x3B8, v0  }
0xa: {  	vm5 =	vcmask $0x2724;
	v0 =	vsel vm6, $0x1540, v0  }
0xb: {  	vm4 =	vcmask $0x2B28;
	v0 =	vsel vm5, $0x15C8, v0  }
0xc: {  	vm3 =	vcmask $0x2F2C;
	v0 =	vsel vm4, $0x1650, v0  }
0xd: {  	vm2 =	vcmask $0x3330;
	vm1 =	vcmask $0x3734;
	v0 =	vsel vm3, $0x16D8, v0  }
0xe: {  	v1 =	vimm.s32 $0x0;
	vm0 =	vcmask $0x3B38;
	v0 =	vsel vm2, $0x1760, v0  }
0xf: {  	v2 =	vsel vm1, $0x17E8, v0;
	v0 =	vsel vm14, $0x3, v1;
	v1 =	vimm.s32 $0x4378  }
0x10: {  	v4 =	vsel vm0, $0x1870, v2;
	v2 =	vimm.s32 $0x18F9;
	v1 =	vsel vm14, $0x2A80, v1  }
0x11: {  	v3 =	vimm.s32 $0x4379;
	v2 =	vsel vm14, $0x1, v2;
	v1 =	vsel vm13, $0x2B08, v1  }
0x12: {  	v3 =	vsel vm14, $0x2A81, v3;
	v2 =	vsel vm13, $0x89, v2;
	v1 =	vsel vm12, $0x2B90, v1  }
0x13: {  	v3 =	vsel vm13, $0x2B09, v3;
	v2 =	vsel vm12, $0x111, v2;
	v1 =	vsel vm11, $0x2C18, v1  }
0x14: {  	v3 =	vsel vm12, $0x2B91, v3;
	v2 =	vsel vm11, $0x199, v2;
	v1 =	vsel vm10, $0x2CA0, v1  }
0x15: {  	v3 =	vsel vm11, $0x2C19, v3;
	v2 =	vsel vm10, $0x221, v2;
	v1 =	vsel vm9, $0x2D28, v1  }
0x16: {  	v3 =	vsel vm10, $0x2CA1, v3;
	v2 =	vsel vm9, $0x2A9, v2;
	v1 =	vsel vm8, $0x2DB0, v1  }
0x17: {  	v3 =	vsel vm9, $0x2D29, v3;
	v2 =	vsel vm8, $0x331, v2;
	v1 =	vsel vm7, $0x2E38, v1  }
0x18: {  	v3 =	vsel vm8, $0x2DB1, v3;
	v2 =	vsel vm7, $0x3B9, v2;
	v1 =	vsel vm6, $0x3FC0, v1  }
0x19: {  	v3 =	vsel vm7, $0x2E39, v3;
	v2 =	vsel vm6, $0x1541, v2;
	v1 =	vsel vm5, $0x4048, v1  }
0x1a: {  	v3 =	vsel vm6, $0x3FC1, v3;
	v2 =	vsel vm5, $0x15C9, v2;
	v1 =	vsel vm4, $0x40D0, v1  }
0x1b: {  	v3 =	vsel vm5, $0x4049, v3;
	v2 =	vsel vm4, $0x1651, v2;
	v1 =	vsel vm3, $0x4158, v1  }
0x1c: {  	v3 =	vsel vm4, $0x40D1, v3;
	v2 =	vsel vm3, $0x16D9, v2;
	v1 =	vsel vm2, $0x41E0, v1  }
0x1d: {  	v3 =	vsel vm3, $0x4159, v3;
	v2 =	vsel vm2, $0x1761, v2;
	v1 =	vsel vm1, $0x4268, v1  }
0x1e: {  	v3 =	vsel vm2, $0x41E1, v3;
	v2 =	vsel vm1, $0x17E9, v2;
	v1 =	vsel vm0, $0x42F0, v1  }
0x1f: {  	v3 =	vsel vm1, $0x4269, v3;
	[tilespmem:$0x1FEC0] =	vst v1;
	v1 =	vsel vm0, $0x1871, v2  }
0x20: {  	[tilespmem:$0x1FED0] =	vst v1;
	v1 =	vsel vm0, $0x42F1, v3  }
0x21: {  	[tilespmem:$0x1FEE0] =	vst v1;
	v1 =	vimm.s32 $0x18FA  }
0x22: {  	v2 =	vimm.s32 $0x437A;
	v1 =	vsel vm14, $0x2, v1  }
0x23: {  	v3 =	vimm.s32 $0x18FB;
	v2 =	vsel vm14, $0x2A82, v2;
	v1 =	vsel vm13, $0x8A, v1  }
0x24: {  	v3 =	vsel vm14, $0x3, v3;
	v2 =	vsel vm13, $0x2B0A, v2;
	v1 =	vsel vm12, $0x112, v1  }
0x25: {  	v3 =	vsel vm13, $0x8B, v3;
	v2 =	vsel vm12, $0x2B92, v2;
	v1 =	vsel vm11, $0x19A, v1  }
0x26: {  	v3 =	vsel vm12, $0x113, v3;
	v2 =	vsel vm11, $0x2C1A, v2;
	v1 =	vsel vm10, $0x222, v1  }
0x27: {  	v3 =	vsel vm11, $0x19B, v3;
	v2 =	vsel vm10, $0x2CA2, v2;
	v1 =	vsel vm9, $0x2AA, v1  }
0x28: {  	v3 =	vsel vm10, $0x223, v3;
	v2 =	vsel vm9, $0x2D2A, v2;
	v1 =	vsel vm8, $0x332, v1  }
0x29: {  	v3 =	vsel vm9, $0x2AB, v3;
	v2 =	vsel vm8, $0x2DB2, v2;
	v1 =	vsel vm7, $0x3BA, v1  }
0x2a: {  	v3 =	vsel vm8, $0x333, v3;
	v2 =	vsel vm7, $0x2E3A, v2;
	v1 =	vsel vm6, $0x1542, v1  }
0x2b: {  	v3 =	vsel vm7, $0x3BB, v3;
	v2 =	vsel vm6, $0x3FC2, v2;
	v1 =	vsel vm5, $0x15CA, v1  }
0x2c: {  	v3 =	vsel vm6, $0x1543, v3;
	v2 =	vsel vm5, $0x404A, v2;
	v1 =	vsel vm4, $0x1652, v1  }
0x2d: {  	v3 =	vsel vm5, $0x15CB, v3;
	v2 =	vsel vm4, $0x40D2, v2;
	v1 =	vsel vm3, $0x16DA, v1  }
0x2e: {  	v3 =	vsel vm4, $0x1653, v3;
	v2 =	vsel vm3, $0x415A, v2;
	v1 =	vsel vm2, $0x1762, v1  }
0x2f: {  	v3 =	vsel vm3, $0x16DB, v3;
	v2 =	vsel vm2, $0x41E2, v2;
	v1 =	vsel vm1, $0x17EA, v1  }
0x30: {  	v3 =	vsel vm2, $0x1763, v3;
	v2 =	vsel vm1, $0x426A, v2;
	v1 =	vsel vm0, $0x1872, v1  }
0x31: {  	v3 =	vsel vm1, $0x17EB, v3;
	[tilespmem:$0x1FEF0] =	vst v1;
	v1 =	vsel vm0, $0x42F2, v2  }
0x32: {  	[tilespmem:$0x1FF00] =	vst v1;
	v1 =	vsel vm0, $0x1873, v3  }
0x33: {  	[tilespmem:$0x1FF10] =	vst v1;
	v1 =	vimm.s32 $0x437B  }
0x34: {  	v2 =	vimm.s32 $0x18FC;
	v1 =	vsel vm14, $0x2A83, v1  }
0x35: {  	v3 =	vimm.s32 $0x437C;
	v2 =	vsel vm14, $0x4, v2;
	v1 =	vsel vm13, $0x2B0B, v1  }
0x36: {  	v3 =	vsel vm14, $0x2A84, v3;
	v2 =	vsel vm13, $0x8C, v2;
	v1 =	vsel vm12, $0x2B93, v1  }
0x37: {  	v3 =	vsel vm13, $0x2B0C, v3;
	v2 =	vsel vm12, $0x114, v2;
	v1 =	vsel vm11, $0x2C1B, v1  }
0x38: {  	v3 =	vsel vm12, $0x2B94, v3;
	v2 =	vsel vm11, $0x19C, v2;
	v1 =	vsel vm10, $0x2CA3, v1  }
0x39: {  	v3 =	vsel vm11, $0x2C1C, v3;
	v2 =	vsel vm10, $0x224, v2;
	v1 =	vsel vm9, $0x2D2B, v1  }
0x3a: {  	v3 =	vsel vm10, $0x2CA4, v3;
	v2 =	vsel vm9, $0x2AC, v2;
	v1 =	vsel vm8, $0x2DB3, v1  }
0x3b: {  	v3 =	vsel vm9, $0x2D2C, v3;
	v2 =	vsel vm8, $0x334, v2;
	v1 =	vsel vm7, $0x2E3B, v1  }
0x3c: {  	v3 =	vsel vm8, $0x2DB4, v3;
	v2 =	vsel vm7, $0x3BC, v2;
	v1 =	vsel vm6, $0x3FC3, v1  }
0x3d: {  	v3 =	vsel vm7, $0x2E3C, v3;
	v2 =	vsel vm6, $0x1544, v2;
	v1 =	vsel vm5, $0x404B, v1  }
0x3e: {  	v3 =	vsel vm6, $0x3FC4, v3;
	v2 =	vsel vm5, $0x15CC, v2;
	v1 =	vsel vm4, $0x40D3, v1  }
0x3f: {  	v3 =	vsel vm5, $0x404C, v3;
	v2 =	vsel vm4, $0x1654, v2;
	v1 =	vsel vm3, $0x415B, v1  }
0x40: {  	v3 =	vsel vm4, $0x40D4, v3;
	v2 =	vsel vm3, $0x16DC, v2;
	v1 =	vsel vm2, $0x41E3, v1  }
0x41: {  	v3 =	vsel vm3, $0x415C, v3;
	v2 =	vsel vm2, $0x1764, v2;
	v1 =	vsel vm1, $0x426B, v1  }
0x42: {  	v3 =	vsel vm2, $0x41E4, v3;
	v2 =	vsel vm1, $0x17EC, v2;
	v1 =	vsel vm0, $0x42F3, v1  }
0x43: {  	v3 =	vsel vm1, $0x426C, v3;
	[tilespmem:$0x1FF20] =	vst v1;
	v1 =	vsel vm0, $0x1874, v2  }
0x44: {  	[tilespmem:$0x1FF30] =	vst v1;
	v1 =	vsel vm0, $0x42F4, v3  }
0x45: {  	[tilespmem:$0x1FF40] =	vst v1;
	v1 =	vimm.s32 $0x18FD  }
0x46: {  	v2 =	vimm.s32 $0x437D;
	v1 =	vsel vm14, $0x5, v1  }
0x47: {  	v3 =	vimm.s32 $0x18FE;
	v2 =	vsel vm14, $0x2A85, v2;
	v1 =	vsel vm13, $0x8D, v1  }
0x48: {  	v3 =	vsel vm14, $0x6, v3;
	v2 =	vsel vm13, $0x2B0D, v2;
	v1 =	vsel vm12, $0x115, v1  }
0x49: {  	v3 =	vsel vm13, $0x8E, v3;
	v2 =	vsel vm12, $0x2B95, v2;
	v1 =	vsel vm11, $0x19D, v1  }
0x4a: {  	v3 =	vsel vm12, $0x116, v3;
	v2 =	vsel vm11, $0x2C1D, v2;
	v1 =	vsel vm10, $0x225, v1  }
0x4b: {  	v3 =	vsel vm11, $0x19E, v3;
	v2 =	vsel vm10, $0x2CA5, v2;
	v1 =	vsel vm9, $0x2AD, v1  }
0x4c: {  	v3 =	vsel vm10, $0x226, v3;
	v2 =	vsel vm9, $0x2D2D, v2;
	v1 =	vsel vm8, $0x335, v1  }
0x4d: {  	v3 =	vsel vm9, $0x2AE, v3;
	v2 =	vsel vm8, $0x2DB5, v2;
	v1 =	vsel vm7, $0x3BD, v1  }
0x4e: {  	v3 =	vsel vm8, $0x336, v3;
	v2 =	vsel vm7, $0x2E3D, v2;
	v1 =	vsel vm6, $0x1545, v1  }
0x4f: {  	v3 =	vsel vm7, $0x3BE, v3;
	v2 =	vsel vm6, $0x3FC5, v2;
	v1 =	vsel vm5, $0x15CD, v1  }
0x50: {  	v3 =	vsel vm6, $0x1546, v3;
	v2 =	vsel vm5, $0x404D, v2;
	v1 =	vsel vm4, $0x1655, v1  }
0x51: {  	v3 =	vsel vm5, $0x15CE, v3;
	v2 =	vsel vm4, $0x40D5, v2;
	v1 =	vsel vm3, $0x16DD, v1  }
0x52: {  	v3 =	vsel vm4, $0x1656, v3;
	v2 =	vsel vm3, $0x415D, v2;
	v1 =	vsel vm2, $0x1765, v1  }
0x53: {  	v3 =	vsel vm3, $0x16DE, v3;
	v2 =	vsel vm2, $0x41E5, v2;
	v1 =	vsel vm1, $0x17ED, v1  }
0x54: {  	v3 =	vsel vm2, $0x1766, v3;
	v2 =	vsel vm1, $0x426D, v2;
	v1 =	vsel vm0, $0x1875, v1  }
0x55: {  	v3 =	vsel vm1, $0x17EE, v3;
	[tilespmem:$0x1FF50] =	vst v1;
	v1 =	vsel vm0, $0x42F5, v2  }
0x56: {  	[tilespmem:$0x1FF60] =	vst v1;
	v1 =	vsel vm0, $0x1876, v3  }
0x57: {  	[tilespmem:$0x1FF70] =	vst v1;
	v1 =	vimm.s32 $0x437E  }
0x58: {  	v2 =	vimm.s32 $0x18FF;
	v1 =	vsel vm14, $0x2A86, v1  }
0x59: {  	v3 =	vimm.s32 $0x437F;
	v2 =	vsel vm14, $0x7, v2;
	v1 =	vsel vm13, $0x2B0E, v1  }
0x5a: {  	v3 =	vsel vm14, $0x2A87, v3;
	v2 =	vsel vm13, $0x8F, v2;
	v1 =	vsel vm12, $0x2B96, v1  }
0x5b: {  	v3 =	vsel vm13, $0x2B0F, v3;
	v2 =	vsel vm12, $0x117, v2;
	v1 =	vsel vm11, $0x2C1E, v1  }
0x5c: {  	v3 =	vsel vm12, $0x2B97, v3;
	v2 =	vsel vm11, $0x19F, v2;
	v1 =	vsel vm10, $0x2CA6, v1  }
0x5d: {  	v3 =	vsel vm11, $0x2C1F, v3;
	v2 =	vsel vm10, $0x227, v2;
	v1 =	vsel vm9, $0x2D2E, v1  }
0x5e: {  	v3 =	vsel vm10, $0x2CA7, v3;
	v2 =	vsel vm9, $0x2AF, v2;
	v1 =	vsel vm8, $0x2DB6, v1  }
0x5f: {  	v3 =	vsel vm9, $0x2D2F, v3;
	v2 =	vsel vm8, $0x337, v2;
	v1 =	vsel vm7, $0x2E3E, v1  }
0x60: {  	v3 =	vsel vm8, $0x2DB7, v3;
	v2 =	vsel vm7, $0x3BF, v2;
	v1 =	vsel vm6, $0x3FC6, v1  }
0x61: {  	v3 =	vsel vm7, $0x2E3F, v3;
	v2 =	vsel vm6, $0x1547, v2;
	v1 =	vsel vm5, $0x404E, v1  }
0x62: {  	v3 =	vsel vm6, $0x3FC7, v3;
	v2 =	vsel vm5, $0x15CF, v2;
	v1 =	vsel vm4, $0x40D6, v1  }
0x63: {  	v3 =	vsel vm5, $0x404F, v3;
	v2 =	vsel vm4, $0x1657, v2;
	v1 =	vsel vm3, $0x415E, v1  }
0x64: {  	v3 =	vsel vm4, $0x40D7, v3;
	v2 =	vsel vm3, $0x16DF, v2;
	v1 =	vsel vm2, $0x41E6, v1  }
0x65: {  	v3 =	vsel vm3, $0x415F, v3;
	v2 =	vsel vm2, $0x1767, v2;
	v1 =	vsel vm1, $0x426E, v1  }
0x66: {  	v3 =	vsel vm2, $0x41E7, v3;
	v2 =	vsel vm1, $0x17EF, v2;
	v1 =	vsel vm0, $0x42F6, v1  }
0x67: {  	v3 =	vsel vm1, $0x426F, v3;
	[tilespmem:$0x1FF80] =	vst v1;
	v1 =	vsel vm0, $0x1877, v2;
	v2 =	vimm.s32 $0x48C8  }
0x68: {  	[tilespmem:$0x1FF90] =	vst v1;
	v1 =	vsel vm0, $0x42F7, v3;
	v3 =	vimm.s32 $0x1E49;
	v2 =	vsel vm14, $0x2FD0, v2  }
0x69: {  	[tilespmem:$0x1FFA0] =	vst v1;
	v1 =	vimm.s32 $0x1E48;
	v3 =	vsel vm14, $0x551, v3;
	v2 =	vsel vm13, $0x3058, v2  }
0x6a: {  	v1 =	vsel vm14, $0x550, v1;
	v3 =	vsel vm13, $0x5D9, v3;
	v2 =	vsel vm12, $0x30E0, v2  }
0x6b: {  	v1 =	vsel vm13, $0x5D8, v1;
	v3 =	vsel vm12, $0x661, v3;
	v2 =	vsel vm11, $0x3168, v2  }
0x6c: {  	v1 =	vsel vm12, $0x660, v1;
	v3 =	vsel vm11, $0x6E9, v3;
	v2 =	vsel vm10, $0x31F0, v2  }
0x6d: {  	v1 =	vsel vm11, $0x6E8, v1;
	v3 =	vsel vm10, $0x771, v3;
	v2 =	vsel vm9, $0x3278, v2  }
0x6e: {  	v1 =	vsel vm10, $0x770, v1;
	v3 =	vsel vm9, $0x7F9, v3;
	v2 =	vsel vm8, $0x3300, v2  }
0x6f: {  	v1 =	vsel vm9, $0x7F8, v1;
	v3 =	vsel vm8, $0x881, v3;
	v2 =	vsel vm7, $0x3388, v2  }
0x70: {  	v1 =	vsel vm8, $0x880, v1;
	v3 =	vsel vm7, $0x909, v3;
	v2 =	vsel vm6, $0x4510, v2  }
0x71: {  	v1 =	vsel vm7, $0x908, v1;
	v3 =	vsel vm6, $0x1A91, v3;
	v2 =	vsel vm5, $0x4598, v2  }
0x72: {  	v1 =	vsel vm6, $0x1A90, v1;
	v3 =	vsel vm5, $0x1B19, v3;
	v2 =	vsel vm4, $0x4620, v2  }
0x73: {  	v1 =	vsel vm5, $0x1B18, v1;
	v3 =	vsel vm4, $0x1BA1, v3;
	v2 =	vsel vm3, $0x46A8, v2  }
0x74: {  	v1 =	vsel vm4, $0x1BA0, v1;
	v3 =	vsel vm3, $0x1C29, v3;
	v2 =	vsel vm2, $0x4730, v2  }
0x75: {  	v1 =	vsel vm3, $0x1C28, v1;
	v3 =	vsel vm2, $0x1CB1, v3;
	v2 =	vsel vm1, $0x47B8, v2  }
0x76: {  	v1 =	vsel vm2, $0x1CB0, v1;
	v3 =	vsel vm1, $0x1D39, v3;
	v6 =	vsel vm0, $0x4840, v2  }
0x77: {  	v2 =	vimm.s32 $0x1E4A;
	v1 =	vsel vm1, $0x1D38, v1;
	v7 =	vsel vm0, $0x1DC1, v3  }
0x78: {  	v3 =	vimm.s32 $0x48CA;
	v2 =	vsel vm14, $0x552, v2;
	v5 =	vsel vm0, $0x1DC0, v1  }
0x79: {  	v1 =	vimm.s32 $0x48C9;
	v3 =	vsel vm14, $0x2FD2, v3;
	v2 =	vsel vm13, $0x5DA, v2  }
0x7a: {  	v1 =	vsel vm14, $0x2FD1, v1;
	v3 =	vsel vm13, $0x305A, v3;
	v2 =	vsel vm12, $0x662, v2  }
0x7b: {  	v1 =	vsel vm13, $0x3059, v1;
	v3 =	vsel vm12, $0x30E2, v3;
	v2 =	vsel vm11, $0x6EA, v2  }
0x7c: {  	v1 =	vsel vm12, $0x30E1, v1;
	v3 =	vsel vm11, $0x316A, v3;
	v2 =	vsel vm10, $0x772, v2  }
0x7d: {  	v1 =	vsel vm11, $0x3169, v1;
	v3 =	vsel vm10, $0x31F2, v3;
	v2 =	vsel vm9, $0x7FA, v2  }
0x7e: {  	v1 =	vsel vm10, $0x31F1, v1;
	v3 =	vsel vm9, $0x327A, v3;
	v2 =	vsel vm8, $0x882, v2  }
0x7f: {  	v1 =	vsel vm9, $0x3279, v1;
	v3 =	vsel vm8, $0x3302, v3;
	v2 =	vsel vm7, $0x90A, v2  }
0x80: {  	v1 =	vsel vm8, $0x3301, v1;
	v3 =	vsel vm7, $0x338A, v3;
	v2 =	vsel vm6, $0x1A92, v2  }
0x81: {  	v1 =	vsel vm7, $0x3389, v1;
	v3 =	vsel vm6, $0x4512, v3;
	v2 =	vsel vm5, $0x1B1A, v2  }
0x82: {  	v1 =	vsel vm6, $0x4511, v1;
	v3 =	vsel vm5, $0x459A, v3;
	v2 =	vsel vm4, $0x1BA2, v2  }
0x83: {  	v1 =	vsel vm5, $0x4599, v1;
	v3 =	vsel vm4, $0x4622, v3;
	v2 =	vsel vm3, $0x1C2A, v2  }
0x84: {  	v1 =	vsel vm4, $0x4621, v1;
	v3 =	vsel vm3, $0x46AA, v3;
	v2 =	vsel vm2, $0x1CB2, v2  }
0x85: {  	v1 =	vsel vm3, $0x46A9, v1;
	v3 =	vsel vm2, $0x4732, v3;
	v2 =	vsel vm1, $0x1D3A, v2  }
0x86: {  	v1 =	vsel vm2, $0x4731, v1;
	v3 =	vsel vm1, $0x47BA, v3;
	v21 =	vsel vm0, $0x1DC2, v2  }
0x87: {  	v2 =	vimm.s32 $0x48CB;
	v1 =	vsel vm1, $0x47B9, v1;
	v22 =	vsel vm0, $0x4842, v3  }
0x88: {  	v3 =	vimm.s32 $0x1E4C;
	v2 =	vsel vm14, $0x2FD3, v2;
	v8 =	vsel vm0, $0x4841, v1  }
0x89: {  	v1 =	vimm.s32 $0x1E4B;
	v3 =	vsel vm14, $0x554, v3;
	v2 =	vsel vm13, $0x305B, v2  }
0x8a: {  	v1 =	vsel vm14, $0x553, v1;
	v3 =	vsel vm13, $0x5DC, v3;
	v2 =	vsel vm12, $0x30E3, v2  }
0x8b: {  	v1 =	vsel vm13, $0x5DB, v1;
	v3 =	vsel vm12, $0x664, v3;
	v2 =	vsel vm11, $0x316B, v2  }
0x8c: {  	v1 =	vsel vm12, $0x663, v1;
	v3 =	vsel vm11, $0x6EC, v3;
	v2 =	vsel vm10, $0x31F3, v2  }
0x8d: {  	v1 =	vsel vm11, $0x6EB, v1;
	v3 =	vsel vm10, $0x774, v3;
	v2 =	vsel vm9, $0x327B, v2  }
0x8e: {  	v1 =	vsel vm10, $0x773, v1;
	v3 =	vsel vm9, $0x7FC, v3;
	v2 =	vsel vm8, $0x3303, v2  }
0x8f: {  	v1 =	vsel vm9, $0x7FB, v1;
	v3 =	vsel vm8, $0x884, v3;
	v2 =	vsel vm7, $0x338B, v2  }
0x90: {  	v1 =	vsel vm8, $0x883, v1;
	v3 =	vsel vm7, $0x90C, v3;
	v2 =	vsel vm6, $0x4513, v2  }
0x91: {  	v1 =	vsel vm7, $0x90B, v1;
	v3 =	vsel vm6, $0x1A94, v3;
	v2 =	vsel vm5, $0x459B, v2  }
0x92: {  	v1 =	vsel vm6, $0x1A93, v1;
	v3 =	vsel vm5, $0x1B1C, v3;
	v2 =	vsel vm4, $0x4623, v2  }
0x93: {  	v1 =	vsel vm5, $0x1B1B, v1;
	v3 =	vsel vm4, $0x1BA4, v3;
	v2 =	vsel vm3, $0x46AB, v2  }
0x94: {  	v1 =	vsel vm4, $0x1BA3, v1;
	v3 =	vsel vm3, $0x1C2C, v3;
	v2 =	vsel vm2, $0x4733, v2  }
0x95: {  	v1 =	vsel vm3, $0x1C2B, v1;
	v3 =	vsel vm2, $0x1CB4, v3;
	v2 =	vsel vm1, $0x47BB, v2  }
0x96: {  	v1 =	vsel vm2, $0x1CB3, v1;
	v3 =	vsel vm1, $0x1D3C, v3;
	v24 =	vsel vm0, $0x4843, v2  }
0x97: {  	v2 =	vimm.s32 $0x1E4D;
	v1 =	vsel vm1, $0x1D3B, v1;
	v25 =	vsel vm0, $0x1DC4, v3  }
0x98: {  	v3 =	vimm.s32 $0x48CD;
	v2 =	vsel vm14, $0x555, v2;
	v23 =	vsel vm0, $0x1DC3, v1  }
0x99: {  	v1 =	vimm.s32 $0x48CC;
	v3 =	vsel vm14, $0x2FD5, v3;
	v2 =	vsel vm13, $0x5DD, v2  }
0x9a: {  	v1 =	vsel vm14, $0x2FD4, v1;
	v3 =	vsel vm13, $0x305D, v3;
	v2 =	vsel vm12, $0x665, v2  }
0x9b: {  	v1 =	vsel vm13, $0x305C, v1;
	v3 =	vsel vm12, $0x30E5, v3;
	v2 =	vsel vm11, $0x6ED, v2  }
0x9c: {  	v1 =	vsel vm12, $0x30E4, v1;
	v3 =	vsel vm11, $0x316D, v3;
	v2 =	vsel vm10, $0x775, v2  }
0x9d: {  	v1 =	vsel vm11, $0x316C, v1;
	v3 =	vsel vm10, $0x31F5, v3;
	v2 =	vsel vm9, $0x7FD, v2  }
0x9e: {  	v1 =	vsel vm10, $0x31F4, v1;
	v3 =	vsel vm9, $0x327D, v3;
	v2 =	vsel vm8, $0x885, v2  }
0x9f: {  	v1 =	vsel vm9, $0x327C, v1;
	v3 =	vsel vm8, $0x3305, v3;
	v2 =	vsel vm7, $0x90D, v2  }
0xa0: {  	v1 =	vsel vm8, $0x3304, v1;
	v3 =	vsel vm7, $0x338D, v3;
	v2 =	vsel vm6, $0x1A95, v2  }
0xa1: {  	v1 =	vsel vm7, $0x338C, v1;
	v3 =	vsel vm6, $0x4515, v3;
	v2 =	vsel vm5, $0x1B1D, v2  }
0xa2: {  	v1 =	vsel vm6, $0x4514, v1;
	v3 =	vsel vm5, $0x459D, v3;
	v2 =	vsel vm4, $0x1BA5, v2  }
0xa3: {  	v1 =	vsel vm5, $0x459C, v1;
	v3 =	vsel vm4, $0x4625, v3;
	v2 =	vsel vm3, $0x1C2D, v2  }
0xa4: {  	v1 =	vsel vm4, $0x4624, v1;
	v3 =	vsel vm3, $0x46AD, v3;
	v2 =	vsel vm2, $0x1CB5, v2  }
0xa5: {  	v1 =	vsel vm3, $0x46AC, v1;
	v3 =	vsel vm2, $0x4735, v3;
	v2 =	vsel vm1, $0x1D3D, v2  }
0xa6: {  	v1 =	vsel vm2, $0x4734, v1;
	v3 =	vsel vm1, $0x47BD, v3;
	v27 =	vsel vm0, $0x1DC5, v2  }
0xa7: {  	v2 =	vimm.s32 $0x48CE;
	v1 =	vsel vm1, $0x47BC, v1;
	v28 =	vsel vm0, $0x4845, v3  }
0xa8: {  	v3 =	vimm.s32 $0x1E4F;
	v2 =	vsel vm14, $0x2FD6, v2;
	v26 =	vsel vm0, $0x4844, v1  }
0xa9: {  	v1 =	vimm.s32 $0x1E4E;
	v3 =	vsel vm14, $0x557, v3;
	v2 =	vsel vm13, $0x305E, v2  }
0xaa: {  	v1 =	vsel vm14, $0x556, v1;
	v3 =	vsel vm13, $0x5DF, v3;
	v2 =	vsel vm12, $0x30E6, v2  }
0xab: {  	v1 =	vsel vm13, $0x5DE, v1;
	v3 =	vsel vm12, $0x667, v3;
	v2 =	vsel vm11, $0x316E, v2  }
0xac: {  	v1 =	vsel vm12, $0x666, v1;
	v3 =	vsel vm11, $0x6EF, v3;
	v2 =	vsel vm10, $0x31F6, v2  }
0xad: {  	v1 =	vsel vm11, $0x6EE, v1;
	v3 =	vsel vm10, $0x777, v3;
	v2 =	vsel vm9, $0x327E, v2  }
0xae: {  	v1 =	vsel vm10, $0x776, v1;
	v3 =	vsel vm9, $0x7FF, v3;
	v2 =	vsel vm8, $0x3306, v2  }
0xaf: {  	v1 =	vsel vm9, $0x7FE, v1;
	v3 =	vsel vm8, $0x887, v3;
	v2 =	vsel vm7, $0x338E, v2  }
0xb0: {  	v1 =	vsel vm8, $0x886, v1;
	v3 =	vsel vm7, $0x90F, v3;
	v2 =	vsel vm6, $0x4516, v2  }
0xb1: {  	v1 =	vsel vm7, $0x90E, v1;
	v3 =	vsel vm6, $0x1A97, v3;
	v2 =	vsel vm5, $0x459E, v2  }
0xb2: {  	v1 =	vsel vm6, $0x1A96, v1;
	v3 =	vsel vm5, $0x1B1F, v3;
	v2 =	vsel vm4, $0x4626, v2  }
0xb3: {  	v1 =	vsel vm5, $0x1B1E, v1;
	v3 =	vsel vm4, $0x1BA7, v3;
	v2 =	vsel vm3, $0x46AE, v2  }
0xb4: {  	v1 =	vsel vm4, $0x1BA6, v1;
	v3 =	vsel vm3, $0x1C2F, v3;
	v2 =	vsel vm2, $0x4736, v2  }
0xb5: {  	v1 =	vsel vm3, $0x1C2E, v1;
	v3 =	vsel vm2, $0x1CB7, v3;
	v2 =	vsel vm1, $0x47BE, v2  }
0xb6: {  	v1 =	vsel vm2, $0x1CB6, v1;
	v3 =	vsel vm1, $0x1D3F, v3;
	v30 =	vsel vm0, $0x4846, v2  }
0xb7: {  	v2 =	vimm.s32 $0x2398;
	v1 =	vsel vm1, $0x1D3E, v1;
	v31 =	vsel vm0, $0x1DC7, v3  }
0xb8: {  	v3 =	vimm.s32 $0x4E18;
	v2 =	vsel vm14, $0xAA0, v2;
	v29 =	vsel vm0, $0x1DC6, v1  }
0xb9: {  	v1 =	vimm.s32 $0x48CF;
	v3 =	vsel vm14, $0x3520, v3;
	v2 =	vsel vm13, $0xB28, v2  }
0xba: {  	v1 =	vsel vm14, $0x2FD7, v1;
	v3 =	vsel vm13, $0x35A8, v3;
	v2 =	vsel vm12, $0xBB0, v2  }
0xbb: {  	v1 =	vsel vm13, $0x305F, v1;
	v3 =	vsel vm12, $0x3630, v3;
	v2 =	vsel vm11, $0xC38, v2  }
0xbc: {  	v1 =	vsel vm12, $0x30E7, v1;
	v3 =	vsel vm11, $0x36B8, v3;
	v2 =	vsel vm10, $0xCC0, v2  }
0xbd: {  	v1 =	vsel vm11, $0x316F, v1;
	v3 =	vsel vm10, $0x3740, v3;
	v2 =	vsel vm9, $0xD48, v2  }
0xbe: {  	v1 =	vsel vm10, $0x31F7, v1;
	v3 =	vsel vm9, $0x37C8, v3;
	v2 =	vsel vm8, $0xDD0, v2  }
0xbf: {  	v1 =	vsel vm9, $0x327F, v1;
	v3 =	vsel vm8, $0x3850, v3;
	v2 =	vsel vm7, $0xE58, v2  }
0xc0: {  	v1 =	vsel vm8, $0x3307, v1;
	v3 =	vsel vm7, $0x38D8, v3;
	v2 =	vsel vm6, $0x1FE0, v2  }
0xc1: {  	v1 =	vsel vm7, $0x338F, v1;
	v3 =	vsel vm6, $0x4A60, v3;
	v2 =	vsel vm5, $0x2068, v2  }
0xc2: {  	v1 =	vsel vm6, $0x4517, v1;
	v3 =	vsel vm5, $0x4AE8, v3;
	v2 =	vsel vm4, $0x20F0, v2  }
0xc3: {  	v1 =	vsel vm5, $0x459F, v1;
	v3 =	vsel vm4, $0x4B70, v3;
	v2 =	vsel vm3, $0x2178, v2  }
0xc4: {  	v1 =	vsel vm4, $0x4627, v1;
	v3 =	vsel vm3, $0x4BF8, v3;
	v2 =	vsel vm2, $0x2200, v2  }
0xc5: {  	v1 =	vsel vm3, $0x46AF, v1;
	v3 =	vsel vm2, $0x4C80, v3;
	v2 =	vsel vm1, $0x2288, v2  }
0xc6: {  	v1 =	vsel vm2, $0x4737, v1;
	v3 =	vsel vm1, $0x4D08, v3;
	v33 =	vsel vm0, $0x2310, v2  }
0xc7: {  	v2 =	vimm.s32 $0x4E19;
	v1 =	vsel vm1, $0x47BF, v1;
	v34 =	vsel vm0, $0x4D90, v3  }
0xc8: {  	v3 =	vimm.s32 $0x239A;
	v2 =	vsel vm14, $0x3521, v2;
	v32 =	vsel vm0, $0x4847, v1  }
0xc9: {  	v1 =	vimm.s32 $0x2399;
	v3 =	vsel vm14, $0xAA2, v3;
	v2 =	vsel vm13, $0x35A9, v2  }
0xca: {  	v1 =	vsel vm14, $0xAA1, v1;
	v3 =	vsel vm13, $0xB2A, v3;
	v2 =	vsel vm12, $0x3631, v2  }
0xcb: {  	v1 =	vsel vm13, $0xB29, v1;
	v3 =	vsel vm12, $0xBB2, v3;
	v2 =	vsel vm11, $0x36B9, v2  }
0xcc: {  	v1 =	vsel vm12, $0xBB1, v1;
	v3 =	vsel vm11, $0xC3A, v3;
	v2 =	vsel vm10, $0x3741, v2  }
0xcd: {  	v1 =	vsel vm11, $0xC39, v1;
	v3 =	vsel vm10, $0xCC2, v3;
	v2 =	vsel vm9, $0x37C9, v2  }
0xce: {  	v1 =	vsel vm10, $0xCC1, v1;
	v3 =	vsel vm9, $0xD4A, v3;
	v2 =	vsel vm8, $0x3851, v2  }
0xcf: {  	v1 =	vsel vm9, $0xD49, v1;
	v3 =	vsel vm8, $0xDD2, v3;
	v2 =	vsel vm7, $0x38D9, v2  }
0xd0: {  	v1 =	vsel vm8, $0xDD1, v1;
	v3 =	vsel vm7, $0xE5A, v3;
	v2 =	vsel vm6, $0x4A61, v2  }
0xd1: {  	v1 =	vsel vm7, $0xE59, v1;
	v3 =	vsel vm6, $0x1FE2, v3;
	v2 =	vsel vm5, $0x4AE9, v2  }
0xd2: {  	v1 =	vsel vm6, $0x1FE1, v1;
	v3 =	vsel vm5, $0x206A, v3;
	v2 =	vsel vm4, $0x4B71, v2  }
0xd3: {  	v1 =	vsel vm5, $0x2069, v1;
	v3 =	vsel vm4, $0x20F2, v3;
	v2 =	vsel vm3, $0x4BF9, v2  }
0xd4: {  	v1 =	vsel vm4, $0x20F1, v1;
	v3 =	vsel vm3, $0x217A, v3;
	v2 =	vsel vm2, $0x4C81, v2  }
0xd5: {  	v1 =	vsel vm3, $0x2179, v1;
	v3 =	vsel vm2, $0x2202, v3;
	v2 =	vsel vm1, $0x4D09, v2  }
0xd6: {  	v1 =	vsel vm2, $0x2201, v1;
	v3 =	vsel vm1, $0x228A, v3;
	v36 =	vsel vm0, $0x4D91, v2  }
0xd7: {  	v2 =	vimm.s32 $0x239B;
	v1 =	vsel vm1, $0x2289, v1;
	v37 =	vsel vm0, $0x2312, v3  }
0xd8: {  	v3 =	vimm.s32 $0x4E1B;
	v2 =	vsel vm14, $0xAA3, v2;
	v35 =	vsel vm0, $0x2311, v1  }
0xd9: {  	v1 =	vimm.s32 $0x4E1A;
	v3 =	vsel vm14, $0x3523, v3;
	v2 =	vsel vm13, $0xB2B, v2  }
0xda: {  	v1 =	vsel vm14, $0x3522, v1;
	v3 =	vsel vm13, $0x35AB, v3;
	v2 =	vsel vm12, $0xBB3, v2  }
0xdb: {  	v1 =	vsel vm13, $0x35AA, v1;
	v3 =	vsel vm12, $0x3633, v3;
	v2 =	vsel vm11, $0xC3B, v2  }
0xdc: {  	v1 =	vsel vm12, $0x3632, v1;
	v3 =	vsel vm11, $0x36BB, v3;
	v2 =	vsel vm10, $0xCC3, v2  }
0xdd: {  	v1 =	vsel vm11, $0x36BA, v1;
	v3 =	vsel vm10, $0x3743, v3;
	v2 =	vsel vm9, $0xD4B, v2  }
0xde: {  	v1 =	vsel vm10, $0x3742, v1;
	v3 =	vsel vm9, $0x37CB, v3;
	v2 =	vsel vm8, $0xDD3, v2  }
0xdf: {  	v1 =	vsel vm9, $0x37CA, v1;
	v3 =	vsel vm8, $0x3853, v3;
	v2 =	vsel vm7, $0xE5B, v2  }
0xe0: {  	v1 =	vsel vm8, $0x3852, v1;
	v3 =	vsel vm7, $0x38DB, v3;
	v2 =	vsel vm6, $0x1FE3, v2  }
0xe1: {  	v1 =	vsel vm7, $0x38DA, v1;
	v3 =	vsel vm6, $0x4A63, v3;
	v2 =	vsel vm5, $0x206B, v2  }
0xe2: {  	v1 =	vsel vm6, $0x4A62, v1;
	v3 =	vsel vm5, $0x4AEB, v3;
	v2 =	vsel vm4, $0x20F3, v2  }
0xe3: {  	v1 =	vsel vm5, $0x4AEA, v1;
	v3 =	vsel vm4, $0x4B73, v3;
	v2 =	vsel vm3, $0x217B, v2  }
0xe4: {  	v1 =	vsel vm4, $0x4B72, v1;
	v3 =	vsel vm3, $0x4BFB, v3;
	v2 =	vsel vm2, $0x2203, v2  }
0xe5: {  	v1 =	vsel vm3, $0x4BFA, v1;
	v3 =	vsel vm2, $0x4C83, v3;
	v2 =	vsel vm1, $0x228B, v2  }
0xe6: {  	v1 =	vsel vm2, $0x4C82, v1;
	v3 =	vsel vm1, $0x4D0B, v3;
	v39 =	vsel vm0, $0x2313, v2  }
0xe7: {  	v2 =	vimm.s32 $0x4E1C;
	v1 =	vsel vm1, $0x4D0A, v1;
	v40 =	vsel vm0, $0x4D93, v3  }
0xe8: {  	v3 =	vimm.s32 $0x239D;
	v2 =	vsel vm14, $0x3524, v2;
	v38 =	vsel vm0, $0x4D92, v1  }
0xe9: {  	v1 =	vimm.s32 $0x239C;
	v3 =	vsel vm14, $0xAA5, v3;
	v2 =	vsel vm13, $0x35AC, v2  }
0xea: {  	v1 =	vsel vm14, $0xAA4, v1;
	v3 =	vsel vm13, $0xB2D, v3;
	v2 =	vsel vm12, $0x3634, v2  }
0xeb: {  	v1 =	vsel vm13, $0xB2C, v1;
	v3 =	vsel vm12, $0xBB5, v3;
	v2 =	vsel vm11, $0x36BC, v2  }
0xec: {  	v1 =	vsel vm12, $0xBB4, v1;
	v3 =	vsel vm11, $0xC3D, v3;
	v2 =	vsel vm10, $0x3744, v2  }
0xed: {  	v1 =	vsel vm11, $0xC3C, v1;
	v3 =	vsel vm10, $0xCC5, v3;
	v2 =	vsel vm9, $0x37CC, v2  }
0xee: {  	v1 =	vsel vm10, $0xCC4, v1;
	v3 =	vsel vm9, $0xD4D, v3;
	v2 =	vsel vm8, $0x3854, v2  }
0xef: {  	v1 =	vsel vm9, $0xD4C, v1;
	v3 =	vsel vm8, $0xDD5, v3;
	v2 =	vsel vm7, $0x38DC, v2  }
0xf0: {  	v1 =	vsel vm8, $0xDD4, v1;
	v3 =	vsel vm7, $0xE5D, v3;
	v2 =	vsel vm6, $0x4A64, v2  }
0xf1: {  	v1 =	vsel vm7, $0xE5C, v1;
	v3 =	vsel vm6, $0x1FE5, v3;
	v2 =	vsel vm5, $0x4AEC, v2  }
0xf2: {  	v1 =	vsel vm6, $0x1FE4, v1;
	v3 =	vsel vm5, $0x206D, v3;
	v2 =	vsel vm4, $0x4B74, v2  }
0xf3: {  	v1 =	vsel vm5, $0x206C, v1;
	v3 =	vsel vm4, $0x20F5, v3;
	v2 =	vsel vm3, $0x4BFC, v2  }
0xf4: {  	v1 =	vsel vm4, $0x20F4, v1;
	v3 =	vsel vm3, $0x217D, v3;
	v2 =	vsel vm2, $0x4C84, v2  }
0xf5: {  	v1 =	vsel vm3, $0x217C, v1;
	v3 =	vsel vm2, $0x2205, v3;
	v2 =	vsel vm1, $0x4D0C, v2  }
0xf6: {  	v1 =	vsel vm2, $0x2204, v1;
	v3 =	vsel vm1, $0x228D, v3;
	v42 =	vsel vm0, $0x4D94, v2  }
0xf7: {  	v2 =	vimm.s32 $0x239E;
	v1 =	vsel vm1, $0x228C, v1;
	v43 =	vsel vm0, $0x2315, v3  }
0xf8: {  	v3 =	vimm.s32 $0x4E1E;
	v2 =	vsel vm14, $0xAA6, v2;
	v41 =	vsel vm0, $0x2314, v1  }
0xf9: {  	v1 =	vimm.s32 $0x4E1D;
	v3 =	vsel vm14, $0x3526, v3;
	v2 =	vsel vm13, $0xB2E, v2  }
0xfa: {  	v1 =	vsel vm14, $0x3525, v1;
	v3 =	vsel vm13, $0x35AE, v3;
	v2 =	vsel vm12, $0xBB6, v2  }
0xfb: {  	v1 =	vsel vm13, $0x35AD, v1;
	v3 =	vsel vm12, $0x3636, v3;
	v2 =	vsel vm11, $0xC3E, v2  }
0xfc: {  	v1 =	vsel vm12, $0x3635, v1;
	v3 =	vsel vm11, $0x36BE, v3;
	v2 =	vsel vm10, $0xCC6, v2  }
0xfd: {  	v1 =	vsel vm11, $0x36BD, v1;
	v3 =	vsel vm10, $0x3746, v3;
	v2 =	vsel vm9, $0xD4E, v2  }
0xfe: {  	v1 =	vsel vm10, $0x3745, v1;
	v3 =	vsel vm9, $0x37CE, v3;
	v2 =	vsel vm8, $0xDD6, v2  }
0xff: {  	v1 =	vsel vm9, $0x37CD, v1;
	v3 =	vsel vm8, $0x3856, v3;
	v2 =	vsel vm7, $0xE5E, v2  }
0x100: {  	v1 =	vsel vm8, $0x3855, v1;
	v3 =	vsel vm7, $0x38DE, v3;
	v2 =	vsel vm6, $0x1FE6, v2  }
0x101: {  	v1 =	vsel vm7, $0x38DD, v1;
	v3 =	vsel vm6, $0x4A66, v3;
	v2 =	vsel vm5, $0x206E, v2  }
0x102: {  	v1 =	vsel vm6, $0x4A65, v1;
	v3 =	vsel vm5, $0x4AEE, v3;
	v2 =	vsel vm4, $0x20F6, v2  }
0x103: {  	v1 =	vsel vm5, $0x4AED, v1;
	v3 =	vsel vm4, $0x4B76, v3;
	v2 =	vsel vm3, $0x217E, v2  }
0x104: {  	v1 =	vsel vm4, $0x4B75, v1;
	v3 =	vsel vm3, $0x4BFE, v3;
	v2 =	vsel vm2, $0x2206, v2  }
0x105: {  	v1 =	vsel vm3, $0x4BFD, v1;
	v3 =	vsel vm2, $0x4C86, v3;
	v2 =	vsel vm1, $0x228E, v2  }
0x106: {  	v1 =	vsel vm2, $0x4C85, v1;
	v3 =	vsel vm1, $0x4D0E, v3;
	v45 =	vsel vm0, $0x2316, v2  }
0x107: {  	v2 =	vimm.s32 $0x4E1F;
	v1 =	vsel vm1, $0x4D0D, v1;
	v46 =	vsel vm0, $0x4D96, v3  }
0x108: {  	v3 =	vimm.s32 $0x28E8;
	v2 =	vsel vm14, $0x3527, v2;
	v44 =	vsel vm0, $0x4D95, v1  }
0x109: {  	v1 =	vimm.s32 $0x239F;
	v3 =	vsel vm14, $0xFF0, v3;
	v2 =	vsel vm13, $0x35AF, v2  }
0x10a: {  	v1 =	vsel vm14, $0xAA7, v1;
	v3 =	vsel vm13, $0x1078, v3;
	v2 =	vsel vm12, $0x3637, v2  }
0x10b: {  	v1 =	vsel vm13, $0xB2F, v1;
	v3 =	vsel vm12, $0x1100, v3;
	v2 =	vsel vm11, $0x36BF, v2  }
0x10c: {  	v1 =	vsel vm12, $0xBB7, v1;
	v3 =	vsel vm11, $0x1188, v3;
	v2 =	vsel vm10, $0x3747, v2  }
0x10d: {  	v1 =	vsel vm11, $0xC3F, v1;
	v3 =	vsel vm10, $0x1210, v3;
	v2 =	vsel vm9, $0x37CF, v2  }
0x10e: {  	v1 =	vsel vm10, $0xCC7, v1;
	v3 =	vsel vm9, $0x1298, v3;
	v2 =	vsel vm8, $0x3857, v2  }
0x10f: {  	v1 =	vsel vm9, $0xD4F, v1;
	v3 =	vsel vm8, $0x1320, v3;
	v2 =	vsel vm7, $0x38DF, v2  }
0x110: {  	v1 =	vsel vm8, $0xDD7, v1;
	v3 =	vsel vm7, $0x13A8, v3;
	v2 =	vsel vm6, $0x4A67, v2  }
0x111: {  	v1 =	vsel vm7, $0xE5F, v1;
	v3 =	vsel vm6, $0x2530, v3;
	v2 =	vsel vm5, $0x4AEF, v2  }
0x112: {  	v1 =	vsel vm6, $0x1FE7, v1;
	v3 =	vsel vm5, $0x25B8, v3;
	v2 =	vsel vm4, $0x4B77, v2  }
0x113: {  	v1 =	vsel vm5, $0x206F, v1;
	v3 =	vsel vm4, $0x2640, v3;
	v2 =	vsel vm3, $0x4BFF, v2  }
0x114: {  	v1 =	vsel vm4, $0x20F7, v1;
	v3 =	vsel vm3, $0x26C8, v3;
	v2 =	vsel vm2, $0x4C87, v2  }
0x115: {  	v1 =	vsel vm3, $0x217F, v1;
	v3 =	vsel vm2, $0x2750, v3;
	v2 =	vsel vm1, $0x4D0F, v2  }
0x116: {  	v1 =	vsel vm2, $0x2207, v1;
	v3 =	vsel vm1, $0x27D8, v3;
	v48 =	vsel vm0, $0x4D97, v2  }
0x117: {  	v2 =	vimm.s32 $0x28E9;
	v1 =	vsel vm1, $0x228F, v1;
	v49 =	vsel vm0, $0x2860, v3  }
0x118: {  	v3 =	vimm.s32 $0x5369;
	v2 =	vsel vm14, $0xFF1, v2;
	v47 =	vsel vm0, $0x2317, v1  }
0x119: {  	v1 =	vimm.s32 $0x5368;
	v3 =	vsel vm14, $0x3A71, v3;
	v2 =	vsel vm13, $0x1079, v2  }
0x11a: {  	v1 =	vsel vm14, $0x3A70, v1;
	v3 =	vsel vm13, $0x3AF9, v3;
	v2 =	vsel vm12, $0x1101, v2  }
0x11b: {  	v1 =	vsel vm13, $0x3AF8, v1;
	v3 =	vsel vm12, $0x3B81, v3;
	v2 =	vsel vm11, $0x1189, v2  }
0x11c: {  	v1 =	vsel vm12, $0x3B80, v1;
	v3 =	vsel vm11, $0x3C09, v3;
	v2 =	vsel vm10, $0x1211, v2  }
0x11d: {  	v1 =	vsel vm11, $0x3C08, v1;
	v3 =	vsel vm10, $0x3C91, v3;
	v2 =	vsel vm9, $0x1299, v2  }
0x11e: {  	v1 =	vsel vm10, $0x3C90, v1;
	v3 =	vsel vm9, $0x3D19, v3;
	v2 =	vsel vm8, $0x1321, v2  }
0x11f: {  	v1 =	vsel vm9, $0x3D18, v1;
	v3 =	vsel vm8, $0x3DA1, v3;
	v2 =	vsel vm7, $0x13A9, v2  }
0x120: {  	v1 =	vsel vm8, $0x3DA0, v1;
	v3 =	vsel vm7, $0x3E29, v3;
	v2 =	vsel vm6, $0x2531, v2  }
0x121: {  	v1 =	vsel vm7, $0x3E28, v1;
	v3 =	vsel vm6, $0x4FB1, v3;
	v2 =	vsel vm5, $0x25B9, v2  }
0x122: {  	v1 =	vsel vm6, $0x4FB0, v1;
	v3 =	vsel vm5, $0x5039, v3;
	v2 =	vsel vm4, $0x2641, v2  }
0x123: {  	v1 =	vsel vm5, $0x5038, v1;
	v3 =	vsel vm4, $0x50C1, v3;
	v2 =	vsel vm3, $0x26C9, v2  }
0x124: {  	v1 =	vsel vm4, $0x50C0, v1;
	v3 =	vsel vm3, $0x5149, v3;
	v2 =	vsel vm2, $0x2751, v2  }
0x125: {  	v1 =	vsel vm3, $0x5148, v1;
	v3 =	vsel vm2, $0x51D1, v3;
	v2 =	vsel vm1, $0x27D9, v2  }
0x126: {  	v1 =	vsel vm2, $0x51D0, v1;
	v3 =	vsel vm1, $0x5259, v3;
	v51 =	vsel vm0, $0x2861, v2  }
0x127: {  	v2 =	vimm.s32 $0x536A;
	v1 =	vsel vm1, $0x5258, v1;
	v52 =	vsel vm0, $0x52E1, v3  }
0x128: {  	v3 =	vimm.s32 $0x28EB;
	v2 =	vsel vm14, $0x3A72, v2;
	v50 =	vsel vm0, $0x52E0, v1  }
0x129: {  	v1 =	vimm.s32 $0x28EA;
	v3 =	vsel vm14, $0xFF3, v3;
	v2 =	vsel vm13, $0x3AFA, v2  }
0x12a: {  	v1 =	vsel vm14, $0xFF2, v1;
	v3 =	vsel vm13, $0x107B, v3;
	v2 =	vsel vm12, $0x3B82, v2  }
0x12b: {  	v1 =	vsel vm13, $0x107A, v1;
	v3 =	vsel vm12, $0x1103, v3;
	v2 =	vsel vm11, $0x3C0A, v2  }
0x12c: {  	v1 =	vsel vm12, $0x1102, v1;
	v3 =	vsel vm11, $0x118B, v3;
	v2 =	vsel vm10, $0x3C92, v2  }
0x12d: {  	v1 =	vsel vm11, $0x118A, v1;
	v3 =	vsel vm10, $0x1213, v3;
	v2 =	vsel vm9, $0x3D1A, v2  }
0x12e: {  	v1 =	vsel vm10, $0x1212, v1;
	v3 =	vsel vm9, $0x129B, v3;
	v2 =	vsel vm8, $0x3DA2, v2  }
0x12f: {  	v1 =	vsel vm9, $0x129A, v1;
	v3 =	vsel vm8, $0x1323, v3;
	v2 =	vsel vm7, $0x3E2A, v2  }
0x130: {  	v1 =	vsel vm8, $0x1322, v1;
	v3 =	vsel vm7, $0x13AB, v3;
	v2 =	vsel vm6, $0x4FB2, v2  }
0x131: {  	v1 =	vsel vm7, $0x13AA, v1;
	v3 =	vsel vm6, $0x2533, v3;
	v2 =	vsel vm5, $0x503A, v2  }
0x132: {  	v1 =	vsel vm6, $0x2532, v1;
	v3 =	vsel vm5, $0x25BB, v3;
	v2 =	vsel vm4, $0x50C2, v2  }
0x133: {  	v1 =	vsel vm5, $0x25BA, v1;
	v3 =	vsel vm4, $0x2643, v3;
	v2 =	vsel vm3, $0x514A, v2  }
0x134: {  	v1 =	vsel vm4, $0x2642, v1;
	v3 =	vsel vm3, $0x26CB, v3;
	v2 =	vsel vm2, $0x51D2, v2  }
0x135: {  	v1 =	vsel vm3, $0x26CA, v1;
	v3 =	vsel vm2, $0x2753, v3;
	v2 =	vsel vm1, $0x525A, v2  }
0x136: {  	v1 =	vsel vm2, $0x2752, v1;
	v3 =	vsel vm1, $0x27DB, v3;
	v54 =	vsel vm0, $0x52E2, v2  }
0x137: {  	v2 =	vimm.s32 $0x28EC;
	v1 =	vsel vm1, $0x27DA, v1;
	v55 =	vsel vm0, $0x2863, v3  }
0x138: {  	v3 =	vimm.s32 $0x536C;
	v2 =	vsel vm14, $0xFF4, v2;
	v53 =	vsel vm0, $0x2862, v1  }
0x139: {  	v1 =	vimm.s32 $0x536B;
	v3 =	vsel vm14, $0x3A74, v3;
	v2 =	vsel vm13, $0x107C, v2  }
0x13a: {  	v1 =	vsel vm14, $0x3A73, v1;
	v3 =	vsel vm13, $0x3AFC, v3;
	v2 =	vsel vm12, $0x1104, v2  }
0x13b: {  	v1 =	vsel vm13, $0x3AFB, v1;
	v3 =	vsel vm12, $0x3B84, v3;
	v2 =	vsel vm11, $0x118C, v2  }
0x13c: {  	v1 =	vsel vm12, $0x3B83, v1;
	v3 =	vsel vm11, $0x3C0C, v3;
	v2 =	vsel vm10, $0x1214, v2  }
0x13d: {  	v1 =	vsel vm11, $0x3C0B, v1;
	v3 =	vsel vm10, $0x3C94, v3;
	v2 =	vsel vm9, $0x129C, v2  }
0x13e: {  	v1 =	vsel vm10, $0x3C93, v1;
	v3 =	vsel vm9, $0x3D1C, v3;
	v2 =	vsel vm8, $0x1324, v2  }
0x13f: {  	v1 =	vsel vm9, $0x3D1B, v1;
	v3 =	vsel vm8, $0x3DA4, v3;
	v2 =	vsel vm7, $0x13AC, v2  }
0x140: {  	v1 =	vsel vm8, $0x3DA3, v1;
	v3 =	vsel vm7, $0x3E2C, v3;
	v2 =	vsel vm6, $0x2534, v2  }
0x141: {  	v1 =	vsel vm7, $0x3E2B, v1;
	v3 =	vsel vm6, $0x4FB4, v3;
	v2 =	vsel vm5, $0x25BC, v2  }
0x142: {  	v1 =	vsel vm6, $0x4FB3, v1;
	v3 =	vsel vm5, $0x503C, v3;
	v2 =	vsel vm4, $0x2644, v2  }
0x143: {  	v1 =	vsel vm5, $0x503B, v1;
	v3 =	vsel vm4, $0x50C4, v3;
	v2 =	vsel vm3, $0x26CC, v2  }
0x144: {  	v1 =	vsel vm4, $0x50C3, v1;
	v3 =	vsel vm3, $0x514C, v3;
	v2 =	vsel vm2, $0x2754, v2  }
0x145: {  	v1 =	vsel vm3, $0x514B, v1;
	v3 =	vsel vm2, $0x51D4, v3;
	v2 =	vsel vm1, $0x27DC, v2  }
0x146: {  	v1 =	vsel vm2, $0x51D3, v1;
	v3 =	vsel vm1, $0x525C, v3;
	v57 =	vsel vm0, $0x2864, v2  }
0x147: {  	v2 =	vimm.s32 $0x536D;
	v1 =	vsel vm1, $0x525B, v1;
	v58 =	vsel vm0, $0x52E4, v3  }
0x148: {  	v3 =	vimm.s32 $0x28EE;
	v2 =	vsel vm14, $0x3A75, v2;
	v56 =	vsel vm0, $0x52E3, v1  }
0x149: {  	v1 =	vimm.s32 $0x28ED;
	v3 =	vsel vm14, $0xFF6, v3;
	v2 =	vsel vm13, $0x3AFD, v2  }
0x14a: {  	v1 =	vsel vm14, $0xFF5, v1;
	v3 =	vsel vm13, $0x107E, v3;
	v2 =	vsel vm12, $0x3B85, v2  }
0x14b: {  	v1 =	vsel vm13, $0x107D, v1;
	v3 =	vsel vm12, $0x1106, v3;
	v2 =	vsel vm11, $0x3C0D, v2  }
0x14c: {  	v1 =	vsel vm12, $0x1105, v1;
	v3 =	vsel vm11, $0x118E, v3;
	v2 =	vsel vm10, $0x3C95, v2  }
0x14d: {  	v1 =	vsel vm11, $0x118D, v1;
	v3 =	vsel vm10, $0x1216, v3;
	v2 =	vsel vm9, $0x3D1D, v2  }
0x14e: {  	v1 =	vsel vm10, $0x1215, v1;
	v3 =	vsel vm9, $0x129E, v3;
	v2 =	vsel vm8, $0x3DA5, v2  }
0x14f: {  	v1 =	vsel vm9, $0x129D, v1;
	v3 =	vsel vm8, $0x1326, v3;
	v2 =	vsel vm7, $0x3E2D, v2  }
0x150: {  	v1 =	vsel vm8, $0x1325, v1;
	v3 =	vsel vm7, $0x13AE, v3;
	v2 =	vsel vm6, $0x4FB5, v2  }
0x151: {  	v1 =	vsel vm7, $0x13AD, v1;
	v3 =	vsel vm6, $0x2536, v3;
	v2 =	vsel vm5, $0x503D, v2  }
0x152: {  	v1 =	vsel vm6, $0x2535, v1;
	v3 =	vsel vm5, $0x25BE, v3;
	v2 =	vsel vm4, $0x50C5, v2  }
0x153: {  	v1 =	vsel vm5, $0x25BD, v1;
	v3 =	vsel vm4, $0x2646, v3;
	v2 =	vsel vm3, $0x514D, v2  }
0x154: {  	v1 =	vsel vm4, $0x2645, v1;
	v3 =	vsel vm3, $0x26CE, v3;
	v2 =	vsel vm2, $0x51D5, v2  }
0x155: {  	v1 =	vsel vm3, $0x26CD, v1;
	v3 =	vsel vm2, $0x2756, v3;
	v2 =	vsel vm1, $0x525D, v2  }
0x156: {  	v1 =	vsel vm2, $0x2755, v1;
	v3 =	vsel vm1, $0x27DE, v3;
	v60 =	vsel vm0, $0x52E5, v2  }
0x157: {  	v2 =	vimm.s32 $0x28EF;
	v1 =	vsel vm1, $0x27DD, v1;
	v61 =	vsel vm0, $0x2866, v3  }
0x158: {  	s4 =	stileid.u32;
	s0 =	rddreg [dreg:$0x0];
	v3 =	vimm.s32 $0x536F;
	v59 =	vsel vm0, $0x2865, v1;
	v1 =	vimm.s32 $0x536E  }
0x159: {  	s1 =	srdreg.scid;
	s12 =	simm.s32 $0x200;
	s17 =	simm.s32 $0x1;
	v2 =	vsel vm14, $0xFF7, v2;
	v3 =	vsel vm14, $0x3A77, v3;
	v1 =	vsel vm14, $0x3A76, v1  }
0x15a: {  	s18 =	simm.s32 $0xE400;
	s29 =	simm.s32 $0x13900;
	s30 =	simm.s32 $0x15F40;
	v2 =	vsel vm13, $0x107F, v2;
	v3 =	vsel vm13, $0x3AFF, v3;
	v1 =	vsel vm13, $0x3AFE, v1  }
0x15b: {  	s31 =	simm.s32 $0x15FC8;
	s13 =	simm.s32 $0x16160;
	s11 =	simm.s32 $0x16380;
	v2 =	vsel vm12, $0x1107, v2;
	v3 =	vsel vm12, $0x3B87, v3;
	v1 =	vsel vm12, $0x3B86, v1  }
0x15c: {  	s14 =	simm.s32 $0x18C68;
	s2 =	sshll.u32 s4, $0x1;
	s5 =	sshrl.u32 s4, $0x2;
	v2 =	vsel vm11, $0x118F, v2;
	v3 =	vsel vm11, $0x3C0F, v3;
	v1 =	vsel vm11, $0x3C0E, v1  }
0x15d: {  	s1 =	sand.u32 $0x1, s1;
	s3 =	sand.u32 $0x6, s2;
	s4 =	smul.u32 $0x32000, s5;
	v2 =	vsel vm10, $0x1217, v2;
	v3 =	vsel vm10, $0x3C97, v3;
	v1 =	vsel vm10, $0x3C96, v1  }
0x15e: {  	s2 =	rddreg [dreg:$0x1];
	s5 =	smul.u32 $0x32, s5;
	s6 =	sor.u32 s1, s3;
	v2 =	vsel vm9, $0x129F, v2;
	v3 =	vsel vm9, $0x3D1F, v3;
	v1 =	vsel vm9, $0x3D1E, v1  }
0x15f: {  	s3 =	simm.s32 $0x0;
	s1 =	ssub.s32 $0x2, s1;
	s9 =	sadd.s32 $0x2000, s2;
	v2 =	vsel vm8, $0x1327, v2;
	v3 =	vsel vm8, $0x3DA7, v3;
	v1 =	vsel vm8, $0x3DA6, v1  }
0x160: {  	s10 =	sadd.s32 $0x3000, s2;
	s7 =	sshll.u32 s6, $0x9;
	s24 =	sshrl.u32 s1, $0x1;
	v2 =	vsel vm7, $0x13AF, v2;
	v3 =	vsel vm7, $0x3E2F, v3;
	v1 =	vsel vm7, $0x3E2E, v1  }
0x161: {  	[smem:$0x7FF] =	sst s3;
	s4 =	sor.u32 s4, s7;
	s25 =	ssub.s32 s1, s24;
	v2 =	vsel vm6, $0x2537, v2;
	v3 =	vsel vm6, $0x4FB7, v3;
	v1 =	vsel vm6, $0x4FB6, v1  }
0x162: {  	s7 =	sshll.u32 s6, $0xC;
	s24 =	simm.s32 $0x15E30;
	s1 =	simm.s32 $0x16050;
	v2 =	vsel vm5, $0x25BF, v2;
	v3 =	vsel vm5, $0x503F, v3;
	v1 =	vsel vm5, $0x503E, v1  }
0x163: {  	s28 =	simm.s32 $0x4;
	s4 =	sshrl.u32 s4, $0x3;
	_ =	strace $0x80000047;
	[tilespmem:$0x1FFB0] =	vst v4;
	v2 =	vsel vm4, $0x2647, v2;
	v3 =	vsel vm4, $0x50C7, v3;
	v1 =	vsel vm4, $0x50C6, v1  }
0x164: {  	s16 =	simm.s32 $0x0;
	s8 =	sadd.s32 s4, s0;
	s4 =	sadd.s32 $0xF42A00, s0;
	[tilespmem:$0x1FFD0] =	vst v6;
	v2 =	vsel vm3, $0x26CF, v2;
	v3 =	vsel vm3, $0x514F, v3;
	v1 =	vsel vm3, $0x514E, v1  }
0x165: {  	s6 =	simm.s32 $0x161E8;
	s0 =	smax.u32 s25, $0x1;
	s26 =	sadd.s32 $0x600, s8;
	[tilespmem:$0x1FFE0] =	vst v7;
	v2 =	vsel vm2, $0x2757, v2;
	v3 =	vsel vm2, $0x51D7, v3;
	v1 =	vsel vm2, $0x51D6, v1  }
0x166: {  	s25 =	simm.s32 $0x15EB8;
	s8 =	sadd.s32 $0x1000, s2;
	[dreg:$0x3] =	wrdreg s26;
	[tilespmem:$0x1FFC0] =	vst v5;
	v2 =	vsel vm1, $0x27DF, v2;
	v3 =	vsel vm1, $0x525F, v3;
	v1 =	vsel vm1, $0x525E, v1  }
0x167: {  	[dreg:$0x4] =	wrdreg s0;
	s26 =	simm.s32 $0x2;
	s0 =	simm.s32 $0x160D8;
	[tilespmem:$0x1FFF0] =	vst v8;
	v63 =	vsel vm0, $0x2867, v2;
	v62 =	vsel vm0, $0x52E6, v1;
	v1 =	vsel vm0, $0x52E7, v3  }
.LBB2_1:
0x168: {  	[dreg:$0x5] =	wrdreg s16  }
0x169: {  	s15 =	rddreg [dreg:$0x3];
	s21 =	simm.s32 $0x1000;
	s22 =	simm.s32 $0x5  }
0x16a: {  	[tilespmem:s3], [sflag:$0x5] =	stream.strided.gather [hbm4b:s15+s12], $0x6400, s21, s12, $0x38;
	[tilespmem:$0x18E00] =	vst v63  }
0x16b: {  	_ =	swait.ge [sflag:s22], $0x6400  }
0x16c: {  	[sflag:s22] =	ssyncset.done $0x0  }
0x16d: {  	s23 =	simm.s32 $0x6400;
	s15 =	simm.s32 $0x0;
	[sflag:s22] =	ssyncadd.s32 $0xFFFF9C00  }
0x16e: {  	[tilespmem:s23], [sflag:$0x1] =	stream.indirect.gather [hbm4b:s4+s12], $0x20, s3, s12, $0xb8;
	[tilespmem:$0x18E00] =	vst v63  }
.LBB2_2:
0x16f: {  	s16 =	sshllo.u32 s15, $0x1  }
0x170: {  	s19 =	sshll.u32 s16, $0x9  }
0x171: {  	s20 =	simm.s32 $0xA400;
	s19 =	sand.u32 $0x3FFFFE00, s19  }
0x172: {  	[tilespmem:s20], [sflag:$0x2] =	stream.indirect.gather [hbm4b:s4+s12], $0x20, s19, s12, $0xb8;
	[tilespmem:$0x18E00] =	vst v63  }
0x173: {  	_ =	swait.ge [sflag:s17], $0x4000  }
0x174: {  	p0 =	seq.s32 s15, $0x0;
	[sflag:s17] =	ssyncset.done $0x0  }
0x175: {  	s19 =	simm.s32 @!p0 $0x3;
	[sflag:s17] =	ssyncadd.s32 $0xFFFFC000  }
0x176: {  	_ =	swait.ge @!p0 [sflag:s19], $0x1000  }
0x177: {  	[sflag:s19] =	ssyncset.done @!p0 $0x0  }
0x178: {  	[sflag:s19] =	ssyncadd.s32 @!p0 $0xFFFFF000  }
0x179: {  	_ =	swait.ge @!p0 [sflag:s19], $0x1000  }
0x17a: {  	[sflag:s19] =	ssyncset.done @!p0 $0x0  }
0x17b: {  	[sflag:s19] =	ssyncadd.s32 @!p0 $0xFFFFF000  }
0x17c: {  	s22 =	simm.s32 $0x0;
	_ =	swait.ge @!p0 [sflag:s19], $0x1000  }
0x17d: {  	v2 =	vmov s22;
	[sflag:s19] =	ssyncset.done @!p0 $0x0  }
0x17e: {  	v2 =	vshrl.u32 v2, $0x3;
	[sflag:s19] =	ssyncadd.s32 @!p0 $0xFFFFF000  }
0x17f: {  	v2 =	vshll.u32 v2, v0;
	_ =	swait.ge @!p0 [sflag:s19], $0x1000  }
0x180: {  	v2 =	vbroadcast v2, $0x0;
	[sflag:s19] =	ssyncset.done @!p0 $0x0  }
0x181: {  	s20 =	simm.s32 $0x6480;
	[sflag:s19] =	ssyncadd.s32 @!p0 $0xFFFFF000  }
0x182: {  	v5 =	vmov v4;
	v4 =	vadd.s32 v4, v2;
	v3 =	vld [tilespmem:s20+$0xFFFFFF80]  }
0x183: {  	v6 =	vld [tilespmem:$0x1FEC0];
	_ =	sdelay $0x3  }
0x184: {  	[tilespmem:v4+s18+$0x0] =	vst.idx.msk $0xffff, v3  }
0x185: {  	s23 =	simm.s32 $0x1;
	v2 =	vadd.s32 v6, v2;
	v3 =	vld [tilespmem:s20+$0xFFFFFF90]  }
0x186: {  	v7 =	vld [tilespmem:$0x1FED0];
	v4 =	vmov s23  }
0x187: {  	v4 =	vshrl.u32 v4, $0x3  }
0x188: {  	v4 =	vshll.u32 v4, v0  }
0x189: {  	v4 =	vbroadcast v4, $0x0  }
0x18a: {  	[tilespmem:v2+s18+$0x0] =	vst.idx.msk $0xffff, v3  }
0x18b: {  	v3 =	vadd.s32 v7, v4;
	v2 =	vld [tilespmem:s20+$0xFFFFFFA0]  }
0x18c: {  	v8 =	vld [tilespmem:$0x1FEE0];
	_ =	sdelay $0x3  }
0x18d: {  	[tilespmem:v3+s18+$0x0] =	vst.idx.msk $0xffff, v2  }
0x18e: {  	s21 =	simm.s32 $0x2;
	v3 =	vadd.s32 v8, v4;
	v2 =	vld [tilespmem:s20+$0xFFFFFFB0]  }
0x18f: {  	v9 =	vld [tilespmem:$0x1FEF0];
	v4 =	vmov s21  }
0x190: {  	v4 =	vshrl.u32 v4, $0x3  }
0x191: {  	v4 =	vshll.u32 v4, v0  }
0x192: {  	v4 =	vbroadcast v4, $0x0  }
0x193: {  	[tilespmem:v3+s18+$0x0] =	vst.idx.msk $0xffff, v2  }
0x194: {  	v3 =	vadd.s32 v9, v4;
	v2 =	vld [tilespmem:s20+$0xFFFFFFC0]  }
0x195: {  	v10 =	vld [tilespmem:$0x1FF00];
	_ =	sdelay $0x3  }
0x196: {  	[tilespmem:v3+s18+$0x0] =	vst.idx.msk $0xffff, v2  }
0x197: {  	s22 =	simm.s32 $0x3;
	v3 =	vadd.s32 v10, v4;
	v2 =	vld [tilespmem:s20+$0xFFFFFFD0]  }
0x198: {  	v11 =	vld [tilespmem:$0x1FF10];
	v4 =	vmov s22  }
0x199: {  	v4 =	vshrl.u32 v4, $0x3  }
0x19a: {  	v4 =	vshll.u32 v4, v0  }
0x19b: {  	v4 =	vbroadcast v4, $0x0  }
0x19c: {  	[tilespmem:v3+s18+$0x0] =	vst.idx.msk $0xffff, v2  }
0x19d: {  	v3 =	vadd.s32 v11, v4;
	v2 =	vld [tilespmem:s20+$0xFFFFFFE0]  }
0x19e: {  	v12 =	vld [tilespmem:$0x1FF20];
	_ =	sdelay $0x3  }
0x19f: {  	[tilespmem:v3+s18+$0x0] =	vst.idx.msk $0xffff, v2  }
0x1a0: {  	s23 =	simm.s32 $0x4;
	v3 =	vadd.s32 v12, v4;
	v2 =	vld [tilespmem:s20+$0xFFFFFFF0]  }
0x1a1: {  	v13 =	vld [tilespmem:$0x1FF30];
	v4 =	vmov s23  }
0x1a2: {  	v4 =	vshrl.u32 v4, $0x3  }
0x1a3: {  	v4 =	vshll.u32 v4, v0  }
0x1a4: {  	v4 =	vbroadcast v4, $0x0  }
0x1a5: {  	[tilespmem:v3+s18+$0x0] =	vst.idx.msk $0xffff, v2  }
0x1a6: {  	v3 =	vadd.s32 v13, v4;
	v2 =	vld [tilespmem:s20+$0x0]  }
0x1a7: {  	v14 =	vld [tilespmem:$0x1FF40];
	_ =	sdelay $0x3  }
0x1a8: {  	[tilespmem:v3+s18+$0x0] =	vst.idx.msk $0xffff, v2  }
0x1a9: {  	s21 =	simm.s32 $0x5;
	v3 =	vadd.s32 v14, v4;
	v2 =	vld [tilespmem:s20+$0x10]  }
0x1aa: {  	v15 =	vld [tilespmem:$0x1FF50];
	v4 =	vmov s21  }
0x1ab: {  	v4 =	vshrl.u32 v4, $0x3  }
0x1ac: {  	v4 =	vshll.u32 v4, v0  }
0x1ad: {  	v4 =	vbroadcast v4, $0x0  }
0x1ae: {  	[tilespmem:v3+s18+$0x0] =	vst.idx.msk $0xffff, v2  }
0x1af: {  	v3 =	vadd.s32 v15, v4;
	v2 =	vld [tilespmem:s20+$0x20]  }
0x1b0: {  	v16 =	vld [tilespmem:$0x1FF60];
	_ =	sdelay $0x3  }
0x1b1: {  	[tilespmem:v3+s18+$0x0] =	vst.idx.msk $0xffff, v2  }
0x1b2: {  	s22 =	simm.s32 $0x6;
	v3 =	vadd.s32 v16, v4;
	v2 =	vld [tilespmem:s20+$0x30]  }
0x1b3: {  	v17 =	vld [tilespmem:$0x1FF70];
	v4 =	vmov s22  }
0x1b4: {  	v4 =	vshrl.u32 v4, $0x3  }
0x1b5: {  	v4 =	vshll.u32 v4, v0  }
0x1b6: {  	v4 =	vbroadcast v4, $0x0  }
0x1b7: {  	[tilespmem:v3+s18+$0x0] =	vst.idx.msk $0xffff, v2  }
0x1b8: {  	v3 =	vadd.s32 v17, v4;
	v2 =	vld [tilespmem:s20+$0x40]  }
0x1b9: {  	v18 =	vld [tilespmem:$0x1FF80];
	_ =	sdelay $0x3  }
0x1ba: {  	[tilespmem:v3+s18+$0x0] =	vst.idx.msk $0xffff, v2  }
0x1bb: {  	s23 =	simm.s32 $0x7;
	v3 =	vadd.s32 v18, v4;
	v2 =	vld [tilespmem:s20+$0x50]  }
0x1bc: {  	v19 =	vld [tilespmem:$0x1FF90];
	v4 =	vmov s23  }
0x1bd: {  	v4 =	vshrl.u32 v4, $0x3  }
0x1be: {  	v4 =	vshll.u32 v4, v0  }
0x1bf: {  	v4 =	vbroadcast v4, $0x0  }
0x1c0: {  	[tilespmem:v3+s18+$0x0] =	vst.idx.msk $0xffff, v2  }
0x1c1: {  	v3 =	vadd.s32 v19, v4;
	v2 =	vld [tilespmem:s20+$0x60]  }
0x1c2: {  	v20 =	vld [tilespmem:$0x1FFA0];
	_ =	sdelay $0x3  }
0x1c3: {  	s19 =	sshll.u32 s15, $0x1;
	[tilespmem:v3+s18+$0x0] =	vst.idx.msk $0xffff, v2  }
0x1c4: {  	s21 =	simm.s32 $0xF;
	s22 =	simm.s32 $0x17;
	s23 =	simm.s32 $0x8;
	v3 =	vadd.s32 v20, v4;
	v2 =	vld [tilespmem:s20+$0x70]  }
.LBB2_3:
0x1c5: {  	p1 =	sne.s32 s22, $0x7F;
	v4 =	vmov s23  }
0x1c6: {  	v4 =	vshrl.u32 v4, $0x3  }
0x1c7: {  	v4 =	vshll.u32 v4, v0  }
0x1c8: {  	v4 =	vbroadcast v4, $0x0  }
0x1c9: {  	s20 =	sadd.s32 $0x100, s20;
	[tilespmem:v3+s18+$0x0] =	vst.idx.msk $0xffff, v2  }
0x1ca: {  	v2 =	vld [tilespmem:s20+$0xFFFFFF80];
	v3 =	vadd.s32 v5, v4;
	_ =	sdelay $0x4  }
0x1cb: {  	[tilespmem:v3+s18+$0x0] =	vst.idx.msk $0xffff, v2  }
0x1cc: {  	s23 =	sadd.s32 $0xFFFFFFFA, s21;
	v3 =	vadd.s32 v6, v4;
	v2 =	vld [tilespmem:s20+$0xFFFFFF90]  }
0x1cd: {  	v4 =	vmov s23  }
0x1ce: {  	v4 =	vshrl.u32 v4, $0x3  }
0x1cf: {  	v4 =	vshll.u32 v4, v0  }
0x1d0: {  	v4 =	vbroadcast v4, $0x0  }
0x1d1: {  	[tilespmem:v3+s18+$0x0] =	vst.idx.msk $0xffff, v2  }
0x1d2: {  	v3 =	vadd.s32 v7, v4;
	v2 =	vld [tilespmem:s20+$0xFFFFFFA0];
	_ =	sdelay $0x4  }
0x1d3: {  	[tilespmem:v3+s18+$0x0] =	vst.idx.msk $0xffff, v2  }
0x1d4: {  	s23 =	sadd.s32 $0xFFFFFFFB, s21;
	v3 =	vadd.s32 v8, v4;
	v2 =	vld [tilespmem:s20+$0xFFFFFFB0]  }
0x1d5: {  	v4 =	vmov s23  }
0x1d6: {  	v4 =	vshrl.u32 v4, $0x3  }
0x1d7: {  	v4 =	vshll.u32 v4, v0  }
0x1d8: {  	v4 =	vbroadcast v4, $0x0  }
0x1d9: {  	[tilespmem:v3+s18+$0x0] =	vst.idx.msk $0xffff, v2  }
0x1da: {  	v3 =	vadd.s32 v9, v4;
	v2 =	vld [tilespmem:s20+$0xFFFFFFC0];
	_ =	sdelay $0x4  }
0x1db: {  	[tilespmem:v3+s18+$0x0] =	vst.idx.msk $0xffff, v2  }
0x1dc: {  	s23 =	sadd.s32 $0xFFFFFFFC, s21;
	v3 =	vadd.s32 v10, v4;
	v2 =	vld [tilespmem:s20+$0xFFFFFFD0]  }
0x1dd: {  	v4 =	vmov s23  }
0x1de: {  	v4 =	vshrl.u32 v4, $0x3  }
0x1df: {  	v4 =	vshll.u32 v4, v0  }
0x1e0: {  	v4 =	vbroadcast v4, $0x0  }
0x1e1: {  	[tilespmem:v3+s18+$0x0] =	vst.idx.msk $0xffff, v2  }
0x1e2: {  	v3 =	vadd.s32 v11, v4;
	v2 =	vld [tilespmem:s20+$0xFFFFFFE0];
	_ =	sdelay $0x4  }
0x1e3: {  	[tilespmem:v3+s18+$0x0] =	vst.idx.msk $0xffff, v2  }
0x1e4: {  	s23 =	sadd.s32 $0xFFFFFFFD, s21;
	v3 =	vadd.s32 v12, v4;
	v2 =	vld [tilespmem:s20+$0xFFFFFFF0]  }
0x1e5: {  	v4 =	vmov s23  }
0x1e6: {  	v4 =	vshrl.u32 v4, $0x3  }
0x1e7: {  	v4 =	vshll.u32 v4, v0  }
0x1e8: {  	v4 =	vbroadcast v4, $0x0  }
0x1e9: {  	[tilespmem:v3+s18+$0x0] =	vst.idx.msk $0xffff, v2  }
0x1ea: {  	v3 =	vadd.s32 v13, v4;
	v2 =	vld [tilespmem:s20+$0x0];
	_ =	sdelay $0x4  }
0x1eb: {  	[tilespmem:v3+s18+$0x0] =	vst.idx.msk $0xffff, v2  }
0x1ec: {  	s23 =	sadd.s32 $0xFFFFFFFE, s21;
	v3 =	vadd.s32 v14, v4;
	v2 =	vld [tilespmem:s20+$0x10]  }
0x1ed: {  	v4 =	vmov s23  }
0x1ee: {  	v4 =	vshrl.u32 v4, $0x3  }
0x1ef: {  	v4 =	vshll.u32 v4, v0  }
0x1f0: {  	v4 =	vbroadcast v4, $0x0  }
0x1f1: {  	[tilespmem:v3+s18+$0x0] =	vst.idx.msk $0xffff, v2  }
0x1f2: {  	v3 =	vadd.s32 v15, v4;
	v2 =	vld [tilespmem:s20+$0x20];
	_ =	sdelay $0x4  }
0x1f3: {  	[tilespmem:v3+s18+$0x0] =	vst.idx.msk $0xffff, v2  }
0x1f4: {  	s23 =	sadd.s32 $0xFFFFFFFF, s21;
	v3 =	vadd.s32 v16, v4;
	v2 =	vld [tilespmem:s20+$0x30]  }
0x1f5: {  	v4 =	vmov s23  }
0x1f6: {  	v4 =	vshrl.u32 v4, $0x3  }
0x1f7: {  	v4 =	vshll.u32 v4, v0  }
0x1f8: {  	v4 =	vbroadcast v4, $0x0  }
0x1f9: {  	[tilespmem:v3+s18+$0x0] =	vst.idx.msk $0xffff, v2  }
0x1fa: {  	v3 =	vadd.s32 v17, v4;
	v2 =	vld [tilespmem:s20+$0x40];
	_ =	sdelay $0x4  }
0x1fb: {  	[tilespmem:v3+s18+$0x0] =	vst.idx.msk $0xffff, v2  }
0x1fc: {  	v3 =	vadd.s32 v18, v4;
	v2 =	vld [tilespmem:s20+$0x50]  }
0x1fd: {  	v4 =	vmov s21;
	s21 =	smov.u32 s22  }
0x1fe: {  	v4 =	vshrl.u32 v4, $0x3  }
0x1ff: {  	v4 =	vshll.u32 v4, v0  }
0x200: {  	v4 =	vbroadcast v4, $0x0  }
0x201: {  	[tilespmem:v3+s18+$0x0] =	vst.idx.msk $0xffff, v2  }
0x202: {  	v3 =	vadd.s32 v19, v4;
	v2 =	vld [tilespmem:s20+$0x60];
	_ =	sdelay $0x1  }
.Ltmp0:
0x203: {  	(pc) =	sbr.rel @p1 .LBB2_3-.Ltmp0, $3  }
0x204: {  	_ =	sdelay $0x1  }
0x205: {  	[tilespmem:v3+s18+$0x0] =	vst.idx.msk $0xffff, v2  }
0x206: {  	s22 =	sadd.s32 $0x8, s22;
	s23 =	sadd.s32 $0xFFFFFFF9, s21;
	v3 =	vadd.s32 v20, v4;
	v2 =	vld [tilespmem:s20+$0x70]  }
0x207: {  	v4 =	vmov s23  }
0x208: {  	v4 =	vshrl.u32 v4, $0x3  }
0x209: {  	v4 =	vshll.u32 v4, v0  }
0x20a: {  	v4 =	vbroadcast v4, $0x0  }
0x20b: {  	s20 =	sadd.s32 $0x100, s20;
	[tilespmem:v3+s18+$0x0] =	vst.idx.msk $0xffff, v2  }
0x20c: {  	v2 =	vld [tilespmem:s20+$0xFFFFFF80];
	v3 =	vadd.s32 v5, v4;
	_ =	sdelay $0x4  }
0x20d: {  	[tilespmem:v3+s18+$0x0] =	vst.idx.msk $0xffff, v2  }
0x20e: {  	s22 =	sadd.s32 $0xFFFFFFFA, s21;
	v3 =	vadd.s32 v6, v4;
	v2 =	vld [tilespmem:s20+$0xFFFFFF90]  }
0x20f: {  	v4 =	vmov s22  }
0x210: {  	v4 =	vshrl.u32 v4, $0x3  }
0x211: {  	v4 =	vshll.u32 v4, v0  }
0x212: {  	v4 =	vbroadcast v4, $0x0  }
0x213: {  	[tilespmem:v3+s18+$0x0] =	vst.idx.msk $0xffff, v2  }
0x214: {  	v3 =	vadd.s32 v7, v4;
	v2 =	vld [tilespmem:s20+$0xFFFFFFA0];
	_ =	sdelay $0x4  }
0x215: {  	[tilespmem:v3+s18+$0x0] =	vst.idx.msk $0xffff, v2  }
0x216: {  	s23 =	sadd.s32 $0xFFFFFFFB, s21;
	v3 =	vadd.s32 v8, v4;
	v2 =	vld [tilespmem:s20+$0xFFFFFFB0]  }
0x217: {  	v4 =	vmov s23  }
0x218: {  	v4 =	vshrl.u32 v4, $0x3  }
0x219: {  	v4 =	vshll.u32 v4, v0  }
0x21a: {  	v4 =	vbroadcast v4, $0x0  }
0x21b: {  	[tilespmem:v3+s18+$0x0] =	vst.idx.msk $0xffff, v2  }
0x21c: {  	v3 =	vadd.s32 v9, v4;
	v2 =	vld [tilespmem:s20+$0xFFFFFFC0];
	_ =	sdelay $0x4  }
0x21d: {  	[tilespmem:v3+s18+$0x0] =	vst.idx.msk $0xffff, v2  }
0x21e: {  	s23 =	sadd.s32 $0xFFFFFFFC, s21;
	v3 =	vadd.s32 v10, v4;
	v2 =	vld [tilespmem:s20+$0xFFFFFFD0]  }
0x21f: {  	v4 =	vmov s23  }
0x220: {  	v4 =	vshrl.u32 v4, $0x3  }
0x221: {  	v4 =	vshll.u32 v4, v0  }
0x222: {  	v4 =	vbroadcast v4, $0x0  }
0x223: {  	[tilespmem:v3+s18+$0x0] =	vst.idx.msk $0xffff, v2  }
0x224: {  	v3 =	vadd.s32 v11, v4;
	v2 =	vld [tilespmem:s20+$0xFFFFFFE0];
	_ =	sdelay $0x4  }
0x225: {  	[tilespmem:v3+s18+$0x0] =	vst.idx.msk $0xffff, v2  }
0x226: {  	s23 =	sadd.s32 $0xFFFFFFFD, s21;
	v3 =	vadd.s32 v12, v4;
	v2 =	vld [tilespmem:s20+$0xFFFFFFF0]  }
0x227: {  	v4 =	vmov s23  }
0x228: {  	v4 =	vshrl.u32 v4, $0x3  }
0x229: {  	v4 =	vshll.u32 v4, v0  }
0x22a: {  	v4 =	vbroadcast v4, $0x0  }
0x22b: {  	[tilespmem:v3+s18+$0x0] =	vst.idx.msk $0xffff, v2  }
0x22c: {  	v3 =	vadd.s32 v13, v4;
	v2 =	vld [tilespmem:s20+$0x0];
	_ =	sdelay $0x4  }
0x22d: {  	[tilespmem:v3+s18+$0x0] =	vst.idx.msk $0xffff, v2  }
0x22e: {  	s23 =	sadd.s32 $0xFFFFFFFE, s21;
	v3 =	vadd.s32 v14, v4;
	v2 =	vld [tilespmem:s20+$0x10]  }
0x22f: {  	v4 =	vmov s23  }
0x230: {  	v4 =	vshrl.u32 v4, $0x3  }
0x231: {  	v4 =	vshll.u32 v4, v0  }
0x232: {  	v4 =	vbroadcast v4, $0x0  }
0x233: {  	[tilespmem:v3+s18+$0x0] =	vst.idx.msk $0xffff, v2  }
0x234: {  	v3 =	vadd.s32 v15, v4;
	v2 =	vld [tilespmem:s20+$0x20];
	_ =	sdelay $0x4  }
0x235: {  	[tilespmem:v3+s18+$0x0] =	vst.idx.msk $0xffff, v2  }
0x236: {  	s23 =	sadd.s32 $0xFFFFFFFF, s21;
	v3 =	vadd.s32 v16, v4;
	v2 =	vld [tilespmem:s20+$0x30]  }
0x237: {  	v4 =	vmov s23  }
0x238: {  	v4 =	vshrl.u32 v4, $0x3  }
0x239: {  	v4 =	vshll.u32 v4, v0  }
0x23a: {  	v4 =	vbroadcast v4, $0x0  }
0x23b: {  	[tilespmem:v3+s18+$0x0] =	vst.idx.msk $0xffff, v2  }
0x23c: {  	v3 =	vadd.s32 v17, v4;
	v2 =	vld [tilespmem:s20+$0x40];
	_ =	sdelay $0x4  }
0x23d: {  	[tilespmem:v3+s18+$0x0] =	vst.idx.msk $0xffff, v2  }
0x23e: {  	v3 =	vadd.s32 v18, v4;
	v2 =	vld [tilespmem:s20+$0x50]  }
0x23f: {  	v4 =	vmov s21  }
0x240: {  	v4 =	vshrl.u32 v4, $0x3  }
0x241: {  	v4 =	vshll.u32 v4, v0  }
0x242: {  	v4 =	vbroadcast v4, $0x0  }
0x243: {  	[tilespmem:v3+s18+$0x0] =	vst.idx.msk $0xffff, v2  }
0x244: {  	v3 =	vadd.s32 v19, v4;
	v2 =	vld [tilespmem:s20+$0x60];
	_ =	sdelay $0x4  }
0x245: {  	[tilespmem:v3+s18+$0x0] =	vst.idx.msk $0xffff, v2  }
0x246: {  	s23 =	simm.s32 $0x0;
	v3 =	vadd.s32 v20, v4;
	v2 =	vld [tilespmem:s20+$0x70]  }
0x247: {  	v5 =	vld [tilespmem:$0x1FFC0];
	v4 =	vmov s23  }
0x248: {  	v4 =	vshrl.u32 v4, $0x3  }
0x249: {  	v4 =	vshll.u32 v4, $0x3  }
0x24a: {  	v9 =	vbroadcast v4, $0x0  }
0x24b: {  	s21 =	simm.s32 $0x74F0;
	[tilespmem:v3+s18+$0x0] =	vst.idx.msk $0xffff, v2  }
0x24c: {  	v3 =	vadd.s32 v5, v9;
	v2 =	vld [tilespmem:s21+$0xFFFFFF10]  }
0x24d: {  	v6 =	vld [tilespmem:$0x1FFD0];
	_ =	sdelay $0x3  }
0x24e: {  	[tilespmem:v3+s18+$0x0] =	vst.idx.msk $0xffff, v2  }
0x24f: {  	v3 =	vadd.s32 v6, v9;
	v2 =	vld [tilespmem:s21+$0xFFFFFF20]  }
0x250: {  	v7 =	vld [tilespmem:$0x1FFE0];
	_ =	sdelay $0x3  }
0x251: {  	[tilespmem:v3+s18+$0x0] =	vst.idx.msk $0xffff, v2  }
0x252: {  	v3 =	vadd.s32 v7, v9;
	v2 =	vld [tilespmem:s21+$0xFFFFFF30]  }
0x253: {  	v8 =	vld [tilespmem:$0x1FFF0];
	_ =	sdelay $0x3  }
0x254: {  	[tilespmem:v3+s18+$0x0] =	vst.idx.msk $0xffff, v2  }
0x255: {  	v3 =	vadd.s32 v8, v9;
	v2 =	vld [tilespmem:s21+$0xFFFFFF40];
	_ =	sdelay $0x4  }
0x256: {  	[tilespmem:v3+s18+$0x0] =	vst.idx.msk $0xffff, v2  }
0x257: {  	v3 =	vadd.s32 v21, v9;
	v2 =	vld [tilespmem:s21+$0xFFFFFF50];
	_ =	sdelay $0x4  }
0x258: {  	[tilespmem:v3+s18+$0x0] =	vst.idx.msk $0xffff, v2  }
0x259: {  	v3 =	vadd.s32 v22, v9;
	v2 =	vld [tilespmem:s21+$0xFFFFFF60];
	_ =	sdelay $0x4  }
0x25a: {  	[tilespmem:v3+s18+$0x0] =	vst.idx.msk $0xffff, v2  }
0x25b: {  	v3 =	vadd.s32 v23, v9;
	v2 =	vld [tilespmem:s21+$0xFFFFFF70];
	_ =	sdelay $0x4  }
0x25c: {  	[tilespmem:v3+s18+$0x0] =	vst.idx.msk $0xffff, v2  }
0x25d: {  	v3 =	vadd.s32 v24, v9;
	v2 =	vld [tilespmem:s21+$0xFFFFFF80];
	_ =	sdelay $0x4  }
0x25e: {  	[tilespmem:v3+s18+$0x0] =	vst.idx.msk $0xffff, v2  }
0x25f: {  	v3 =	vadd.s32 v25, v9;
	v2 =	vld [tilespmem:s21+$0xFFFFFF90];
	_ =	sdelay $0x4  }
0x260: {  	[tilespmem:v3+s18+$0x0] =	vst.idx.msk $0xffff, v2  }
0x261: {  	v3 =	vadd.s32 v26, v9;
	v2 =	vld [tilespmem:s21+$0xFFFFFFA0];
	_ =	sdelay $0x4  }
0x262: {  	[tilespmem:v3+s18+$0x0] =	vst.idx.msk $0xffff, v2  }
0x263: {  	v3 =	vadd.s32 v27, v9;
	v2 =	vld [tilespmem:s21+$0xFFFFFFB0];
	_ =	sdelay $0x4  }
0x264: {  	[tilespmem:v3+s18+$0x0] =	vst.idx.msk $0xffff, v2  }
0x265: {  	v3 =	vadd.s32 v28, v9;
	v2 =	vld [tilespmem:s21+$0xFFFFFFC0];
	_ =	sdelay $0x4  }
0x266: {  	[tilespmem:v3+s18+$0x0] =	vst.idx.msk $0xffff, v2  }
0x267: {  	v3 =	vadd.s32 v29, v9;
	v2 =	vld [tilespmem:s21+$0xFFFFFFD0];
	_ =	sdelay $0x4  }
0x268: {  	[tilespmem:v3+s18+$0x0] =	vst.idx.msk $0xffff, v2  }
0x269: {  	v3 =	vadd.s32 v30, v9;
	v2 =	vld [tilespmem:s21+$0xFFFFFFE0];
	_ =	sdelay $0x4  }
0x26a: {  	[tilespmem:v3+s18+$0x0] =	vst.idx.msk $0xffff, v2  }
0x26b: {  	v3 =	vadd.s32 v31, v9;
	v2 =	vld [tilespmem:s21+$0xFFFFFFF0];
	_ =	sdelay $0x4  }
0x26c: {  	[tilespmem:v3+s18+$0x0] =	vst.idx.msk $0xffff, v2  }
0x26d: {  	s20 =	simm.s32 $0x8;
	v4 =	vadd.s32 v32, v9;
	v3 =	vld [tilespmem:s21+$0x0]  }
0x26e: {  	s22 =	simm.s32 $0x10;
	v2 =	vmov s20  }
.LBB2_5:
0x26f: {  	p1 =	sne.s32 s22, $0x78;
	v2 =	vshrl.u32 v2, $0x3  }
0x270: {  	v2 =	vshll.u32 v2, $0x3  }
0x271: {  	v2 =	vbroadcast v2, $0x0  }
0x272: {  	s21 =	sadd.s32 $0x100, s21;
	[tilespmem:v4+s18+$0x0] =	vst.idx.msk $0xffff, v3  }
0x273: {  	v3 =	vld [tilespmem:s21+$0xFFFFFF10];
	v4 =	vadd.s32 v5, v2;
	_ =	sdelay $0x4  }
0x274: {  	[tilespmem:v4+s18+$0x0] =	vst.idx.msk $0xffff, v3  }
0x275: {  	v4 =	vadd.s32 v6, v2;
	v3 =	vld [tilespmem:s21+$0xFFFFFF20];
	_ =	sdelay $0x4  }
0x276: {  	[tilespmem:v4+s18+$0x0] =	vst.idx.msk $0xffff, v3  }
0x277: {  	v4 =	vadd.s32 v7, v2;
	v3 =	vld [tilespmem:s21+$0xFFFFFF30];
	_ =	sdelay $0x4  }
0x278: {  	[tilespmem:v4+s18+$0x0] =	vst.idx.msk $0xffff, v3  }
0x279: {  	v4 =	vadd.s32 v8, v2;
	v3 =	vld [tilespmem:s21+$0xFFFFFF40];
	_ =	sdelay $0x4  }
0x27a: {  	[tilespmem:v4+s18+$0x0] =	vst.idx.msk $0xffff, v3  }
0x27b: {  	v4 =	vadd.s32 v21, v2;
	v3 =	vld [tilespmem:s21+$0xFFFFFF50];
	_ =	sdelay $0x4  }
0x27c: {  	[tilespmem:v4+s18+$0x0] =	vst.idx.msk $0xffff, v3  }
0x27d: {  	v4 =	vadd.s32 v22, v2;
	v3 =	vld [tilespmem:s21+$0xFFFFFF60];
	_ =	sdelay $0x4  }
0x27e: {  	[tilespmem:v4+s18+$0x0] =	vst.idx.msk $0xffff, v3  }
0x27f: {  	v4 =	vadd.s32 v23, v2;
	v3 =	vld [tilespmem:s21+$0xFFFFFF70];
	_ =	sdelay $0x4  }
0x280: {  	[tilespmem:v4+s18+$0x0] =	vst.idx.msk $0xffff, v3  }
0x281: {  	v4 =	vadd.s32 v24, v2;
	v3 =	vld [tilespmem:s21+$0xFFFFFF80];
	_ =	sdelay $0x4  }
0x282: {  	[tilespmem:v4+s18+$0x0] =	vst.idx.msk $0xffff, v3  }
0x283: {  	v4 =	vadd.s32 v25, v2;
	v3 =	vld [tilespmem:s21+$0xFFFFFF90];
	_ =	sdelay $0x4  }
0x284: {  	[tilespmem:v4+s18+$0x0] =	vst.idx.msk $0xffff, v3  }
0x285: {  	v4 =	vadd.s32 v26, v2;
	v3 =	vld [tilespmem:s21+$0xFFFFFFA0];
	_ =	sdelay $0x4  }
0x286: {  	[tilespmem:v4+s18+$0x0] =	vst.idx.msk $0xffff, v3  }
0x287: {  	v4 =	vadd.s32 v27, v2;
	v3 =	vld [tilespmem:s21+$0xFFFFFFB0];
	_ =	sdelay $0x4  }
0x288: {  	[tilespmem:v4+s18+$0x0] =	vst.idx.msk $0xffff, v3  }
0x289: {  	v4 =	vadd.s32 v28, v2;
	v3 =	vld [tilespmem:s21+$0xFFFFFFC0];
	_ =	sdelay $0x4  }
0x28a: {  	[tilespmem:v4+s18+$0x0] =	vst.idx.msk $0xffff, v3  }
0x28b: {  	v4 =	vadd.s32 v29, v2;
	v3 =	vld [tilespmem:s21+$0xFFFFFFD0];
	_ =	sdelay $0x4  }
0x28c: {  	[tilespmem:v4+s18+$0x0] =	vst.idx.msk $0xffff, v3  }
0x28d: {  	v4 =	vadd.s32 v30, v2;
	v3 =	vld [tilespmem:s21+$0xFFFFFFE0];
	_ =	sdelay $0x4  }
0x28e: {  	[tilespmem:v4+s18+$0x0] =	vst.idx.msk $0xffff, v3  }
0x28f: {  	v4 =	vadd.s32 v31, v2;
	v3 =	vld [tilespmem:s21+$0xFFFFFFF0];
	_ =	sdelay $0x2  }
.Ltmp1:
0x290: {  	(pc) =	sbr.rel @p1 .LBB2_5-.Ltmp1, $4  }
0x291: {  	_ = 	snop  }
0x292: {  	[tilespmem:v4+s18+$0x0] =	vst.idx.msk $0xffff, v3  }
0x293: {  	v4 =	vadd.s32 v32, v2;
	v3 =	vld [tilespmem:s21+$0x0]  }
0x294: {  	v2 =	vmov s22;
	s22 =	sadd.s32 $0x8, s22  }
0x295: {  	_ = 	snop  }
0x296: {  	v2 =	vshrl.u32 v2, $0x3  }
0x297: {  	v2 =	vshll.u32 v2, $0x3  }
0x298: {  	v2 =	vbroadcast v2, $0x0  }
0x299: {  	s21 =	sadd.s32 $0x100, s21;
	[tilespmem:v4+s18+$0x0] =	vst.idx.msk $0xffff, v3  }
0x29a: {  	v3 =	vld [tilespmem:s21+$0xFFFFFF10];
	v4 =	vadd.s32 v5, v2;
	_ =	sdelay $0x4  }
0x29b: {  	[tilespmem:v4+s18+$0x0] =	vst.idx.msk $0xffff, v3  }
0x29c: {  	v4 =	vadd.s32 v6, v2;
	v3 =	vld [tilespmem:s21+$0xFFFFFF20];
	_ =	sdelay $0x4  }
0x29d: {  	[tilespmem:v4+s18+$0x0] =	vst.idx.msk $0xffff, v3  }
0x29e: {  	v4 =	vadd.s32 v7, v2;
	v3 =	vld [tilespmem:s21+$0xFFFFFF30];
	_ =	sdelay $0x4  }
0x29f: {  	[tilespmem:v4+s18+$0x0] =	vst.idx.msk $0xffff, v3  }
0x2a0: {  	v4 =	vadd.s32 v8, v2;
	v3 =	vld [tilespmem:s21+$0xFFFFFF40];
	_ =	sdelay $0x4  }
0x2a1: {  	[tilespmem:v4+s18+$0x0] =	vst.idx.msk $0xffff, v3  }
0x2a2: {  	v4 =	vadd.s32 v21, v2;
	v3 =	vld [tilespmem:s21+$0xFFFFFF50];
	_ =	sdelay $0x4  }
0x2a3: {  	[tilespmem:v4+s18+$0x0] =	vst.idx.msk $0xffff, v3  }
0x2a4: {  	v4 =	vadd.s32 v22, v2;
	v3 =	vld [tilespmem:s21+$0xFFFFFF60];
	_ =	sdelay $0x4  }
0x2a5: {  	[tilespmem:v4+s18+$0x0] =	vst.idx.msk $0xffff, v3  }
0x2a6: {  	v4 =	vadd.s32 v23, v2;
	v3 =	vld [tilespmem:s21+$0xFFFFFF70];
	_ =	sdelay $0x4  }
0x2a7: {  	[tilespmem:v4+s18+$0x0] =	vst.idx.msk $0xffff, v3  }
0x2a8: {  	v4 =	vadd.s32 v24, v2;
	v3 =	vld [tilespmem:s21+$0xFFFFFF80];
	_ =	sdelay $0x4  }
0x2a9: {  	[tilespmem:v4+s18+$0x0] =	vst.idx.msk $0xffff, v3  }
0x2aa: {  	v4 =	vadd.s32 v25, v2;
	v3 =	vld [tilespmem:s21+$0xFFFFFF90];
	_ =	sdelay $0x4  }
0x2ab: {  	[tilespmem:v4+s18+$0x0] =	vst.idx.msk $0xffff, v3  }
0x2ac: {  	v4 =	vadd.s32 v26, v2;
	v3 =	vld [tilespmem:s21+$0xFFFFFFA0];
	_ =	sdelay $0x4  }
0x2ad: {  	[tilespmem:v4+s18+$0x0] =	vst.idx.msk $0xffff, v3  }
0x2ae: {  	v4 =	vadd.s32 v27, v2;
	v3 =	vld [tilespmem:s21+$0xFFFFFFB0];
	_ =	sdelay $0x4  }
0x2af: {  	[tilespmem:v4+s18+$0x0] =	vst.idx.msk $0xffff, v3  }
0x2b0: {  	v4 =	vadd.s32 v28, v2;
	v3 =	vld [tilespmem:s21+$0xFFFFFFC0];
	_ =	sdelay $0x4  }
0x2b1: {  	[tilespmem:v4+s18+$0x0] =	vst.idx.msk $0xffff, v3  }
0x2b2: {  	v4 =	vadd.s32 v29, v2;
	v3 =	vld [tilespmem:s21+$0xFFFFFFD0];
	_ =	sdelay $0x4  }
0x2b3: {  	[tilespmem:v4+s18+$0x0] =	vst.idx.msk $0xffff, v3  }
0x2b4: {  	v4 =	vadd.s32 v30, v2;
	v3 =	vld [tilespmem:s21+$0xFFFFFFE0];
	_ =	sdelay $0x4  }
0x2b5: {  	[tilespmem:v4+s18+$0x0] =	vst.idx.msk $0xffff, v3  }
0x2b6: {  	v4 =	vadd.s32 v31, v2;
	v3 =	vld [tilespmem:s21+$0xFFFFFFF0];
	_ =	sdelay $0x4  }
0x2b7: {  	[tilespmem:v4+s18+$0x0] =	vst.idx.msk $0xffff, v3  }
0x2b8: {  	v2 =	vadd.s32 v32, v2;
	v3 =	vld [tilespmem:s21+$0x0];
	_ =	sdelay $0x4  }
0x2b9: {  	s21 =	simm.s32 $0x84F0;
	[tilespmem:v2+s18+$0x0] =	vst.idx.msk $0xffff, v3  }
0x2ba: {  	v3 =	vadd.s32 v33, v9;
	v2 =	vld [tilespmem:s21+$0xFFFFFF10];
	_ =	sdelay $0x4  }
0x2bb: {  	[tilespmem:v3+s18+$0x0] =	vst.idx.msk $0xffff, v2  }
0x2bc: {  	v3 =	vadd.s32 v34, v9;
	v2 =	vld [tilespmem:s21+$0xFFFFFF20];
	_ =	sdelay $0x4  }
0x2bd: {  	[tilespmem:v3+s18+$0x0] =	vst.idx.msk $0xffff, v2  }
0x2be: {  	v3 =	vadd.s32 v35, v9;
	v2 =	vld [tilespmem:s21+$0xFFFFFF30];
	_ =	sdelay $0x4  }
0x2bf: {  	[tilespmem:v3+s18+$0x0] =	vst.idx.msk $0xffff, v2  }
0x2c0: {  	v3 =	vadd.s32 v36, v9;
	v2 =	vld [tilespmem:s21+$0xFFFFFF40];
	_ =	sdelay $0x4  }
0x2c1: {  	[tilespmem:v3+s18+$0x0] =	vst.idx.msk $0xffff, v2  }
0x2c2: {  	v3 =	vadd.s32 v37, v9;
	v2 =	vld [tilespmem:s21+$0xFFFFFF50];
	_ =	sdelay $0x4  }
0x2c3: {  	[tilespmem:v3+s18+$0x0] =	vst.idx.msk $0xffff, v2  }
0x2c4: {  	v3 =	vadd.s32 v38, v9;
	v2 =	vld [tilespmem:s21+$0xFFFFFF60];
	_ =	sdelay $0x4  }
0x2c5: {  	[tilespmem:v3+s18+$0x0] =	vst.idx.msk $0xffff, v2  }
0x2c6: {  	v3 =	vadd.s32 v39, v9;
	v2 =	vld [tilespmem:s21+$0xFFFFFF70];
	_ =	sdelay $0x4  }
0x2c7: {  	[tilespmem:v3+s18+$0x0] =	vst.idx.msk $0xffff, v2  }
0x2c8: {  	v3 =	vadd.s32 v40, v9;
	v2 =	vld [tilespmem:s21+$0xFFFFFF80];
	_ =	sdelay $0x4  }
0x2c9: {  	[tilespmem:v3+s18+$0x0] =	vst.idx.msk $0xffff, v2  }
0x2ca: {  	v3 =	vadd.s32 v41, v9;
	v2 =	vld [tilespmem:s21+$0xFFFFFF90];
	_ =	sdelay $0x4  }
0x2cb: {  	[tilespmem:v3+s18+$0x0] =	vst.idx.msk $0xffff, v2  }
0x2cc: {  	v3 =	vadd.s32 v42, v9;
	v2 =	vld [tilespmem:s21+$0xFFFFFFA0];
	_ =	sdelay $0x4  }
0x2cd: {  	[tilespmem:v3+s18+$0x0] =	vst.idx.msk $0xffff, v2  }
0x2ce: {  	v3 =	vadd.s32 v43, v9;
	v2 =	vld [tilespmem:s21+$0xFFFFFFB0];
	_ =	sdelay $0x4  }
0x2cf: {  	[tilespmem:v3+s18+$0x0] =	vst.idx.msk $0xffff, v2  }
0x2d0: {  	v3 =	vadd.s32 v44, v9;
	v2 =	vld [tilespmem:s21+$0xFFFFFFC0];
	_ =	sdelay $0x4  }
0x2d1: {  	[tilespmem:v3+s18+$0x0] =	vst.idx.msk $0xffff, v2  }
0x2d2: {  	v3 =	vadd.s32 v45, v9;
	v2 =	vld [tilespmem:s21+$0xFFFFFFD0];
	_ =	sdelay $0x4  }
0x2d3: {  	[tilespmem:v3+s18+$0x0] =	vst.idx.msk $0xffff, v2  }
0x2d4: {  	v3 =	vadd.s32 v46, v9;
	v2 =	vld [tilespmem:s21+$0xFFFFFFE0];
	_ =	sdelay $0x4  }
0x2d5: {  	[tilespmem:v3+s18+$0x0] =	vst.idx.msk $0xffff, v2  }
0x2d6: {  	v3 =	vadd.s32 v47, v9;
	v2 =	vld [tilespmem:s21+$0xFFFFFFF0];
	_ =	sdelay $0x4  }
0x2d7: {  	[tilespmem:v3+s18+$0x0] =	vst.idx.msk $0xffff, v2  }
0x2d8: {  	v4 =	vadd.s32 v48, v9;
	v3 =	vld [tilespmem:s21+$0x0]  }
0x2d9: {  	v2 =	vmov s20;
	s20 =	simm.s32 $0x10  }
.LBB2_7:
0x2da: {  	p1 =	sne.s32 s20, $0x78;
	v2 =	vshrl.u32 v2, $0x3  }
0x2db: {  	v2 =	vshll.u32 v2, $0x3  }
0x2dc: {  	v2 =	vbroadcast v2, $0x0  }
0x2dd: {  	s21 =	sadd.s32 $0x100, s21;
	[tilespmem:v4+s18+$0x0] =	vst.idx.msk $0xffff, v3  }
0x2de: {  	v3 =	vld [tilespmem:s21+$0xFFFFFF10];
	v4 =	vadd.s32 v33, v2;
	_ =	sdelay $0x4  }
0x2df: {  	[tilespmem:v4+s18+$0x0] =	vst.idx.msk $0xffff, v3  }
0x2e0: {  	v4 =	vadd.s32 v34, v2;
	v3 =	vld [tilespmem:s21+$0xFFFFFF20];
	_ =	sdelay $0x4  }
0x2e1: {  	[tilespmem:v4+s18+$0x0] =	vst.idx.msk $0xffff, v3  }
0x2e2: {  	v4 =	vadd.s32 v35, v2;
	v3 =	vld [tilespmem:s21+$0xFFFFFF30];
	_ =	sdelay $0x4  }
0x2e3: {  	[tilespmem:v4+s18+$0x0] =	vst.idx.msk $0xffff, v3  }
0x2e4: {  	v4 =	vadd.s32 v36, v2;
	v3 =	vld [tilespmem:s21+$0xFFFFFF40];
	_ =	sdelay $0x4  }
0x2e5: {  	[tilespmem:v4+s18+$0x0] =	vst.idx.msk $0xffff, v3  }
0x2e6: {  	v4 =	vadd.s32 v37, v2;
	v3 =	vld [tilespmem:s21+$0xFFFFFF50];
	_ =	sdelay $0x4  }
0x2e7: {  	[tilespmem:v4+s18+$0x0] =	vst.idx.msk $0xffff, v3  }
0x2e8: {  	v4 =	vadd.s32 v38, v2;
	v3 =	vld [tilespmem:s21+$0xFFFFFF60];
	_ =	sdelay $0x4  }
0x2e9: {  	[tilespmem:v4+s18+$0x0] =	vst.idx.msk $0xffff, v3  }
0x2ea: {  	v4 =	vadd.s32 v39, v2;
	v3 =	vld [tilespmem:s21+$0xFFFFFF70];
	_ =	sdelay $0x4  }
0x2eb: {  	[tilespmem:v4+s18+$0x0] =	vst.idx.msk $0xffff, v3  }
0x2ec: {  	v4 =	vadd.s32 v40, v2;
	v3 =	vld [tilespmem:s21+$0xFFFFFF80];
	_ =	sdelay $0x4  }
0x2ed: {  	[tilespmem:v4+s18+$0x0] =	vst.idx.msk $0xffff, v3  }
0x2ee: {  	v4 =	vadd.s32 v41, v2;
	v3 =	vld [tilespmem:s21+$0xFFFFFF90];
	_ =	sdelay $0x4  }
0x2ef: {  	[tilespmem:v4+s18+$0x0] =	vst.idx.msk $0xffff, v3  }
0x2f0: {  	v4 =	vadd.s32 v42, v2;
	v3 =	vld [tilespmem:s21+$0xFFFFFFA0];
	_ =	sdelay $0x4  }
0x2f1: {  	[tilespmem:v4+s18+$0x0] =	vst.idx.msk $0xffff, v3  }
0x2f2: {  	v4 =	vadd.s32 v43, v2;
	v3 =	vld [tilespmem:s21+$0xFFFFFFB0];
	_ =	sdelay $0x4  }
0x2f3: {  	[tilespmem:v4+s18+$0x0] =	vst.idx.msk $0xffff, v3  }
0x2f4: {  	v4 =	vadd.s32 v44, v2;
	v3 =	vld [tilespmem:s21+$0xFFFFFFC0];
	_ =	sdelay $0x4  }
0x2f5: {  	[tilespmem:v4+s18+$0x0] =	vst.idx.msk $0xffff, v3  }
0x2f6: {  	v4 =	vadd.s32 v45, v2;
	v3 =	vld [tilespmem:s21+$0xFFFFFFD0];
	_ =	sdelay $0x4  }
0x2f7: {  	[tilespmem:v4+s18+$0x0] =	vst.idx.msk $0xffff, v3  }
0x2f8: {  	v4 =	vadd.s32 v46, v2;
	v3 =	vld [tilespmem:s21+$0xFFFFFFE0];
	_ =	sdelay $0x4  }
0x2f9: {  	[tilespmem:v4+s18+$0x0] =	vst.idx.msk $0xffff, v3  }
0x2fa: {  	v4 =	vadd.s32 v47, v2;
	v3 =	vld [tilespmem:s21+$0xFFFFFFF0];
	_ =	sdelay $0x2  }
.Ltmp2:
0x2fb: {  	(pc) =	sbr.rel @p1 .LBB2_7-.Ltmp2, $4  }
0x2fc: {  	_ = 	snop  }
0x2fd: {  	[tilespmem:v4+s18+$0x0] =	vst.idx.msk $0xffff, v3  }
0x2fe: {  	v4 =	vadd.s32 v48, v2;
	v3 =	vld [tilespmem:s21+$0x0]  }
0x2ff: {  	v2 =	vmov s20;
	s20 =	sadd.s32 $0x8, s20  }
0x300: {  	_ = 	snop  }
0x301: {  	v2 =	vshrl.u32 v2, $0x3  }
0x302: {  	v2 =	vshll.u32 v2, $0x3  }
0x303: {  	v2 =	vbroadcast v2, $0x0  }
0x304: {  	s20 =	sadd.s32 $0x100, s21;
	[tilespmem:v4+s18+$0x0] =	vst.idx.msk $0xffff, v3  }
0x305: {  	v3 =	vld [tilespmem:s20+$0xFFFFFF10];
	v4 =	vadd.s32 v33, v2;
	_ =	sdelay $0x4  }
0x306: {  	[tilespmem:v4+s18+$0x0] =	vst.idx.msk $0xffff, v3  }
0x307: {  	v4 =	vadd.s32 v34, v2;
	v3 =	vld [tilespmem:s20+$0xFFFFFF20];
	_ =	sdelay $0x4  }
0x308: {  	[tilespmem:v4+s18+$0x0] =	vst.idx.msk $0xffff, v3  }
0x309: {  	v4 =	vadd.s32 v35, v2;
	v3 =	vld [tilespmem:s20+$0xFFFFFF30];
	_ =	sdelay $0x4  }
0x30a: {  	[tilespmem:v4+s18+$0x0] =	vst.idx.msk $0xffff, v3  }
0x30b: {  	v4 =	vadd.s32 v36, v2;
	v3 =	vld [tilespmem:s20+$0xFFFFFF40];
	_ =	sdelay $0x4  }
0x30c: {  	[tilespmem:v4+s18+$0x0] =	vst.idx.msk $0xffff, v3  }
0x30d: {  	v4 =	vadd.s32 v37, v2;
	v3 =	vld [tilespmem:s20+$0xFFFFFF50];
	_ =	sdelay $0x4  }
0x30e: {  	[tilespmem:v4+s18+$0x0] =	vst.idx.msk $0xffff, v3  }
0x30f: {  	v4 =	vadd.s32 v38, v2;
	v3 =	vld [tilespmem:s20+$0xFFFFFF60];
	_ =	sdelay $0x4  }
0x310: {  	[tilespmem:v4+s18+$0x0] =	vst.idx.msk $0xffff, v3  }
0x311: {  	v4 =	vadd.s32 v39, v2;
	v3 =	vld [tilespmem:s20+$0xFFFFFF70];
	_ =	sdelay $0x4  }
0x312: {  	[tilespmem:v4+s18+$0x0] =	vst.idx.msk $0xffff, v3  }
0x313: {  	v4 =	vadd.s32 v40, v2;
	v3 =	vld [tilespmem:s20+$0xFFFFFF80];
	_ =	sdelay $0x4  }
0x314: {  	[tilespmem:v4+s18+$0x0] =	vst.idx.msk $0xffff, v3  }
0x315: {  	v4 =	vadd.s32 v41, v2;
	v3 =	vld [tilespmem:s20+$0xFFFFFF90];
	_ =	sdelay $0x4  }
0x316: {  	[tilespmem:v4+s18+$0x0] =	vst.idx.msk $0xffff, v3  }
0x317: {  	v4 =	vadd.s32 v42, v2;
	v3 =	vld [tilespmem:s20+$0xFFFFFFA0];
	_ =	sdelay $0x4  }
0x318: {  	[tilespmem:v4+s18+$0x0] =	vst.idx.msk $0xffff, v3  }
0x319: {  	v4 =	vadd.s32 v43, v2;
	v3 =	vld [tilespmem:s20+$0xFFFFFFB0];
	_ =	sdelay $0x4  }
0x31a: {  	[tilespmem:v4+s18+$0x0] =	vst.idx.msk $0xffff, v3  }
0x31b: {  	v4 =	vadd.s32 v44, v2;
	v3 =	vld [tilespmem:s20+$0xFFFFFFC0];
	_ =	sdelay $0x4  }
0x31c: {  	[tilespmem:v4+s18+$0x0] =	vst.idx.msk $0xffff, v3  }
0x31d: {  	v4 =	vadd.s32 v45, v2;
	v3 =	vld [tilespmem:s20+$0xFFFFFFD0];
	_ =	sdelay $0x4  }
0x31e: {  	[tilespmem:v4+s18+$0x0] =	vst.idx.msk $0xffff, v3  }
0x31f: {  	v4 =	vadd.s32 v46, v2;
	v3 =	vld [tilespmem:s20+$0xFFFFFFE0];
	_ =	sdelay $0x4  }
0x320: {  	[tilespmem:v4+s18+$0x0] =	vst.idx.msk $0xffff, v3  }
0x321: {  	v4 =	vadd.s32 v47, v2;
	v3 =	vld [tilespmem:s20+$0xFFFFFFF0];
	_ =	sdelay $0x4  }
0x322: {  	[tilespmem:v4+s18+$0x0] =	vst.idx.msk $0xffff, v3  }
0x323: {  	s22 =	simm.s32 $0x0;
	v2 =	vadd.s32 v48, v2;
	v3 =	vld [tilespmem:s20+$0x0]  }
0x324: {  	v4 =	vmov s22  }
0x325: {  	v4 =	vshrl.u32 v4, $0x3  }
0x326: {  	v4 =	vshll.u32 v4, $0x3  }
0x327: {  	v4 =	vbroadcast v4, $0x0  }
0x328: {  	s20 =	simm.s32 $0x94F0;
	[tilespmem:v2+s18+$0x0] =	vst.idx.msk $0xffff, v3  }
0x329: {  	v3 =	vadd.s32 v49, v4;
	v2 =	vld [tilespmem:s20+$0xFFFFFF10];
	_ =	sdelay $0x4  }
0x32a: {  	[tilespmem:v3+s18+$0x0] =	vst.idx.msk $0xffff, v2  }
0x32b: {  	v3 =	vadd.s32 v50, v4;
	v2 =	vld [tilespmem:s20+$0xFFFFFF20];
	_ =	sdelay $0x4  }
0x32c: {  	[tilespmem:v3+s18+$0x0] =	vst.idx.msk $0xffff, v2  }
0x32d: {  	v3 =	vadd.s32 v51, v4;
	v2 =	vld [tilespmem:s20+$0xFFFFFF30];
	_ =	sdelay $0x4  }
0x32e: {  	[tilespmem:v3+s18+$0x0] =	vst.idx.msk $0xffff, v2  }
0x32f: {  	v3 =	vadd.s32 v52, v4;
	v2 =	vld [tilespmem:s20+$0xFFFFFF40];
	_ =	sdelay $0x4  }
0x330: {  	[tilespmem:v3+s18+$0x0] =	vst.idx.msk $0xffff, v2  }
0x331: {  	v3 =	vadd.s32 v53, v4;
	v2 =	vld [tilespmem:s20+$0xFFFFFF50];
	_ =	sdelay $0x4  }
0x332: {  	[tilespmem:v3+s18+$0x0] =	vst.idx.msk $0xffff, v2  }
0x333: {  	v3 =	vadd.s32 v54, v4;
	v2 =	vld [tilespmem:s20+$0xFFFFFF60];
	_ =	sdelay $0x4  }
0x334: {  	[tilespmem:v3+s18+$0x0] =	vst.idx.msk $0xffff, v2  }
0x335: {  	v3 =	vadd.s32 v55, v4;
	v2 =	vld [tilespmem:s20+$0xFFFFFF70];
	_ =	sdelay $0x4  }
0x336: {  	[tilespmem:v3+s18+$0x0] =	vst.idx.msk $0xffff, v2  }
0x337: {  	v3 =	vadd.s32 v56, v4;
	v2 =	vld [tilespmem:s20+$0xFFFFFF80];
	_ =	sdelay $0x4  }
0x338: {  	[tilespmem:v3+s18+$0x0] =	vst.idx.msk $0xffff, v2  }
0x339: {  	v3 =	vadd.s32 v57, v4;
	v2 =	vld [tilespmem:s20+$0xFFFFFF90];
	_ =	sdelay $0x4  }
0x33a: {  	[tilespmem:v3+s18+$0x0] =	vst.idx.msk $0xffff, v2  }
0x33b: {  	v3 =	vadd.s32 v58, v4;
	v2 =	vld [tilespmem:s20+$0xFFFFFFA0];
	_ =	sdelay $0x4  }
0x33c: {  	[tilespmem:v3+s18+$0x0] =	vst.idx.msk $0xffff, v2  }
0x33d: {  	v3 =	vadd.s32 v59, v4;
	v2 =	vld [tilespmem:s20+$0xFFFFFFB0];
	_ =	sdelay $0x4  }
0x33e: {  	[tilespmem:v3+s18+$0x0] =	vst.idx.msk $0xffff, v2  }
0x33f: {  	v3 =	vadd.s32 v60, v4;
	v2 =	vld [tilespmem:s20+$0xFFFFFFC0];
	_ =	sdelay $0x4  }
0x340: {  	[tilespmem:v3+s18+$0x0] =	vst.idx.msk $0xffff, v2  }
0x341: {  	v3 =	vadd.s32 v61, v4;
	v2 =	vld [tilespmem:s20+$0xFFFFFFD0];
	_ =	sdelay $0x4  }
0x342: {  	[tilespmem:v3+s18+$0x0] =	vst.idx.msk $0xffff, v2  }
0x343: {  	v3 =	vadd.s32 v62, v4;
	v2 =	vld [tilespmem:s20+$0xFFFFFFE0];
	_ =	sdelay $0x4  }
0x344: {  	[tilespmem:v3+s18+$0x0] =	vst.idx.msk $0xffff, v2  }
0x345: {  	v3 =	vadd.s32 v63, v4;
	v2 =	vld [tilespmem:s20+$0xFFFFFFF0];
	_ =	sdelay $0x4  }
0x346: {  	[tilespmem:v3+s18+$0x0] =	vst.idx.msk $0xffff, v2  }
0x347: {  	s23 =	simm.s32 $0x8;
	v4 =	vadd.s32 v1, v4;
	v3 =	vld [tilespmem:s20+$0x0]  }
0x348: {  	s21 =	simm.s32 $0x10;
	v2 =	vmov s23  }
.LBB2_9:
0x349: {  	p1 =	sne.s32 s21, $0x78;
	v2 =	vshrl.u32 v2, $0x3  }
0x34a: {  	v2 =	vshll.u32 v2, $0x3  }
0x34b: {  	v2 =	vbroadcast v2, $0x0  }
0x34c: {  	s20 =	sadd.s32 $0x100, s20;
	[tilespmem:v4+s18+$0x0] =	vst.idx.msk $0xffff, v3  }
0x34d: {  	v3 =	vld [tilespmem:s20+$0xFFFFFF10];
	v4 =	vadd.s32 v49, v2;
	_ =	sdelay $0x4  }
0x34e: {  	[tilespmem:v4+s18+$0x0] =	vst.idx.msk $0xffff, v3  }
0x34f: {  	v4 =	vadd.s32 v50, v2;
	v3 =	vld [tilespmem:s20+$0xFFFFFF20];
	_ =	sdelay $0x4  }
0x350: {  	[tilespmem:v4+s18+$0x0] =	vst.idx.msk $0xffff, v3  }
0x351: {  	v4 =	vadd.s32 v51, v2;
	v3 =	vld [tilespmem:s20+$0xFFFFFF30];
	_ =	sdelay $0x4  }
0x352: {  	[tilespmem:v4+s18+$0x0] =	vst.idx.msk $0xffff, v3  }
0x353: {  	v4 =	vadd.s32 v52, v2;
	v3 =	vld [tilespmem:s20+$0xFFFFFF40];
	_ =	sdelay $0x4  }
0x354: {  	[tilespmem:v4+s18+$0x0] =	vst.idx.msk $0xffff, v3  }
0x355: {  	v4 =	vadd.s32 v53, v2;
	v3 =	vld [tilespmem:s20+$0xFFFFFF50];
	_ =	sdelay $0x4  }
0x356: {  	[tilespmem:v4+s18+$0x0] =	vst.idx.msk $0xffff, v3  }
0x357: {  	v4 =	vadd.s32 v54, v2;
	v3 =	vld [tilespmem:s20+$0xFFFFFF60];
	_ =	sdelay $0x4  }
0x358: {  	[tilespmem:v4+s18+$0x0] =	vst.idx.msk $0xffff, v3  }
0x359: {  	v4 =	vadd.s32 v55, v2;
	v3 =	vld [tilespmem:s20+$0xFFFFFF70];
	_ =	sdelay $0x4  }
0x35a: {  	[tilespmem:v4+s18+$0x0] =	vst.idx.msk $0xffff, v3  }
0x35b: {  	v4 =	vadd.s32 v56, v2;
	v3 =	vld [tilespmem:s20+$0xFFFFFF80];
	_ =	sdelay $0x4  }
0x35c: {  	[tilespmem:v4+s18+$0x0] =	vst.idx.msk $0xffff, v3  }
0x35d: {  	v4 =	vadd.s32 v57, v2;
	v3 =	vld [tilespmem:s20+$0xFFFFFF90];
	_ =	sdelay $0x4  }
0x35e: {  	[tilespmem:v4+s18+$0x0] =	vst.idx.msk $0xffff, v3  }
0x35f: {  	v4 =	vadd.s32 v58, v2;
	v3 =	vld [tilespmem:s20+$0xFFFFFFA0];
	_ =	sdelay $0x4  }
0x360: {  	[tilespmem:v4+s18+$0x0] =	vst.idx.msk $0xffff, v3  }
0x361: {  	v4 =	vadd.s32 v59, v2;
	v3 =	vld [tilespmem:s20+$0xFFFFFFB0];
	_ =	sdelay $0x4  }
0x362: {  	[tilespmem:v4+s18+$0x0] =	vst.idx.msk $0xffff, v3  }
0x363: {  	v4 =	vadd.s32 v60, v2;
	v3 =	vld [tilespmem:s20+$0xFFFFFFC0];
	_ =	sdelay $0x4  }
0x364: {  	[tilespmem:v4+s18+$0x0] =	vst.idx.msk $0xffff, v3  }
0x365: {  	v4 =	vadd.s32 v61, v2;
	v3 =	vld [tilespmem:s20+$0xFFFFFFD0];
	_ =	sdelay $0x4  }
0x366: {  	[tilespmem:v4+s18+$0x0] =	vst.idx.msk $0xffff, v3  }
0x367: {  	v4 =	vadd.s32 v62, v2;
	v3 =	vld [tilespmem:s20+$0xFFFFFFE0];
	_ =	sdelay $0x4  }
0x368: {  	[tilespmem:v4+s18+$0x0] =	vst.idx.msk $0xffff, v3  }
0x369: {  	v4 =	vadd.s32 v63, v2;
	v3 =	vld [tilespmem:s20+$0xFFFFFFF0];
	_ =	sdelay $0x2  }
.Ltmp3:
0x36a: {  	(pc) =	sbr.rel @p1 .LBB2_9-.Ltmp3, $4  }
0x36b: {  	_ = 	snop  }
0x36c: {  	[tilespmem:v4+s18+$0x0] =	vst.idx.msk $0xffff, v3  }
0x36d: {  	v4 =	vadd.s32 v1, v2;
	v3 =	vld [tilespmem:s20+$0x0]  }
0x36e: {  	v2 =	vmov s21;
	s21 =	sadd.s32 $0x8, s21  }
0x36f: {  	_ = 	snop  }
0x370: {  	v2 =	vshrl.u32 v2, $0x3  }
0x371: {  	v2 =	vshll.u32 v2, $0x3  }
0x372: {  	v2 =	vbroadcast v2, $0x0  }
0x373: {  	s20 =	sadd.s32 $0x100, s20;
	[tilespmem:v4+s18+$0x0] =	vst.idx.msk $0xffff, v3  }
0x374: {  	v3 =	vld [tilespmem:s20+$0xFFFFFF10];
	v17 =	vadd.s32 v49, v2;
	_ =	sdelay $0x4  }
0x375: {  	[tilespmem:v17+s18+$0x0] =	vst.idx.msk $0xffff, v3  }
0x376: {  	v18 =	vadd.s32 v50, v2;
	v3 =	vld [tilespmem:s20+$0xFFFFFF20];
	_ =	sdelay $0x4  }
0x377: {  	[tilespmem:v18+s18+$0x0] =	vst.idx.msk $0xffff, v3  }
0x378: {  	v19 =	vadd.s32 v51, v2;
	v3 =	vld [tilespmem:s20+$0xFFFFFF30];
	_ =	sdelay $0x4  }
0x379: {  	[tilespmem:v19+s18+$0x0] =	vst.idx.msk $0xffff, v3  }
0x37a: {  	v8 =	vadd.s32 v52, v2;
	v3 =	vld [tilespmem:s20+$0xFFFFFF40];
	_ =	sdelay $0x4  }
0x37b: {  	[tilespmem:v8+s18+$0x0] =	vst.idx.msk $0xffff, v3  }
0x37c: {  	v9 =	vadd.s32 v53, v2;
	v3 =	vld [tilespmem:s20+$0xFFFFFF50];
	_ =	sdelay $0x4  }
0x37d: {  	[tilespmem:v9+s18+$0x0] =	vst.idx.msk $0xffff, v3  }
0x37e: {  	v10 =	vadd.s32 v54, v2;
	v3 =	vld [tilespmem:s20+$0xFFFFFF60];
	_ =	sdelay $0x4  }
0x37f: {  	[tilespmem:v10+s18+$0x0] =	vst.idx.msk $0xffff, v3  }
0x380: {  	v11 =	vadd.s32 v55, v2;
	v3 =	vld [tilespmem:s20+$0xFFFFFF70];
	_ =	sdelay $0x4  }
0x381: {  	[tilespmem:v11+s18+$0x0] =	vst.idx.msk $0xffff, v3  }
0x382: {  	v12 =	vadd.s32 v56, v2;
	v3 =	vld [tilespmem:s20+$0xFFFFFF80];
	_ =	sdelay $0x4  }
0x383: {  	[tilespmem:v12+s18+$0x0] =	vst.idx.msk $0xffff, v3  }
0x384: {  	v13 =	vadd.s32 v57, v2;
	v3 =	vld [tilespmem:s20+$0xFFFFFF90];
	_ =	sdelay $0x4  }
0x385: {  	[tilespmem:v13+s18+$0x0] =	vst.idx.msk $0xffff, v3  }
0x386: {  	v14 =	vadd.s32 v58, v2;
	v3 =	vld [tilespmem:s20+$0xFFFFFFA0];
	_ =	sdelay $0x4  }
0x387: {  	[tilespmem:v14+s18+$0x0] =	vst.idx.msk $0xffff, v3  }
0x388: {  	v15 =	vadd.s32 v59, v2;
	v3 =	vld [tilespmem:s20+$0xFFFFFFB0];
	_ =	sdelay $0x4  }
0x389: {  	[tilespmem:v15+s18+$0x0] =	vst.idx.msk $0xffff, v3  }
0x38a: {  	v16 =	vadd.s32 v60, v2;
	v3 =	vld [tilespmem:s20+$0xFFFFFFC0];
	_ =	sdelay $0x4  }
0x38b: {  	[tilespmem:v16+s18+$0x0] =	vst.idx.msk $0xffff, v3  }
0x38c: {  	v17 =	vadd.s32 v61, v2;
	v3 =	vld [tilespmem:s20+$0xFFFFFFD0];
	_ =	sdelay $0x4  }
0x38d: {  	[tilespmem:v17+s18+$0x0] =	vst.idx.msk $0xffff, v3  }
0x38e: {  	v18 =	vadd.s32 v62, v2;
	v3 =	vld [tilespmem:s20+$0xFFFFFFE0];
	_ =	sdelay $0x4  }
0x38f: {  	[tilespmem:v18+s18+$0x0] =	vst.idx.msk $0xffff, v3  }
0x390: {  	v19 =	vadd.s32 v63, v2;
	v3 =	vld [tilespmem:s20+$0xFFFFFFF0];
	_ =	sdelay $0x4  }
0x391: {  	[tilespmem:v19+s18+$0x0] =	vst.idx.msk $0xffff, v3  }
0x392: {  	v2 =	vadd.s32 v1, v2;
	v3 =	vld [tilespmem:s20+$0x0]  }
0x393: {  	s19 =	sadd.s32 s5, s19  }
0x394: {  	s19 =	sshll.u32 s19, $0x11  }
0x395: {  	s19 =	sor.u32 s7, s19  }
0x396: {  	s19 =	sshrl.u32 s19, $0x3  }
0x397: {  	s20 =	sadd.s32 s2, s19;
	[tilespmem:v2+s18+$0x0] =	vst.idx.msk $0xffff, v3  }
0x398: {  	[hbm4b:s20+s3] =	stream.linear.scatter [tilespmem:s18], [sflag:$0x3], $0x80, $0x38;
	[tilespmem:$0x18E00] =	vst v63  }
0x399: {  	s22 =	simm.s32 $0xE488;
	s21 =	sadd.s32 $0x10, s20  }
0x39a: {  	[hbm4b:s21+s3] =	stream.linear.scatter [tilespmem:s22], [sflag:$0x3], $0x80, $0x38;
	[tilespmem:$0x18E00] =	vst v63  }
0x39b: {  	s23 =	simm.s32 $0xE510;
	s22 =	sadd.s32 $0x20, s20  }
0x39c: {  	[hbm4b:s22+s3] =	stream.linear.scatter [tilespmem:s23], [sflag:$0x3], $0x80, $0x38;
	[tilespmem:$0x18E00] =	vst v63  }
0x39d: {  	s22 =	sadd.s32 $0x30, s20;
	s23 =	simm.s32 $0xE598  }
0x39e: {  	[hbm4b:s22+s3] =	stream.linear.scatter [tilespmem:s23], [sflag:$0x3], $0x80, $0x38;
	[tilespmem:$0x18E00] =	vst v63  }
0x39f: {  	s22 =	sadd.s32 $0x40, s20;
	s23 =	simm.s32 $0xE620  }
0x3a0: {  	[hbm4b:s22+s3] =	stream.linear.scatter [tilespmem:s23], [sflag:$0x3], $0x80, $0x38;
	[tilespmem:$0x18E00] =	vst v63  }
0x3a1: {  	s22 =	sadd.s32 $0x50, s20;
	s23 =	simm.s32 $0xE6A8  }
0x3a2: {  	[hbm4b:s22+s3] =	stream.linear.scatter [tilespmem:s23], [sflag:$0x3], $0x80, $0x38;
	[tilespmem:$0x18E00] =	vst v63  }
0x3a3: {  	s22 =	sadd.s32 $0x60, s20;
	s23 =	simm.s32 $0xE730  }
0x3a4: {  	[hbm4b:s22+s3] =	stream.linear.scatter [tilespmem:s23], [sflag:$0x3], $0x80, $0x38;
	[tilespmem:$0x18E00] =	vst v63  }
0x3a5: {  	s22 =	sadd.s32 $0x70, s20;
	s23 =	simm.s32 $0xE7B8  }
0x3a6: {  	[hbm4b:s22+s3] =	stream.linear.scatter [tilespmem:s23], [sflag:$0x3], $0x80, $0x38;
	[tilespmem:$0x18E00] =	vst v63  }
0x3a7: {  	s22 =	sadd.s32 $0x80, s20;
	s23 =	simm.s32 $0xE950  }
0x3a8: {  	[hbm4b:s22+s3] =	stream.linear.scatter [tilespmem:s23], [sflag:$0x3], $0x80, $0x38;
	[tilespmem:$0x18E00] =	vst v63  }
0x3a9: {  	s22 =	sadd.s32 $0x90, s20;
	s23 =	simm.s32 $0xE9D8  }
0x3aa: {  	[hbm4b:s22+s3] =	stream.linear.scatter [tilespmem:s23], [sflag:$0x3], $0x80, $0x38;
	[tilespmem:$0x18E00] =	vst v63  }
0x3ab: {  	s22 =	sadd.s32 $0xA0, s20;
	s23 =	simm.s32 $0xEA60  }
0x3ac: {  	[hbm4b:s22+s3] =	stream.linear.scatter [tilespmem:s23], [sflag:$0x3], $0x80, $0x38;
	[tilespmem:$0x18E00] =	vst v63  }
0x3ad: {  	s22 =	sadd.s32 $0xB0, s20;
	s23 =	simm.s32 $0xEAE8  }
0x3ae: {  	[hbm4b:s22+s3] =	stream.linear.scatter [tilespmem:s23], [sflag:$0x3], $0x80, $0x38;
	[tilespmem:$0x18E00] =	vst v63  }
0x3af: {  	s22 =	sadd.s32 $0xC0, s20;
	s23 =	simm.s32 $0xEB70  }
0x3b0: {  	[hbm4b:s22+s3] =	stream.linear.scatter [tilespmem:s23], [sflag:$0x3], $0x80, $0x38;
	[tilespmem:$0x18E00] =	vst v63  }
0x3b1: {  	s22 =	sadd.s32 $0xD0, s20;
	s23 =	simm.s32 $0xEBF8  }
0x3b2: {  	[hbm4b:s22+s3] =	stream.linear.scatter [tilespmem:s23], [sflag:$0x3], $0x80, $0x38;
	[tilespmem:$0x18E00] =	vst v63  }
0x3b3: {  	s22 =	sadd.s32 $0xE0, s20;
	s23 =	simm.s32 $0xEC80  }
0x3b4: {  	[hbm4b:s22+s3] =	stream.linear.scatter [tilespmem:s23], [sflag:$0x3], $0x80, $0x38;
	[tilespmem:$0x18E00] =	vst v63  }
0x3b5: {  	s22 =	sadd.s32 $0xF0, s20;
	s23 =	simm.s32 $0xED08  }
0x3b6: {  	[hbm4b:s22+s3] =	stream.linear.scatter [tilespmem:s23], [sflag:$0x3], $0x80, $0x38;
	[tilespmem:$0x18E00] =	vst v63  }
0x3b7: {  	s22 =	sadd.s32 $0x100, s20;
	s23 =	simm.s32 $0xEEA0  }
0x3b8: {  	[hbm4b:s22+s3] =	stream.linear.scatter [tilespmem:s23], [sflag:$0x3], $0x80, $0x38;
	[tilespmem:$0x18E00] =	vst v63  }
0x3b9: {  	s22 =	sadd.s32 $0x110, s20;
	s23 =	simm.s32 $0xEF28  }
0x3ba: {  	[hbm4b:s22+s3] =	stream.linear.scatter [tilespmem:s23], [sflag:$0x3], $0x80, $0x38;
	[tilespmem:$0x18E00] =	vst v63  }
0x3bb: {  	s22 =	sadd.s32 $0x120, s20;
	s23 =	simm.s32 $0xEFB0  }
0x3bc: {  	[hbm4b:s22+s3] =	stream.linear.scatter [tilespmem:s23], [sflag:$0x3], $0x80, $0x38;
	[tilespmem:$0x18E00] =	vst v63  }
0x3bd: {  	s22 =	sadd.s32 $0x130, s20;
	s23 =	simm.s32 $0xF038  }
0x3be: {  	[hbm4b:s22+s3] =	stream.linear.scatter [tilespmem:s23], [sflag:$0x3], $0x80, $0x38;
	[tilespmem:$0x18E00] =	vst v63  }
0x3bf: {  	s22 =	sadd.s32 $0x140, s20;
	s23 =	simm.s32 $0xF0C0  }
0x3c0: {  	[hbm4b:s22+s3] =	stream.linear.scatter [tilespmem:s23], [sflag:$0x3], $0x80, $0x38;
	[tilespmem:$0x18E00] =	vst v63  }
0x3c1: {  	s22 =	sadd.s32 $0x150, s20;
	s23 =	simm.s32 $0xF148  }
0x3c2: {  	[hbm4b:s22+s3] =	stream.linear.scatter [tilespmem:s23], [sflag:$0x3], $0x80, $0x38;
	[tilespmem:$0x18E00] =	vst v63  }
0x3c3: {  	s22 =	sadd.s32 $0x160, s20;
	s23 =	simm.s32 $0xF1D0  }
0x3c4: {  	[hbm4b:s22+s3] =	stream.linear.scatter [tilespmem:s23], [sflag:$0x3], $0x80, $0x38;
	[tilespmem:$0x18E00] =	vst v63  }
0x3c5: {  	s22 =	sadd.s32 $0x170, s20;
	s23 =	simm.s32 $0xF258  }
0x3c6: {  	[hbm4b:s22+s3] =	stream.linear.scatter [tilespmem:s23], [sflag:$0x3], $0x80, $0x38;
	[tilespmem:$0x18E00] =	vst v63  }
0x3c7: {  	s22 =	sadd.s32 $0x180, s20;
	s23 =	simm.s32 $0xF3F0  }
0x3c8: {  	[hbm4b:s22+s3] =	stream.linear.scatter [tilespmem:s23], [sflag:$0x3], $0x80, $0x38;
	[tilespmem:$0x18E00] =	vst v63  }
0x3c9: {  	s22 =	sadd.s32 $0x190, s20;
	s23 =	simm.s32 $0xF478  }
0x3ca: {  	[hbm4b:s22+s3] =	stream.linear.scatter [tilespmem:s23], [sflag:$0x3], $0x80, $0x38;
	[tilespmem:$0x18E00] =	vst v63  }
0x3cb: {  	s22 =	sadd.s32 $0x1A0, s20;
	s23 =	simm.s32 $0xF500  }
0x3cc: {  	[hbm4b:s22+s3] =	stream.linear.scatter [tilespmem:s23], [sflag:$0x3], $0x80, $0x38;
	[tilespmem:$0x18E00] =	vst v63  }
0x3cd: {  	s22 =	sadd.s32 $0x1B0, s20;
	s23 =	simm.s32 $0xF588  }
0x3ce: {  	[hbm4b:s22+s3] =	stream.linear.scatter [tilespmem:s23], [sflag:$0x3], $0x80, $0x38;
	[tilespmem:$0x18E00] =	vst v63  }
0x3cf: {  	s22 =	sadd.s32 $0x1C0, s20;
	s23 =	simm.s32 $0xF610  }
0x3d0: {  	[hbm4b:s22+s3] =	stream.linear.scatter [tilespmem:s23], [sflag:$0x3], $0x80, $0x38;
	[tilespmem:$0x18E00] =	vst v63  }
0x3d1: {  	s22 =	sadd.s32 $0x1D0, s20;
	s23 =	simm.s32 $0xF698  }
0x3d2: {  	[hbm4b:s22+s3] =	stream.linear.scatter [tilespmem:s23], [sflag:$0x3], $0x80, $0x38;
	[tilespmem:$0x18E00] =	vst v63  }
0x3d3: {  	s22 =	sadd.s32 $0x1E0, s20;
	s23 =	simm.s32 $0xF720  }
0x3d4: {  	[hbm4b:s22+s3] =	stream.linear.scatter [tilespmem:s23], [sflag:$0x3], $0x80, $0x38;
	[tilespmem:$0x18E00] =	vst v63  }
0x3d5: {  	s20 =	sadd.s32 $0x1F0, s20;
	s22 =	simm.s32 $0xF7A8  }
0x3d6: {  	[hbm4b:s20+s3] =	stream.linear.scatter [tilespmem:s22], [sflag:$0x3], $0x80, $0x38;
	[tilespmem:$0x18E00] =	vst v63  }
0x3d7: {  	s23 =	simm.s32 $0xF940;
	s20 =	sadd.s32 s19, s8  }
0x3d8: {  	[hbm4b:s20+s3] =	stream.linear.scatter [tilespmem:s23], [sflag:$0x3], $0x80, $0x38;
	[tilespmem:$0x18E00] =	vst v63  }
0x3d9: {  	s22 =	sadd.s32 $0x10, s20;
	s23 =	simm.s32 $0xF9C8  }
0x3da: {  	[hbm4b:s22+s3] =	stream.linear.scatter [tilespmem:s23], [sflag:$0x3], $0x80, $0x38;
	[tilespmem:$0x18E00] =	vst v63  }
0x3db: {  	s22 =	sadd.s32 $0x20, s20;
	s23 =	simm.s32 $0xFA50  }
0x3dc: {  	[hbm4b:s22+s3] =	stream.linear.scatter [tilespmem:s23], [sflag:$0x3], $0x80, $0x38;
	[tilespmem:$0x18E00] =	vst v63  }
0x3dd: {  	s22 =	sadd.s32 $0x30, s20;
	s23 =	simm.s32 $0xFAD8  }
0x3de: {  	[hbm4b:s22+s3] =	stream.linear.scatter [tilespmem:s23], [sflag:$0x3], $0x80, $0x38;
	[tilespmem:$0x18E00] =	vst v63  }
0x3df: {  	s22 =	sadd.s32 $0x40, s20;
	s23 =	simm.s32 $0xFB60  }
0x3e0: {  	[hbm4b:s22+s3] =	stream.linear.scatter [tilespmem:s23], [sflag:$0x3], $0x80, $0x38;
	[tilespmem:$0x18E00] =	vst v63  }
0x3e1: {  	s22 =	sadd.s32 $0x50, s20;
	s23 =	simm.s32 $0xFBE8  }
0x3e2: {  	[hbm4b:s22+s3] =	stream.linear.scatter [tilespmem:s23], [sflag:$0x3], $0x80, $0x38;
	[tilespmem:$0x18E00] =	vst v63  }
0x3e3: {  	s22 =	sadd.s32 $0x60, s20;
	s23 =	simm.s32 $0xFC70  }
0x3e4: {  	[hbm4b:s22+s3] =	stream.linear.scatter [tilespmem:s23], [sflag:$0x3], $0x80, $0x38;
	[tilespmem:$0x18E00] =	vst v63  }
0x3e5: {  	s22 =	sadd.s32 $0x70, s20;
	s23 =	simm.s32 $0xFCF8  }
0x3e6: {  	[hbm4b:s22+s3] =	stream.linear.scatter [tilespmem:s23], [sflag:$0x3], $0x80, $0x38;
	[tilespmem:$0x18E00] =	vst v63  }
0x3e7: {  	s22 =	sadd.s32 $0x80, s20;
	s23 =	simm.s32 $0xFE90  }
0x3e8: {  	[hbm4b:s22+s3] =	stream.linear.scatter [tilespmem:s23], [sflag:$0x3], $0x80, $0x38;
	[tilespmem:$0x18E00] =	vst v63  }
0x3e9: {  	s22 =	sadd.s32 $0x90, s20;
	s23 =	simm.s32 $0xFF18  }
0x3ea: {  	[hbm4b:s22+s3] =	stream.linear.scatter [tilespmem:s23], [sflag:$0x3], $0x80, $0x38;
	[tilespmem:$0x18E00] =	vst v63  }
0x3eb: {  	s22 =	sadd.s32 $0xA0, s20;
	s23 =	simm.s32 $0xFFA0  }
0x3ec: {  	[hbm4b:s22+s3] =	stream.linear.scatter [tilespmem:s23], [sflag:$0x3], $0x80, $0x38;
	[tilespmem:$0x18E00] =	vst v63  }
0x3ed: {  	s22 =	sadd.s32 $0xB0, s20;
	s23 =	simm.s32 $0x10028  }
0x3ee: {  	[hbm4b:s22+s3] =	stream.linear.scatter [tilespmem:s23], [sflag:$0x3], $0x80, $0x38;
	[tilespmem:$0x18E00] =	vst v63  }
0x3ef: {  	s22 =	sadd.s32 $0xC0, s20;
	s23 =	simm.s32 $0x100B0  }
0x3f0: {  	[hbm4b:s22+s3] =	stream.linear.scatter [tilespmem:s23], [sflag:$0x3], $0x80, $0x38;
	[tilespmem:$0x18E00] =	vst v63  }
0x3f1: {  	s22 =	sadd.s32 $0xD0, s20;
	s23 =	simm.s32 $0x10138  }
0x3f2: {  	[hbm4b:s22+s3] =	stream.linear.scatter [tilespmem:s23], [sflag:$0x3], $0x80, $0x38;
	[tilespmem:$0x18E00] =	vst v63  }
0x3f3: {  	s22 =	sadd.s32 $0xE0, s20;
	s23 =	simm.s32 $0x101C0  }
0x3f4: {  	[hbm4b:s22+s3] =	stream.linear.scatter [tilespmem:s23], [sflag:$0x3], $0x80, $0x38;
	[tilespmem:$0x18E00] =	vst v63  }
0x3f5: {  	s22 =	sadd.s32 $0xF0, s20;
	s23 =	simm.s32 $0x10248  }
0x3f6: {  	[hbm4b:s22+s3] =	stream.linear.scatter [tilespmem:s23], [sflag:$0x3], $0x80, $0x38;
	[tilespmem:$0x18E00] =	vst v63  }
0x3f7: {  	s22 =	sadd.s32 $0x100, s20;
	s23 =	simm.s32 $0x103E0  }
0x3f8: {  	[hbm4b:s22+s3] =	stream.linear.scatter [tilespmem:s23], [sflag:$0x3], $0x80, $0x38;
	[tilespmem:$0x18E00] =	vst v63  }
0x3f9: {  	s22 =	sadd.s32 $0x110, s20;
	s23 =	simm.s32 $0x10468  }
0x3fa: {  	[hbm4b:s22+s3] =	stream.linear.scatter [tilespmem:s23], [sflag:$0x3], $0x80, $0x38;
	[tilespmem:$0x18E00] =	vst v63  }
0x3fb: {  	s22 =	sadd.s32 $0x120, s20;
	s23 =	simm.s32 $0x104F0  }
0x3fc: {  	[hbm4b:s22+s3] =	stream.linear.scatter [tilespmem:s23], [sflag:$0x3], $0x80, $0x38;
	[tilespmem:$0x18E00] =	vst v63  }
0x3fd: {  	s22 =	sadd.s32 $0x130, s20;
	s23 =	simm.s32 $0x10578  }
0x3fe: {  	[hbm4b:s22+s3] =	stream.linear.scatter [tilespmem:s23], [sflag:$0x3], $0x80, $0x38;
	[tilespmem:$0x18E00] =	vst v63  }
0x3ff: {  	s22 =	sadd.s32 $0x140, s20;
	s23 =	simm.s32 $0x10600  }
0x400: {  	[hbm4b:s22+s3] =	stream.linear.scatter [tilespmem:s23], [sflag:$0x3], $0x80, $0x38;
	[tilespmem:$0x18E00] =	vst v63  }
0x401: {  	s22 =	sadd.s32 $0x150, s20;
	s23 =	simm.s32 $0x10688  }
0x402: {  	[hbm4b:s22+s3] =	stream.linear.scatter [tilespmem:s23], [sflag:$0x3], $0x80, $0x38;
	[tilespmem:$0x18E00] =	vst v63  }
0x403: {  	s22 =	sadd.s32 $0x160, s20;
	s23 =	simm.s32 $0x10710  }
0x404: {  	[hbm4b:s22+s3] =	stream.linear.scatter [tilespmem:s23], [sflag:$0x3], $0x80, $0x38;
	[tilespmem:$0x18E00] =	vst v63  }
0x405: {  	s22 =	sadd.s32 $0x170, s20;
	s23 =	simm.s32 $0x10798  }
0x406: {  	[hbm4b:s22+s3] =	stream.linear.scatter [tilespmem:s23], [sflag:$0x3], $0x80, $0x38;
	[tilespmem:$0x18E00] =	vst v63  }
0x407: {  	s22 =	sadd.s32 $0x180, s20;
	s23 =	simm.s32 $0x10930  }
0x408: {  	[hbm4b:s22+s3] =	stream.linear.scatter [tilespmem:s23], [sflag:$0x3], $0x80, $0x38;
	[tilespmem:$0x18E00] =	vst v63  }
0x409: {  	s22 =	sadd.s32 $0x190, s20;
	s23 =	simm.s32 $0x109B8  }
0x40a: {  	[hbm4b:s22+s3] =	stream.linear.scatter [tilespmem:s23], [sflag:$0x3], $0x80, $0x38;
	[tilespmem:$0x18E00] =	vst v63  }
0x40b: {  	s22 =	sadd.s32 $0x1A0, s20;
	s23 =	simm.s32 $0x10A40  }
0x40c: {  	[hbm4b:s22+s3] =	stream.linear.scatter [tilespmem:s23], [sflag:$0x3], $0x80, $0x38;
	[tilespmem:$0x18E00] =	vst v63  }
0x40d: {  	s22 =	sadd.s32 $0x1B0, s20;
	s23 =	simm.s32 $0x10AC8  }
0x40e: {  	[hbm4b:s22+s3] =	stream.linear.scatter [tilespmem:s23], [sflag:$0x3], $0x80, $0x38;
	[tilespmem:$0x18E00] =	vst v63  }
0x40f: {  	s22 =	sadd.s32 $0x1C0, s20;
	s23 =	simm.s32 $0x10B50  }
0x410: {  	[hbm4b:s22+s3] =	stream.linear.scatter [tilespmem:s23], [sflag:$0x3], $0x80, $0x38;
	[tilespmem:$0x18E00] =	vst v63  }
0x411: {  	s22 =	sadd.s32 $0x1D0, s20;
	s23 =	simm.s32 $0x10BD8  }
0x412: {  	[hbm4b:s22+s3] =	stream.linear.scatter [tilespmem:s23], [sflag:$0x3], $0x80, $0x38;
	[tilespmem:$0x18E00] =	vst v63  }
0x413: {  	s22 =	sadd.s32 $0x1E0, s20;
	s23 =	simm.s32 $0x10C60  }
0x414: {  	[hbm4b:s22+s3] =	stream.linear.scatter [tilespmem:s23], [sflag:$0x3], $0x80, $0x38;
	[tilespmem:$0x18E00] =	vst v63  }
0x415: {  	s20 =	sadd.s32 $0x1F0, s20;
	s22 =	simm.s32 $0x10CE8  }
0x416: {  	[hbm4b:s20+s3] =	stream.linear.scatter [tilespmem:s22], [sflag:$0x3], $0x80, $0x38;
	[tilespmem:$0x18E00] =	vst v63  }
0x417: {  	s23 =	simm.s32 $0x10E80;
	s20 =	sadd.s32 s19, s9  }
0x418: {  	[hbm4b:s20+s3] =	stream.linear.scatter [tilespmem:s23], [sflag:$0x3], $0x80, $0x38;
	[tilespmem:$0x18E00] =	vst v63  }
0x419: {  	s22 =	sadd.s32 $0x10, s20;
	s23 =	simm.s32 $0x10F08  }
0x41a: {  	[hbm4b:s22+s3] =	stream.linear.scatter [tilespmem:s23], [sflag:$0x3], $0x80, $0x38;
	[tilespmem:$0x18E00] =	vst v63  }
0x41b: {  	s22 =	sadd.s32 $0x20, s20;
	s23 =	simm.s32 $0x10F90  }
0x41c: {  	[hbm4b:s22+s3] =	stream.linear.scatter [tilespmem:s23], [sflag:$0x3], $0x80, $0x38;
	[tilespmem:$0x18E00] =	vst v63  }
0x41d: {  	s22 =	sadd.s32 $0x30, s20;
	s23 =	simm.s32 $0x11018  }
0x41e: {  	[hbm4b:s22+s3] =	stream.linear.scatter [tilespmem:s23], [sflag:$0x3], $0x80, $0x38;
	[tilespmem:$0x18E00] =	vst v63  }
0x41f: {  	s22 =	sadd.s32 $0x40, s20;
	s23 =	simm.s32 $0x110A0  }
0x420: {  	[hbm4b:s22+s3] =	stream.linear.scatter [tilespmem:s23], [sflag:$0x3], $0x80, $0x38;
	[tilespmem:$0x18E00] =	vst v63  }
0x421: {  	s22 =	sadd.s32 $0x50, s20;
	s23 =	simm.s32 $0x11128  }
0x422: {  	[hbm4b:s22+s3] =	stream.linear.scatter [tilespmem:s23], [sflag:$0x3], $0x80, $0x38;
	[tilespmem:$0x18E00] =	vst v63  }
0x423: {  	s22 =	sadd.s32 $0x60, s20;
	s23 =	simm.s32 $0x111B0  }
0x424: {  	[hbm4b:s22+s3] =	stream.linear.scatter [tilespmem:s23], [sflag:$0x3], $0x80, $0x38;
	[tilespmem:$0x18E00] =	vst v63  }
0x425: {  	s22 =	sadd.s32 $0x70, s20;
	s23 =	simm.s32 $0x11238  }
0x426: {  	[hbm4b:s22+s3] =	stream.linear.scatter [tilespmem:s23], [sflag:$0x3], $0x80, $0x38;
	[tilespmem:$0x18E00] =	vst v63  }
0x427: {  	s22 =	sadd.s32 $0x80, s20;
	s23 =	simm.s32 $0x113D0  }
0x428: {  	[hbm4b:s22+s3] =	stream.linear.scatter [tilespmem:s23], [sflag:$0x3], $0x80, $0x38;
	[tilespmem:$0x18E00] =	vst v63  }
0x429: {  	s22 =	sadd.s32 $0x90, s20;
	s23 =	simm.s32 $0x11458  }
0x42a: {  	[hbm4b:s22+s3] =	stream.linear.scatter [tilespmem:s23], [sflag:$0x3], $0x80, $0x38;
	[tilespmem:$0x18E00] =	vst v63  }
0x42b: {  	s22 =	sadd.s32 $0xA0, s20;
	s23 =	simm.s32 $0x114E0  }
0x42c: {  	[hbm4b:s22+s3] =	stream.linear.scatter [tilespmem:s23], [sflag:$0x3], $0x80, $0x38;
	[tilespmem:$0x18E00] =	vst v63  }
0x42d: {  	s22 =	sadd.s32 $0xB0, s20;
	s23 =	simm.s32 $0x11568  }
0x42e: {  	[hbm4b:s22+s3] =	stream.linear.scatter [tilespmem:s23], [sflag:$0x3], $0x80, $0x38;
	[tilespmem:$0x18E00] =	vst v63  }
0x42f: {  	s22 =	sadd.s32 $0xC0, s20;
	s23 =	simm.s32 $0x115F0  }
0x430: {  	[hbm4b:s22+s3] =	stream.linear.scatter [tilespmem:s23], [sflag:$0x3], $0x80, $0x38;
	[tilespmem:$0x18E00] =	vst v63  }
0x431: {  	s22 =	sadd.s32 $0xD0, s20;
	s23 =	simm.s32 $0x11678  }
0x432: {  	[hbm4b:s22+s3] =	stream.linear.scatter [tilespmem:s23], [sflag:$0x3], $0x80, $0x38;
	[tilespmem:$0x18E00] =	vst v63  }
0x433: {  	s22 =	sadd.s32 $0xE0, s20;
	s23 =	simm.s32 $0x11700  }
0x434: {  	[hbm4b:s22+s3] =	stream.linear.scatter [tilespmem:s23], [sflag:$0x3], $0x80, $0x38;
	[tilespmem:$0x18E00] =	vst v63  }
0x435: {  	s22 =	sadd.s32 $0xF0, s20;
	s23 =	simm.s32 $0x11788  }
0x436: {  	[hbm4b:s22+s3] =	stream.linear.scatter [tilespmem:s23], [sflag:$0x3], $0x80, $0x38;
	[tilespmem:$0x18E00] =	vst v63  }
0x437: {  	s22 =	sadd.s32 $0x100, s20;
	s23 =	simm.s32 $0x11920  }
0x438: {  	[hbm4b:s22+s3] =	stream.linear.scatter [tilespmem:s23], [sflag:$0x3], $0x80, $0x38;
	[tilespmem:$0x18E00] =	vst v63  }
0x439: {  	s22 =	sadd.s32 $0x110, s20;
	s23 =	simm.s32 $0x119A8  }
0x43a: {  	[hbm4b:s22+s3] =	stream.linear.scatter [tilespmem:s23], [sflag:$0x3], $0x80, $0x38;
	[tilespmem:$0x18E00] =	vst v63  }
0x43b: {  	s22 =	sadd.s32 $0x120, s20;
	s23 =	simm.s32 $0x11A30  }
0x43c: {  	[hbm4b:s22+s3] =	stream.linear.scatter [tilespmem:s23], [sflag:$0x3], $0x80, $0x38;
	[tilespmem:$0x18E00] =	vst v63  }
0x43d: {  	s22 =	sadd.s32 $0x130, s20;
	s23 =	simm.s32 $0x11AB8  }
0x43e: {  	[hbm4b:s22+s3] =	stream.linear.scatter [tilespmem:s23], [sflag:$0x3], $0x80, $0x38;
	[tilespmem:$0x18E00] =	vst v63  }
0x43f: {  	s22 =	sadd.s32 $0x140, s20;
	s23 =	simm.s32 $0x11B40  }
0x440: {  	[hbm4b:s22+s3] =	stream.linear.scatter [tilespmem:s23], [sflag:$0x3], $0x80, $0x38;
	[tilespmem:$0x18E00] =	vst v63  }
0x441: {  	s22 =	sadd.s32 $0x150, s20;
	s23 =	simm.s32 $0x11BC8  }
0x442: {  	[hbm4b:s22+s3] =	stream.linear.scatter [tilespmem:s23], [sflag:$0x3], $0x80, $0x38;
	[tilespmem:$0x18E00] =	vst v63  }
0x443: {  	s22 =	sadd.s32 $0x160, s20;
	s23 =	simm.s32 $0x11C50  }
0x444: {  	[hbm4b:s22+s3] =	stream.linear.scatter [tilespmem:s23], [sflag:$0x3], $0x80, $0x38;
	[tilespmem:$0x18E00] =	vst v63  }
0x445: {  	s22 =	sadd.s32 $0x170, s20;
	s23 =	simm.s32 $0x11CD8  }
0x446: {  	[hbm4b:s22+s3] =	stream.linear.scatter [tilespmem:s23], [sflag:$0x3], $0x80, $0x38;
	[tilespmem:$0x18E00] =	vst v63  }
0x447: {  	s22 =	sadd.s32 $0x180, s20;
	s23 =	simm.s32 $0x11E70  }
0x448: {  	[hbm4b:s22+s3] =	stream.linear.scatter [tilespmem:s23], [sflag:$0x3], $0x80, $0x38;
	[tilespmem:$0x18E00] =	vst v63  }
0x449: {  	s22 =	sadd.s32 $0x190, s20;
	s23 =	simm.s32 $0x11EF8  }
0x44a: {  	[hbm4b:s22+s3] =	stream.linear.scatter [tilespmem:s23], [sflag:$0x3], $0x80, $0x38;
	[tilespmem:$0x18E00] =	vst v63  }
0x44b: {  	s22 =	sadd.s32 $0x1A0, s20;
	s23 =	simm.s32 $0x11F80  }
0x44c: {  	[hbm4b:s22+s3] =	stream.linear.scatter [tilespmem:s23], [sflag:$0x3], $0x80, $0x38;
	[tilespmem:$0x18E00] =	vst v63  }
0x44d: {  	s22 =	sadd.s32 $0x1B0, s20;
	s23 =	simm.s32 $0x12008  }
0x44e: {  	[hbm4b:s22+s3] =	stream.linear.scatter [tilespmem:s23], [sflag:$0x3], $0x80, $0x38;
	[tilespmem:$0x18E00] =	vst v63  }
0x44f: {  	s22 =	sadd.s32 $0x1C0, s20;
	s23 =	simm.s32 $0x12090  }
0x450: {  	[hbm4b:s22+s3] =	stream.linear.scatter [tilespmem:s23], [sflag:$0x3], $0x80, $0x38;
	[tilespmem:$0x18E00] =	vst v63  }
0x451: {  	s22 =	sadd.s32 $0x1D0, s20;
	s23 =	simm.s32 $0x12118  }
0x452: {  	[hbm4b:s22+s3] =	stream.linear.scatter [tilespmem:s23], [sflag:$0x3], $0x80, $0x38;
	[tilespmem:$0x18E00] =	vst v63  }
0x453: {  	s22 =	sadd.s32 $0x1E0, s20;
	s23 =	simm.s32 $0x121A0  }
0x454: {  	[hbm4b:s22+s3] =	stream.linear.scatter [tilespmem:s23], [sflag:$0x3], $0x80, $0x38;
	[tilespmem:$0x18E00] =	vst v63  }
0x455: {  	s20 =	sadd.s32 $0x1F0, s20;
	s23 =	simm.s32 $0x12228  }
0x456: {  	[hbm4b:s20+s3] =	stream.linear.scatter [tilespmem:s23], [sflag:$0x3], $0x80, $0x38;
	[tilespmem:$0x18E00] =	vst v63  }
0x457: {  	s21 =	simm.s32 $0x123C0;
	s19 =	sadd.s32 s19, s10  }
0x458: {  	[hbm4b:s19+s3] =	stream.linear.scatter [tilespmem:s21], [sflag:$0x3], $0x80, $0x38;
	[tilespmem:$0x18E00] =	vst v63  }
0x459: {  	s22 =	sadd.s32 $0x10, s19;
	s23 =	simm.s32 $0x12448  }
0x45a: {  	[hbm4b:s22+s3] =	stream.linear.scatter [tilespmem:s23], [sflag:$0x3], $0x80, $0x38;
	[tilespmem:$0x18E00] =	vst v63  }
0x45b: {  	s22 =	sadd.s32 $0x20, s19;
	s23 =	simm.s32 $0x124D0  }
0x45c: {  	[hbm4b:s22+s3] =	stream.linear.scatter [tilespmem:s23], [sflag:$0x3], $0x80, $0x38;
	[tilespmem:$0x18E00] =	vst v63  }
0x45d: {  	s22 =	sadd.s32 $0x30, s19;
	s23 =	simm.s32 $0x12558  }
0x45e: {  	[hbm4b:s22+s3] =	stream.linear.scatter [tilespmem:s23], [sflag:$0x3], $0x80, $0x38;
	[tilespmem:$0x18E00] =	vst v63  }
0x45f: {  	s22 =	sadd.s32 $0x40, s19;
	s23 =	simm.s32 $0x125E0  }
0x460: {  	[hbm4b:s22+s3] =	stream.linear.scatter [tilespmem:s23], [sflag:$0x3], $0x80, $0x38;
	[tilespmem:$0x18E00] =	vst v63  }
0x461: {  	s22 =	sadd.s32 $0x50, s19;
	s23 =	simm.s32 $0x12668  }
0x462: {  	[hbm4b:s22+s3] =	stream.linear.scatter [tilespmem:s23], [sflag:$0x3], $0x80, $0x38;
	[tilespmem:$0x18E00] =	vst v63  }
0x463: {  	s22 =	sadd.s32 $0x60, s19;
	s23 =	simm.s32 $0x126F0  }
0x464: {  	[hbm4b:s22+s3] =	stream.linear.scatter [tilespmem:s23], [sflag:$0x3], $0x80, $0x38;
	[tilespmem:$0x18E00] =	vst v63  }
0x465: {  	s22 =	sadd.s32 $0x70, s19;
	s23 =	simm.s32 $0x12778  }
0x466: {  	[hbm4b:s22+s3] =	stream.linear.scatter [tilespmem:s23], [sflag:$0x3], $0x80, $0x38;
	[tilespmem:$0x18E00] =	vst v63  }
0x467: {  	s22 =	sadd.s32 $0x80, s19;
	s23 =	simm.s32 $0x12910  }
0x468: {  	[hbm4b:s22+s3] =	stream.linear.scatter [tilespmem:s23], [sflag:$0x3], $0x80, $0x38;
	[tilespmem:$0x18E00] =	vst v63  }
0x469: {  	s22 =	sadd.s32 $0x90, s19;
	s23 =	simm.s32 $0x12998  }
0x46a: {  	[hbm4b:s22+s3] =	stream.linear.scatter [tilespmem:s23], [sflag:$0x3], $0x80, $0x38;
	[tilespmem:$0x18E00] =	vst v63  }
0x46b: {  	s22 =	sadd.s32 $0xA0, s19;
	s23 =	simm.s32 $0x12A20  }
0x46c: {  	[hbm4b:s22+s3] =	stream.linear.scatter [tilespmem:s23], [sflag:$0x3], $0x80, $0x38;
	[tilespmem:$0x18E00] =	vst v63  }
0x46d: {  	s22 =	sadd.s32 $0xB0, s19;
	s23 =	simm.s32 $0x12AA8  }
0x46e: {  	[hbm4b:s22+s3] =	stream.linear.scatter [tilespmem:s23], [sflag:$0x3], $0x80, $0x38;
	[tilespmem:$0x18E00] =	vst v63  }
0x46f: {  	s22 =	sadd.s32 $0xC0, s19;
	s23 =	simm.s32 $0x12B30  }
0x470: {  	[hbm4b:s22+s3] =	stream.linear.scatter [tilespmem:s23], [sflag:$0x3], $0x80, $0x38;
	[tilespmem:$0x18E00] =	vst v63  }
0x471: {  	s22 =	sadd.s32 $0xD0, s19;
	s23 =	simm.s32 $0x12BB8  }
0x472: {  	[hbm4b:s22+s3] =	stream.linear.scatter [tilespmem:s23], [sflag:$0x3], $0x80, $0x38;
	[tilespmem:$0x18E00] =	vst v63  }
0x473: {  	s22 =	sadd.s32 $0xE0, s19;
	s23 =	simm.s32 $0x12C40  }
0x474: {  	[hbm4b:s22+s3] =	stream.linear.scatter [tilespmem:s23], [sflag:$0x3], $0x80, $0x38;
	[tilespmem:$0x18E00] =	vst v63  }
0x475: {  	s22 =	sadd.s32 $0xF0, s19;
	s23 =	simm.s32 $0x12CC8  }
0x476: {  	[hbm4b:s22+s3] =	stream.linear.scatter [tilespmem:s23], [sflag:$0x3], $0x80, $0x38;
	[tilespmem:$0x18E00] =	vst v63  }
0x477: {  	s22 =	sadd.s32 $0x100, s19;
	s23 =	simm.s32 $0x12E60  }
0x478: {  	[hbm4b:s22+s3] =	stream.linear.scatter [tilespmem:s23], [sflag:$0x3], $0x80, $0x38;
	[tilespmem:$0x18E00] =	vst v63  }
0x479: {  	s22 =	sadd.s32 $0x110, s19;
	s23 =	simm.s32 $0x12EE8  }
0x47a: {  	[hbm4b:s22+s3] =	stream.linear.scatter [tilespmem:s23], [sflag:$0x3], $0x80, $0x38;
	[tilespmem:$0x18E00] =	vst v63  }
0x47b: {  	s22 =	sadd.s32 $0x120, s19;
	s23 =	simm.s32 $0x12F70  }
0x47c: {  	[hbm4b:s22+s3] =	stream.linear.scatter [tilespmem:s23], [sflag:$0x3], $0x80, $0x38;
	[tilespmem:$0x18E00] =	vst v63  }
0x47d: {  	s22 =	sadd.s32 $0x130, s19;
	s23 =	simm.s32 $0x12FF8  }
0x47e: {  	[hbm4b:s22+s3] =	stream.linear.scatter [tilespmem:s23], [sflag:$0x3], $0x80, $0x38;
	[tilespmem:$0x18E00] =	vst v63  }
0x47f: {  	s22 =	sadd.s32 $0x140, s19;
	s23 =	simm.s32 $0x13080  }
0x480: {  	[hbm4b:s22+s3] =	stream.linear.scatter [tilespmem:s23], [sflag:$0x3], $0x80, $0x38;
	[tilespmem:$0x18E00] =	vst v63  }
0x481: {  	s22 =	sadd.s32 $0x150, s19;
	s23 =	simm.s32 $0x13108  }
0x482: {  	[hbm4b:s22+s3] =	stream.linear.scatter [tilespmem:s23], [sflag:$0x3], $0x80, $0x38;
	[tilespmem:$0x18E00] =	vst v63  }
0x483: {  	s22 =	sadd.s32 $0x160, s19;
	s23 =	simm.s32 $0x13190  }
0x484: {  	[hbm4b:s22+s3] =	stream.linear.scatter [tilespmem:s23], [sflag:$0x3], $0x80, $0x38;
	[tilespmem:$0x18E00] =	vst v63  }
0x485: {  	s22 =	sadd.s32 $0x170, s19;
	s23 =	simm.s32 $0x13218  }
0x486: {  	[hbm4b:s22+s3] =	stream.linear.scatter [tilespmem:s23], [sflag:$0x3], $0x80, $0x38;
	[tilespmem:$0x18E00] =	vst v63  }
0x487: {  	s22 =	sadd.s32 $0x180, s19;
	s23 =	simm.s32 $0x133B0  }
0x488: {  	[hbm4b:s22+s3] =	stream.linear.scatter [tilespmem:s23], [sflag:$0x3], $0x80, $0x38;
	[tilespmem:$0x18E00] =	vst v63  }
0x489: {  	s22 =	sadd.s32 $0x190, s19;
	s23 =	simm.s32 $0x13438  }
0x48a: {  	[hbm4b:s22+s3] =	stream.linear.scatter [tilespmem:s23], [sflag:$0x3], $0x80, $0x38;
	[tilespmem:$0x18E00] =	vst v63  }
0x48b: {  	s22 =	sadd.s32 $0x1A0, s19;
	s23 =	simm.s32 $0x134C0  }
0x48c: {  	[hbm4b:s22+s3] =	stream.linear.scatter [tilespmem:s23], [sflag:$0x3], $0x80, $0x38;
	[tilespmem:$0x18E00] =	vst v63  }
0x48d: {  	s22 =	sadd.s32 $0x1B0, s19;
	s23 =	simm.s32 $0x13548  }
0x48e: {  	[hbm4b:s22+s3] =	stream.linear.scatter [tilespmem:s23], [sflag:$0x3], $0x80, $0x38;
	[tilespmem:$0x18E00] =	vst v63  }
0x48f: {  	s22 =	sadd.s32 $0x1C0, s19;
	s23 =	simm.s32 $0x135D0  }
0x490: {  	[hbm4b:s22+s3] =	stream.linear.scatter [tilespmem:s23], [sflag:$0x3], $0x80, $0x38;
	[tilespmem:$0x18E00] =	vst v63  }
0x491: {  	p1 =	sne.s32 s15, $0x18;
	s22 =	sadd.s32 $0x1D0, s19;
	s23 =	simm.s32 $0x13658  }
0x492: {  	[hbm4b:s22+s3] =	stream.linear.scatter [tilespmem:s23], [sflag:$0x3], $0x80, $0x38;
	[tilespmem:$0x18E00] =	vst v63  }
.Ltmp4:
0x493: {  	_ = 	snop;
	(pc) =	sbr.rel @p1 .LBB2_12-.Ltmp4, $4  }
0x494: {  	s21 =	sadd.s32 $0x1E0, s19;
	s22 =	simm.s32 $0x136E0  }
0x495: {  	[hbm4b:s21+s3] =	stream.linear.scatter [tilespmem:s22], [sflag:$0x3], $0x80, $0x38;
	[tilespmem:$0x18E00] =	vst v63  }
0x496: {  	s19 =	sadd.s32 $0x1F0, s19;
	s23 =	simm.s32 $0x13768  }
0x497: {  	[hbm4b:s19+s3] =	stream.linear.scatter [tilespmem:s23], [sflag:$0x3], $0x80, $0x38;
	[tilespmem:$0x18E00] =	vst v63  }
.Ltmp5:
0x498: {  	(pc) =	sbr.rel .LBB2_13-.Ltmp5, $4  }
0x499: {  	_ = 	snop  }
0x49a: {  	_ =	swait.ge [sflag:s26], $0x4000  }
0x49b: {  	[sflag:s26] =	ssyncset.done $0x0  }
0x49c: {  	v5 =	vld [tilespmem:$0x1FFB0];
	[sflag:s26] =	ssyncadd.s32 $0xFFFFC000  }
.LBB2_12:
0x49d: {  	s19 =	sshll.u32 s15, $0xA  }
0x49e: {  	s19 =	sand.u32 $0x3FFFFC00, s19  }
.Ltmp6:
0x49f: {  	s20 =	simm.s32 $0x6400;
	s19 =	sadd.s32 $0x400, s19;
	(pc) =	sbr.rel @p0 .LBB2_14-.Ltmp6, $4  }
0x4a0: {  	[tilespmem:s20], [sflag:$0x1] =	stream.indirect.gather [hbm4b:s4+s12], $0x20, s19, s12, $0xb8;
	[tilespmem:$0x18E00] =	vst v63  }
0x4a1: {  	_ =	swait.ge [sflag:s26], $0x4000  }
0x4a2: {  	[sflag:s26] =	ssyncset.done $0x0  }
0x4a3: {  	v5 =	vld [tilespmem:$0x1FFB0];
	[sflag:s26] =	ssyncadd.s32 $0xFFFFC000  }
.LBB2_13:
0x4a4: {  	_ =	swait.ge [sflag:s28], $0x1000  }
0x4a5: {  	[sflag:s28] =	ssyncset.done $0x0  }
0x4a6: {  	[sflag:s28] =	ssyncadd.s32 $0xFFFFF000  }
0x4a7: {  	_ =	swait.ge [sflag:s28], $0x1000  }
0x4a8: {  	[sflag:s28] =	ssyncset.done $0x0  }
0x4a9: {  	[sflag:s28] =	ssyncadd.s32 $0xFFFFF000  }
0x4aa: {  	_ =	swait.ge [sflag:s28], $0x1000  }
0x4ab: {  	[sflag:s28] =	ssyncset.done $0x0  }
0x4ac: {  	[sflag:s28] =	ssyncadd.s32 $0xFFFFF000  }
0x4ad: {  	_ =	swait.ge [sflag:s28], $0x1000  }
0x4ae: {  	[sflag:s28] =	ssyncset.done $0x0  }
0x4af: {  	[sflag:s28] =	ssyncadd.s32 $0xFFFFF000  }
.LBB2_14:
0x4b0: {  	s19 =	simm.s32 $0x0  }
0x4b1: {  	v2 =	vmov s19  }
0x4b2: {  	v2 =	vshrl.u32 v2, $0x3  }
0x4b3: {  	v2 =	vshll.u32 v2, v0  }
0x4b4: {  	v2 =	vbroadcast v2, $0x0  }
0x4b5: {  	s19 =	simm.s32 $0xA480  }
0x4b6: {  	v3 =	vld [tilespmem:s19+$0xFFFFFF80];
	v4 =	vadd.s32 v5, v2  }
0x4b7: {  	v6 =	vld [tilespmem:$0x1FEC0];
	_ =	sdelay $0x3  }
0x4b8: {  	[tilespmem:v4+s29+$0x0] =	vst.idx.msk $0xffff, v3  }
0x4b9: {  	s20 =	simm.s32 $0x1;
	v2 =	vadd.s32 v6, v2;
	v3 =	vld [tilespmem:s19+$0xFFFFFF90]  }
0x4ba: {  	v7 =	vld [tilespmem:$0x1FED0];
	v4 =	vmov s20  }
0x4bb: {  	v4 =	vshrl.u32 v4, $0x3  }
0x4bc: {  	v4 =	vshll.u32 v4, v0  }
0x4bd: {  	v4 =	vbroadcast v4, $0x0  }
0x4be: {  	[tilespmem:v2+s29+$0x0] =	vst.idx.msk $0xffff, v3  }
0x4bf: {  	v3 =	vadd.s32 v7, v4;
	v2 =	vld [tilespmem:s19+$0xFFFFFFA0]  }
0x4c0: {  	v8 =	vld [tilespmem:$0x1FEE0];
	_ =	sdelay $0x3  }
0x4c1: {  	[tilespmem:v3+s29+$0x0] =	vst.idx.msk $0xffff, v2  }
0x4c2: {  	s21 =	simm.s32 $0x2;
	v3 =	vadd.s32 v8, v4;
	v2 =	vld [tilespmem:s19+$0xFFFFFFB0]  }
0x4c3: {  	v9 =	vld [tilespmem:$0x1FEF0];
	v4 =	vmov s21  }
0x4c4: {  	v4 =	vshrl.u32 v4, $0x3  }
0x4c5: {  	v4 =	vshll.u32 v4, v0  }
0x4c6: {  	v4 =	vbroadcast v4, $0x0  }
0x4c7: {  	[tilespmem:v3+s29+$0x0] =	vst.idx.msk $0xffff, v2  }
0x4c8: {  	v3 =	vadd.s32 v9, v4;
	v2 =	vld [tilespmem:s19+$0xFFFFFFC0]  }
0x4c9: {  	v10 =	vld [tilespmem:$0x1FF00];
	_ =	sdelay $0x3  }
0x4ca: {  	[tilespmem:v3+s29+$0x0] =	vst.idx.msk $0xffff, v2  }
0x4cb: {  	s22 =	simm.s32 $0x3;
	v3 =	vadd.s32 v10, v4;
	v2 =	vld [tilespmem:s19+$0xFFFFFFD0]  }
0x4cc: {  	v11 =	vld [tilespmem:$0x1FF10];
	v4 =	vmov s22  }
0x4cd: {  	v4 =	vshrl.u32 v4, $0x3  }
0x4ce: {  	v4 =	vshll.u32 v4, v0  }
0x4cf: {  	v4 =	vbroadcast v4, $0x0  }
0x4d0: {  	[tilespmem:v3+s29+$0x0] =	vst.idx.msk $0xffff, v2  }
0x4d1: {  	v3 =	vadd.s32 v11, v4;
	v2 =	vld [tilespmem:s19+$0xFFFFFFE0]  }
0x4d2: {  	v12 =	vld [tilespmem:$0x1FF20];
	_ =	sdelay $0x3  }
0x4d3: {  	[tilespmem:v3+s29+$0x0] =	vst.idx.msk $0xffff, v2  }
0x4d4: {  	s23 =	simm.s32 $0x4;
	v3 =	vadd.s32 v12, v4;
	v2 =	vld [tilespmem:s19+$0xFFFFFFF0]  }
0x4d5: {  	v13 =	vld [tilespmem:$0x1FF30];
	v4 =	vmov s23  }
0x4d6: {  	v4 =	vshrl.u32 v4, $0x3  }
0x4d7: {  	v4 =	vshll.u32 v4, v0  }
0x4d8: {  	v4 =	vbroadcast v4, $0x0  }
0x4d9: {  	[tilespmem:v3+s29+$0x0] =	vst.idx.msk $0xffff, v2  }
0x4da: {  	v3 =	vadd.s32 v13, v4;
	v2 =	vld [tilespmem:s19+$0x0]  }
0x4db: {  	v14 =	vld [tilespmem:$0x1FF40];
	_ =	sdelay $0x3  }
0x4dc: {  	[tilespmem:v3+s29+$0x0] =	vst.idx.msk $0xffff, v2  }
0x4dd: {  	s21 =	simm.s32 $0x5;
	v3 =	vadd.s32 v14, v4;
	v2 =	vld [tilespmem:s19+$0x10]  }
0x4de: {  	v15 =	vld [tilespmem:$0x1FF50];
	v4 =	vmov s21  }
0x4df: {  	v4 =	vshrl.u32 v4, $0x3  }
0x4e0: {  	v4 =	vshll.u32 v4, v0  }
0x4e1: {  	v4 =	vbroadcast v4, $0x0  }
0x4e2: {  	[tilespmem:v3+s29+$0x0] =	vst.idx.msk $0xffff, v2  }
0x4e3: {  	v3 =	vadd.s32 v15, v4;
	v2 =	vld [tilespmem:s19+$0x20]  }
0x4e4: {  	v16 =	vld [tilespmem:$0x1FF60];
	_ =	sdelay $0x3  }
0x4e5: {  	[tilespmem:v3+s29+$0x0] =	vst.idx.msk $0xffff, v2  }
0x4e6: {  	s22 =	simm.s32 $0x6;
	v3 =	vadd.s32 v16, v4;
	v2 =	vld [tilespmem:s19+$0x30]  }
0x4e7: {  	v17 =	vld [tilespmem:$0x1FF70];
	v4 =	vmov s22  }
0x4e8: {  	v4 =	vshrl.u32 v4, $0x3  }
0x4e9: {  	v4 =	vshll.u32 v4, v0  }
0x4ea: {  	v4 =	vbroadcast v4, $0x0  }
0x4eb: {  	[tilespmem:v3+s29+$0x0] =	vst.idx.msk $0xffff, v2  }
0x4ec: {  	v3 =	vadd.s32 v17, v4;
	v2 =	vld [tilespmem:s19+$0x40]  }
0x4ed: {  	v18 =	vld [tilespmem:$0x1FF80];
	_ =	sdelay $0x3  }
0x4ee: {  	[tilespmem:v3+s29+$0x0] =	vst.idx.msk $0xffff, v2  }
0x4ef: {  	s23 =	simm.s32 $0x7;
	v3 =	vadd.s32 v18, v4;
	v2 =	vld [tilespmem:s19+$0x50]  }
0x4f0: {  	v19 =	vld [tilespmem:$0x1FF90];
	v4 =	vmov s23  }
0x4f1: {  	v4 =	vshrl.u32 v4, $0x3  }
0x4f2: {  	v4 =	vshll.u32 v4, v0  }
0x4f3: {  	v4 =	vbroadcast v4, $0x0  }
0x4f4: {  	[tilespmem:v3+s29+$0x0] =	vst.idx.msk $0xffff, v2  }
0x4f5: {  	v3 =	vadd.s32 v19, v4;
	v2 =	vld [tilespmem:s19+$0x60]  }
0x4f6: {  	v20 =	vld [tilespmem:$0x1FFA0];
	_ =	sdelay $0x3  }
0x4f7: {  	[tilespmem:v3+s29+$0x0] =	vst.idx.msk $0xffff, v2  }
0x4f8: {  	s20 =	simm.s32 $0xF;
	s21 =	simm.s32 $0x17;
	s22 =	simm.s32 $0x8;
	v3 =	vadd.s32 v20, v4;
	v2 =	vld [tilespmem:s19+$0x70]  }
.LBB2_15:
0x4f9: {  	p0 =	sne.s32 s21, $0x7F;
	v4 =	vmov s22  }
0x4fa: {  	v4 =	vshrl.u32 v4, $0x3  }
0x4fb: {  	v4 =	vshll.u32 v4, v0  }
0x4fc: {  	v4 =	vbroadcast v4, $0x0  }
0x4fd: {  	s19 =	sadd.s32 $0x100, s19;
	[tilespmem:v3+s29+$0x0] =	vst.idx.msk $0xffff, v2  }
0x4fe: {  	v2 =	vld [tilespmem:s19+$0xFFFFFF80];
	v3 =	vadd.s32 v5, v4;
	_ =	sdelay $0x4  }
0x4ff: {  	[tilespmem:v3+s29+$0x0] =	vst.idx.msk $0xffff, v2  }
0x500: {  	s22 =	sadd.s32 $0xFFFFFFFA, s20;
	v3 =	vadd.s32 v6, v4;
	v2 =	vld [tilespmem:s19+$0xFFFFFF90]  }
0x501: {  	v4 =	vmov s22  }
0x502: {  	v4 =	vshrl.u32 v4, $0x3  }
0x503: {  	v4 =	vshll.u32 v4, v0  }
0x504: {  	v4 =	vbroadcast v4, $0x0  }
0x505: {  	[tilespmem:v3+s29+$0x0] =	vst.idx.msk $0xffff, v2  }
0x506: {  	v3 =	vadd.s32 v7, v4;
	v2 =	vld [tilespmem:s19+$0xFFFFFFA0];
	_ =	sdelay $0x4  }
0x507: {  	[tilespmem:v3+s29+$0x0] =	vst.idx.msk $0xffff, v2  }
0x508: {  	s22 =	sadd.s32 $0xFFFFFFFB, s20;
	v3 =	vadd.s32 v8, v4;
	v2 =	vld [tilespmem:s19+$0xFFFFFFB0]  }
0x509: {  	v4 =	vmov s22  }
0x50a: {  	v4 =	vshrl.u32 v4, $0x3  }
0x50b: {  	v4 =	vshll.u32 v4, v0  }
0x50c: {  	v4 =	vbroadcast v4, $0x0  }
0x50d: {  	[tilespmem:v3+s29+$0x0] =	vst.idx.msk $0xffff, v2  }
0x50e: {  	v3 =	vadd.s32 v9, v4;
	v2 =	vld [tilespmem:s19+$0xFFFFFFC0];
	_ =	sdelay $0x4  }
0x50f: {  	[tilespmem:v3+s29+$0x0] =	vst.idx.msk $0xffff, v2  }
0x510: {  	s22 =	sadd.s32 $0xFFFFFFFC, s20;
	v3 =	vadd.s32 v10, v4;
	v2 =	vld [tilespmem:s19+$0xFFFFFFD0]  }
0x511: {  	v4 =	vmov s22  }
0x512: {  	v4 =	vshrl.u32 v4, $0x3  }
0x513: {  	v4 =	vshll.u32 v4, v0  }
0x514: {  	v4 =	vbroadcast v4, $0x0  }
0x515: {  	[tilespmem:v3+s29+$0x0] =	vst.idx.msk $0xffff, v2  }
0x516: {  	v3 =	vadd.s32 v11, v4;
	v2 =	vld [tilespmem:s19+$0xFFFFFFE0];
	_ =	sdelay $0x4  }
0x517: {  	[tilespmem:v3+s29+$0x0] =	vst.idx.msk $0xffff, v2  }
0x518: {  	s22 =	sadd.s32 $0xFFFFFFFD, s20;
	v3 =	vadd.s32 v12, v4;
	v2 =	vld [tilespmem:s19+$0xFFFFFFF0]  }
0x519: {  	v4 =	vmov s22  }
0x51a: {  	v4 =	vshrl.u32 v4, $0x3  }
0x51b: {  	v4 =	vshll.u32 v4, v0  }
0x51c: {  	v4 =	vbroadcast v4, $0x0  }
0x51d: {  	[tilespmem:v3+s29+$0x0] =	vst.idx.msk $0xffff, v2  }
0x51e: {  	v3 =	vadd.s32 v13, v4;
	v2 =	vld [tilespmem:s19+$0x0];
	_ =	sdelay $0x4  }
0x51f: {  	[tilespmem:v3+s29+$0x0] =	vst.idx.msk $0xffff, v2  }
0x520: {  	s22 =	sadd.s32 $0xFFFFFFFE, s20;
	v3 =	vadd.s32 v14, v4;
	v2 =	vld [tilespmem:s19+$0x10]  }
0x521: {  	v4 =	vmov s22  }
0x522: {  	v4 =	vshrl.u32 v4, $0x3  }
0x523: {  	v4 =	vshll.u32 v4, v0  }
0x524: {  	v4 =	vbroadcast v4, $0x0  }
0x525: {  	[tilespmem:v3+s29+$0x0] =	vst.idx.msk $0xffff, v2  }
0x526: {  	v3 =	vadd.s32 v15, v4;
	v2 =	vld [tilespmem:s19+$0x20];
	_ =	sdelay $0x4  }
0x527: {  	[tilespmem:v3+s29+$0x0] =	vst.idx.msk $0xffff, v2  }
0x528: {  	s22 =	sadd.s32 $0xFFFFFFFF, s20;
	v3 =	vadd.s32 v16, v4;
	v2 =	vld [tilespmem:s19+$0x30]  }
0x529: {  	v4 =	vmov s22  }
0x52a: {  	v4 =	vshrl.u32 v4, $0x3  }
0x52b: {  	v4 =	vshll.u32 v4, v0  }
0x52c: {  	v4 =	vbroadcast v4, $0x0  }
0x52d: {  	[tilespmem:v3+s29+$0x0] =	vst.idx.msk $0xffff, v2  }
0x52e: {  	v3 =	vadd.s32 v17, v4;
	v2 =	vld [tilespmem:s19+$0x40];
	_ =	sdelay $0x4  }
0x52f: {  	[tilespmem:v3+s29+$0x0] =	vst.idx.msk $0xffff, v2  }
0x530: {  	v3 =	vadd.s32 v18, v4;
	v2 =	vld [tilespmem:s19+$0x50]  }
0x531: {  	v4 =	vmov s20;
	s20 =	smov.u32 s21  }
0x532: {  	v4 =	vshrl.u32 v4, $0x3  }
0x533: {  	v4 =	vshll.u32 v4, v0  }
0x534: {  	v4 =	vbroadcast v4, $0x0  }
0x535: {  	[tilespmem:v3+s29+$0x0] =	vst.idx.msk $0xffff, v2  }
0x536: {  	v3 =	vadd.s32 v19, v4;
	v2 =	vld [tilespmem:s19+$0x60];
	_ =	sdelay $0x1  }
.Ltmp7:
0x537: {  	(pc) =	sbr.rel @p0 .LBB2_15-.Ltmp7, $3  }
0x538: {  	_ =	sdelay $0x1  }
0x539: {  	[tilespmem:v3+s29+$0x0] =	vst.idx.msk $0xffff, v2  }
0x53a: {  	s21 =	sadd.s32 $0x8, s21;
	s22 =	sadd.s32 $0xFFFFFFF9, s20;
	v3 =	vadd.s32 v20, v4;
	v2 =	vld [tilespmem:s19+$0x70]  }
0x53b: {  	v4 =	vmov s22  }
0x53c: {  	v4 =	vshrl.u32 v4, $0x3  }
0x53d: {  	v4 =	vshll.u32 v4, v0  }
0x53e: {  	v4 =	vbroadcast v4, $0x0  }
0x53f: {  	s19 =	sadd.s32 $0x100, s19;
	[tilespmem:v3+s29+$0x0] =	vst.idx.msk $0xffff, v2  }
0x540: {  	v2 =	vld [tilespmem:s19+$0xFFFFFF80];
	v3 =	vadd.s32 v5, v4;
	_ =	sdelay $0x4  }
0x541: {  	[tilespmem:v3+s29+$0x0] =	vst.idx.msk $0xffff, v2  }
0x542: {  	s21 =	sadd.s32 $0xFFFFFFFA, s20;
	v3 =	vadd.s32 v6, v4;
	v2 =	vld [tilespmem:s19+$0xFFFFFF90]  }
0x543: {  	v4 =	vmov s21  }
0x544: {  	v4 =	vshrl.u32 v4, $0x3  }
0x545: {  	v4 =	vshll.u32 v4, v0  }
0x546: {  	v4 =	vbroadcast v4, $0x0  }
0x547: {  	[tilespmem:v3+s29+$0x0] =	vst.idx.msk $0xffff, v2  }
0x548: {  	v3 =	vadd.s32 v7, v4;
	v2 =	vld [tilespmem:s19+$0xFFFFFFA0];
	_ =	sdelay $0x4  }
0x549: {  	[tilespmem:v3+s29+$0x0] =	vst.idx.msk $0xffff, v2  }
0x54a: {  	s22 =	sadd.s32 $0xFFFFFFFB, s20;
	v3 =	vadd.s32 v8, v4;
	v2 =	vld [tilespmem:s19+$0xFFFFFFB0]  }
0x54b: {  	v4 =	vmov s22  }
0x54c: {  	v4 =	vshrl.u32 v4, $0x3  }
0x54d: {  	v4 =	vshll.u32 v4, v0  }
0x54e: {  	v4 =	vbroadcast v4, $0x0  }
0x54f: {  	[tilespmem:v3+s29+$0x0] =	vst.idx.msk $0xffff, v2  }
0x550: {  	v3 =	vadd.s32 v9, v4;
	v2 =	vld [tilespmem:s19+$0xFFFFFFC0];
	_ =	sdelay $0x4  }
0x551: {  	[tilespmem:v3+s29+$0x0] =	vst.idx.msk $0xffff, v2  }
0x552: {  	s23 =	sadd.s32 $0xFFFFFFFC, s20;
	v3 =	vadd.s32 v10, v4;
	v2 =	vld [tilespmem:s19+$0xFFFFFFD0]  }
0x553: {  	v4 =	vmov s23  }
0x554: {  	v4 =	vshrl.u32 v4, $0x3  }
0x555: {  	v4 =	vshll.u32 v4, v0  }
0x556: {  	v4 =	vbroadcast v4, $0x0  }
0x557: {  	[tilespmem:v3+s29+$0x0] =	vst.idx.msk $0xffff, v2  }
0x558: {  	v3 =	vadd.s32 v11, v4;
	v2 =	vld [tilespmem:s19+$0xFFFFFFE0];
	_ =	sdelay $0x4  }
0x559: {  	[tilespmem:v3+s29+$0x0] =	vst.idx.msk $0xffff, v2  }
0x55a: {  	s22 =	sadd.s32 $0xFFFFFFFD, s20;
	v3 =	vadd.s32 v12, v4;
	v2 =	vld [tilespmem:s19+$0xFFFFFFF0]  }
0x55b: {  	v4 =	vmov s22  }
0x55c: {  	v4 =	vshrl.u32 v4, $0x3  }
0x55d: {  	v4 =	vshll.u32 v4, v0  }
0x55e: {  	v4 =	vbroadcast v4, $0x0  }
0x55f: {  	[tilespmem:v3+s29+$0x0] =	vst.idx.msk $0xffff, v2  }
0x560: {  	v3 =	vadd.s32 v13, v4;
	v2 =	vld [tilespmem:s19+$0x0];
	_ =	sdelay $0x4  }
0x561: {  	[tilespmem:v3+s29+$0x0] =	vst.idx.msk $0xffff, v2  }
0x562: {  	s23 =	sadd.s32 $0xFFFFFFFE, s20;
	v3 =	vadd.s32 v14, v4;
	v2 =	vld [tilespmem:s19+$0x10]  }
0x563: {  	v4 =	vmov s23  }
0x564: {  	v4 =	vshrl.u32 v4, $0x3  }
0x565: {  	v4 =	vshll.u32 v4, v0  }
0x566: {  	v4 =	vbroadcast v4, $0x0  }
0x567: {  	[tilespmem:v3+s29+$0x0] =	vst.idx.msk $0xffff, v2  }
0x568: {  	v3 =	vadd.s32 v15, v4;
	v2 =	vld [tilespmem:s19+$0x20];
	_ =	sdelay $0x4  }
0x569: {  	[tilespmem:v3+s29+$0x0] =	vst.idx.msk $0xffff, v2  }
0x56a: {  	s22 =	sadd.s32 $0xFFFFFFFF, s20;
	v3 =	vadd.s32 v16, v4;
	v2 =	vld [tilespmem:s19+$0x30]  }
0x56b: {  	v4 =	vmov s22  }
0x56c: {  	v4 =	vshrl.u32 v4, $0x3  }
0x56d: {  	v4 =	vshll.u32 v4, v0  }
0x56e: {  	v4 =	vbroadcast v4, $0x0  }
0x56f: {  	[tilespmem:v3+s29+$0x0] =	vst.idx.msk $0xffff, v2  }
0x570: {  	v3 =	vadd.s32 v17, v4;
	v2 =	vld [tilespmem:s19+$0x40];
	_ =	sdelay $0x4  }
0x571: {  	[tilespmem:v3+s29+$0x0] =	vst.idx.msk $0xffff, v2  }
0x572: {  	v3 =	vadd.s32 v18, v4;
	v2 =	vld [tilespmem:s19+$0x50]  }
0x573: {  	v4 =	vmov s20  }
0x574: {  	v4 =	vshrl.u32 v4, $0x3  }
0x575: {  	v4 =	vshll.u32 v4, v0  }
0x576: {  	v4 =	vbroadcast v4, $0x0  }
0x577: {  	[tilespmem:v3+s29+$0x0] =	vst.idx.msk $0xffff, v2  }
0x578: {  	v3 =	vadd.s32 v19, v4;
	v2 =	vld [tilespmem:s19+$0x60];
	_ =	sdelay $0x4  }
0x579: {  	[tilespmem:v3+s29+$0x0] =	vst.idx.msk $0xffff, v2  }
0x57a: {  	s23 =	simm.s32 $0x0;
	v3 =	vadd.s32 v20, v4;
	v2 =	vld [tilespmem:s19+$0x70]  }
0x57b: {  	v5 =	vld [tilespmem:$0x1FFC0];
	v4 =	vmov s23  }
0x57c: {  	v4 =	vshrl.u32 v4, $0x3  }
0x57d: {  	v4 =	vshll.u32 v4, $0x3  }
0x57e: {  	v9 =	vbroadcast v4, $0x0  }
0x57f: {  	s20 =	simm.s32 $0xB4F0;
	[tilespmem:v3+s29+$0x0] =	vst.idx.msk $0xffff, v2  }
0x580: {  	v3 =	vadd.s32 v5, v9;
	v2 =	vld [tilespmem:s20+$0xFFFFFF10]  }
0x581: {  	v6 =	vld [tilespmem:$0x1FFD0];
	_ =	sdelay $0x3  }
0x582: {  	[tilespmem:v3+s29+$0x0] =	vst.idx.msk $0xffff, v2  }
0x583: {  	v3 =	vadd.s32 v6, v9;
	v2 =	vld [tilespmem:s20+$0xFFFFFF20]  }
0x584: {  	v7 =	vld [tilespmem:$0x1FFE0];
	_ =	sdelay $0x3  }
0x585: {  	[tilespmem:v3+s29+$0x0] =	vst.idx.msk $0xffff, v2  }
0x586: {  	v3 =	vadd.s32 v7, v9;
	v2 =	vld [tilespmem:s20+$0xFFFFFF30]  }
0x587: {  	v8 =	vld [tilespmem:$0x1FFF0];
	_ =	sdelay $0x3  }
0x588: {  	[tilespmem:v3+s29+$0x0] =	vst.idx.msk $0xffff, v2  }
0x589: {  	v3 =	vadd.s32 v8, v9;
	v2 =	vld [tilespmem:s20+$0xFFFFFF40];
	_ =	sdelay $0x4  }
0x58a: {  	[tilespmem:v3+s29+$0x0] =	vst.idx.msk $0xffff, v2  }
0x58b: {  	v3 =	vadd.s32 v21, v9;
	v2 =	vld [tilespmem:s20+$0xFFFFFF50];
	_ =	sdelay $0x4  }
0x58c: {  	[tilespmem:v3+s29+$0x0] =	vst.idx.msk $0xffff, v2  }
0x58d: {  	v3 =	vadd.s32 v22, v9;
	v2 =	vld [tilespmem:s20+$0xFFFFFF60];
	_ =	sdelay $0x4  }
0x58e: {  	[tilespmem:v3+s29+$0x0] =	vst.idx.msk $0xffff, v2  }
0x58f: {  	v3 =	vadd.s32 v23, v9;
	v2 =	vld [tilespmem:s20+$0xFFFFFF70];
	_ =	sdelay $0x4  }
0x590: {  	[tilespmem:v3+s29+$0x0] =	vst.idx.msk $0xffff, v2  }
0x591: {  	v3 =	vadd.s32 v24, v9;
	v2 =	vld [tilespmem:s20+$0xFFFFFF80];
	_ =	sdelay $0x4  }
0x592: {  	[tilespmem:v3+s29+$0x0] =	vst.idx.msk $0xffff, v2  }
0x593: {  	v3 =	vadd.s32 v25, v9;
	v2 =	vld [tilespmem:s20+$0xFFFFFF90];
	_ =	sdelay $0x4  }
0x594: {  	[tilespmem:v3+s29+$0x0] =	vst.idx.msk $0xffff, v2  }
0x595: {  	v3 =	vadd.s32 v26, v9;
	v2 =	vld [tilespmem:s20+$0xFFFFFFA0];
	_ =	sdelay $0x4  }
0x596: {  	[tilespmem:v3+s29+$0x0] =	vst.idx.msk $0xffff, v2  }
0x597: {  	v3 =	vadd.s32 v27, v9;
	v2 =	vld [tilespmem:s20+$0xFFFFFFB0];
	_ =	sdelay $0x4  }
0x598: {  	[tilespmem:v3+s29+$0x0] =	vst.idx.msk $0xffff, v2  }
0x599: {  	v3 =	vadd.s32 v28, v9;
	v2 =	vld [tilespmem:s20+$0xFFFFFFC0];
	_ =	sdelay $0x4  }
0x59a: {  	[tilespmem:v3+s29+$0x0] =	vst.idx.msk $0xffff, v2  }
0x59b: {  	v3 =	vadd.s32 v29, v9;
	v2 =	vld [tilespmem:s20+$0xFFFFFFD0];
	_ =	sdelay $0x4  }
0x59c: {  	[tilespmem:v3+s29+$0x0] =	vst.idx.msk $0xffff, v2  }
0x59d: {  	v3 =	vadd.s32 v30, v9;
	v2 =	vld [tilespmem:s20+$0xFFFFFFE0];
	_ =	sdelay $0x4  }
0x59e: {  	[tilespmem:v3+s29+$0x0] =	vst.idx.msk $0xffff, v2  }
0x59f: {  	v3 =	vadd.s32 v31, v9;
	v2 =	vld [tilespmem:s20+$0xFFFFFFF0];
	_ =	sdelay $0x4  }
0x5a0: {  	[tilespmem:v3+s29+$0x0] =	vst.idx.msk $0xffff, v2  }
0x5a1: {  	s19 =	simm.s32 $0x8;
	v4 =	vadd.s32 v32, v9;
	v3 =	vld [tilespmem:s20+$0x0]  }
0x5a2: {  	s21 =	simm.s32 $0x10;
	v2 =	vmov s19  }
.LBB2_17:
0x5a3: {  	p0 =	sne.s32 s21, $0x78;
	v2 =	vshrl.u32 v2, $0x3  }
0x5a4: {  	v2 =	vshll.u32 v2, $0x3  }
0x5a5: {  	v2 =	vbroadcast v2, $0x0  }
0x5a6: {  	s20 =	sadd.s32 $0x100, s20;
	[tilespmem:v4+s29+$0x0] =	vst.idx.msk $0xffff, v3  }
0x5a7: {  	v3 =	vld [tilespmem:s20+$0xFFFFFF10];
	v4 =	vadd.s32 v5, v2;
	_ =	sdelay $0x4  }
0x5a8: {  	[tilespmem:v4+s29+$0x0] =	vst.idx.msk $0xffff, v3  }
0x5a9: {  	v4 =	vadd.s32 v6, v2;
	v3 =	vld [tilespmem:s20+$0xFFFFFF20];
	_ =	sdelay $0x4  }
0x5aa: {  	[tilespmem:v4+s29+$0x0] =	vst.idx.msk $0xffff, v3  }
0x5ab: {  	v4 =	vadd.s32 v7, v2;
	v3 =	vld [tilespmem:s20+$0xFFFFFF30];
	_ =	sdelay $0x4  }
0x5ac: {  	[tilespmem:v4+s29+$0x0] =	vst.idx.msk $0xffff, v3  }
0x5ad: {  	v4 =	vadd.s32 v8, v2;
	v3 =	vld [tilespmem:s20+$0xFFFFFF40];
	_ =	sdelay $0x4  }
0x5ae: {  	[tilespmem:v4+s29+$0x0] =	vst.idx.msk $0xffff, v3  }
0x5af: {  	v4 =	vadd.s32 v21, v2;
	v3 =	vld [tilespmem:s20+$0xFFFFFF50];
	_ =	sdelay $0x4  }
0x5b0: {  	[tilespmem:v4+s29+$0x0] =	vst.idx.msk $0xffff, v3  }
0x5b1: {  	v4 =	vadd.s32 v22, v2;
	v3 =	vld [tilespmem:s20+$0xFFFFFF60];
	_ =	sdelay $0x4  }
0x5b2: {  	[tilespmem:v4+s29+$0x0] =	vst.idx.msk $0xffff, v3  }
0x5b3: {  	v4 =	vadd.s32 v23, v2;
	v3 =	vld [tilespmem:s20+$0xFFFFFF70];
	_ =	sdelay $0x4  }
0x5b4: {  	[tilespmem:v4+s29+$0x0] =	vst.idx.msk $0xffff, v3  }
0x5b5: {  	v4 =	vadd.s32 v24, v2;
	v3 =	vld [tilespmem:s20+$0xFFFFFF80];
	_ =	sdelay $0x4  }
0x5b6: {  	[tilespmem:v4+s29+$0x0] =	vst.idx.msk $0xffff, v3  }
0x5b7: {  	v4 =	vadd.s32 v25, v2;
	v3 =	vld [tilespmem:s20+$0xFFFFFF90];
	_ =	sdelay $0x4  }
0x5b8: {  	[tilespmem:v4+s29+$0x0] =	vst.idx.msk $0xffff, v3  }
0x5b9: {  	v4 =	vadd.s32 v26, v2;
	v3 =	vld [tilespmem:s20+$0xFFFFFFA0];
	_ =	sdelay $0x4  }
0x5ba: {  	[tilespmem:v4+s29+$0x0] =	vst.idx.msk $0xffff, v3  }
0x5bb: {  	v4 =	vadd.s32 v27, v2;
	v3 =	vld [tilespmem:s20+$0xFFFFFFB0];
	_ =	sdelay $0x4  }
0x5bc: {  	[tilespmem:v4+s29+$0x0] =	vst.idx.msk $0xffff, v3  }
0x5bd: {  	v4 =	vadd.s32 v28, v2;
	v3 =	vld [tilespmem:s20+$0xFFFFFFC0];
	_ =	sdelay $0x4  }
0x5be: {  	[tilespmem:v4+s29+$0x0] =	vst.idx.msk $0xffff, v3  }
0x5bf: {  	v4 =	vadd.s32 v29, v2;
	v3 =	vld [tilespmem:s20+$0xFFFFFFD0];
	_ =	sdelay $0x4  }
0x5c0: {  	[tilespmem:v4+s29+$0x0] =	vst.idx.msk $0xffff, v3  }
0x5c1: {  	v4 =	vadd.s32 v30, v2;
	v3 =	vld [tilespmem:s20+$0xFFFFFFE0];
	_ =	sdelay $0x4  }
0x5c2: {  	[tilespmem:v4+s29+$0x0] =	vst.idx.msk $0xffff, v3  }
0x5c3: {  	v4 =	vadd.s32 v31, v2;
	v3 =	vld [tilespmem:s20+$0xFFFFFFF0];
	_ =	sdelay $0x2  }
.Ltmp8:
0x5c4: {  	(pc) =	sbr.rel @p0 .LBB2_17-.Ltmp8, $4  }
0x5c5: {  	_ = 	snop  }
0x5c6: {  	[tilespmem:v4+s29+$0x0] =	vst.idx.msk $0xffff, v3  }
0x5c7: {  	v4 =	vadd.s32 v32, v2;
	v3 =	vld [tilespmem:s20+$0x0]  }
0x5c8: {  	v2 =	vmov s21;
	s21 =	sadd.s32 $0x8, s21  }
0x5c9: {  	_ = 	snop  }
0x5ca: {  	v2 =	vshrl.u32 v2, $0x3  }
0x5cb: {  	v2 =	vshll.u32 v2, $0x3  }
0x5cc: {  	v2 =	vbroadcast v2, $0x0  }
0x5cd: {  	s20 =	sadd.s32 $0x100, s20;
	[tilespmem:v4+s29+$0x0] =	vst.idx.msk $0xffff, v3  }
0x5ce: {  	v3 =	vld [tilespmem:s20+$0xFFFFFF10];
	v4 =	vadd.s32 v5, v2;
	_ =	sdelay $0x4  }
0x5cf: {  	[tilespmem:v4+s29+$0x0] =	vst.idx.msk $0xffff, v3  }
0x5d0: {  	v4 =	vadd.s32 v6, v2;
	v3 =	vld [tilespmem:s20+$0xFFFFFF20];
	_ =	sdelay $0x4  }
0x5d1: {  	[tilespmem:v4+s29+$0x0] =	vst.idx.msk $0xffff, v3  }
0x5d2: {  	v4 =	vadd.s32 v7, v2;
	v3 =	vld [tilespmem:s20+$0xFFFFFF30];
	_ =	sdelay $0x4  }
0x5d3: {  	[tilespmem:v4+s29+$0x0] =	vst.idx.msk $0xffff, v3  }
0x5d4: {  	v4 =	vadd.s32 v8, v2;
	v3 =	vld [tilespmem:s20+$0xFFFFFF40];
	_ =	sdelay $0x4  }
0x5d5: {  	[tilespmem:v4+s29+$0x0] =	vst.idx.msk $0xffff, v3  }
0x5d6: {  	v4 =	vadd.s32 v21, v2;
	v3 =	vld [tilespmem:s20+$0xFFFFFF50];
	_ =	sdelay $0x4  }
0x5d7: {  	[tilespmem:v4+s29+$0x0] =	vst.idx.msk $0xffff, v3  }
0x5d8: {  	v4 =	vadd.s32 v22, v2;
	v3 =	vld [tilespmem:s20+$0xFFFFFF60];
	_ =	sdelay $0x4  }
0x5d9: {  	[tilespmem:v4+s29+$0x0] =	vst.idx.msk $0xffff, v3  }
0x5da: {  	v4 =	vadd.s32 v23, v2;
	v3 =	vld [tilespmem:s20+$0xFFFFFF70];
	_ =	sdelay $0x4  }
0x5db: {  	[tilespmem:v4+s29+$0x0] =	vst.idx.msk $0xffff, v3  }
0x5dc: {  	v4 =	vadd.s32 v24, v2;
	v3 =	vld [tilespmem:s20+$0xFFFFFF80];
	_ =	sdelay $0x4  }
0x5dd: {  	[tilespmem:v4+s29+$0x0] =	vst.idx.msk $0xffff, v3  }
0x5de: {  	v4 =	vadd.s32 v25, v2;
	v3 =	vld [tilespmem:s20+$0xFFFFFF90];
	_ =	sdelay $0x4  }
0x5df: {  	[tilespmem:v4+s29+$0x0] =	vst.idx.msk $0xffff, v3  }
0x5e0: {  	v4 =	vadd.s32 v26, v2;
	v3 =	vld [tilespmem:s20+$0xFFFFFFA0];
	_ =	sdelay $0x4  }
0x5e1: {  	[tilespmem:v4+s29+$0x0] =	vst.idx.msk $0xffff, v3  }
0x5e2: {  	v4 =	vadd.s32 v27, v2;
	v3 =	vld [tilespmem:s20+$0xFFFFFFB0];
	_ =	sdelay $0x4  }
0x5e3: {  	[tilespmem:v4+s29+$0x0] =	vst.idx.msk $0xffff, v3  }
0x5e4: {  	v4 =	vadd.s32 v28, v2;
	v3 =	vld [tilespmem:s20+$0xFFFFFFC0];
	_ =	sdelay $0x4  }
0x5e5: {  	[tilespmem:v4+s29+$0x0] =	vst.idx.msk $0xffff, v3  }
0x5e6: {  	v4 =	vadd.s32 v29, v2;
	v3 =	vld [tilespmem:s20+$0xFFFFFFD0];
	_ =	sdelay $0x4  }
0x5e7: {  	[tilespmem:v4+s29+$0x0] =	vst.idx.msk $0xffff, v3  }
0x5e8: {  	v4 =	vadd.s32 v30, v2;
	v3 =	vld [tilespmem:s20+$0xFFFFFFE0];
	_ =	sdelay $0x4  }
0x5e9: {  	[tilespmem:v4+s29+$0x0] =	vst.idx.msk $0xffff, v3  }
0x5ea: {  	v4 =	vadd.s32 v31, v2;
	v3 =	vld [tilespmem:s20+$0xFFFFFFF0];
	_ =	sdelay $0x4  }
0x5eb: {  	[tilespmem:v4+s29+$0x0] =	vst.idx.msk $0xffff, v3  }
0x5ec: {  	v2 =	vadd.s32 v32, v2;
	v3 =	vld [tilespmem:s20+$0x0];
	_ =	sdelay $0x4  }
0x5ed: {  	s20 =	simm.s32 $0xC4F0;
	[tilespmem:v2+s29+$0x0] =	vst.idx.msk $0xffff, v3  }
0x5ee: {  	v3 =	vadd.s32 v33, v9;
	v2 =	vld [tilespmem:s20+$0xFFFFFF10];
	_ =	sdelay $0x4  }
0x5ef: {  	[tilespmem:v3+s29+$0x0] =	vst.idx.msk $0xffff, v2  }
0x5f0: {  	v3 =	vadd.s32 v34, v9;
	v2 =	vld [tilespmem:s20+$0xFFFFFF20];
	_ =	sdelay $0x4  }
0x5f1: {  	[tilespmem:v3+s29+$0x0] =	vst.idx.msk $0xffff, v2  }
0x5f2: {  	v3 =	vadd.s32 v35, v9;
	v2 =	vld [tilespmem:s20+$0xFFFFFF30];
	_ =	sdelay $0x4  }
0x5f3: {  	[tilespmem:v3+s29+$0x0] =	vst.idx.msk $0xffff, v2  }
0x5f4: {  	v3 =	vadd.s32 v36, v9;
	v2 =	vld [tilespmem:s20+$0xFFFFFF40];
	_ =	sdelay $0x4  }
0x5f5: {  	[tilespmem:v3+s29+$0x0] =	vst.idx.msk $0xffff, v2  }
0x5f6: {  	v3 =	vadd.s32 v37, v9;
	v2 =	vld [tilespmem:s20+$0xFFFFFF50];
	_ =	sdelay $0x4  }
0x5f7: {  	[tilespmem:v3+s29+$0x0] =	vst.idx.msk $0xffff, v2  }
0x5f8: {  	v3 =	vadd.s32 v38, v9;
	v2 =	vld [tilespmem:s20+$0xFFFFFF60];
	_ =	sdelay $0x4  }
0x5f9: {  	[tilespmem:v3+s29+$0x0] =	vst.idx.msk $0xffff, v2  }
0x5fa: {  	v3 =	vadd.s32 v39, v9;
	v2 =	vld [tilespmem:s20+$0xFFFFFF70];
	_ =	sdelay $0x4  }
0x5fb: {  	[tilespmem:v3+s29+$0x0] =	vst.idx.msk $0xffff, v2  }
0x5fc: {  	v3 =	vadd.s32 v40, v9;
	v2 =	vld [tilespmem:s20+$0xFFFFFF80];
	_ =	sdelay $0x4  }
0x5fd: {  	[tilespmem:v3+s29+$0x0] =	vst.idx.msk $0xffff, v2  }
0x5fe: {  	v3 =	vadd.s32 v41, v9;
	v2 =	vld [tilespmem:s20+$0xFFFFFF90];
	_ =	sdelay $0x4  }
0x5ff: {  	[tilespmem:v3+s29+$0x0] =	vst.idx.msk $0xffff, v2  }
0x600: {  	v3 =	vadd.s32 v42, v9;
	v2 =	vld [tilespmem:s20+$0xFFFFFFA0];
	_ =	sdelay $0x4  }
0x601: {  	[tilespmem:v3+s29+$0x0] =	vst.idx.msk $0xffff, v2  }
0x602: {  	v3 =	vadd.s32 v43, v9;
	v2 =	vld [tilespmem:s20+$0xFFFFFFB0];
	_ =	sdelay $0x4  }
0x603: {  	[tilespmem:v3+s29+$0x0] =	vst.idx.msk $0xffff, v2  }
0x604: {  	v3 =	vadd.s32 v44, v9;
	v2 =	vld [tilespmem:s20+$0xFFFFFFC0];
	_ =	sdelay $0x4  }
0x605: {  	[tilespmem:v3+s29+$0x0] =	vst.idx.msk $0xffff, v2  }
0x606: {  	v3 =	vadd.s32 v45, v9;
	v2 =	vld [tilespmem:s20+$0xFFFFFFD0];
	_ =	sdelay $0x4  }
0x607: {  	[tilespmem:v3+s29+$0x0] =	vst.idx.msk $0xffff, v2  }
0x608: {  	v3 =	vadd.s32 v46, v9;
	v2 =	vld [tilespmem:s20+$0xFFFFFFE0];
	_ =	sdelay $0x4  }
0x609: {  	[tilespmem:v3+s29+$0x0] =	vst.idx.msk $0xffff, v2  }
0x60a: {  	v3 =	vadd.s32 v47, v9;
	v2 =	vld [tilespmem:s20+$0xFFFFFFF0];
	_ =	sdelay $0x4  }
0x60b: {  	[tilespmem:v3+s29+$0x0] =	vst.idx.msk $0xffff, v2  }
0x60c: {  	v4 =	vadd.s32 v48, v9;
	v3 =	vld [tilespmem:s20+$0x0]  }
0x60d: {  	v2 =	vmov s19;
	s19 =	simm.s32 $0x10  }
.LBB2_19:
0x60e: {  	p0 =	sne.s32 s19, $0x78;
	v2 =	vshrl.u32 v2, $0x3  }
0x60f: {  	v2 =	vshll.u32 v2, $0x3  }
0x610: {  	v2 =	vbroadcast v2, $0x0  }
0x611: {  	s20 =	sadd.s32 $0x100, s20;
	[tilespmem:v4+s29+$0x0] =	vst.idx.msk $0xffff, v3  }
0x612: {  	v3 =	vld [tilespmem:s20+$0xFFFFFF10];
	v4 =	vadd.s32 v33, v2;
	_ =	sdelay $0x4  }
0x613: {  	[tilespmem:v4+s29+$0x0] =	vst.idx.msk $0xffff, v3  }
0x614: {  	v4 =	vadd.s32 v34, v2;
	v3 =	vld [tilespmem:s20+$0xFFFFFF20];
	_ =	sdelay $0x4  }
0x615: {  	[tilespmem:v4+s29+$0x0] =	vst.idx.msk $0xffff, v3  }
0x616: {  	v4 =	vadd.s32 v35, v2;
	v3 =	vld [tilespmem:s20+$0xFFFFFF30];
	_ =	sdelay $0x4  }
0x617: {  	[tilespmem:v4+s29+$0x0] =	vst.idx.msk $0xffff, v3  }
0x618: {  	v4 =	vadd.s32 v36, v2;
	v3 =	vld [tilespmem:s20+$0xFFFFFF40];
	_ =	sdelay $0x4  }
0x619: {  	[tilespmem:v4+s29+$0x0] =	vst.idx.msk $0xffff, v3  }
0x61a: {  	v4 =	vadd.s32 v37, v2;
	v3 =	vld [tilespmem:s20+$0xFFFFFF50];
	_ =	sdelay $0x4  }
0x61b: {  	[tilespmem:v4+s29+$0x0] =	vst.idx.msk $0xffff, v3  }
0x61c: {  	v4 =	vadd.s32 v38, v2;
	v3 =	vld [tilespmem:s20+$0xFFFFFF60];
	_ =	sdelay $0x4  }
0x61d: {  	[tilespmem:v4+s29+$0x0] =	vst.idx.msk $0xffff, v3  }
0x61e: {  	v4 =	vadd.s32 v39, v2;
	v3 =	vld [tilespmem:s20+$0xFFFFFF70];
	_ =	sdelay $0x4  }
0x61f: {  	[tilespmem:v4+s29+$0x0] =	vst.idx.msk $0xffff, v3  }
0x620: {  	v4 =	vadd.s32 v40, v2;
	v3 =	vld [tilespmem:s20+$0xFFFFFF80];
	_ =	sdelay $0x4  }
0x621: {  	[tilespmem:v4+s29+$0x0] =	vst.idx.msk $0xffff, v3  }
0x622: {  	v4 =	vadd.s32 v41, v2;
	v3 =	vld [tilespmem:s20+$0xFFFFFF90];
	_ =	sdelay $0x4  }
0x623: {  	[tilespmem:v4+s29+$0x0] =	vst.idx.msk $0xffff, v3  }
0x624: {  	v4 =	vadd.s32 v42, v2;
	v3 =	vld [tilespmem:s20+$0xFFFFFFA0];
	_ =	sdelay $0x4  }
0x625: {  	[tilespmem:v4+s29+$0x0] =	vst.idx.msk $0xffff, v3  }
0x626: {  	v4 =	vadd.s32 v43, v2;
	v3 =	vld [tilespmem:s20+$0xFFFFFFB0];
	_ =	sdelay $0x4  }
0x627: {  	[tilespmem:v4+s29+$0x0] =	vst.idx.msk $0xffff, v3  }
0x628: {  	v4 =	vadd.s32 v44, v2;
	v3 =	vld [tilespmem:s20+$0xFFFFFFC0];
	_ =	sdelay $0x4  }
0x629: {  	[tilespmem:v4+s29+$0x0] =	vst.idx.msk $0xffff, v3  }
0x62a: {  	v4 =	vadd.s32 v45, v2;
	v3 =	vld [tilespmem:s20+$0xFFFFFFD0];
	_ =	sdelay $0x4  }
0x62b: {  	[tilespmem:v4+s29+$0x0] =	vst.idx.msk $0xffff, v3  }
0x62c: {  	v4 =	vadd.s32 v46, v2;
	v3 =	vld [tilespmem:s20+$0xFFFFFFE0];
	_ =	sdelay $0x4  }
0x62d: {  	[tilespmem:v4+s29+$0x0] =	vst.idx.msk $0xffff, v3  }
0x62e: {  	v4 =	vadd.s32 v47, v2;
	v3 =	vld [tilespmem:s20+$0xFFFFFFF0];
	_ =	sdelay $0x2  }
.Ltmp9:
0x62f: {  	(pc) =	sbr.rel @p0 .LBB2_19-.Ltmp9, $4  }
0x630: {  	_ = 	snop  }
0x631: {  	[tilespmem:v4+s29+$0x0] =	vst.idx.msk $0xffff, v3  }
0x632: {  	v4 =	vadd.s32 v48, v2;
	v3 =	vld [tilespmem:s20+$0x0]  }
0x633: {  	v2 =	vmov s19;
	s19 =	sadd.s32 $0x8, s19  }
0x634: {  	_ = 	snop  }
0x635: {  	v2 =	vshrl.u32 v2, $0x3  }
0x636: {  	v2 =	vshll.u32 v2, $0x3  }
0x637: {  	v2 =	vbroadcast v2, $0x0  }
0x638: {  	s19 =	sadd.s32 $0x100, s20;
	[tilespmem:v4+s29+$0x0] =	vst.idx.msk $0xffff, v3  }
0x639: {  	v3 =	vld [tilespmem:s19+$0xFFFFFF10];
	v4 =	vadd.s32 v33, v2;
	_ =	sdelay $0x4  }
0x63a: {  	[tilespmem:v4+s29+$0x0] =	vst.idx.msk $0xffff, v3  }
0x63b: {  	v4 =	vadd.s32 v34, v2;
	v3 =	vld [tilespmem:s19+$0xFFFFFF20];
	_ =	sdelay $0x4  }
0x63c: {  	[tilespmem:v4+s29+$0x0] =	vst.idx.msk $0xffff, v3  }
0x63d: {  	v4 =	vadd.s32 v35, v2;
	v3 =	vld [tilespmem:s19+$0xFFFFFF30];
	_ =	sdelay $0x4  }
0x63e: {  	[tilespmem:v4+s29+$0x0] =	vst.idx.msk $0xffff, v3  }
0x63f: {  	v4 =	vadd.s32 v36, v2;
	v3 =	vld [tilespmem:s19+$0xFFFFFF40];
	_ =	sdelay $0x4  }
0x640: {  	[tilespmem:v4+s29+$0x0] =	vst.idx.msk $0xffff, v3  }
0x641: {  	v4 =	vadd.s32 v37, v2;
	v3 =	vld [tilespmem:s19+$0xFFFFFF50];
	_ =	sdelay $0x4  }
0x642: {  	[tilespmem:v4+s29+$0x0] =	vst.idx.msk $0xffff, v3  }
0x643: {  	v4 =	vadd.s32 v38, v2;
	v3 =	vld [tilespmem:s19+$0xFFFFFF60];
	_ =	sdelay $0x4  }
0x644: {  	[tilespmem:v4+s29+$0x0] =	vst.idx.msk $0xffff, v3  }
0x645: {  	v4 =	vadd.s32 v39, v2;
	v3 =	vld [tilespmem:s19+$0xFFFFFF70];
	_ =	sdelay $0x4  }
0x646: {  	[tilespmem:v4+s29+$0x0] =	vst.idx.msk $0xffff, v3  }
0x647: {  	v4 =	vadd.s32 v40, v2;
	v3 =	vld [tilespmem:s19+$0xFFFFFF80];
	_ =	sdelay $0x4  }
0x648: {  	[tilespmem:v4+s29+$0x0] =	vst.idx.msk $0xffff, v3  }
0x649: {  	v4 =	vadd.s32 v41, v2;
	v3 =	vld [tilespmem:s19+$0xFFFFFF90];
	_ =	sdelay $0x4  }
0x64a: {  	[tilespmem:v4+s29+$0x0] =	vst.idx.msk $0xffff, v3  }
0x64b: {  	v4 =	vadd.s32 v42, v2;
	v3 =	vld [tilespmem:s19+$0xFFFFFFA0];
	_ =	sdelay $0x4  }
0x64c: {  	[tilespmem:v4+s29+$0x0] =	vst.idx.msk $0xffff, v3  }
0x64d: {  	v4 =	vadd.s32 v43, v2;
	v3 =	vld [tilespmem:s19+$0xFFFFFFB0];
	_ =	sdelay $0x4  }
0x64e: {  	[tilespmem:v4+s29+$0x0] =	vst.idx.msk $0xffff, v3  }
0x64f: {  	v4 =	vadd.s32 v44, v2;
	v3 =	vld [tilespmem:s19+$0xFFFFFFC0];
	_ =	sdelay $0x4  }
0x650: {  	[tilespmem:v4+s29+$0x0] =	vst.idx.msk $0xffff, v3  }
0x651: {  	v4 =	vadd.s32 v45, v2;
	v3 =	vld [tilespmem:s19+$0xFFFFFFD0];
	_ =	sdelay $0x4  }
0x652: {  	[tilespmem:v4+s29+$0x0] =	vst.idx.msk $0xffff, v3  }
0x653: {  	v4 =	vadd.s32 v46, v2;
	v3 =	vld [tilespmem:s19+$0xFFFFFFE0];
	_ =	sdelay $0x4  }
0x654: {  	[tilespmem:v4+s29+$0x0] =	vst.idx.msk $0xffff, v3  }
0x655: {  	v4 =	vadd.s32 v47, v2;
	v3 =	vld [tilespmem:s19+$0xFFFFFFF0];
	_ =	sdelay $0x4  }
0x656: {  	[tilespmem:v4+s29+$0x0] =	vst.idx.msk $0xffff, v3  }
0x657: {  	s22 =	simm.s32 $0x0;
	v2 =	vadd.s32 v48, v2;
	v3 =	vld [tilespmem:s19+$0x0]  }
0x658: {  	v4 =	vmov s22  }
0x659: {  	v4 =	vshrl.u32 v4, $0x3  }
0x65a: {  	v4 =	vshll.u32 v4, $0x3  }
0x65b: {  	v4 =	vbroadcast v4, $0x0  }
0x65c: {  	s19 =	simm.s32 $0xD4F0;
	[tilespmem:v2+s29+$0x0] =	vst.idx.msk $0xffff, v3  }
0x65d: {  	v3 =	vadd.s32 v49, v4;
	v2 =	vld [tilespmem:s19+$0xFFFFFF10];
	_ =	sdelay $0x4  }
0x65e: {  	[tilespmem:v3+s29+$0x0] =	vst.idx.msk $0xffff, v2  }
0x65f: {  	v3 =	vadd.s32 v50, v4;
	v2 =	vld [tilespmem:s19+$0xFFFFFF20];
	_ =	sdelay $0x4  }
0x660: {  	[tilespmem:v3+s29+$0x0] =	vst.idx.msk $0xffff, v2  }
0x661: {  	v3 =	vadd.s32 v51, v4;
	v2 =	vld [tilespmem:s19+$0xFFFFFF30];
	_ =	sdelay $0x4  }
0x662: {  	[tilespmem:v3+s29+$0x0] =	vst.idx.msk $0xffff, v2  }
0x663: {  	v3 =	vadd.s32 v52, v4;
	v2 =	vld [tilespmem:s19+$0xFFFFFF40];
	_ =	sdelay $0x4  }
0x664: {  	[tilespmem:v3+s29+$0x0] =	vst.idx.msk $0xffff, v2  }
0x665: {  	v3 =	vadd.s32 v53, v4;
	v2 =	vld [tilespmem:s19+$0xFFFFFF50];
	_ =	sdelay $0x4  }
0x666: {  	[tilespmem:v3+s29+$0x0] =	vst.idx.msk $0xffff, v2  }
0x667: {  	v3 =	vadd.s32 v54, v4;
	v2 =	vld [tilespmem:s19+$0xFFFFFF60];
	_ =	sdelay $0x4  }
0x668: {  	[tilespmem:v3+s29+$0x0] =	vst.idx.msk $0xffff, v2  }
0x669: {  	v3 =	vadd.s32 v55, v4;
	v2 =	vld [tilespmem:s19+$0xFFFFFF70];
	_ =	sdelay $0x4  }
0x66a: {  	[tilespmem:v3+s29+$0x0] =	vst.idx.msk $0xffff, v2  }
0x66b: {  	v3 =	vadd.s32 v56, v4;
	v2 =	vld [tilespmem:s19+$0xFFFFFF80];
	_ =	sdelay $0x4  }
0x66c: {  	[tilespmem:v3+s29+$0x0] =	vst.idx.msk $0xffff, v2  }
0x66d: {  	v3 =	vadd.s32 v57, v4;
	v2 =	vld [tilespmem:s19+$0xFFFFFF90];
	_ =	sdelay $0x4  }
0x66e: {  	[tilespmem:v3+s29+$0x0] =	vst.idx.msk $0xffff, v2  }
0x66f: {  	v3 =	vadd.s32 v58, v4;
	v2 =	vld [tilespmem:s19+$0xFFFFFFA0];
	_ =	sdelay $0x4  }
0x670: {  	[tilespmem:v3+s29+$0x0] =	vst.idx.msk $0xffff, v2  }
0x671: {  	v3 =	vadd.s32 v59, v4;
	v2 =	vld [tilespmem:s19+$0xFFFFFFB0];
	_ =	sdelay $0x4  }
0x672: {  	[tilespmem:v3+s29+$0x0] =	vst.idx.msk $0xffff, v2  }
0x673: {  	v3 =	vadd.s32 v60, v4;
	v2 =	vld [tilespmem:s19+$0xFFFFFFC0];
	_ =	sdelay $0x4  }
0x674: {  	[tilespmem:v3+s29+$0x0] =	vst.idx.msk $0xffff, v2  }
0x675: {  	v3 =	vadd.s32 v61, v4;
	v2 =	vld [tilespmem:s19+$0xFFFFFFD0];
	_ =	sdelay $0x4  }
0x676: {  	[tilespmem:v3+s29+$0x0] =	vst.idx.msk $0xffff, v2  }
0x677: {  	v3 =	vadd.s32 v62, v4;
	v2 =	vld [tilespmem:s19+$0xFFFFFFE0];
	_ =	sdelay $0x4  }
0x678: {  	[tilespmem:v3+s29+$0x0] =	vst.idx.msk $0xffff, v2  }
0x679: {  	v3 =	vadd.s32 v63, v4;
	v2 =	vld [tilespmem:s19+$0xFFFFFFF0];
	_ =	sdelay $0x4  }
0x67a: {  	[tilespmem:v3+s29+$0x0] =	vst.idx.msk $0xffff, v2  }
0x67b: {  	s23 =	simm.s32 $0x8;
	v4 =	vadd.s32 v1, v4;
	v3 =	vld [tilespmem:s19+$0x0]  }
0x67c: {  	s20 =	simm.s32 $0x10;
	v2 =	vmov s23  }
.LBB2_21:
0x67d: {  	p0 =	sne.s32 s20, $0x78;
	v2 =	vshrl.u32 v2, $0x3  }
0x67e: {  	v2 =	vshll.u32 v2, $0x3  }
0x67f: {  	v2 =	vbroadcast v2, $0x0  }
0x680: {  	s19 =	sadd.s32 $0x100, s19;
	[tilespmem:v4+s29+$0x0] =	vst.idx.msk $0xffff, v3  }
0x681: {  	v3 =	vld [tilespmem:s19+$0xFFFFFF10];
	v4 =	vadd.s32 v49, v2;
	_ =	sdelay $0x4  }
0x682: {  	[tilespmem:v4+s29+$0x0] =	vst.idx.msk $0xffff, v3  }
0x683: {  	v4 =	vadd.s32 v50, v2;
	v3 =	vld [tilespmem:s19+$0xFFFFFF20];
	_ =	sdelay $0x4  }
0x684: {  	[tilespmem:v4+s29+$0x0] =	vst.idx.msk $0xffff, v3  }
0x685: {  	v4 =	vadd.s32 v51, v2;
	v3 =	vld [tilespmem:s19+$0xFFFFFF30];
	_ =	sdelay $0x4  }
0x686: {  	[tilespmem:v4+s29+$0x0] =	vst.idx.msk $0xffff, v3  }
0x687: {  	v4 =	vadd.s32 v52, v2;
	v3 =	vld [tilespmem:s19+$0xFFFFFF40];
	_ =	sdelay $0x4  }
0x688: {  	[tilespmem:v4+s29+$0x0] =	vst.idx.msk $0xffff, v3  }
0x689: {  	v4 =	vadd.s32 v53, v2;
	v3 =	vld [tilespmem:s19+$0xFFFFFF50];
	_ =	sdelay $0x4  }
0x68a: {  	[tilespmem:v4+s29+$0x0] =	vst.idx.msk $0xffff, v3  }
0x68b: {  	v4 =	vadd.s32 v54, v2;
	v3 =	vld [tilespmem:s19+$0xFFFFFF60];
	_ =	sdelay $0x4  }
0x68c: {  	[tilespmem:v4+s29+$0x0] =	vst.idx.msk $0xffff, v3  }
0x68d: {  	v4 =	vadd.s32 v55, v2;
	v3 =	vld [tilespmem:s19+$0xFFFFFF70];
	_ =	sdelay $0x4  }
0x68e: {  	[tilespmem:v4+s29+$0x0] =	vst.idx.msk $0xffff, v3  }
0x68f: {  	v4 =	vadd.s32 v56, v2;
	v3 =	vld [tilespmem:s19+$0xFFFFFF80];
	_ =	sdelay $0x4  }
0x690: {  	[tilespmem:v4+s29+$0x0] =	vst.idx.msk $0xffff, v3  }
0x691: {  	v4 =	vadd.s32 v57, v2;
	v3 =	vld [tilespmem:s19+$0xFFFFFF90];
	_ =	sdelay $0x4  }
0x692: {  	[tilespmem:v4+s29+$0x0] =	vst.idx.msk $0xffff, v3  }
0x693: {  	v4 =	vadd.s32 v58, v2;
	v3 =	vld [tilespmem:s19+$0xFFFFFFA0];
	_ =	sdelay $0x4  }
0x694: {  	[tilespmem:v4+s29+$0x0] =	vst.idx.msk $0xffff, v3  }
0x695: {  	v4 =	vadd.s32 v59, v2;
	v3 =	vld [tilespmem:s19+$0xFFFFFFB0];
	_ =	sdelay $0x4  }
0x696: {  	[tilespmem:v4+s29+$0x0] =	vst.idx.msk $0xffff, v3  }
0x697: {  	v4 =	vadd.s32 v60, v2;
	v3 =	vld [tilespmem:s19+$0xFFFFFFC0];
	_ =	sdelay $0x4  }
0x698: {  	[tilespmem:v4+s29+$0x0] =	vst.idx.msk $0xffff, v3  }
0x699: {  	v4 =	vadd.s32 v61, v2;
	v3 =	vld [tilespmem:s19+$0xFFFFFFD0];
	_ =	sdelay $0x4  }
0x69a: {  	[tilespmem:v4+s29+$0x0] =	vst.idx.msk $0xffff, v3  }
0x69b: {  	v4 =	vadd.s32 v62, v2;
	v3 =	vld [tilespmem:s19+$0xFFFFFFE0];
	_ =	sdelay $0x4  }
0x69c: {  	[tilespmem:v4+s29+$0x0] =	vst.idx.msk $0xffff, v3  }
0x69d: {  	v4 =	vadd.s32 v63, v2;
	v3 =	vld [tilespmem:s19+$0xFFFFFFF0];
	_ =	sdelay $0x2  }
.Ltmp10:
0x69e: {  	(pc) =	sbr.rel @p0 .LBB2_21-.Ltmp10, $4  }
0x69f: {  	_ = 	snop  }
0x6a0: {  	[tilespmem:v4+s29+$0x0] =	vst.idx.msk $0xffff, v3  }
0x6a1: {  	v4 =	vadd.s32 v1, v2;
	v3 =	vld [tilespmem:s19+$0x0]  }
0x6a2: {  	v2 =	vmov s20;
	s20 =	sadd.s32 $0x8, s20  }
0x6a3: {  	_ = 	snop  }
0x6a4: {  	v2 =	vshrl.u32 v2, $0x3  }
0x6a5: {  	v2 =	vshll.u32 v2, $0x3  }
0x6a6: {  	v2 =	vbroadcast v2, $0x0  }
0x6a7: {  	s19 =	sadd.s32 $0x100, s19;
	[tilespmem:v4+s29+$0x0] =	vst.idx.msk $0xffff, v3  }
0x6a8: {  	v3 =	vld [tilespmem:s19+$0xFFFFFF10];
	v4 =	vadd.s32 v49, v2;
	_ =	sdelay $0x4  }
0x6a9: {  	[tilespmem:v4+s29+$0x0] =	vst.idx.msk $0xffff, v3  }
0x6aa: {  	v4 =	vadd.s32 v50, v2;
	v3 =	vld [tilespmem:s19+$0xFFFFFF20];
	_ =	sdelay $0x4  }
0x6ab: {  	[tilespmem:v4+s29+$0x0] =	vst.idx.msk $0xffff, v3  }
0x6ac: {  	v4 =	vadd.s32 v51, v2;
	v3 =	vld [tilespmem:s19+$0xFFFFFF30];
	_ =	sdelay $0x4  }
0x6ad: {  	[tilespmem:v4+s29+$0x0] =	vst.idx.msk $0xffff, v3  }
0x6ae: {  	v4 =	vadd.s32 v52, v2;
	v3 =	vld [tilespmem:s19+$0xFFFFFF40];
	_ =	sdelay $0x4  }
0x6af: {  	[tilespmem:v4+s29+$0x0] =	vst.idx.msk $0xffff, v3  }
0x6b0: {  	v4 =	vadd.s32 v53, v2;
	v3 =	vld [tilespmem:s19+$0xFFFFFF50];
	_ =	sdelay $0x4  }
0x6b1: {  	[tilespmem:v4+s29+$0x0] =	vst.idx.msk $0xffff, v3  }
0x6b2: {  	v4 =	vadd.s32 v54, v2;
	v3 =	vld [tilespmem:s19+$0xFFFFFF60];
	_ =	sdelay $0x4  }
0x6b3: {  	[tilespmem:v4+s29+$0x0] =	vst.idx.msk $0xffff, v3  }
0x6b4: {  	v4 =	vadd.s32 v55, v2;
	v3 =	vld [tilespmem:s19+$0xFFFFFF70];
	_ =	sdelay $0x4  }
0x6b5: {  	[tilespmem:v4+s29+$0x0] =	vst.idx.msk $0xffff, v3  }
0x6b6: {  	v4 =	vadd.s32 v56, v2;
	v3 =	vld [tilespmem:s19+$0xFFFFFF80];
	_ =	sdelay $0x4  }
0x6b7: {  	[tilespmem:v4+s29+$0x0] =	vst.idx.msk $0xffff, v3  }
0x6b8: {  	v4 =	vadd.s32 v57, v2;
	v3 =	vld [tilespmem:s19+$0xFFFFFF90];
	_ =	sdelay $0x4  }
0x6b9: {  	[tilespmem:v4+s29+$0x0] =	vst.idx.msk $0xffff, v3  }
0x6ba: {  	v4 =	vadd.s32 v58, v2;
	v3 =	vld [tilespmem:s19+$0xFFFFFFA0];
	_ =	sdelay $0x4  }
0x6bb: {  	[tilespmem:v4+s29+$0x0] =	vst.idx.msk $0xffff, v3  }
0x6bc: {  	v4 =	vadd.s32 v59, v2;
	v3 =	vld [tilespmem:s19+$0xFFFFFFB0];
	_ =	sdelay $0x4  }
0x6bd: {  	[tilespmem:v4+s29+$0x0] =	vst.idx.msk $0xffff, v3  }
0x6be: {  	v4 =	vadd.s32 v60, v2;
	v3 =	vld [tilespmem:s19+$0xFFFFFFC0];
	_ =	sdelay $0x4  }
0x6bf: {  	[tilespmem:v4+s29+$0x0] =	vst.idx.msk $0xffff, v3  }
0x6c0: {  	v4 =	vadd.s32 v61, v2;
	v3 =	vld [tilespmem:s19+$0xFFFFFFD0];
	_ =	sdelay $0x4  }
0x6c1: {  	[tilespmem:v4+s29+$0x0] =	vst.idx.msk $0xffff, v3  }
0x6c2: {  	v4 =	vadd.s32 v62, v2;
	v3 =	vld [tilespmem:s19+$0xFFFFFFE0];
	_ =	sdelay $0x4  }
0x6c3: {  	[tilespmem:v4+s29+$0x0] =	vst.idx.msk $0xffff, v3  }
0x6c4: {  	v4 =	vadd.s32 v63, v2;
	v3 =	vld [tilespmem:s19+$0xFFFFFFF0];
	_ =	sdelay $0x4  }
0x6c5: {  	[tilespmem:v4+s29+$0x0] =	vst.idx.msk $0xffff, v3  }
0x6c6: {  	v2 =	vadd.s32 v1, v2;
	v3 =	vld [tilespmem:s19+$0x0]  }
0x6c7: {  	s16 =	sadd.s32 s5, s16  }
0x6c8: {  	s16 =	sshll.u32 s16, $0x11  }
0x6c9: {  	s16 =	sor.u32 s7, s16  }
0x6ca: {  	s16 =	sshrl.u32 s16, $0x3  }
0x6cb: {  	s19 =	sadd.s32 s2, s16;
	[tilespmem:v2+s29+$0x0] =	vst.idx.msk $0xffff, v3  }
0x6cc: {  	[hbm4b:s19+s3] =	stream.linear.scatter [tilespmem:s29], [sflag:$0x4], $0x80, $0x38;
	[tilespmem:$0x18E00] =	vst v63  }
0x6cd: {  	s21 =	simm.s32 $0x13988;
	s20 =	sadd.s32 $0x10, s19  }
0x6ce: {  	[hbm4b:s20+s3] =	stream.linear.scatter [tilespmem:s21], [sflag:$0x4], $0x80, $0x38;
	[tilespmem:$0x18E00] =	vst v63  }
0x6cf: {  	s23 =	simm.s32 $0x13A10;
	s22 =	sadd.s32 $0x20, s19  }
0x6d0: {  	[hbm4b:s22+s3] =	stream.linear.scatter [tilespmem:s23], [sflag:$0x4], $0x80, $0x38;
	[tilespmem:$0x18E00] =	vst v63  }
0x6d1: {  	s22 =	sadd.s32 $0x30, s19;
	s23 =	simm.s32 $0x13A98  }
0x6d2: {  	[hbm4b:s22+s3] =	stream.linear.scatter [tilespmem:s23], [sflag:$0x4], $0x80, $0x38;
	[tilespmem:$0x18E00] =	vst v63  }
0x6d3: {  	s22 =	sadd.s32 $0x40, s19;
	s23 =	simm.s32 $0x13B20  }
0x6d4: {  	[hbm4b:s22+s3] =	stream.linear.scatter [tilespmem:s23], [sflag:$0x4], $0x80, $0x38;
	[tilespmem:$0x18E00] =	vst v63  }
0x6d5: {  	s22 =	sadd.s32 $0x50, s19;
	s23 =	simm.s32 $0x13BA8  }
0x6d6: {  	[hbm4b:s22+s3] =	stream.linear.scatter [tilespmem:s23], [sflag:$0x4], $0x80, $0x38;
	[tilespmem:$0x18E00] =	vst v63  }
0x6d7: {  	s22 =	sadd.s32 $0x60, s19;
	s23 =	simm.s32 $0x13C30  }
0x6d8: {  	[hbm4b:s22+s3] =	stream.linear.scatter [tilespmem:s23], [sflag:$0x4], $0x80, $0x38;
	[tilespmem:$0x18E00] =	vst v63  }
0x6d9: {  	s22 =	sadd.s32 $0x70, s19;
	s23 =	simm.s32 $0x13CB8  }
0x6da: {  	[hbm4b:s22+s3] =	stream.linear.scatter [tilespmem:s23], [sflag:$0x4], $0x80, $0x38;
	[tilespmem:$0x18E00] =	vst v63  }
0x6db: {  	s22 =	sadd.s32 $0x80, s19;
	s23 =	simm.s32 $0x13E50  }
0x6dc: {  	[hbm4b:s22+s3] =	stream.linear.scatter [tilespmem:s23], [sflag:$0x4], $0x80, $0x38;
	[tilespmem:$0x18E00] =	vst v63  }
0x6dd: {  	s22 =	sadd.s32 $0x90, s19;
	s23 =	simm.s32 $0x13ED8  }
0x6de: {  	[hbm4b:s22+s3] =	stream.linear.scatter [tilespmem:s23], [sflag:$0x4], $0x80, $0x38;
	[tilespmem:$0x18E00] =	vst v63  }
0x6df: {  	s22 =	sadd.s32 $0xA0, s19;
	s23 =	simm.s32 $0x13F60  }
0x6e0: {  	[hbm4b:s22+s3] =	stream.linear.scatter [tilespmem:s23], [sflag:$0x4], $0x80, $0x38;
	[tilespmem:$0x18E00] =	vst v63  }
0x6e1: {  	s22 =	sadd.s32 $0xB0, s19;
	s23 =	simm.s32 $0x13FE8  }
0x6e2: {  	[hbm4b:s22+s3] =	stream.linear.scatter [tilespmem:s23], [sflag:$0x4], $0x80, $0x38;
	[tilespmem:$0x18E00] =	vst v63  }
0x6e3: {  	s22 =	sadd.s32 $0xC0, s19;
	s23 =	simm.s32 $0x14070  }
0x6e4: {  	[hbm4b:s22+s3] =	stream.linear.scatter [tilespmem:s23], [sflag:$0x4], $0x80, $0x38;
	[tilespmem:$0x18E00] =	vst v63  }
0x6e5: {  	s22 =	sadd.s32 $0xD0, s19;
	s23 =	simm.s32 $0x140F8  }
0x6e6: {  	[hbm4b:s22+s3] =	stream.linear.scatter [tilespmem:s23], [sflag:$0x4], $0x80, $0x38;
	[tilespmem:$0x18E00] =	vst v63  }
0x6e7: {  	s22 =	sadd.s32 $0xE0, s19;
	s23 =	simm.s32 $0x14180  }
0x6e8: {  	[hbm4b:s22+s3] =	stream.linear.scatter [tilespmem:s23], [sflag:$0x4], $0x80, $0x38;
	[tilespmem:$0x18E00] =	vst v63  }
0x6e9: {  	s22 =	sadd.s32 $0xF0, s19;
	s23 =	simm.s32 $0x14208  }
0x6ea: {  	[hbm4b:s22+s3] =	stream.linear.scatter [tilespmem:s23], [sflag:$0x4], $0x80, $0x38;
	[tilespmem:$0x18E00] =	vst v63  }
0x6eb: {  	s22 =	sadd.s32 $0x100, s19;
	s23 =	simm.s32 $0x143A0  }
0x6ec: {  	[hbm4b:s22+s3] =	stream.linear.scatter [tilespmem:s23], [sflag:$0x4], $0x80, $0x38;
	[tilespmem:$0x18E00] =	vst v63  }
0x6ed: {  	s22 =	sadd.s32 $0x110, s19;
	s23 =	simm.s32 $0x14428  }
0x6ee: {  	[hbm4b:s22+s3] =	stream.linear.scatter [tilespmem:s23], [sflag:$0x4], $0x80, $0x38;
	[tilespmem:$0x18E00] =	vst v63  }
0x6ef: {  	s22 =	sadd.s32 $0x120, s19;
	s23 =	simm.s32 $0x144B0  }
0x6f0: {  	[hbm4b:s22+s3] =	stream.linear.scatter [tilespmem:s23], [sflag:$0x4], $0x80, $0x38;
	[tilespmem:$0x18E00] =	vst v63  }
0x6f1: {  	s22 =	sadd.s32 $0x130, s19;
	s23 =	simm.s32 $0x14538  }
0x6f2: {  	[hbm4b:s22+s3] =	stream.linear.scatter [tilespmem:s23], [sflag:$0x4], $0x80, $0x38;
	[tilespmem:$0x18E00] =	vst v63  }
0x6f3: {  	s22 =	sadd.s32 $0x140, s19;
	s23 =	simm.s32 $0x145C0  }
0x6f4: {  	[hbm4b:s22+s3] =	stream.linear.scatter [tilespmem:s23], [sflag:$0x4], $0x80, $0x38;
	[tilespmem:$0x18E00] =	vst v63  }
0x6f5: {  	s22 =	sadd.s32 $0x150, s19;
	s23 =	simm.s32 $0x14648  }
0x6f6: {  	[hbm4b:s22+s3] =	stream.linear.scatter [tilespmem:s23], [sflag:$0x4], $0x80, $0x38;
	[tilespmem:$0x18E00] =	vst v63  }
0x6f7: {  	s22 =	sadd.s32 $0x160, s19;
	s23 =	simm.s32 $0x146D0  }
0x6f8: {  	[hbm4b:s22+s3] =	stream.linear.scatter [tilespmem:s23], [sflag:$0x4], $0x80, $0x38;
	[tilespmem:$0x18E00] =	vst v63  }
0x6f9: {  	s22 =	sadd.s32 $0x170, s19;
	s23 =	simm.s32 $0x14758  }
0x6fa: {  	[hbm4b:s22+s3] =	stream.linear.scatter [tilespmem:s23], [sflag:$0x4], $0x80, $0x38;
	[tilespmem:$0x18E00] =	vst v63  }
0x6fb: {  	s22 =	sadd.s32 $0x180, s19;
	s23 =	simm.s32 $0x148F0  }
0x6fc: {  	[hbm4b:s22+s3] =	stream.linear.scatter [tilespmem:s23], [sflag:$0x4], $0x80, $0x38;
	[tilespmem:$0x18E00] =	vst v63  }
0x6fd: {  	s22 =	sadd.s32 $0x190, s19;
	s23 =	simm.s32 $0x14978  }
0x6fe: {  	[hbm4b:s22+s3] =	stream.linear.scatter [tilespmem:s23], [sflag:$0x4], $0x80, $0x38;
	[tilespmem:$0x18E00] =	vst v63  }
0x6ff: {  	s22 =	sadd.s32 $0x1A0, s19;
	s23 =	simm.s32 $0x14A00  }
0x700: {  	[hbm4b:s22+s3] =	stream.linear.scatter [tilespmem:s23], [sflag:$0x4], $0x80, $0x38;
	[tilespmem:$0x18E00] =	vst v63  }
0x701: {  	s22 =	sadd.s32 $0x1B0, s19;
	s23 =	simm.s32 $0x14A88  }
0x702: {  	[hbm4b:s22+s3] =	stream.linear.scatter [tilespmem:s23], [sflag:$0x4], $0x80, $0x38;
	[tilespmem:$0x18E00] =	vst v63  }
0x703: {  	s22 =	sadd.s32 $0x1C0, s19;
	s23 =	simm.s32 $0x14B10  }
0x704: {  	[hbm4b:s22+s3] =	stream.linear.scatter [tilespmem:s23], [sflag:$0x4], $0x80, $0x38;
	[tilespmem:$0x18E00] =	vst v63  }
0x705: {  	s22 =	sadd.s32 $0x1D0, s19;
	s23 =	simm.s32 $0x14B98  }
0x706: {  	[hbm4b:s22+s3] =	stream.linear.scatter [tilespmem:s23], [sflag:$0x4], $0x80, $0x38;
	[tilespmem:$0x18E00] =	vst v63  }
0x707: {  	s21 =	sadd.s32 $0x1E0, s19;
	s22 =	simm.s32 $0x14C20  }
0x708: {  	[hbm4b:s21+s3] =	stream.linear.scatter [tilespmem:s22], [sflag:$0x4], $0x80, $0x38;
	[tilespmem:$0x18E00] =	vst v63  }
0x709: {  	s19 =	sadd.s32 $0x1F0, s19;
	s23 =	simm.s32 $0x14CA8  }
0x70a: {  	[hbm4b:s19+s3] =	stream.linear.scatter [tilespmem:s23], [sflag:$0x4], $0x80, $0x38;
	[tilespmem:$0x18E00] =	vst v63  }
0x70b: {  	s21 =	simm.s32 $0x14E40;
	s19 =	sadd.s32 s16, s8  }
0x70c: {  	[hbm4b:s19+s3] =	stream.linear.scatter [tilespmem:s21], [sflag:$0x4], $0x80, $0x38;
	[tilespmem:$0x18E00] =	vst v63  }
0x70d: {  	s23 =	simm.s32 $0x14EC8;
	s22 =	sadd.s32 $0x10, s19  }
0x70e: {  	[hbm4b:s22+s3] =	stream.linear.scatter [tilespmem:s23], [sflag:$0x4], $0x80, $0x38;
	[tilespmem:$0x18E00] =	vst v63  }
0x70f: {  	s22 =	sadd.s32 $0x20, s19;
	s23 =	simm.s32 $0x14F50  }
0x710: {  	[hbm4b:s22+s3] =	stream.linear.scatter [tilespmem:s23], [sflag:$0x4], $0x80, $0x38;
	[tilespmem:$0x18E00] =	vst v63  }
0x711: {  	s22 =	sadd.s32 $0x30, s19;
	s23 =	simm.s32 $0x14FD8  }
0x712: {  	[hbm4b:s22+s3] =	stream.linear.scatter [tilespmem:s23], [sflag:$0x4], $0x80, $0x38;
	[tilespmem:$0x18E00] =	vst v63  }
0x713: {  	s22 =	sadd.s32 $0x40, s19;
	s23 =	simm.s32 $0x15060  }
0x714: {  	[hbm4b:s22+s3] =	stream.linear.scatter [tilespmem:s23], [sflag:$0x4], $0x80, $0x38;
	[tilespmem:$0x18E00] =	vst v63  }
0x715: {  	s22 =	sadd.s32 $0x50, s19;
	s23 =	simm.s32 $0x150E8  }
0x716: {  	[hbm4b:s22+s3] =	stream.linear.scatter [tilespmem:s23], [sflag:$0x4], $0x80, $0x38;
	[tilespmem:$0x18E00] =	vst v63  }
0x717: {  	s22 =	sadd.s32 $0x60, s19;
	s23 =	simm.s32 $0x15170  }
0x718: {  	[hbm4b:s22+s3] =	stream.linear.scatter [tilespmem:s23], [sflag:$0x4], $0x80, $0x38;
	[tilespmem:$0x18E00] =	vst v63  }
0x719: {  	s22 =	sadd.s32 $0x70, s19;
	s23 =	simm.s32 $0x151F8  }
0x71a: {  	[hbm4b:s22+s3] =	stream.linear.scatter [tilespmem:s23], [sflag:$0x4], $0x80, $0x38;
	[tilespmem:$0x18E00] =	vst v63  }
0x71b: {  	s22 =	sadd.s32 $0x80, s19;
	s23 =	simm.s32 $0x15390  }
0x71c: {  	[hbm4b:s22+s3] =	stream.linear.scatter [tilespmem:s23], [sflag:$0x4], $0x80, $0x38;
	[tilespmem:$0x18E00] =	vst v63  }
0x71d: {  	s22 =	sadd.s32 $0x90, s19;
	s23 =	simm.s32 $0x15418  }
0x71e: {  	[hbm4b:s22+s3] =	stream.linear.scatter [tilespmem:s23], [sflag:$0x4], $0x80, $0x38;
	[tilespmem:$0x18E00] =	vst v63  }
0x71f: {  	s22 =	sadd.s32 $0xA0, s19;
	s23 =	simm.s32 $0x154A0  }
0x720: {  	[hbm4b:s22+s3] =	stream.linear.scatter [tilespmem:s23], [sflag:$0x4], $0x80, $0x38;
	[tilespmem:$0x18E00] =	vst v63  }
0x721: {  	s22 =	sadd.s32 $0xB0, s19;
	s23 =	simm.s32 $0x15528  }
0x722: {  	[hbm4b:s22+s3] =	stream.linear.scatter [tilespmem:s23], [sflag:$0x4], $0x80, $0x38;
	[tilespmem:$0x18E00] =	vst v63  }
0x723: {  	s22 =	sadd.s32 $0xC0, s19;
	s23 =	simm.s32 $0x155B0  }
0x724: {  	[hbm4b:s22+s3] =	stream.linear.scatter [tilespmem:s23], [sflag:$0x4], $0x80, $0x38;
	[tilespmem:$0x18E00] =	vst v63  }
0x725: {  	s22 =	sadd.s32 $0xD0, s19;
	s23 =	simm.s32 $0x15638  }
0x726: {  	[hbm4b:s22+s3] =	stream.linear.scatter [tilespmem:s23], [sflag:$0x4], $0x80, $0x38;
	[tilespmem:$0x18E00] =	vst v63  }
0x727: {  	s22 =	sadd.s32 $0xE0, s19;
	s23 =	simm.s32 $0x156C0  }
0x728: {  	[hbm4b:s22+s3] =	stream.linear.scatter [tilespmem:s23], [sflag:$0x4], $0x80, $0x38;
	[tilespmem:$0x18E00] =	vst v63  }
0x729: {  	s22 =	sadd.s32 $0xF0, s19;
	s23 =	simm.s32 $0x15748  }
0x72a: {  	[hbm4b:s22+s3] =	stream.linear.scatter [tilespmem:s23], [sflag:$0x4], $0x80, $0x38;
	[tilespmem:$0x18E00] =	vst v63  }
0x72b: {  	s22 =	sadd.s32 $0x100, s19;
	s23 =	simm.s32 $0x158E0  }
0x72c: {  	[hbm4b:s22+s3] =	stream.linear.scatter [tilespmem:s23], [sflag:$0x4], $0x80, $0x38;
	[tilespmem:$0x18E00] =	vst v63  }
0x72d: {  	s22 =	sadd.s32 $0x110, s19;
	s23 =	simm.s32 $0x15968  }
0x72e: {  	[hbm4b:s22+s3] =	stream.linear.scatter [tilespmem:s23], [sflag:$0x4], $0x80, $0x38;
	[tilespmem:$0x18E00] =	vst v63  }
0x72f: {  	s22 =	sadd.s32 $0x120, s19;
	s23 =	simm.s32 $0x159F0  }
0x730: {  	[hbm4b:s22+s3] =	stream.linear.scatter [tilespmem:s23], [sflag:$0x4], $0x80, $0x38;
	[tilespmem:$0x18E00] =	vst v63  }
0x731: {  	s22 =	sadd.s32 $0x130, s19;
	s23 =	simm.s32 $0x15A78  }
0x732: {  	[hbm4b:s22+s3] =	stream.linear.scatter [tilespmem:s23], [sflag:$0x4], $0x80, $0x38;
	[tilespmem:$0x18E00] =	vst v63  }
0x733: {  	s22 =	sadd.s32 $0x140, s19;
	s23 =	simm.s32 $0x15B00  }
0x734: {  	[hbm4b:s22+s3] =	stream.linear.scatter [tilespmem:s23], [sflag:$0x4], $0x80, $0x38;
	[tilespmem:$0x18E00] =	vst v63  }
0x735: {  	s22 =	sadd.s32 $0x150, s19;
	s23 =	simm.s32 $0x15B88  }
0x736: {  	[hbm4b:s22+s3] =	stream.linear.scatter [tilespmem:s23], [sflag:$0x4], $0x80, $0x38;
	[tilespmem:$0x18E00] =	vst v63  }
0x737: {  	s22 =	sadd.s32 $0x160, s19;
	s23 =	simm.s32 $0x15C10  }
0x738: {  	[hbm4b:s22+s3] =	stream.linear.scatter [tilespmem:s23], [sflag:$0x4], $0x80, $0x38;
	[tilespmem:$0x18E00] =	vst v63  }
0x739: {  	s22 =	sadd.s32 $0x170, s19;
	s23 =	simm.s32 $0x15C98  }
0x73a: {  	[hbm4b:s22+s3] =	stream.linear.scatter [tilespmem:s23], [sflag:$0x4], $0x80, $0x38;
	[tilespmem:$0x18E00] =	vst v63  }
0x73b: {  	s21 =	sadd.s32 $0x180, s19  }
0x73c: {  	[hbm4b:s21+s3] =	stream.linear.scatter [tilespmem:s24], [sflag:$0x4], $0x80, $0x38;
	[tilespmem:$0x18E00] =	vst v63  }
0x73d: {  	s22 =	sadd.s32 $0x190, s19  }
0x73e: {  	[hbm4b:s22+s3] =	stream.linear.scatter [tilespmem:s25], [sflag:$0x4], $0x80, $0x38;
	[tilespmem:$0x18E00] =	vst v63  }
0x73f: {  	s23 =	sadd.s32 $0x1A0, s19  }
0x740: {  	[hbm4b:s23+s3] =	stream.linear.scatter [tilespmem:s30], [sflag:$0x4], $0x80, $0x38;
	[tilespmem:$0x18E00] =	vst v63  }
0x741: {  	s21 =	sadd.s32 $0x1B0, s19  }
0x742: {  	[hbm4b:s21+s3] =	stream.linear.scatter [tilespmem:s31], [sflag:$0x4], $0x80, $0x38;
	[tilespmem:$0x18E00] =	vst v63  }
0x743: {  	s22 =	sadd.s32 $0x1C0, s19  }
0x744: {  	[hbm4b:s22+s3] =	stream.linear.scatter [tilespmem:s1], [sflag:$0x4], $0x80, $0x38;
	[tilespmem:$0x18E00] =	vst v63  }
0x745: {  	s23 =	sadd.s32 $0x1D0, s19  }
0x746: {  	[hbm4b:s23+s3] =	stream.linear.scatter [tilespmem:s0], [sflag:$0x4], $0x80, $0x38;
	[tilespmem:$0x18E00] =	vst v63  }
0x747: {  	s21 =	sadd.s32 $0x1E0, s19  }
0x748: {  	[hbm4b:s21+s3] =	stream.linear.scatter [tilespmem:s13], [sflag:$0x4], $0x80, $0x38;
	[tilespmem:$0x18E00] =	vst v63  }
0x749: {  	s19 =	sadd.s32 $0x1F0, s19  }
0x74a: {  	[hbm4b:s19+s3] =	stream.linear.scatter [tilespmem:s6], [sflag:$0x4], $0x80, $0x38;
	[tilespmem:$0x18E00] =	vst v63  }
0x74b: {  	s19 =	sadd.s32 s16, s9  }
0x74c: {  	[hbm4b:s19+s3] =	stream.linear.scatter [tilespmem:s11], [sflag:$0x4], $0x80, $0x38;
	[tilespmem:$0x18E00] =	vst v63  }
0x74d: {  	s23 =	simm.s32 $0x16408;
	s22 =	sadd.s32 $0x10, s19  }
0x74e: {  	[hbm4b:s22+s3] =	stream.linear.scatter [tilespmem:s23], [sflag:$0x4], $0x80, $0x38;
	[tilespmem:$0x18E00] =	vst v63  }
0x74f: {  	s22 =	sadd.s32 $0x20, s19;
	s23 =	simm.s32 $0x16490  }
0x750: {  	[hbm4b:s22+s3] =	stream.linear.scatter [tilespmem:s23], [sflag:$0x4], $0x80, $0x38;
	[tilespmem:$0x18E00] =	vst v63  }
0x751: {  	s22 =	sadd.s32 $0x30, s19;
	s23 =	simm.s32 $0x16518  }
0x752: {  	[hbm4b:s22+s3] =	stream.linear.scatter [tilespmem:s23], [sflag:$0x4], $0x80, $0x38;
	[tilespmem:$0x18E00] =	vst v63  }
0x753: {  	s22 =	sadd.s32 $0x40, s19;
	s23 =	simm.s32 $0x165A0  }
0x754: {  	[hbm4b:s22+s3] =	stream.linear.scatter [tilespmem:s23], [sflag:$0x4], $0x80, $0x38;
	[tilespmem:$0x18E00] =	vst v63  }
0x755: {  	s22 =	sadd.s32 $0x50, s19;
	s23 =	simm.s32 $0x16628  }
0x756: {  	[hbm4b:s22+s3] =	stream.linear.scatter [tilespmem:s23], [sflag:$0x4], $0x80, $0x38;
	[tilespmem:$0x18E00] =	vst v63  }
0x757: {  	s22 =	sadd.s32 $0x60, s19;
	s23 =	simm.s32 $0x166B0  }
0x758: {  	[hbm4b:s22+s3] =	stream.linear.scatter [tilespmem:s23], [sflag:$0x4], $0x80, $0x38;
	[tilespmem:$0x18E00] =	vst v63  }
0x759: {  	s22 =	sadd.s32 $0x70, s19;
	s23 =	simm.s32 $0x16738  }
0x75a: {  	[hbm4b:s22+s3] =	stream.linear.scatter [tilespmem:s23], [sflag:$0x4], $0x80, $0x38;
	[tilespmem:$0x18E00] =	vst v63  }
0x75b: {  	s22 =	sadd.s32 $0x80, s19;
	s23 =	simm.s32 $0x168D0  }
0x75c: {  	[hbm4b:s22+s3] =	stream.linear.scatter [tilespmem:s23], [sflag:$0x4], $0x80, $0x38;
	[tilespmem:$0x18E00] =	vst v63  }
0x75d: {  	s22 =	sadd.s32 $0x90, s19;
	s23 =	simm.s32 $0x16958  }
0x75e: {  	[hbm4b:s22+s3] =	stream.linear.scatter [tilespmem:s23], [sflag:$0x4], $0x80, $0x38;
	[tilespmem:$0x18E00] =	vst v63  }
0x75f: {  	s22 =	sadd.s32 $0xA0, s19;
	s23 =	simm.s32 $0x169E0  }
0x760: {  	[hbm4b:s22+s3] =	stream.linear.scatter [tilespmem:s23], [sflag:$0x4], $0x80, $0x38;
	[tilespmem:$0x18E00] =	vst v63  }
0x761: {  	s22 =	sadd.s32 $0xB0, s19;
	s23 =	simm.s32 $0x16A68  }
0x762: {  	[hbm4b:s22+s3] =	stream.linear.scatter [tilespmem:s23], [sflag:$0x4], $0x80, $0x38;
	[tilespmem:$0x18E00] =	vst v63  }
0x763: {  	s22 =	sadd.s32 $0xC0, s19;
	s23 =	simm.s32 $0x16AF0  }
0x764: {  	[hbm4b:s22+s3] =	stream.linear.scatter [tilespmem:s23], [sflag:$0x4], $0x80, $0x38;
	[tilespmem:$0x18E00] =	vst v63  }
0x765: {  	s22 =	sadd.s32 $0xD0, s19;
	s23 =	simm.s32 $0x16B78  }
0x766: {  	[hbm4b:s22+s3] =	stream.linear.scatter [tilespmem:s23], [sflag:$0x4], $0x80, $0x38;
	[tilespmem:$0x18E00] =	vst v63  }
0x767: {  	s22 =	sadd.s32 $0xE0, s19;
	s23 =	simm.s32 $0x16C00  }
0x768: {  	[hbm4b:s22+s3] =	stream.linear.scatter [tilespmem:s23], [sflag:$0x4], $0x80, $0x38;
	[tilespmem:$0x18E00] =	vst v63  }
0x769: {  	s22 =	sadd.s32 $0xF0, s19;
	s23 =	simm.s32 $0x16C88  }
0x76a: {  	[hbm4b:s22+s3] =	stream.linear.scatter [tilespmem:s23], [sflag:$0x4], $0x80, $0x38;
	[tilespmem:$0x18E00] =	vst v63  }
0x76b: {  	s22 =	sadd.s32 $0x100, s19;
	s23 =	simm.s32 $0x16E20  }
0x76c: {  	[hbm4b:s22+s3] =	stream.linear.scatter [tilespmem:s23], [sflag:$0x4], $0x80, $0x38;
	[tilespmem:$0x18E00] =	vst v63  }
0x76d: {  	s22 =	sadd.s32 $0x110, s19;
	s23 =	simm.s32 $0x16EA8  }
0x76e: {  	[hbm4b:s22+s3] =	stream.linear.scatter [tilespmem:s23], [sflag:$0x4], $0x80, $0x38;
	[tilespmem:$0x18E00] =	vst v63  }
0x76f: {  	s22 =	sadd.s32 $0x120, s19;
	s23 =	simm.s32 $0x16F30  }
0x770: {  	[hbm4b:s22+s3] =	stream.linear.scatter [tilespmem:s23], [sflag:$0x4], $0x80, $0x38;
	[tilespmem:$0x18E00] =	vst v63  }
0x771: {  	s22 =	sadd.s32 $0x130, s19;
	s23 =	simm.s32 $0x16FB8  }
0x772: {  	[hbm4b:s22+s3] =	stream.linear.scatter [tilespmem:s23], [sflag:$0x4], $0x80, $0x38;
	[tilespmem:$0x18E00] =	vst v63  }
0x773: {  	s22 =	sadd.s32 $0x140, s19;
	s23 =	simm.s32 $0x17040  }
0x774: {  	[hbm4b:s22+s3] =	stream.linear.scatter [tilespmem:s23], [sflag:$0x4], $0x80, $0x38;
	[tilespmem:$0x18E00] =	vst v63  }
0x775: {  	s22 =	sadd.s32 $0x150, s19;
	s23 =	simm.s32 $0x170C8  }
0x776: {  	[hbm4b:s22+s3] =	stream.linear.scatter [tilespmem:s23], [sflag:$0x4], $0x80, $0x38;
	[tilespmem:$0x18E00] =	vst v63  }
0x777: {  	s22 =	sadd.s32 $0x160, s19;
	s23 =	simm.s32 $0x17150  }
0x778: {  	[hbm4b:s22+s3] =	stream.linear.scatter [tilespmem:s23], [sflag:$0x4], $0x80, $0x38;
	[tilespmem:$0x18E00] =	vst v63  }
0x779: {  	s22 =	sadd.s32 $0x170, s19;
	s23 =	simm.s32 $0x171D8  }
0x77a: {  	[hbm4b:s22+s3] =	stream.linear.scatter [tilespmem:s23], [sflag:$0x4], $0x80, $0x38;
	[tilespmem:$0x18E00] =	vst v63  }
0x77b: {  	s22 =	sadd.s32 $0x180, s19;
	s23 =	simm.s32 $0x17370  }
0x77c: {  	[hbm4b:s22+s3] =	stream.linear.scatter [tilespmem:s23], [sflag:$0x4], $0x80, $0x38;
	[tilespmem:$0x18E00] =	vst v63  }
0x77d: {  	s22 =	sadd.s32 $0x190, s19;
	s23 =	simm.s32 $0x173F8  }
0x77e: {  	[hbm4b:s22+s3] =	stream.linear.scatter [tilespmem:s23], [sflag:$0x4], $0x80, $0x38;
	[tilespmem:$0x18E00] =	vst v63  }
0x77f: {  	s22 =	sadd.s32 $0x1A0, s19;
	s23 =	simm.s32 $0x17480  }
0x780: {  	[hbm4b:s22+s3] =	stream.linear.scatter [tilespmem:s23], [sflag:$0x4], $0x80, $0x38;
	[tilespmem:$0x18E00] =	vst v63  }
0x781: {  	s22 =	sadd.s32 $0x1B0, s19;
	s23 =	simm.s32 $0x17508  }
0x782: {  	[hbm4b:s22+s3] =	stream.linear.scatter [tilespmem:s23], [sflag:$0x4], $0x80, $0x38;
	[tilespmem:$0x18E00] =	vst v63  }
0x783: {  	s22 =	sadd.s32 $0x1C0, s19;
	s23 =	simm.s32 $0x17590  }
0x784: {  	[hbm4b:s22+s3] =	stream.linear.scatter [tilespmem:s23], [sflag:$0x4], $0x80, $0x38;
	[tilespmem:$0x18E00] =	vst v63  }
0x785: {  	s22 =	sadd.s32 $0x1D0, s19;
	s23 =	simm.s32 $0x17618  }
0x786: {  	[hbm4b:s22+s3] =	stream.linear.scatter [tilespmem:s23], [sflag:$0x4], $0x80, $0x38;
	[tilespmem:$0x18E00] =	vst v63  }
0x787: {  	s22 =	sadd.s32 $0x1E0, s19;
	s23 =	simm.s32 $0x176A0  }
0x788: {  	[hbm4b:s22+s3] =	stream.linear.scatter [tilespmem:s23], [sflag:$0x4], $0x80, $0x38;
	[tilespmem:$0x18E00] =	vst v63  }
0x789: {  	s19 =	sadd.s32 $0x1F0, s19;
	s22 =	simm.s32 $0x17728  }
0x78a: {  	[hbm4b:s19+s3] =	stream.linear.scatter [tilespmem:s22], [sflag:$0x4], $0x80, $0x38;
	[tilespmem:$0x18E00] =	vst v63  }
0x78b: {  	s16 =	sadd.s32 s16, s10;
	s23 =	simm.s32 $0x178C0  }
0x78c: {  	[hbm4b:s16+s3] =	stream.linear.scatter [tilespmem:s23], [sflag:$0x4], $0x80, $0x38;
	[tilespmem:$0x18E00] =	vst v63  }
0x78d: {  	s21 =	simm.s32 $0x17948;
	s20 =	sadd.s32 $0x10, s16  }
0x78e: {  	[hbm4b:s20+s3] =	stream.linear.scatter [tilespmem:s21], [sflag:$0x4], $0x80, $0x38;
	[tilespmem:$0x18E00] =	vst v63  }
0x78f: {  	s22 =	sadd.s32 $0x20, s16;
	s23 =	simm.s32 $0x179D0  }
0x790: {  	[hbm4b:s22+s3] =	stream.linear.scatter [tilespmem:s23], [sflag:$0x4], $0x80, $0x38;
	[tilespmem:$0x18E00] =	vst v63  }
0x791: {  	s20 =	sadd.s32 $0x30, s16;
	s21 =	simm.s32 $0x17A58  }
0x792: {  	[hbm4b:s20+s3] =	stream.linear.scatter [tilespmem:s21], [sflag:$0x4], $0x80, $0x38;
	[tilespmem:$0x18E00] =	vst v63  }
0x793: {  	s22 =	sadd.s32 $0x40, s16;
	s23 =	simm.s32 $0x17AE0  }
0x794: {  	[hbm4b:s22+s3] =	stream.linear.scatter [tilespmem:s23], [sflag:$0x4], $0x80, $0x38;
	[tilespmem:$0x18E00] =	vst v63  }
0x795: {  	s20 =	sadd.s32 $0x50, s16;
	s21 =	simm.s32 $0x17B68  }
0x796: {  	[hbm4b:s20+s3] =	stream.linear.scatter [tilespmem:s21], [sflag:$0x4], $0x80, $0x38;
	[tilespmem:$0x18E00] =	vst v63  }
0x797: {  	s22 =	sadd.s32 $0x60, s16;
	s23 =	simm.s32 $0x17BF0  }
0x798: {  	[hbm4b:s22+s3] =	stream.linear.scatter [tilespmem:s23], [sflag:$0x4], $0x80, $0x38;
	[tilespmem:$0x18E00] =	vst v63  }
0x799: {  	s20 =	sadd.s32 $0x70, s16;
	s21 =	simm.s32 $0x17C78  }
0x79a: {  	[hbm4b:s20+s3] =	stream.linear.scatter [tilespmem:s21], [sflag:$0x4], $0x80, $0x38;
	[tilespmem:$0x18E00] =	vst v63  }
0x79b: {  	s22 =	sadd.s32 $0x80, s16;
	s23 =	simm.s32 $0x17E10  }
0x79c: {  	[hbm4b:s22+s3] =	stream.linear.scatter [tilespmem:s23], [sflag:$0x4], $0x80, $0x38;
	[tilespmem:$0x18E00] =	vst v63  }
0x79d: {  	s20 =	sadd.s32 $0x90, s16;
	s21 =	simm.s32 $0x17E98  }
0x79e: {  	[hbm4b:s20+s3] =	stream.linear.scatter [tilespmem:s21], [sflag:$0x4], $0x80, $0x38;
	[tilespmem:$0x18E00] =	vst v63  }
0x79f: {  	s22 =	sadd.s32 $0xA0, s16;
	s23 =	simm.s32 $0x17F20  }
0x7a0: {  	[hbm4b:s22+s3] =	stream.linear.scatter [tilespmem:s23], [sflag:$0x4], $0x80, $0x38;
	[tilespmem:$0x18E00] =	vst v63  }
0x7a1: {  	s20 =	sadd.s32 $0xB0, s16;
	s21 =	simm.s32 $0x17FA8  }
0x7a2: {  	[hbm4b:s20+s3] =	stream.linear.scatter [tilespmem:s21], [sflag:$0x4], $0x80, $0x38;
	[tilespmem:$0x18E00] =	vst v63  }
0x7a3: {  	s22 =	sadd.s32 $0xC0, s16;
	s23 =	simm.s32 $0x18030  }
0x7a4: {  	[hbm4b:s22+s3] =	stream.linear.scatter [tilespmem:s23], [sflag:$0x4], $0x80, $0x38;
	[tilespmem:$0x18E00] =	vst v63  }
0x7a5: {  	s20 =	sadd.s32 $0xD0, s16;
	s21 =	simm.s32 $0x180B8  }
0x7a6: {  	[hbm4b:s20+s3] =	stream.linear.scatter [tilespmem:s21], [sflag:$0x4], $0x80, $0x38;
	[tilespmem:$0x18E00] =	vst v63  }
0x7a7: {  	s22 =	sadd.s32 $0xE0, s16;
	s23 =	simm.s32 $0x18140  }
0x7a8: {  	[hbm4b:s22+s3] =	stream.linear.scatter [tilespmem:s23], [sflag:$0x4], $0x80, $0x38;
	[tilespmem:$0x18E00] =	vst v63  }
0x7a9: {  	s20 =	sadd.s32 $0xF0, s16;
	s21 =	simm.s32 $0x181C8  }
0x7aa: {  	[hbm4b:s20+s3] =	stream.linear.scatter [tilespmem:s21], [sflag:$0x4], $0x80, $0x38;
	[tilespmem:$0x18E00] =	vst v63  }
0x7ab: {  	s22 =	sadd.s32 $0x100, s16;
	s23 =	simm.s32 $0x18360  }
0x7ac: {  	[hbm4b:s22+s3] =	stream.linear.scatter [tilespmem:s23], [sflag:$0x4], $0x80, $0x38;
	[tilespmem:$0x18E00] =	vst v63  }
0x7ad: {  	s20 =	sadd.s32 $0x110, s16;
	s21 =	simm.s32 $0x183E8  }
0x7ae: {  	[hbm4b:s20+s3] =	stream.linear.scatter [tilespmem:s21], [sflag:$0x4], $0x80, $0x38;
	[tilespmem:$0x18E00] =	vst v63  }
0x7af: {  	s22 =	sadd.s32 $0x120, s16;
	s23 =	simm.s32 $0x18470  }
0x7b0: {  	[hbm4b:s22+s3] =	stream.linear.scatter [tilespmem:s23], [sflag:$0x4], $0x80, $0x38;
	[tilespmem:$0x18E00] =	vst v63  }
0x7b1: {  	s20 =	sadd.s32 $0x130, s16;
	s21 =	simm.s32 $0x184F8  }
0x7b2: {  	[hbm4b:s20+s3] =	stream.linear.scatter [tilespmem:s21], [sflag:$0x4], $0x80, $0x38;
	[tilespmem:$0x18E00] =	vst v63  }
0x7b3: {  	s22 =	sadd.s32 $0x140, s16;
	s23 =	simm.s32 $0x18580  }
0x7b4: {  	[hbm4b:s22+s3] =	stream.linear.scatter [tilespmem:s23], [sflag:$0x4], $0x80, $0x38;
	[tilespmem:$0x18E00] =	vst v63  }
0x7b5: {  	s20 =	sadd.s32 $0x150, s16;
	s21 =	simm.s32 $0x18608  }
0x7b6: {  	[hbm4b:s20+s3] =	stream.linear.scatter [tilespmem:s21], [sflag:$0x4], $0x80, $0x38;
	[tilespmem:$0x18E00] =	vst v63  }
0x7b7: {  	s22 =	sadd.s32 $0x160, s16;
	s23 =	simm.s32 $0x18690  }
0x7b8: {  	[hbm4b:s22+s3] =	stream.linear.scatter [tilespmem:s23], [sflag:$0x4], $0x80, $0x38;
	[tilespmem:$0x18E00] =	vst v63  }
0x7b9: {  	s20 =	sadd.s32 $0x170, s16;
	s21 =	simm.s32 $0x18718  }
0x7ba: {  	[hbm4b:s20+s3] =	stream.linear.scatter [tilespmem:s21], [sflag:$0x4], $0x80, $0x38;
	[tilespmem:$0x18E00] =	vst v63  }
0x7bb: {  	s22 =	sadd.s32 $0x180, s16;
	s23 =	simm.s32 $0x188B0  }
0x7bc: {  	[hbm4b:s22+s3] =	stream.linear.scatter [tilespmem:s23], [sflag:$0x4], $0x80, $0x38;
	[tilespmem:$0x18E00] =	vst v63  }
0x7bd: {  	s20 =	sadd.s32 $0x190, s16;
	s21 =	simm.s32 $0x18938  }
0x7be: {  	[hbm4b:s20+s3] =	stream.linear.scatter [tilespmem:s21], [sflag:$0x4], $0x80, $0x38;
	[tilespmem:$0x18E00] =	vst v63  }
0x7bf: {  	s22 =	sadd.s32 $0x1A0, s16;
	s23 =	simm.s32 $0x189C0  }
0x7c0: {  	[hbm4b:s22+s3] =	stream.linear.scatter [tilespmem:s23], [sflag:$0x4], $0x80, $0x38;
	[tilespmem:$0x18E00] =	vst v63  }
0x7c1: {  	s20 =	sadd.s32 $0x1B0, s16;
	s21 =	simm.s32 $0x18A48  }
0x7c2: {  	[hbm4b:s20+s3] =	stream.linear.scatter [tilespmem:s21], [sflag:$0x4], $0x80, $0x38;
	[tilespmem:$0x18E00] =	vst v63  }
0x7c3: {  	s15 =	sadd.s32 $0x1, s15;
	s22 =	sadd.s32 $0x1C0, s16;
	s23 =	simm.s32 $0x18AD0  }
0x7c4: {  	[hbm4b:s22+s3] =	stream.linear.scatter [tilespmem:s23], [sflag:$0x4], $0x80, $0x38;
	[tilespmem:$0x18E00] =	vst v63  }
0x7c5: {  	p0 =	sne.s32 s15, $0x19;
	s20 =	sadd.s32 $0x1D0, s16;
	s21 =	simm.s32 $0x18B58  }
0x7c6: {  	[hbm4b:s20+s3] =	stream.linear.scatter [tilespmem:s21], [sflag:$0x4], $0x80, $0x38;
	[tilespmem:$0x18E00] =	vst v63  }
.Ltmp11:
0x7c7: {  	_ = 	snop;
	(pc) =	sbr.rel @p0 .LBB2_2-.Ltmp11, $4  }
0x7c8: {  	s22 =	sadd.s32 $0x1E0, s16;
	s23 =	simm.s32 $0x18BE0  }
0x7c9: {  	[hbm4b:s22+s3] =	stream.linear.scatter [tilespmem:s23], [sflag:$0x4], $0x80, $0x38;
	[tilespmem:$0x18E00] =	vst v63  }
0x7ca: {  	s16 =	sadd.s32 $0x1F0, s16  }
0x7cb: {  	v4 =	vld [tilespmem:$0x1FFB0];
	[hbm4b:s16+s3] =	stream.linear.scatter [tilespmem:s14], [sflag:$0x4], $0x80, $0x38  }
0x7cc: {  	s15 =	simm.s32 $0x3  }
0x7cd: {  	_ =	swait.ge [sflag:s15], $0x1000  }
0x7ce: {  	[sflag:s15] =	ssyncset.done $0x0  }
0x7cf: {  	[sflag:s15] =	ssyncadd.s32 $0xFFFFF000  }
0x7d0: {  	_ =	swait.ge [sflag:s15], $0x1000  }
0x7d1: {  	[sflag:s15] =	ssyncset.done $0x0  }
0x7d2: {  	[sflag:s15] =	ssyncadd.s32 $0xFFFFF000  }
0x7d3: {  	_ =	swait.ge [sflag:s15], $0x1000  }
0x7d4: {  	[sflag:s15] =	ssyncset.done $0x0  }
0x7d5: {  	[sflag:s15] =	ssyncadd.s32 $0xFFFFF000  }
0x7d6: {  	_ =	swait.ge [sflag:s15], $0x1000  }
0x7d7: {  	[sflag:s15] =	ssyncset.done $0x0  }
0x7d8: {  	[sflag:s15] =	ssyncadd.s32 $0xFFFFF000  }
0x7d9: {  	_ =	swait.ge [sflag:s28], $0x1000  }
0x7da: {  	[sflag:s28] =	ssyncset.done $0x0  }
0x7db: {  	[sflag:s28] =	ssyncadd.s32 $0xFFFFF000  }
0x7dc: {  	_ =	swait.ge [sflag:s28], $0x1000  }
0x7dd: {  	[sflag:s28] =	ssyncset.done $0x0  }
0x7de: {  	[sflag:s28] =	ssyncadd.s32 $0xFFFFF000  }
0x7df: {  	_ =	swait.ge [sflag:s28], $0x1000  }
0x7e0: {  	[sflag:s28] =	ssyncset.done $0x0  }
0x7e1: {  	[sflag:s28] =	ssyncadd.s32 $0xFFFFF000  }
0x7e2: {  	_ =	swait.ge [sflag:s28], $0x1000  }
0x7e3: {  	s16 =	rddreg [dreg:$0x5]  }
0x7e4: {  	s23 =	rddreg [dreg:$0x4];
	s16 =	sadd.s32 $0x1, s16  }
0x7e5: {  	p0 =	sne.s32 s16, s23  }
.Ltmp12:
0x7e6: {  	_ = 	snop;
	(pc) =	sbr.rel @p0 .LBB2_1-.Ltmp12, $3  }
0x7e7: {  	_ =	sdelay $0x1  }
0x7e8: {  	[sflag:s28] =	ssyncset.done $0x0  }
0x7e9: {  	[sflag:s28] =	ssyncadd.s32 $0xFFFFF000  }
0x7ea: {  	_ =	sfence.sel $0x180000  }
0x7eb: {  	[bflag:$0x0] =	sbarrier.arrive $0xFFFF  }
0x7ec: {  	_ =	strace $0x90000047  }
0x7ed: {  	s0 =	stileid.u32;
	[bflag:$0x2] =	sbarrier.arrive $0xFFFF  }
0x7ee: {  	p0 =	sne.s32 s0, $0x0;
	s0 =	rddreg [dreg:$0x2]  }
0x7ef: {  	s0 =	sadd.s32 @!p0 $0x100000, s0  }
0x7f0: {  	[sflag:s0] =	ssyncadd.tile.s32 @!p0 $0x1;
	_ =	shalt  }
.Lfunc_end2:
_tile_overlayer_lowered:
.L_overlay_start_2:
0x7f1: {  	(tag) =	ssettag $0x2  }
0x7f2: {  	s0 =	rddreg [dreg:$0x0];
	s2 =	stileid.u32  }
0x7f3: {  	s1 =	rddreg [dreg:$0x1];
	p0 =	sne.s32 s2, $0x0  }
0x7f4: {  	s3 =	rddreg [dreg:$0x2];
	[bflag:$0x3] =	sbarrier.arrive $0xFFFF;
	s2 =	simm.s32 @!p0 $0x1C05  }
0x7f5: {  	[timem:s3], [sflag:s2] =	dma.local @!p0 [hbm:s0], s1  }
0x7f6: {  	s0 =	simm.s32 @!p0 $0x5  }
0x7f7: {  	_ =	swait.ge @!p0 [sflag:s0], s1  }
0x7f8: {  	s1 =	ssub.s32 @!p0 $0x0, s1;
	[sflag:s0] =	ssyncset.done @!p0 $0x0  }
0x7f9: {  	[sflag:s0] =	ssyncadd.s32 @!p0 s1  }
0x7fa: {  	[bflag:$0x3] =	sbarrier.arrive $0xFFFF  }
0x7fb: {  	_ =	shalt  }

</sc_bundles>
